<compile_context>
chip_gen: v7x
topology: tpu7x:2x2x1
jax: 0.10.2.dev20260603
libtpu: 0.0.44.dev20260713+nightly
codegen_flags: <defaults>
</compile_context>

<pallas_src>
import functools

import jax
import jax.numpy as jnp
from jax import lax
from jax.experimental import pallas as pl
from jax.experimental.pallas import tpu as pltpu
from jax.experimental.pallas import tpu_sc as plsc

_B = 16384
_D = 64
_LANES = 128
_W = 128
_SH = 7
_MAXOFF = 7813 * _LANES - _W
_NC = 2
_NS = 16
_NW = _NC * _NS
_BPW = _B // _NW
_RING = 7


@functools.cache
def _build():
    mesh = plsc.VectorSubcoreMesh(core_axis_name="c", subcore_axis_name="s")

    @functools.partial(
        pl.kernel,
        mesh=mesh,
        out_type=jax.ShapeDtypeStruct((_B, _D), jnp.float32),
        scratch_types=[
            pltpu.VMEM((_BPW + 32,), jnp.int32),
            pltpu.VMEM((_BPW + 16,), jnp.int32),
            pltpu.VMEM((_BPW + 32,), jnp.int32),
            pltpu.VMEM((_RING, _D, _W), jnp.float32),
            pltpu.VMEM((_BPW, _D), jnp.float32),
        ] + [pltpu.SemaphoreType.DMA] * (_RING + 1) + [
        ],
        compiler_params=pltpu.CompilerParams(needs_layout_passes=False),
    )
    def gather_kernel(tableT_hbm, sidx_hbm, opos_hbm, out_hbm,
                      sidx_v, opos_v, blist_v, ring_v, rows_v, *sems_all):
        sems = list(sems_all[:_RING])
        semw = sems_all[_RING]
        wid = lax.axis_index("s") * _NC + lax.axis_index("c")
        base = wid * _BPW
        sidx_v[pl.ds(0, 16)] = jnp.full((16,), -1, jnp.int32)
        pltpu.sync_copy(sidx_hbm.at[pl.ds(base, _BPW)],
                        sidx_v.at[pl.ds(16, _BPW)])
        pltpu.sync_copy(opos_hbm.at[pl.ds(base, _BPW)],
                        opos_v.at[pl.ds(0, _BPW)])

        lane16 = jnp.arange(16, dtype=jnp.int32)

        nblk = jnp.int32(0)
        for k in range(_BPW // 16):
            bvec = sidx_v[pl.ds(16 + k * 16, 16)] >> _SH
            shifted = sidx_v[pl.ds(15 + k * 16, 16)] >> _SH
            keep = bvec != shifted
            plsc.store_compressed(blist_v.at[pl.ds(nblk, 16)], bvec, mask=keep)
            nblk = nblk + jnp.sum(keep.astype(jnp.int32))

        def start(b, i):
            off = pl.multiple_of(
                jnp.minimum(b * _W, _MAXOFF), _LANES)
            pltpu.async_copy(tableT_hbm.at[:, pl.ds(off, _W)],
                             ring_v.at[i], sems[i])

        def wait(i):
            pltpu.make_async_copy(
                tableT_hbm.at[:, pl.ds(0, _W)], ring_v.at[i],
                sems[i]).wait()

        def proc(i, b, q0):
            blk = ring_v.at[i]
            off = jnp.minimum(b * _W, _MAXOFF)
            lim = (b + 1) * _W

            def cond(q):
                v = sidx_v[pl.ds(q + 16, 16)][0]
                return jnp.logical_and(q < _BPW, v < lim)

            def body(q):
                v = sidx_v[pl.ds(q + 16, 16)][0]
                o = opos_v[pl.ds(q, 16)][0]
                lvec = jnp.full((16,), 0, jnp.int32) + (v - off)
                for g in range(4):
                    col = plsc.load_gather(
                        blk, [lane16 + g * 16, lvec])
                    rows_v[q, pl.ds(g * 16, 16)] = col
                pltpu.async_copy(rows_v.at[q], out_hbm.at[o], semw)
                return q + 1

            return lax.while_loop(cond, body, q0)

        def blk_at(j):
            return blist_v[pl.ds(j, 16)][0]

        for i in range(_RING):
            @pl.when(i < nblk)
            def _(i=i):
                start(blk_at(jnp.int32(i)), i)

        def rotate(k, q):
            j0 = k * _RING
            for i in range(_RING):
                j = j0 + i

                @pl.when(j < nblk)
                def _(i=i, j=j):
                    wait(i)

                q = lax.cond(
                    j < nblk,
                    lambda qq, i=i, j=j: proc(i, blk_at(j), qq),
                    lambda qq: qq,
                    q)

                @pl.when(j + _RING < nblk)
                def _(i=i, j=j):
                    start(blk_at(j + _RING), i)

            return q

        nrot = (nblk + _RING - 1) // _RING
        lax.fori_loop(0, nrot, rotate, 0)

        pltpu.make_async_copy(
            out_hbm.at[pl.ds(0, _BPW)], rows_v, semw).wait()

    return gather_kernel


def kernel(memory, index, t, current_event_id):
    idx = index.astype(jnp.int32)
    pos = jnp.arange(_B, dtype=jnp.int32)
    sidx, opos = lax.sort((idx, pos), num_keys=1)
    return _build()(memory.T, sidx, opos)

# --- scband reference (transcript-rebuilt; emitter-appended) ---
"""Pipeline reference for scband-identity-embedding-58119497450037 (READ-ONLY COPY).

The authoritative reference and input builder live on the scoring server;
editing this copy changes nothing except your own understanding.
"""

import jax, jax.numpy as jnp
import numpy as np

def setup_inputs(seed: int = 0) -> dict:
    key = jax.random.key(seed)
    k1, k2, k3 = jax.random.split(key, 3)
    memory = jax.random.normal(k1, (1000000, 64), dtype=jnp.float32)
    index = jax.random.randint(k2, (16384,), 0, 1000000, dtype=jnp.int64 if jax.config.jax_enable_x64 else jnp.int32)
    t = jax.random.uniform(k3, (16384,), dtype=jnp.float32)
    current_event_id = 12345
    return {"memory": memory, "index": index, "t": t, "current_event_id": current_event_id}

def reference(memory, index, t, current_event_id):
    # IdentityEmbedding.forward: return memory[index]
    return jnp.take(memory, index, axis=0)

if __name__ == "__main__":
    import jax
    _d = setup_inputs()
    print(jax.jit(kernel)(*tuple(_d.values())))

</pallas_src>

<mosaic_0001>
#map = affine_map<(d0, d1) -> (0, 0)>
#map1 = affine_map<(d0, d1) -> (0)>
module attributes {stable_mosaic.version = 14 : i64} {
  func.func @gather_kernel(%arg0: i32, %arg1: i32, %arg2: memref<64x1000000xf32, #tpu.memory_space<hbm>>, %arg3: memref<16384xi32, #tpu.memory_space<hbm>>, %arg4: memref<16384xi32, #tpu.memory_space<hbm>>, %arg5: memref<16384x64xf32, #tpu.memory_space<hbm>>, %arg6: memref<544xi32, #tpu.memory_space<vmem>>, %arg7: memref<528xi32, #tpu.memory_space<vmem>>, %arg8: memref<544xi32, #tpu.memory_space<vmem>>, %arg9: memref<7x64x128xf32, #tpu.memory_space<vmem>>, %arg10: memref<512x64xf32, #tpu.memory_space<vmem>>, %arg11: memref<!tpu.dma_semaphore, #tpu.memory_space<semaphore_mem>>, %arg12: memref<!tpu.dma_semaphore, #tpu.memory_space<semaphore_mem>>, %arg13: memref<!tpu.dma_semaphore, #tpu.memory_space<semaphore_mem>>, %arg14: memref<!tpu.dma_semaphore, #tpu.memory_space<semaphore_mem>>, %arg15: memref<!tpu.dma_semaphore, #tpu.memory_space<semaphore_mem>>, %arg16: memref<!tpu.dma_semaphore, #tpu.memory_space<semaphore_mem>>, %arg17: memref<!tpu.dma_semaphore, #tpu.memory_space<semaphore_mem>>, %arg18: memref<!tpu.dma_semaphore, #tpu.memory_space<semaphore_mem>>) attributes {dimension_semantics = [#tpu.dimension_semantics<core_parallel>, #tpu.dimension_semantics<subcore_parallel>], iteration_bounds = array<i64: 2, 16>, scalar_prefetch = 0 : i64, scratch_operands = 13 : i64, tpu.core_type = #tpu.core_type<sc_vector_subcore>, window_params = [{transform_indices = #map}, {transform_indices = #map1}, {transform_indices = #map1}, {transform_indices = #map}]} {
    %mul3A = arith.constant 2 : i32
    %mul3A_0 = arith.muli %arg1, %mul3A : i32
    %add3A = arith.addi %mul3A_0, %arg0 : i32
    %mul3A_1 = arith.constant 512 : i32
    %mul3A_2 = arith.muli %add3A, %mul3A_1 : i32
    %broadcast_in_dim3A = arith.constant -1 : i32
    %broadcast_in_dim3A_3 = vector.broadcast %broadcast_in_dim3A : i32 to vector<16xi32>
    %swap3A = arith.constant 0 : index
    %swap3A_4 = tpu.vector_load %arg6[%swap3A] {strides = array<i32>} : memref<544xi32, #tpu.memory_space<vmem>>, vector<16xi32>,
    tpu.vector_store %arg6[%swap3A], %broadcast_in_dim3A_3 {strides = array<i32>} : memref<544xi32, #tpu.memory_space<vmem>>, vector<16xi32>,
    "tpu.region"() ({
      %run_scoped3A = tpu.sem_alloc : memref<!tpu.dma_semaphore, #tpu.memory_space<semaphore_mem>>
      %dma_start3A = arith.constant 16 : i32
      %dma_start3A_680 = tpu.memref_slice %arg6[%dma_start3A] : memref<544xi32, #tpu.memory_space<vmem>> -> memref<512xi32, #tpu.memory_space<vmem>>
      %dma_start3A_681 = tpu.memref_slice %arg3[%mul3A_2] : memref<16384xi32, #tpu.memory_space<hbm>> -> memref<512xi32, #tpu.memory_space<hbm>>
      %dma_start3A_682 = arith.constant 16 : i32
      %dma_start3A_683 = tpu.memref_slice %arg6[%dma_start3A_682] : memref<544xi32, #tpu.memory_space<vmem>> -> memref<512xi32, #tpu.memory_space<vmem>>
      %dma_start3A_684 = tpu.memref_slice %arg3[%mul3A_2] : memref<16384xi32, #tpu.memory_space<hbm>> -> memref<512xi32, #tpu.memory_space<hbm>>
      tpu.enqueue_dma source(%dma_start3A_684 : memref<512xi32, #tpu.memory_space<hbm>>) target(%dma_start3A_683 : memref<512xi32, #tpu.memory_space<vmem>>) target_semaphore(%run_scoped3A : memref<!tpu.dma_semaphore, #tpu.memory_space<semaphore_mem>>)
      %dma_wait3A_685 = arith.constant 16 : i32
      %dma_wait3A_686 = tpu.memref_slice %arg6[%dma_wait3A_685] : memref<544xi32, #tpu.memory_space<vmem>> -> memref<512xi32, #tpu.memory_space<vmem>>
      %dma_wait3A_687 = tpu.memref_slice %arg3[%mul3A_2] : memref<16384xi32, #tpu.memory_space<hbm>> -> memref<512xi32, #tpu.memory_space<hbm>>
      %dma_wait3A_688 = arith.constant 16 : i32
      %dma_wait3A_689 = tpu.memref_slice %arg6[%dma_wait3A_688] : memref<544xi32, #tpu.memory_space<vmem>> -> memref<512xi32, #tpu.memory_space<vmem>>
      %dma_wait3A_690 = tpu.memref_slice %arg3[%mul3A_2] : memref<16384xi32, #tpu.memory_space<hbm>> -> memref<512xi32, #tpu.memory_space<hbm>>
      tpu.wait_dma2 semaphore(%run_scoped3A : memref<!tpu.dma_semaphore, #tpu.memory_space<semaphore_mem>>) src(%dma_wait3A_690 : memref<512xi32, #tpu.memory_space<hbm>>) dst(%dma_wait3A_689 : memref<512xi32, #tpu.memory_space<vmem>>)
      tpu.yield
    }) : () -> ()
    "tpu.region"() ({
      %run_scoped3A = tpu.sem_alloc : memref<!tpu.dma_semaphore, #tpu.memory_space<semaphore_mem>>
      %dma_start3A = arith.constant 0 : i32
      %dma_start3A_680 = tpu.memref_slice %arg7[%dma_start3A] : memref<528xi32, #tpu.memory_space<vmem>> -> memref<512xi32, #tpu.memory_space<vmem>>
      %dma_start3A_681 = tpu.memref_slice %arg4[%mul3A_2] : memref<16384xi32, #tpu.memory_space<hbm>> -> memref<512xi32, #tpu.memory_space<hbm>>
      %dma_start3A_682 = arith.constant 0 : i32
      %dma_start3A_683 = tpu.memref_slice %arg7[%dma_start3A_682] : memref<528xi32, #tpu.memory_space<vmem>> -> memref<512xi32, #tpu.memory_space<vmem>>
      %dma_start3A_684 = tpu.memref_slice %arg4[%mul3A_2] : memref<16384xi32, #tpu.memory_space<hbm>> -> memref<512xi32, #tpu.memory_space<hbm>>
      tpu.enqueue_dma source(%dma_start3A_684 : memref<512xi32, #tpu.memory_space<hbm>>) target(%dma_start3A_683 : memref<512xi32, #tpu.memory_space<vmem>>) target_semaphore(%run_scoped3A : memref<!tpu.dma_semaphore, #tpu.memory_space<semaphore_mem>>)
      %dma_wait3A_685 = arith.constant 0 : i32
      %dma_wait3A_686 = tpu.memref_slice %arg7[%dma_wait3A_685] : memref<528xi32, #tpu.memory_space<vmem>> -> memref<512xi32, #tpu.memory_space<vmem>>
      %dma_wait3A_687 = tpu.memref_slice %arg4[%mul3A_2] : memref<16384xi32, #tpu.memory_space<hbm>> -> memref<512xi32, #tpu.memory_space<hbm>>
      %dma_wait3A_688 = arith.constant 0 : i32
      %dma_wait3A_689 = tpu.memref_slice %arg7[%dma_wait3A_688] : memref<528xi32, #tpu.memory_space<vmem>> -> memref<512xi32, #tpu.memory_space<vmem>>
      %dma_wait3A_690 = tpu.memref_slice %arg4[%mul3A_2] : memref<16384xi32, #tpu.memory_space<hbm>> -> memref<512xi32, #tpu.memory_space<hbm>>
      tpu.wait_dma2 semaphore(%run_scoped3A : memref<!tpu.dma_semaphore, #tpu.memory_space<semaphore_mem>>) src(%dma_wait3A_690 : memref<512xi32, #tpu.memory_space<hbm>>) dst(%dma_wait3A_689 : memref<512xi32, #tpu.memory_space<vmem>>)
      tpu.yield
    }) : () -> ()
    %iota3A = tpu.iota {dimensions = array<i32: 0>} : vector<16xi32>
    %get3A = arith.constant 16 : index
    %get3A_5 = tpu.vector_load %arg6[%get3A] {strides = array<i32>} : memref<544xi32, #tpu.memory_space<vmem>>, vector<16xi32>,
    %shift_right_arithmetic3A = arith.constant 7 : i32
    %shift_right_arithmetic3A_6 = vector.broadcast %shift_right_arithmetic3A : i32 to vector<16xi32>
    %shift_right_arithmetic3A_7 = arith.shrsi %get3A_5, %shift_right_arithmetic3A_6 : vector<16xi32>
    %get3A_8 = arith.constant 15 : index
    %get3A_9 = tpu.vector_load %arg6[%get3A_8] {strides = array<i32>} : memref<544xi32, #tpu.memory_space<vmem>>, vector<16xi32>,
    %shift_right_arithmetic3A_10 = arith.constant 7 : i32
    %shift_right_arithmetic3A_11 = vector.broadcast %shift_right_arithmetic3A_10 : i32 to vector<16xi32>
    %shift_right_arithmetic3A_12 = arith.shrsi %get3A_9, %shift_right_arithmetic3A_11 : vector<16xi32>
    %ne3A = arith.cmpi ne, %shift_right_arithmetic3A_7, %shift_right_arithmetic3A_12 : vector<16xi32>
    %swap3A_13 = arith.constant 0 : i32
    %swap3A_14 = arith.index_cast %swap3A_13 : i32 to index
    %swap3A_15 = tpu.vector_load %arg8[%swap3A_14] masked %ne3A {strides = array<i32>} : memref<544xi32, #tpu.memory_space<vmem>>, vector<16xi32>, vector<16xi1>
    tpu.vector_store %arg8[%swap3A_14], %shift_right_arithmetic3A_7 masked %ne3A {strides = array<i32>} : memref<544xi32, #tpu.memory_space<vmem>>, vector<16xi32>, vector<16xi1>
    %convert_element_type3A = arith.extui %ne3A : vector<16xi1> to vector<16xi32>
    %reduce_sum3A = arith.constant true
    %reduce_sum3A_16 = vector.broadcast %reduce_sum3A : i1 to vector<16xi1>
    %reduce_sum3A_17 = tpu.scan <sum>, %convert_element_type3A masked %reduce_sum3A_16 : vector<16xi32>, vector<16xi1> -> vector<16xi32>
    %reduce_sum3A_18 = vector.extract %reduce_sum3A_17[15] : i32 from vector<16xi32>
    %add3A_19 = arith.constant 0 : i32
    %add3A_20 = arith.addi %add3A_19, %reduce_sum3A_18 : i32
    %get3A_21 = arith.constant 32 : index
    %get3A_22 = tpu.vector_load %arg6[%get3A_21] {strides = array<i32>} : memref<544xi32, #tpu.memory_space<vmem>>, vector<16xi32>,
    %shift_right_arithmetic3A_23 = arith.constant 7 : i32
    %shift_right_arithmetic3A_24 = vector.broadcast %shift_right_arithmetic3A_23 : i32 to vector<16xi32>
    %shift_right_arithmetic3A_25 = arith.shrsi %get3A_22, %shift_right_arithmetic3A_24 : vector<16xi32>
    %get3A_26 = arith.constant 31 : index
    %get3A_27 = tpu.vector_load %arg6[%get3A_26] {strides = array<i32>} : memref<544xi32, #tpu.memory_space<vmem>>, vector<16xi32>,
    %shift_right_arithmetic3A_28 = arith.constant 7 : i32
    %shift_right_arithmetic3A_29 = vector.broadcast %shift_right_arithmetic3A_28 : i32 to vector<16xi32>
    %shift_right_arithmetic3A_30 = arith.shrsi %get3A_27, %shift_right_arithmetic3A_29 : vector<16xi32>
    %ne3A_31 = arith.cmpi ne, %shift_right_arithmetic3A_25, %shift_right_arithmetic3A_30 : vector<16xi32>
    %swap3A_32 = arith.index_cast %add3A_20 : i32 to index
    %swap3A_33 = tpu.vector_load %arg8[%swap3A_32] masked %ne3A_31 {strides = array<i32>} : memref<544xi32, #tpu.memory_space<vmem>>, vector<16xi32>, vector<16xi1>
    tpu.vector_store %arg8[%swap3A_32], %shift_right_arithmetic3A_25 masked %ne3A_31 {strides = array<i32>} : memref<544xi32, #tpu.memory_space<vmem>>, vector<16xi32>, vector<16xi1>
    %convert_element_type3A_34 = arith.extui %ne3A_31 : vector<16xi1> to vector<16xi32>
    %reduce_sum3A_35 = arith.constant true
    %reduce_sum3A_36 = vector.broadcast %reduce_sum3A_35 : i1 to vector<16xi1>
    %reduce_sum3A_37 = tpu.scan <sum>, %convert_element_type3A_34 masked %reduce_sum3A_36 : vector<16xi32>, vector<16xi1> -> vector<16xi32>
    %reduce_sum3A_38 = vector.extract %reduce_sum3A_37[15] : i32 from vector<16xi32>
    %add3A_39 = arith.addi %add3A_20, %reduce_sum3A_38 : i32
    %get3A_40 = arith.constant 48 : index
    %get3A_41 = tpu.vector_load %arg6[%get3A_40] {strides = array<i32>} : memref<544xi32, #tpu.memory_space<vmem>>, vector<16xi32>,
    %shift_right_arithmetic3A_42 = arith.constant 7 : i32
    %shift_right_arithmetic3A_43 = vector.broadcast %shift_right_arithmetic3A_42 : i32 to vector<16xi32>
    %shift_right_arithmetic3A_44 = arith.shrsi %get3A_41, %shift_right_arithmetic3A_43 : vector<16xi32>
    %get3A_45 = arith.constant 47 : index
    %get3A_46 = tpu.vector_load %arg6[%get3A_45] {strides = array<i32>} : memref<544xi32, #tpu.memory_space<vmem>>, vector<16xi32>,
    %shift_right_arithmetic3A_47 = arith.constant 7 : i32
    %shift_right_arithmetic3A_48 = vector.broadcast %shift_right_arithmetic3A_47 : i32 to vector<16xi32>
    %shift_right_arithmetic3A_49 = arith.shrsi %get3A_46, %shift_right_arithmetic3A_48 : vector<16xi32>
    %ne3A_50 = arith.cmpi ne, %shift_right_arithmetic3A_44, %shift_right_arithmetic3A_49 : vector<16xi32>
    %swap3A_51 = arith.index_cast %add3A_39 : i32 to index
    %swap3A_52 = tpu.vector_load %arg8[%swap3A_51] masked %ne3A_50 {strides = array<i32>} : memref<544xi32, #tpu.memory_space<vmem>>, vector<16xi32>, vector<16xi1>
    tpu.vector_store %arg8[%swap3A_51], %shift_right_arithmetic3A_44 masked %ne3A_50 {strides = array<i32>} : memref<544xi32, #tpu.memory_space<vmem>>, vector<16xi32>, vector<16xi1>
    %convert_element_type3A_53 = arith.extui %ne3A_50 : vector<16xi1> to vector<16xi32>
    %reduce_sum3A_54 = arith.constant true
    %reduce_sum3A_55 = vector.broadcast %reduce_sum3A_54 : i1 to vector<16xi1>
    %reduce_sum3A_56 = tpu.scan <sum>, %convert_element_type3A_53 masked %reduce_sum3A_55 : vector<16xi32>, vector<16xi1> -> vector<16xi32>
    %reduce_sum3A_57 = vector.extract %reduce_sum3A_56[15] : i32 from vector<16xi32>
    %add3A_58 = arith.addi %add3A_39, %reduce_sum3A_57 : i32
    %get3A_59 = arith.constant 64 : index
    %get3A_60 = tpu.vector_load %arg6[%get3A_59] {strides = array<i32>} : memref<544xi32, #tpu.memory_space<vmem>>, vector<16xi32>,
    %shift_right_arithmetic3A_61 = arith.constant 7 : i32
    %shift_right_arithmetic3A_62 = vector.broadcast %shift_right_arithmetic3A_61 : i32 to vector<16xi32>
    %shift_right_arithmetic3A_63 = arith.shrsi %get3A_60, %shift_right_arithmetic3A_62 : vector<16xi32>
    %get3A_64 = arith.constant 63 : index
    %get3A_65 = tpu.vector_load %arg6[%get3A_64] {strides = array<i32>} : memref<544xi32, #tpu.memory_space<vmem>>, vector<16xi32>,
    %shift_right_arithmetic3A_66 = arith.constant 7 : i32
    %shift_right_arithmetic3A_67 = vector.broadcast %shift_right_arithmetic3A_66 : i32 to vector<16xi32>
    %shift_right_arithmetic3A_68 = arith.shrsi %get3A_65, %shift_right_arithmetic3A_67 : vector<16xi32>
    %ne3A_69 = arith.cmpi ne, %shift_right_arithmetic3A_63, %shift_right_arithmetic3A_68 : vector<16xi32>
    %swap3A_70 = arith.index_cast %add3A_58 : i32 to index
    %swap3A_71 = tpu.vector_load %arg8[%swap3A_70] masked %ne3A_69 {strides = array<i32>} : memref<544xi32, #tpu.memory_space<vmem>>, vector<16xi32>, vector<16xi1>
    tpu.vector_store %arg8[%swap3A_70], %shift_right_arithmetic3A_63 masked %ne3A_69 {strides = array<i32>} : memref<544xi32, #tpu.memory_space<vmem>>, vector<16xi32>, vector<16xi1>
    %convert_element_type3A_72 = arith.extui %ne3A_69 : vector<16xi1> to vector<16xi32>
    %reduce_sum3A_73 = arith.constant true
    %reduce_sum3A_74 = vector.broadcast %reduce_sum3A_73 : i1 to vector<16xi1>
    %reduce_sum3A_75 = tpu.scan <sum>, %convert_element_type3A_72 masked %reduce_sum3A_74 : vector<16xi32>, vector<16xi1> -> vector<16xi32>
    %reduce_sum3A_76 = vector.extract %reduce_sum3A_75[15] : i32 from vector<16xi32>
    %add3A_77 = arith.addi %add3A_58, %reduce_sum3A_76 : i32
    %get3A_78 = arith.constant 80 : index
    %get3A_79 = tpu.vector_load %arg6[%get3A_78] {strides = array<i32>} : memref<544xi32, #tpu.memory_space<vmem>>, vector<16xi32>,
    %shift_right_arithmetic3A_80 = arith.constant 7 : i32
    %shift_right_arithmetic3A_81 = vector.broadcast %shift_right_arithmetic3A_80 : i32 to vector<16xi32>
    %shift_right_arithmetic3A_82 = arith.shrsi %get3A_79, %shift_right_arithmetic3A_81 : vector<16xi32>
    %get3A_83 = arith.constant 79 : index
    %get3A_84 = tpu.vector_load %arg6[%get3A_83] {strides = array<i32>} : memref<544xi32, #tpu.memory_space<vmem>>, vector<16xi32>,
    %shift_right_arithmetic3A_85 = arith.constant 7 : i32
    %shift_right_arithmetic3A_86 = vector.broadcast %shift_right_arithmetic3A_85 : i32 to vector<16xi32>
    %shift_right_arithmetic3A_87 = arith.shrsi %get3A_84, %shift_right_arithmetic3A_86 : vector<16xi32>
    %ne3A_88 = arith.cmpi ne, %shift_right_arithmetic3A_82, %shift_right_arithmetic3A_87 : vector<16xi32>
    %swap3A_89 = arith.index_cast %add3A_77 : i32 to index
    %swap3A_90 = tpu.vector_load %arg8[%swap3A_89] masked %ne3A_88 {strides = array<i32>} : memref<544xi32, #tpu.memory_space<vmem>>, vector<16xi32>, vector<16xi1>
    tpu.vector_store %arg8[%swap3A_89], %shift_right_arithmetic3A_82 masked %ne3A_88 {strides = array<i32>} : memref<544xi32, #tpu.memory_space<vmem>>, vector<16xi32>, vector<16xi1>
    %convert_element_type3A_91 = arith.extui %ne3A_88 : vector<16xi1> to vector<16xi32>
    %reduce_sum3A_92 = arith.constant true
    %reduce_sum3A_93 = vector.broadcast %reduce_sum3A_92 : i1 to vector<16xi1>
    %reduce_sum3A_94 = tpu.scan <sum>, %convert_element_type3A_91 masked %reduce_sum3A_93 : vector<16xi32>, vector<16xi1> -> vector<16xi32>
    %reduce_sum3A_95 = vector.extract %reduce_sum3A_94[15] : i32 from vector<16xi32>
    %add3A_96 = arith.addi %add3A_77, %reduce_sum3A_95 : i32
    %get3A_97 = arith.constant 96 : index
    %get3A_98 = tpu.vector_load %arg6[%get3A_97] {strides = array<i32>} : memref<544xi32, #tpu.memory_space<vmem>>, vector<16xi32>,
    %shift_right_arithmetic3A_99 = arith.constant 7 : i32
    %shift_right_arithmetic3A_100 = vector.broadcast %shift_right_arithmetic3A_99 : i32 to vector<16xi32>
    %shift_right_arithmetic3A_101 = arith.shrsi %get3A_98, %shift_right_arithmetic3A_100 : vector<16xi32>
    %get3A_102 = arith.constant 95 : index
    %get3A_103 = tpu.vector_load %arg6[%get3A_102] {strides = array<i32>} : memref<544xi32, #tpu.memory_space<vmem>>, vector<16xi32>,
    %shift_right_arithmetic3A_104 = arith.constant 7 : i32
    %shift_right_arithmetic3A_105 = vector.broadcast %shift_right_arithmetic3A_104 : i32 to vector<16xi32>
    %shift_right_arithmetic3A_106 = arith.shrsi %get3A_103, %shift_right_arithmetic3A_105 : vector<16xi32>
    %ne3A_107 = arith.cmpi ne, %shift_right_arithmetic3A_101, %shift_right_arithmetic3A_106 : vector<16xi32>
    %swap3A_108 = arith.index_cast %add3A_96 : i32 to index
    %swap3A_109 = tpu.vector_load %arg8[%swap3A_108] masked %ne3A_107 {strides = array<i32>} : memref<544xi32, #tpu.memory_space<vmem>>, vector<16xi32>, vector<16xi1>
    tpu.vector_store %arg8[%swap3A_108], %shift_right_arithmetic3A_101 masked %ne3A_107 {strides = array<i32>} : memref<544xi32, #tpu.memory_space<vmem>>, vector<16xi32>, vector<16xi1>
    %convert_element_type3A_110 = arith.extui %ne3A_107 : vector<16xi1> to vector<16xi32>
    %reduce_sum3A_111 = arith.constant true
    %reduce_sum3A_112 = vector.broadcast %reduce_sum3A_111 : i1 to vector<16xi1>
    %reduce_sum3A_113 = tpu.scan <sum>, %convert_element_type3A_110 masked %reduce_sum3A_112 : vector<16xi32>, vector<16xi1> -> vector<16xi32>
    %reduce_sum3A_114 = vector.extract %reduce_sum3A_113[15] : i32 from vector<16xi32>
    %add3A_115 = arith.addi %add3A_96, %reduce_sum3A_114 : i32
    %get3A_116 = arith.constant 112 : index
    %get3A_117 = tpu.vector_load %arg6[%get3A_116] {strides = array<i32>} : memref<544xi32, #tpu.memory_space<vmem>>, vector<16xi32>,
    %shift_right_arithmetic3A_118 = arith.constant 7 : i32
    %shift_right_arithmetic3A_119 = vector.broadcast %shift_right_arithmetic3A_118 : i32 to vector<16xi32>
    %shift_right_arithmetic3A_120 = arith.shrsi %get3A_117, %shift_right_arithmetic3A_119 : vector<16xi32>
    %get3A_121 = arith.constant 111 : index
    %get3A_122 = tpu.vector_load %arg6[%get3A_121] {strides = array<i32>} : memref<544xi32, #tpu.memory_space<vmem>>, vector<16xi32>,
    %shift_right_arithmetic3A_123 = arith.constant 7 : i32
    %shift_right_arithmetic3A_124 = vector.broadcast %shift_right_arithmetic3A_123 : i32 to vector<16xi32>
    %shift_right_arithmetic3A_125 = arith.shrsi %get3A_122, %shift_right_arithmetic3A_124 : vector<16xi32>
    %ne3A_126 = arith.cmpi ne, %shift_right_arithmetic3A_120, %shift_right_arithmetic3A_125 : vector<16xi32>
    %swap3A_127 = arith.index_cast %add3A_115 : i32 to index
    %swap3A_128 = tpu.vector_load %arg8[%swap3A_127] masked %ne3A_126 {strides = array<i32>} : memref<544xi32, #tpu.memory_space<vmem>>, vector<16xi32>, vector<16xi1>
    tpu.vector_store %arg8[%swap3A_127], %shift_right_arithmetic3A_120 masked %ne3A_126 {strides = array<i32>} : memref<544xi32, #tpu.memory_space<vmem>>, vector<16xi32>, vector<16xi1>
    %convert_element_type3A_129 = arith.extui %ne3A_126 : vector<16xi1> to vector<16xi32>
    %reduce_sum3A_130 = arith.constant true
    %reduce_sum3A_131 = vector.broadcast %reduce_sum3A_130 : i1 to vector<16xi1>
    %reduce_sum3A_132 = tpu.scan <sum>, %convert_element_type3A_129 masked %reduce_sum3A_131 : vector<16xi32>, vector<16xi1> -> vector<16xi32>
    %reduce_sum3A_133 = vector.extract %reduce_sum3A_132[15] : i32 from vector<16xi32>
    %add3A_134 = arith.addi %add3A_115, %reduce_sum3A_133 : i32
    %get3A_135 = arith.constant 128 : index
    %get3A_136 = tpu.vector_load %arg6[%get3A_135] {strides = array<i32>} : memref<544xi32, #tpu.memory_space<vmem>>, vector<16xi32>,
    %shift_right_arithmetic3A_137 = arith.constant 7 : i32
    %shift_right_arithmetic3A_138 = vector.broadcast %shift_right_arithmetic3A_137 : i32 to vector<16xi32>
    %shift_right_arithmetic3A_139 = arith.shrsi %get3A_136, %shift_right_arithmetic3A_138 : vector<16xi32>
    %get3A_140 = arith.constant 127 : index
    %get3A_141 = tpu.vector_load %arg6[%get3A_140] {strides = array<i32>} : memref<544xi32, #tpu.memory_space<vmem>>, vector<16xi32>,
    %shift_right_arithmetic3A_142 = arith.constant 7 : i32
    %shift_right_arithmetic3A_143 = vector.broadcast %shift_right_arithmetic3A_142 : i32 to vector<16xi32>
    %shift_right_arithmetic3A_144 = arith.shrsi %get3A_141, %shift_right_arithmetic3A_143 : vector<16xi32>
    %ne3A_145 = arith.cmpi ne, %shift_right_arithmetic3A_139, %shift_right_arithmetic3A_144 : vector<16xi32>
    %swap3A_146 = arith.index_cast %add3A_134 : i32 to index
    %swap3A_147 = tpu.vector_load %arg8[%swap3A_146] masked %ne3A_145 {strides = array<i32>} : memref<544xi32, #tpu.memory_space<vmem>>, vector<16xi32>, vector<16xi1>
    tpu.vector_store %arg8[%swap3A_146], %shift_right_arithmetic3A_139 masked %ne3A_145 {strides = array<i32>} : memref<544xi32, #tpu.memory_space<vmem>>, vector<16xi32>, vector<16xi1>
    %convert_element_type3A_148 = arith.extui %ne3A_145 : vector<16xi1> to vector<16xi32>
    %reduce_sum3A_149 = arith.constant true
    %reduce_sum3A_150 = vector.broadcast %reduce_sum3A_149 : i1 to vector<16xi1>
    %reduce_sum3A_151 = tpu.scan <sum>, %convert_element_type3A_148 masked %reduce_sum3A_150 : vector<16xi32>, vector<16xi1> -> vector<16xi32>
    %reduce_sum3A_152 = vector.extract %reduce_sum3A_151[15] : i32 from vector<16xi32>
    %add3A_153 = arith.addi %add3A_134, %reduce_sum3A_152 : i32
    %get3A_154 = arith.constant 144 : index
    %get3A_155 = tpu.vector_load %arg6[%get3A_154] {strides = array<i32>} : memref<544xi32, #tpu.memory_space<vmem>>, vector<16xi32>,
    %shift_right_arithmetic3A_156 = arith.constant 7 : i32
    %shift_right_arithmetic3A_157 = vector.broadcast %shift_right_arithmetic3A_156 : i32 to vector<16xi32>
    %shift_right_arithmetic3A_158 = arith.shrsi %get3A_155, %shift_right_arithmetic3A_157 : vector<16xi32>
    %get3A_159 = arith.constant 143 : index
    %get3A_160 = tpu.vector_load %arg6[%get3A_159] {strides = array<i32>} : memref<544xi32, #tpu.memory_space<vmem>>, vector<16xi32>,
    %shift_right_arithmetic3A_161 = arith.constant 7 : i32
    %shift_right_arithmetic3A_162 = vector.broadcast %shift_right_arithmetic3A_161 : i32 to vector<16xi32>
    %shift_right_arithmetic3A_163 = arith.shrsi %get3A_160, %shift_right_arithmetic3A_162 : vector<16xi32>
    %ne3A_164 = arith.cmpi ne, %shift_right_arithmetic3A_158, %shift_right_arithmetic3A_163 : vector<16xi32>
    %swap3A_165 = arith.index_cast %add3A_153 : i32 to index
    %swap3A_166 = tpu.vector_load %arg8[%swap3A_165] masked %ne3A_164 {strides = array<i32>} : memref<544xi32, #tpu.memory_space<vmem>>, vector<16xi32>, vector<16xi1>
    tpu.vector_store %arg8[%swap3A_165], %shift_right_arithmetic3A_158 masked %ne3A_164 {strides = array<i32>} : memref<544xi32, #tpu.memory_space<vmem>>, vector<16xi32>, vector<16xi1>
    %convert_element_type3A_167 = arith.extui %ne3A_164 : vector<16xi1> to vector<16xi32>
    %reduce_sum3A_168 = arith.constant true
    %reduce_sum3A_169 = vector.broadcast %reduce_sum3A_168 : i1 to vector<16xi1>
    %reduce_sum3A_170 = tpu.scan <sum>, %convert_element_type3A_167 masked %reduce_sum3A_169 : vector<16xi32>, vector<16xi1> -> vector<16xi32>
    %reduce_sum3A_171 = vector.extract %reduce_sum3A_170[15] : i32 from vector<16xi32>
    %add3A_172 = arith.addi %add3A_153, %reduce_sum3A_171 : i32
    %get3A_173 = arith.constant 160 : index
    %get3A_174 = tpu.vector_load %arg6[%get3A_173] {strides = array<i32>} : memref<544xi32, #tpu.memory_space<vmem>>, vector<16xi32>,
    %shift_right_arithmetic3A_175 = arith.constant 7 : i32
    %shift_right_arithmetic3A_176 = vector.broadcast %shift_right_arithmetic3A_175 : i32 to vector<16xi32>
    %shift_right_arithmetic3A_177 = arith.shrsi %get3A_174, %shift_right_arithmetic3A_176 : vector<16xi32>
    %get3A_178 = arith.constant 159 : index
    %get3A_179 = tpu.vector_load %arg6[%get3A_178] {strides = array<i32>} : memref<544xi32, #tpu.memory_space<vmem>>, vector<16xi32>,
    %shift_right_arithmetic3A_180 = arith.constant 7 : i32
    %shift_right_arithmetic3A_181 = vector.broadcast %shift_right_arithmetic3A_180 : i32 to vector<16xi32>
    %shift_right_arithmetic3A_182 = arith.shrsi %get3A_179, %shift_right_arithmetic3A_181 : vector<16xi32>
    %ne3A_183 = arith.cmpi ne, %shift_right_arithmetic3A_177, %shift_right_arithmetic3A_182 : vector<16xi32>
    %swap3A_184 = arith.index_cast %add3A_172 : i32 to index
    %swap3A_185 = tpu.vector_load %arg8[%swap3A_184] masked %ne3A_183 {strides = array<i32>} : memref<544xi32, #tpu.memory_space<vmem>>, vector<16xi32>, vector<16xi1>
    tpu.vector_store %arg8[%swap3A_184], %shift_right_arithmetic3A_177 masked %ne3A_183 {strides = array<i32>} : memref<544xi32, #tpu.memory_space<vmem>>, vector<16xi32>, vector<16xi1>
    %convert_element_type3A_186 = arith.extui %ne3A_183 : vector<16xi1> to vector<16xi32>
    %reduce_sum3A_187 = arith.constant true
    %reduce_sum3A_188 = vector.broadcast %reduce_sum3A_187 : i1 to vector<16xi1>
    %reduce_sum3A_189 = tpu.scan <sum>, %convert_element_type3A_186 masked %reduce_sum3A_188 : vector<16xi32>, vector<16xi1> -> vector<16xi32>
    %reduce_sum3A_190 = vector.extract %reduce_sum3A_189[15] : i32 from vector<16xi32>
    %add3A_191 = arith.addi %add3A_172, %reduce_sum3A_190 : i32
    %get3A_192 = arith.constant 176 : index
    %get3A_193 = tpu.vector_load %arg6[%get3A_192] {strides = array<i32>} : memref<544xi32, #tpu.memory_space<vmem>>, vector<16xi32>,
    %shift_right_arithmetic3A_194 = arith.constant 7 : i32
    %shift_right_arithmetic3A_195 = vector.broadcast %shift_right_arithmetic3A_194 : i32 to vector<16xi32>
    %shift_right_arithmetic3A_196 = arith.shrsi %get3A_193, %shift_right_arithmetic3A_195 : vector<16xi32>
    %get3A_197 = arith.constant 175 : index
    %get3A_198 = tpu.vector_load %arg6[%get3A_197] {strides = array<i32>} : memref<544xi32, #tpu.memory_space<vmem>>, vector<16xi32>,
    %shift_right_arithmetic3A_199 = arith.constant 7 : i32
    %shift_right_arithmetic3A_200 = vector.broadcast %shift_right_arithmetic3A_199 : i32 to vector<16xi32>
    %shift_right_arithmetic3A_201 = arith.shrsi %get3A_198, %shift_right_arithmetic3A_200 : vector<16xi32>
    %ne3A_202 = arith.cmpi ne, %shift_right_arithmetic3A_196, %shift_right_arithmetic3A_201 : vector<16xi32>
    %swap3A_203 = arith.index_cast %add3A_191 : i32 to index
    %swap3A_204 = tpu.vector_load %arg8[%swap3A_203] masked %ne3A_202 {strides = array<i32>} : memref<544xi32, #tpu.memory_space<vmem>>, vector<16xi32>, vector<16xi1>
    tpu.vector_store %arg8[%swap3A_203], %shift_right_arithmetic3A_196 masked %ne3A_202 {strides = array<i32>} : memref<544xi32, #tpu.memory_space<vmem>>, vector<16xi32>, vector<16xi1>
    %convert_element_type3A_205 = arith.extui %ne3A_202 : vector<16xi1> to vector<16xi32>
    %reduce_sum3A_206 = arith.constant true
    %reduce_sum3A_207 = vector.broadcast %reduce_sum3A_206 : i1 to vector<16xi1>
    %reduce_sum3A_208 = tpu.scan <sum>, %convert_element_type3A_205 masked %reduce_sum3A_207 : vector<16xi32>, vector<16xi1> -> vector<16xi32>
    %reduce_sum3A_209 = vector.extract %reduce_sum3A_208[15] : i32 from vector<16xi32>
    %add3A_210 = arith.addi %add3A_191, %reduce_sum3A_209 : i32
    %get3A_211 = arith.constant 192 : index
    %get3A_212 = tpu.vector_load %arg6[%get3A_211] {strides = array<i32>} : memref<544xi32, #tpu.memory_space<vmem>>, vector<16xi32>,
    %shift_right_arithmetic3A_213 = arith.constant 7 : i32
    %shift_right_arithmetic3A_214 = vector.broadcast %shift_right_arithmetic3A_213 : i32 to vector<16xi32>
    %shift_right_arithmetic3A_215 = arith.shrsi %get3A_212, %shift_right_arithmetic3A_214 : vector<16xi32>
    %get3A_216 = arith.constant 191 : index
    %get3A_217 = tpu.vector_load %arg6[%get3A_216] {strides = array<i32>} : memref<544xi32, #tpu.memory_space<vmem>>, vector<16xi32>,
    %shift_right_arithmetic3A_218 = arith.constant 7 : i32
    %shift_right_arithmetic3A_219 = vector.broadcast %shift_right_arithmetic3A_218 : i32 to vector<16xi32>
    %shift_right_arithmetic3A_220 = arith.shrsi %get3A_217, %shift_right_arithmetic3A_219 : vector<16xi32>
    %ne3A_221 = arith.cmpi ne, %shift_right_arithmetic3A_215, %shift_right_arithmetic3A_220 : vector<16xi32>
    %swap3A_222 = arith.index_cast %add3A_210 : i32 to index
    %swap3A_223 = tpu.vector_load %arg8[%swap3A_222] masked %ne3A_221 {strides = array<i32>} : memref<544xi32, #tpu.memory_space<vmem>>, vector<16xi32>, vector<16xi1>
    tpu.vector_store %arg8[%swap3A_222], %shift_right_arithmetic3A_215 masked %ne3A_221 {strides = array<i32>} : memref<544xi32, #tpu.memory_space<vmem>>, vector<16xi32>, vector<16xi1>
    %convert_element_type3A_224 = arith.extui %ne3A_221 : vector<16xi1> to vector<16xi32>
    %reduce_sum3A_225 = arith.constant true
    %reduce_sum3A_226 = vector.broadcast %reduce_sum3A_225 : i1 to vector<16xi1>
    %reduce_sum3A_227 = tpu.scan <sum>, %convert_element_type3A_224 masked %reduce_sum3A_226 : vector<16xi32>, vector<16xi1> -> vector<16xi32>
    %reduce_sum3A_228 = vector.extract %reduce_sum3A_227[15] : i32 from vector<16xi32>
    %add3A_229 = arith.addi %add3A_210, %reduce_sum3A_228 : i32
    %get3A_230 = arith.constant 208 : index
    %get3A_231 = tpu.vector_load %arg6[%get3A_230] {strides = array<i32>} : memref<544xi32, #tpu.memory_space<vmem>>, vector<16xi32>,
    %shift_right_arithmetic3A_232 = arith.constant 7 : i32
    %shift_right_arithmetic3A_233 = vector.broadcast %shift_right_arithmetic3A_232 : i32 to vector<16xi32>
    %shift_right_arithmetic3A_234 = arith.shrsi %get3A_231, %shift_right_arithmetic3A_233 : vector<16xi32>
    %get3A_235 = arith.constant 207 : index
    %get3A_236 = tpu.vector_load %arg6[%get3A_235] {strides = array<i32>} : memref<544xi32, #tpu.memory_space<vmem>>, vector<16xi32>,
    %shift_right_arithmetic3A_237 = arith.constant 7 : i32
    %shift_right_arithmetic3A_238 = vector.broadcast %shift_right_arithmetic3A_237 : i32 to vector<16xi32>
    %shift_right_arithmetic3A_239 = arith.shrsi %get3A_236, %shift_right_arithmetic3A_238 : vector<16xi32>
    %ne3A_240 = arith.cmpi ne, %shift_right_arithmetic3A_234, %shift_right_arithmetic3A_239 : vector<16xi32>
    %swap3A_241 = arith.index_cast %add3A_229 : i32 to index
    %swap3A_242 = tpu.vector_load %arg8[%swap3A_241] masked %ne3A_240 {strides = array<i32>} : memref<544xi32, #tpu.memory_space<vmem>>, vector<16xi32>, vector<16xi1>
    tpu.vector_store %arg8[%swap3A_241], %shift_right_arithmetic3A_234 masked %ne3A_240 {strides = array<i32>} : memref<544xi32, #tpu.memory_space<vmem>>, vector<16xi32>, vector<16xi1>
    %convert_element_type3A_243 = arith.extui %ne3A_240 : vector<16xi1> to vector<16xi32>
    %reduce_sum3A_244 = arith.constant true
    %reduce_sum3A_245 = vector.broadcast %reduce_sum3A_244 : i1 to vector<16xi1>
    %reduce_sum3A_246 = tpu.scan <sum>, %convert_element_type3A_243 masked %reduce_sum3A_245 : vector<16xi32>, vector<16xi1> -> vector<16xi32>
    %reduce_sum3A_247 = vector.extract %reduce_sum3A_246[15] : i32 from vector<16xi32>
    %add3A_248 = arith.addi %add3A_229, %reduce_sum3A_247 : i32
    %get3A_249 = arith.constant 224 : index
    %get3A_250 = tpu.vector_load %arg6[%get3A_249] {strides = array<i32>} : memref<544xi32, #tpu.memory_space<vmem>>, vector<16xi32>,
    %shift_right_arithmetic3A_251 = arith.constant 7 : i32
    %shift_right_arithmetic3A_252 = vector.broadcast %shift_right_arithmetic3A_251 : i32 to vector<16xi32>
    %shift_right_arithmetic3A_253 = arith.shrsi %get3A_250, %shift_right_arithmetic3A_252 : vector<16xi32>
    %get3A_254 = arith.constant 223 : index
    %get3A_255 = tpu.vector_load %arg6[%get3A_254] {strides = array<i32>} : memref<544xi32, #tpu.memory_space<vmem>>, vector<16xi32>,
    %shift_right_arithmetic3A_256 = arith.constant 7 : i32
    %shift_right_arithmetic3A_257 = vector.broadcast %shift_right_arithmetic3A_256 : i32 to vector<16xi32>
    %shift_right_arithmetic3A_258 = arith.shrsi %get3A_255, %shift_right_arithmetic3A_257 : vector<16xi32>
    %ne3A_259 = arith.cmpi ne, %shift_right_arithmetic3A_253, %shift_right_arithmetic3A_258 : vector<16xi32>
    %swap3A_260 = arith.index_cast %add3A_248 : i32 to index
    %swap3A_261 = tpu.vector_load %arg8[%swap3A_260] masked %ne3A_259 {strides = array<i32>} : memref<544xi32, #tpu.memory_space<vmem>>, vector<16xi32>, vector<16xi1>
    tpu.vector_store %arg8[%swap3A_260], %shift_right_arithmetic3A_253 masked %ne3A_259 {strides = array<i32>} : memref<544xi32, #tpu.memory_space<vmem>>, vector<16xi32>, vector<16xi1>
    %convert_element_type3A_262 = arith.extui %ne3A_259 : vector<16xi1> to vector<16xi32>
    %reduce_sum3A_263 = arith.constant true
    %reduce_sum3A_264 = vector.broadcast %reduce_sum3A_263 : i1 to vector<16xi1>
    %reduce_sum3A_265 = tpu.scan <sum>, %convert_element_type3A_262 masked %reduce_sum3A_264 : vector<16xi32>, vector<16xi1> -> vector<16xi32>
    %reduce_sum3A_266 = vector.extract %reduce_sum3A_265[15] : i32 from vector<16xi32>
    %add3A_267 = arith.addi %add3A_248, %reduce_sum3A_266 : i32
    %get3A_268 = arith.constant 240 : index
    %get3A_269 = tpu.vector_load %arg6[%get3A_268] {strides = array<i32>} : memref<544xi32, #tpu.memory_space<vmem>>, vector<16xi32>,
    %shift_right_arithmetic3A_270 = arith.constant 7 : i32
    %shift_right_arithmetic3A_271 = vector.broadcast %shift_right_arithmetic3A_270 : i32 to vector<16xi32>
    %shift_right_arithmetic3A_272 = arith.shrsi %get3A_269, %shift_right_arithmetic3A_271 : vector<16xi32>
    %get3A_273 = arith.constant 239 : index
    %get3A_274 = tpu.vector_load %arg6[%get3A_273] {strides = array<i32>} : memref<544xi32, #tpu.memory_space<vmem>>, vector<16xi32>,
    %shift_right_arithmetic3A_275 = arith.constant 7 : i32
    %shift_right_arithmetic3A_276 = vector.broadcast %shift_right_arithmetic3A_275 : i32 to vector<16xi32>
    %shift_right_arithmetic3A_277 = arith.shrsi %get3A_274, %shift_right_arithmetic3A_276 : vector<16xi32>
    %ne3A_278 = arith.cmpi ne, %shift_right_arithmetic3A_272, %shift_right_arithmetic3A_277 : vector<16xi32>
    %swap3A_279 = arith.index_cast %add3A_267 : i32 to index
    %swap3A_280 = tpu.vector_load %arg8[%swap3A_279] masked %ne3A_278 {strides = array<i32>} : memref<544xi32, #tpu.memory_space<vmem>>, vector<16xi32>, vector<16xi1>
    tpu.vector_store %arg8[%swap3A_279], %shift_right_arithmetic3A_272 masked %ne3A_278 {strides = array<i32>} : memref<544xi32, #tpu.memory_space<vmem>>, vector<16xi32>, vector<16xi1>
    %convert_element_type3A_281 = arith.extui %ne3A_278 : vector<16xi1> to vector<16xi32>
    %reduce_sum3A_282 = arith.constant true
    %reduce_sum3A_283 = vector.broadcast %reduce_sum3A_282 : i1 to vector<16xi1>
    %reduce_sum3A_284 = tpu.scan <sum>, %convert_element_type3A_281 masked %reduce_sum3A_283 : vector<16xi32>, vector<16xi1> -> vector<16xi32>
    %reduce_sum3A_285 = vector.extract %reduce_sum3A_284[15] : i32 from vector<16xi32>
    %add3A_286 = arith.addi %add3A_267, %reduce_sum3A_285 : i32
    %get3A_287 = arith.constant 256 : index
    %get3A_288 = tpu.vector_load %arg6[%get3A_287] {strides = array<i32>} : memref<544xi32, #tpu.memory_space<vmem>>, vector<16xi32>,
    %shift_right_arithmetic3A_289 = arith.constant 7 : i32
    %shift_right_arithmetic3A_290 = vector.broadcast %shift_right_arithmetic3A_289 : i32 to vector<16xi32>
    %shift_right_arithmetic3A_291 = arith.shrsi %get3A_288, %shift_right_arithmetic3A_290 : vector<16xi32>
    %get3A_292 = arith.constant 255 : index
    %get3A_293 = tpu.vector_load %arg6[%get3A_292] {strides = array<i32>} : memref<544xi32, #tpu.memory_space<vmem>>, vector<16xi32>,
    %shift_right_arithmetic3A_294 = arith.constant 7 : i32
    %shift_right_arithmetic3A_295 = vector.broadcast %shift_right_arithmetic3A_294 : i32 to vector<16xi32>
    %shift_right_arithmetic3A_296 = arith.shrsi %get3A_293, %shift_right_arithmetic3A_295 : vector<16xi32>
    %ne3A_297 = arith.cmpi ne, %shift_right_arithmetic3A_291, %shift_right_arithmetic3A_296 : vector<16xi32>
    %swap3A_298 = arith.index_cast %add3A_286 : i32 to index
    %swap3A_299 = tpu.vector_load %arg8[%swap3A_298] masked %ne3A_297 {strides = array<i32>} : memref<544xi32, #tpu.memory_space<vmem>>, vector<16xi32>, vector<16xi1>
    tpu.vector_store %arg8[%swap3A_298], %shift_right_arithmetic3A_291 masked %ne3A_297 {strides = array<i32>} : memref<544xi32, #tpu.memory_space<vmem>>, vector<16xi32>, vector<16xi1>
    %convert_element_type3A_300 = arith.extui %ne3A_297 : vector<16xi1> to vector<16xi32>
    %reduce_sum3A_301 = arith.constant true
    %reduce_sum3A_302 = vector.broadcast %reduce_sum3A_301 : i1 to vector<16xi1>
    %reduce_sum3A_303 = tpu.scan <sum>, %convert_element_type3A_300 masked %reduce_sum3A_302 : vector<16xi32>, vector<16xi1> -> vector<16xi32>
    %reduce_sum3A_304 = vector.extract %reduce_sum3A_303[15] : i32 from vector<16xi32>
    %add3A_305 = arith.addi %add3A_286, %reduce_sum3A_304 : i32
    %get3A_306 = arith.constant 272 : index
    %get3A_307 = tpu.vector_load %arg6[%get3A_306] {strides = array<i32>} : memref<544xi32, #tpu.memory_space<vmem>>, vector<16xi32>,
    %shift_right_arithmetic3A_308 = arith.constant 7 : i32
    %shift_right_arithmetic3A_309 = vector.broadcast %shift_right_arithmetic3A_308 : i32 to vector<16xi32>
    %shift_right_arithmetic3A_310 = arith.shrsi %get3A_307, %shift_right_arithmetic3A_309 : vector<16xi32>
    %get3A_311 = arith.constant 271 : index
    %get3A_312 = tpu.vector_load %arg6[%get3A_311] {strides = array<i32>} : memref<544xi32, #tpu.memory_space<vmem>>, vector<16xi32>,
    %shift_right_arithmetic3A_313 = arith.constant 7 : i32
    %shift_right_arithmetic3A_314 = vector.broadcast %shift_right_arithmetic3A_313 : i32 to vector<16xi32>
    %shift_right_arithmetic3A_315 = arith.shrsi %get3A_312, %shift_right_arithmetic3A_314 : vector<16xi32>
    %ne3A_316 = arith.cmpi ne, %shift_right_arithmetic3A_310, %shift_right_arithmetic3A_315 : vector<16xi32>
    %swap3A_317 = arith.index_cast %add3A_305 : i32 to index
    %swap3A_318 = tpu.vector_load %arg8[%swap3A_317] masked %ne3A_316 {strides = array<i32>} : memref<544xi32, #tpu.memory_space<vmem>>, vector<16xi32>, vector<16xi1>
    tpu.vector_store %arg8[%swap3A_317], %shift_right_arithmetic3A_310 masked %ne3A_316 {strides = array<i32>} : memref<544xi32, #tpu.memory_space<vmem>>, vector<16xi32>, vector<16xi1>
    %convert_element_type3A_319 = arith.extui %ne3A_316 : vector<16xi1> to vector<16xi32>
    %reduce_sum3A_320 = arith.constant true
    %reduce_sum3A_321 = vector.broadcast %reduce_sum3A_320 : i1 to vector<16xi1>
    %reduce_sum3A_322 = tpu.scan <sum>, %convert_element_type3A_319 masked %reduce_sum3A_321 : vector<16xi32>, vector<16xi1> -> vector<16xi32>
    %reduce_sum3A_323 = vector.extract %reduce_sum3A_322[15] : i32 from vector<16xi32>
    %add3A_324 = arith.addi %add3A_305, %reduce_sum3A_323 : i32
    %get3A_325 = arith.constant 288 : index
    %get3A_326 = tpu.vector_load %arg6[%get3A_325] {strides = array<i32>} : memref<544xi32, #tpu.memory_space<vmem>>, vector<16xi32>,
    %shift_right_arithmetic3A_327 = arith.constant 7 : i32
    %shift_right_arithmetic3A_328 = vector.broadcast %shift_right_arithmetic3A_327 : i32 to vector<16xi32>
    %shift_right_arithmetic3A_329 = arith.shrsi %get3A_326, %shift_right_arithmetic3A_328 : vector<16xi32>
    %get3A_330 = arith.constant 287 : index
    %get3A_331 = tpu.vector_load %arg6[%get3A_330] {strides = array<i32>} : memref<544xi32, #tpu.memory_space<vmem>>, vector<16xi32>,
    %shift_right_arithmetic3A_332 = arith.constant 7 : i32
    %shift_right_arithmetic3A_333 = vector.broadcast %shift_right_arithmetic3A_332 : i32 to vector<16xi32>
    %shift_right_arithmetic3A_334 = arith.shrsi %get3A_331, %shift_right_arithmetic3A_333 : vector<16xi32>
    %ne3A_335 = arith.cmpi ne, %shift_right_arithmetic3A_329, %shift_right_arithmetic3A_334 : vector<16xi32>
    %swap3A_336 = arith.index_cast %add3A_324 : i32 to index
    %swap3A_337 = tpu.vector_load %arg8[%swap3A_336] masked %ne3A_335 {strides = array<i32>} : memref<544xi32, #tpu.memory_space<vmem>>, vector<16xi32>, vector<16xi1>
    tpu.vector_store %arg8[%swap3A_336], %shift_right_arithmetic3A_329 masked %ne3A_335 {strides = array<i32>} : memref<544xi32, #tpu.memory_space<vmem>>, vector<16xi32>, vector<16xi1>
    %convert_element_type3A_338 = arith.extui %ne3A_335 : vector<16xi1> to vector<16xi32>
    %reduce_sum3A_339 = arith.constant true
    %reduce_sum3A_340 = vector.broadcast %reduce_sum3A_339 : i1 to vector<16xi1>
    %reduce_sum3A_341 = tpu.scan <sum>, %convert_element_type3A_338 masked %reduce_sum3A_340 : vector<16xi32>, vector<16xi1> -> vector<16xi32>
    %reduce_sum3A_342 = vector.extract %reduce_sum3A_341[15] : i32 from vector<16xi32>
    %add3A_343 = arith.addi %add3A_324, %reduce_sum3A_342 : i32
    %get3A_344 = arith.constant 304 : index
    %get3A_345 = tpu.vector_load %arg6[%get3A_344] {strides = array<i32>} : memref<544xi32, #tpu.memory_space<vmem>>, vector<16xi32>,
    %shift_right_arithmetic3A_346 = arith.constant 7 : i32
    %shift_right_arithmetic3A_347 = vector.broadcast %shift_right_arithmetic3A_346 : i32 to vector<16xi32>
    %shift_right_arithmetic3A_348 = arith.shrsi %get3A_345, %shift_right_arithmetic3A_347 : vector<16xi32>
    %get3A_349 = arith.constant 303 : index
    %get3A_350 = tpu.vector_load %arg6[%get3A_349] {strides = array<i32>} : memref<544xi32, #tpu.memory_space<vmem>>, vector<16xi32>,
    %shift_right_arithmetic3A_351 = arith.constant 7 : i32
    %shift_right_arithmetic3A_352 = vector.broadcast %shift_right_arithmetic3A_351 : i32 to vector<16xi32>
    %shift_right_arithmetic3A_353 = arith.shrsi %get3A_350, %shift_right_arithmetic3A_352 : vector<16xi32>
    %ne3A_354 = arith.cmpi ne, %shift_right_arithmetic3A_348, %shift_right_arithmetic3A_353 : vector<16xi32>
    %swap3A_355 = arith.index_cast %add3A_343 : i32 to index
    %swap3A_356 = tpu.vector_load %arg8[%swap3A_355] masked %ne3A_354 {strides = array<i32>} : memref<544xi32, #tpu.memory_space<vmem>>, vector<16xi32>, vector<16xi1>
    tpu.vector_store %arg8[%swap3A_355], %shift_right_arithmetic3A_348 masked %ne3A_354 {strides = array<i32>} : memref<544xi32, #tpu.memory_space<vmem>>, vector<16xi32>, vector<16xi1>
    %convert_element_type3A_357 = arith.extui %ne3A_354 : vector<16xi1> to vector<16xi32>
    %reduce_sum3A_358 = arith.constant true
    %reduce_sum3A_359 = vector.broadcast %reduce_sum3A_358 : i1 to vector<16xi1>
    %reduce_sum3A_360 = tpu.scan <sum>, %convert_element_type3A_357 masked %reduce_sum3A_359 : vector<16xi32>, vector<16xi1> -> vector<16xi32>
    %reduce_sum3A_361 = vector.extract %reduce_sum3A_360[15] : i32 from vector<16xi32>
    %add3A_362 = arith.addi %add3A_343, %reduce_sum3A_361 : i32
    %get3A_363 = arith.constant 320 : index
    %get3A_364 = tpu.vector_load %arg6[%get3A_363] {strides = array<i32>} : memref<544xi32, #tpu.memory_space<vmem>>, vector<16xi32>,
    %shift_right_arithmetic3A_365 = arith.constant 7 : i32
    %shift_right_arithmetic3A_366 = vector.broadcast %shift_right_arithmetic3A_365 : i32 to vector<16xi32>
    %shift_right_arithmetic3A_367 = arith.shrsi %get3A_364, %shift_right_arithmetic3A_366 : vector<16xi32>
    %get3A_368 = arith.constant 319 : index
    %get3A_369 = tpu.vector_load %arg6[%get3A_368] {strides = array<i32>} : memref<544xi32, #tpu.memory_space<vmem>>, vector<16xi32>,
    %shift_right_arithmetic3A_370 = arith.constant 7 : i32
    %shift_right_arithmetic3A_371 = vector.broadcast %shift_right_arithmetic3A_370 : i32 to vector<16xi32>
    %shift_right_arithmetic3A_372 = arith.shrsi %get3A_369, %shift_right_arithmetic3A_371 : vector<16xi32>
    %ne3A_373 = arith.cmpi ne, %shift_right_arithmetic3A_367, %shift_right_arithmetic3A_372 : vector<16xi32>
    %swap3A_374 = arith.index_cast %add3A_362 : i32 to index
    %swap3A_375 = tpu.vector_load %arg8[%swap3A_374] masked %ne3A_373 {strides = array<i32>} : memref<544xi32, #tpu.memory_space<vmem>>, vector<16xi32>, vector<16xi1>
    tpu.vector_store %arg8[%swap3A_374], %shift_right_arithmetic3A_367 masked %ne3A_373 {strides = array<i32>} : memref<544xi32, #tpu.memory_space<vmem>>, vector<16xi32>, vector<16xi1>
    %convert_element_type3A_376 = arith.extui %ne3A_373 : vector<16xi1> to vector<16xi32>
    %reduce_sum3A_377 = arith.constant true
    %reduce_sum3A_378 = vector.broadcast %reduce_sum3A_377 : i1 to vector<16xi1>
    %reduce_sum3A_379 = tpu.scan <sum>, %convert_element_type3A_376 masked %reduce_sum3A_378 : vector<16xi32>, vector<16xi1> -> vector<16xi32>
    %reduce_sum3A_380 = vector.extract %reduce_sum3A_379[15] : i32 from vector<16xi32>
    %add3A_381 = arith.addi %add3A_362, %reduce_sum3A_380 : i32
    %get3A_382 = arith.constant 336 : index
    %get3A_383 = tpu.vector_load %arg6[%get3A_382] {strides = array<i32>} : memref<544xi32, #tpu.memory_space<vmem>>, vector<16xi32>,
    %shift_right_arithmetic3A_384 = arith.constant 7 : i32
    %shift_right_arithmetic3A_385 = vector.broadcast %shift_right_arithmetic3A_384 : i32 to vector<16xi32>
    %shift_right_arithmetic3A_386 = arith.shrsi %get3A_383, %shift_right_arithmetic3A_385 : vector<16xi32>
    %get3A_387 = arith.constant 335 : index
    %get3A_388 = tpu.vector_load %arg6[%get3A_387] {strides = array<i32>} : memref<544xi32, #tpu.memory_space<vmem>>, vector<16xi32>,
    %shift_right_arithmetic3A_389 = arith.constant 7 : i32
    %shift_right_arithmetic3A_390 = vector.broadcast %shift_right_arithmetic3A_389 : i32 to vector<16xi32>
    %shift_right_arithmetic3A_391 = arith.shrsi %get3A_388, %shift_right_arithmetic3A_390 : vector<16xi32>
    %ne3A_392 = arith.cmpi ne, %shift_right_arithmetic3A_386, %shift_right_arithmetic3A_391 : vector<16xi32>
    %swap3A_393 = arith.index_cast %add3A_381 : i32 to index
    %swap3A_394 = tpu.vector_load %arg8[%swap3A_393] masked %ne3A_392 {strides = array<i32>} : memref<544xi32, #tpu.memory_space<vmem>>, vector<16xi32>, vector<16xi1>
    tpu.vector_store %arg8[%swap3A_393], %shift_right_arithmetic3A_386 masked %ne3A_392 {strides = array<i32>} : memref<544xi32, #tpu.memory_space<vmem>>, vector<16xi32>, vector<16xi1>
    %convert_element_type3A_395 = arith.extui %ne3A_392 : vector<16xi1> to vector<16xi32>
    %reduce_sum3A_396 = arith.constant true
    %reduce_sum3A_397 = vector.broadcast %reduce_sum3A_396 : i1 to vector<16xi1>
    %reduce_sum3A_398 = tpu.scan <sum>, %convert_element_type3A_395 masked %reduce_sum3A_397 : vector<16xi32>, vector<16xi1> -> vector<16xi32>
    %reduce_sum3A_399 = vector.extract %reduce_sum3A_398[15] : i32 from vector<16xi32>
    %add3A_400 = arith.addi %add3A_381, %reduce_sum3A_399 : i32
    %get3A_401 = arith.constant 352 : index
    %get3A_402 = tpu.vector_load %arg6[%get3A_401] {strides = array<i32>} : memref<544xi32, #tpu.memory_space<vmem>>, vector<16xi32>,
    %shift_right_arithmetic3A_403 = arith.constant 7 : i32
    %shift_right_arithmetic3A_404 = vector.broadcast %shift_right_arithmetic3A_403 : i32 to vector<16xi32>
    %shift_right_arithmetic3A_405 = arith.shrsi %get3A_402, %shift_right_arithmetic3A_404 : vector<16xi32>
    %get3A_406 = arith.constant 351 : index
    %get3A_407 = tpu.vector_load %arg6[%get3A_406] {strides = array<i32>} : memref<544xi32, #tpu.memory_space<vmem>>, vector<16xi32>,
    %shift_right_arithmetic3A_408 = arith.constant 7 : i32
    %shift_right_arithmetic3A_409 = vector.broadcast %shift_right_arithmetic3A_408 : i32 to vector<16xi32>
    %shift_right_arithmetic3A_410 = arith.shrsi %get3A_407, %shift_right_arithmetic3A_409 : vector<16xi32>
    %ne3A_411 = arith.cmpi ne, %shift_right_arithmetic3A_405, %shift_right_arithmetic3A_410 : vector<16xi32>
    %swap3A_412 = arith.index_cast %add3A_400 : i32 to index
    %swap3A_413 = tpu.vector_load %arg8[%swap3A_412] masked %ne3A_411 {strides = array<i32>} : memref<544xi32, #tpu.memory_space<vmem>>, vector<16xi32>, vector<16xi1>
    tpu.vector_store %arg8[%swap3A_412], %shift_right_arithmetic3A_405 masked %ne3A_411 {strides = array<i32>} : memref<544xi32, #tpu.memory_space<vmem>>, vector<16xi32>, vector<16xi1>
    %convert_element_type3A_414 = arith.extui %ne3A_411 : vector<16xi1> to vector<16xi32>
    %reduce_sum3A_415 = arith.constant true
    %reduce_sum3A_416 = vector.broadcast %reduce_sum3A_415 : i1 to vector<16xi1>
    %reduce_sum3A_417 = tpu.scan <sum>, %convert_element_type3A_414 masked %reduce_sum3A_416 : vector<16xi32>, vector<16xi1> -> vector<16xi32>
    %reduce_sum3A_418 = vector.extract %reduce_sum3A_417[15] : i32 from vector<16xi32>
    %add3A_419 = arith.addi %add3A_400, %reduce_sum3A_418 : i32
    %get3A_420 = arith.constant 368 : index
    %get3A_421 = tpu.vector_load %arg6[%get3A_420] {strides = array<i32>} : memref<544xi32, #tpu.memory_space<vmem>>, vector<16xi32>,
    %shift_right_arithmetic3A_422 = arith.constant 7 : i32
    %shift_right_arithmetic3A_423 = vector.broadcast %shift_right_arithmetic3A_422 : i32 to vector<16xi32>
    %shift_right_arithmetic3A_424 = arith.shrsi %get3A_421, %shift_right_arithmetic3A_423 : vector<16xi32>
    %get3A_425 = arith.constant 367 : index
    %get3A_426 = tpu.vector_load %arg6[%get3A_425] {strides = array<i32>} : memref<544xi32, #tpu.memory_space<vmem>>, vector<16xi32>,
    %shift_right_arithmetic3A_427 = arith.constant 7 : i32
    %shift_right_arithmetic3A_428 = vector.broadcast %shift_right_arithmetic3A_427 : i32 to vector<16xi32>
    %shift_right_arithmetic3A_429 = arith.shrsi %get3A_426, %shift_right_arithmetic3A_428 : vector<16xi32>
    %ne3A_430 = arith.cmpi ne, %shift_right_arithmetic3A_424, %shift_right_arithmetic3A_429 : vector<16xi32>
    %swap3A_431 = arith.index_cast %add3A_419 : i32 to index
    %swap3A_432 = tpu.vector_load %arg8[%swap3A_431] masked %ne3A_430 {strides = array<i32>} : memref<544xi32, #tpu.memory_space<vmem>>, vector<16xi32>, vector<16xi1>
    tpu.vector_store %arg8[%swap3A_431], %shift_right_arithmetic3A_424 masked %ne3A_430 {strides = array<i32>} : memref<544xi32, #tpu.memory_space<vmem>>, vector<16xi32>, vector<16xi1>
    %convert_element_type3A_433 = arith.extui %ne3A_430 : vector<16xi1> to vector<16xi32>
    %reduce_sum3A_434 = arith.constant true
    %reduce_sum3A_435 = vector.broadcast %reduce_sum3A_434 : i1 to vector<16xi1>
    %reduce_sum3A_436 = tpu.scan <sum>, %convert_element_type3A_433 masked %reduce_sum3A_435 : vector<16xi32>, vector<16xi1> -> vector<16xi32>
    %reduce_sum3A_437 = vector.extract %reduce_sum3A_436[15] : i32 from vector<16xi32>
    %add3A_438 = arith.addi %add3A_419, %reduce_sum3A_437 : i32
    %get3A_439 = arith.constant 384 : index
    %get3A_440 = tpu.vector_load %arg6[%get3A_439] {strides = array<i32>} : memref<544xi32, #tpu.memory_space<vmem>>, vector<16xi32>,
    %shift_right_arithmetic3A_441 = arith.constant 7 : i32
    %shift_right_arithmetic3A_442 = vector.broadcast %shift_right_arithmetic3A_441 : i32 to vector<16xi32>
    %shift_right_arithmetic3A_443 = arith.shrsi %get3A_440, %shift_right_arithmetic3A_442 : vector<16xi32>
    %get3A_444 = arith.constant 383 : index
    %get3A_445 = tpu.vector_load %arg6[%get3A_444] {strides = array<i32>} : memref<544xi32, #tpu.memory_space<vmem>>, vector<16xi32>,
    %shift_right_arithmetic3A_446 = arith.constant 7 : i32
    %shift_right_arithmetic3A_447 = vector.broadcast %shift_right_arithmetic3A_446 : i32 to vector<16xi32>
    %shift_right_arithmetic3A_448 = arith.shrsi %get3A_445, %shift_right_arithmetic3A_447 : vector<16xi32>
    %ne3A_449 = arith.cmpi ne, %shift_right_arithmetic3A_443, %shift_right_arithmetic3A_448 : vector<16xi32>
    %swap3A_450 = arith.index_cast %add3A_438 : i32 to index
    %swap3A_451 = tpu.vector_load %arg8[%swap3A_450] masked %ne3A_449 {strides = array<i32>} : memref<544xi32, #tpu.memory_space<vmem>>, vector<16xi32>, vector<16xi1>
    tpu.vector_store %arg8[%swap3A_450], %shift_right_arithmetic3A_443 masked %ne3A_449 {strides = array<i32>} : memref<544xi32, #tpu.memory_space<vmem>>, vector<16xi32>, vector<16xi1>
    %convert_element_type3A_452 = arith.extui %ne3A_449 : vector<16xi1> to vector<16xi32>
    %reduce_sum3A_453 = arith.constant true
    %reduce_sum3A_454 = vector.broadcast %reduce_sum3A_453 : i1 to vector<16xi1>
    %reduce_sum3A_455 = tpu.scan <sum>, %convert_element_type3A_452 masked %reduce_sum3A_454 : vector<16xi32>, vector<16xi1> -> vector<16xi32>
    %reduce_sum3A_456 = vector.extract %reduce_sum3A_455[15] : i32 from vector<16xi32>
    %add3A_457 = arith.addi %add3A_438, %reduce_sum3A_456 : i32
    %get3A_458 = arith.constant 400 : index
    %get3A_459 = tpu.vector_load %arg6[%get3A_458] {strides = array<i32>} : memref<544xi32, #tpu.memory_space<vmem>>, vector<16xi32>,
    %shift_right_arithmetic3A_460 = arith.constant 7 : i32
    %shift_right_arithmetic3A_461 = vector.broadcast %shift_right_arithmetic3A_460 : i32 to vector<16xi32>
    %shift_right_arithmetic3A_462 = arith.shrsi %get3A_459, %shift_right_arithmetic3A_461 : vector<16xi32>
    %get3A_463 = arith.constant 399 : index
    %get3A_464 = tpu.vector_load %arg6[%get3A_463] {strides = array<i32>} : memref<544xi32, #tpu.memory_space<vmem>>, vector<16xi32>,
    %shift_right_arithmetic3A_465 = arith.constant 7 : i32
    %shift_right_arithmetic3A_466 = vector.broadcast %shift_right_arithmetic3A_465 : i32 to vector<16xi32>
    %shift_right_arithmetic3A_467 = arith.shrsi %get3A_464, %shift_right_arithmetic3A_466 : vector<16xi32>
    %ne3A_468 = arith.cmpi ne, %shift_right_arithmetic3A_462, %shift_right_arithmetic3A_467 : vector<16xi32>
    %swap3A_469 = arith.index_cast %add3A_457 : i32 to index
    %swap3A_470 = tpu.vector_load %arg8[%swap3A_469] masked %ne3A_468 {strides = array<i32>} : memref<544xi32, #tpu.memory_space<vmem>>, vector<16xi32>, vector<16xi1>
    tpu.vector_store %arg8[%swap3A_469], %shift_right_arithmetic3A_462 masked %ne3A_468 {strides = array<i32>} : memref<544xi32, #tpu.memory_space<vmem>>, vector<16xi32>, vector<16xi1>
    %convert_element_type3A_471 = arith.extui %ne3A_468 : vector<16xi1> to vector<16xi32>
    %reduce_sum3A_472 = arith.constant true
    %reduce_sum3A_473 = vector.broadcast %reduce_sum3A_472 : i1 to vector<16xi1>
    %reduce_sum3A_474 = tpu.scan <sum>, %convert_element_type3A_471 masked %reduce_sum3A_473 : vector<16xi32>, vector<16xi1> -> vector<16xi32>
    %reduce_sum3A_475 = vector.extract %reduce_sum3A_474[15] : i32 from vector<16xi32>
    %add3A_476 = arith.addi %add3A_457, %reduce_sum3A_475 : i32
    %get3A_477 = arith.constant 416 : index
    %get3A_478 = tpu.vector_load %arg6[%get3A_477] {strides = array<i32>} : memref<544xi32, #tpu.memory_space<vmem>>, vector<16xi32>,
    %shift_right_arithmetic3A_479 = arith.constant 7 : i32
    %shift_right_arithmetic3A_480 = vector.broadcast %shift_right_arithmetic3A_479 : i32 to vector<16xi32>
    %shift_right_arithmetic3A_481 = arith.shrsi %get3A_478, %shift_right_arithmetic3A_480 : vector<16xi32>
    %get3A_482 = arith.constant 415 : index
    %get3A_483 = tpu.vector_load %arg6[%get3A_482] {strides = array<i32>} : memref<544xi32, #tpu.memory_space<vmem>>, vector<16xi32>,
    %shift_right_arithmetic3A_484 = arith.constant 7 : i32
    %shift_right_arithmetic3A_485 = vector.broadcast %shift_right_arithmetic3A_484 : i32 to vector<16xi32>
    %shift_right_arithmetic3A_486 = arith.shrsi %get3A_483, %shift_right_arithmetic3A_485 : vector<16xi32>
    %ne3A_487 = arith.cmpi ne, %shift_right_arithmetic3A_481, %shift_right_arithmetic3A_486 : vector<16xi32>
    %swap3A_488 = arith.index_cast %add3A_476 : i32 to index
    %swap3A_489 = tpu.vector_load %arg8[%swap3A_488] masked %ne3A_487 {strides = array<i32>} : memref<544xi32, #tpu.memory_space<vmem>>, vector<16xi32>, vector<16xi1>
    tpu.vector_store %arg8[%swap3A_488], %shift_right_arithmetic3A_481 masked %ne3A_487 {strides = array<i32>} : memref<544xi32, #tpu.memory_space<vmem>>, vector<16xi32>, vector<16xi1>
    %convert_element_type3A_490 = arith.extui %ne3A_487 : vector<16xi1> to vector<16xi32>
    %reduce_sum3A_491 = arith.constant true
    %reduce_sum3A_492 = vector.broadcast %reduce_sum3A_491 : i1 to vector<16xi1>
    %reduce_sum3A_493 = tpu.scan <sum>, %convert_element_type3A_490 masked %reduce_sum3A_492 : vector<16xi32>, vector<16xi1> -> vector<16xi32>
    %reduce_sum3A_494 = vector.extract %reduce_sum3A_493[15] : i32 from vector<16xi32>
    %add3A_495 = arith.addi %add3A_476, %reduce_sum3A_494 : i32
    %get3A_496 = arith.constant 432 : index
    %get3A_497 = tpu.vector_load %arg6[%get3A_496] {strides = array<i32>} : memref<544xi32, #tpu.memory_space<vmem>>, vector<16xi32>,
    %shift_right_arithmetic3A_498 = arith.constant 7 : i32
    %shift_right_arithmetic3A_499 = vector.broadcast %shift_right_arithmetic3A_498 : i32 to vector<16xi32>
    %shift_right_arithmetic3A_500 = arith.shrsi %get3A_497, %shift_right_arithmetic3A_499 : vector<16xi32>
    %get3A_501 = arith.constant 431 : index
    %get3A_502 = tpu.vector_load %arg6[%get3A_501] {strides = array<i32>} : memref<544xi32, #tpu.memory_space<vmem>>, vector<16xi32>,
    %shift_right_arithmetic3A_503 = arith.constant 7 : i32
    %shift_right_arithmetic3A_504 = vector.broadcast %shift_right_arithmetic3A_503 : i32 to vector<16xi32>
    %shift_right_arithmetic3A_505 = arith.shrsi %get3A_502, %shift_right_arithmetic3A_504 : vector<16xi32>
    %ne3A_506 = arith.cmpi ne, %shift_right_arithmetic3A_500, %shift_right_arithmetic3A_505 : vector<16xi32>
    %swap3A_507 = arith.index_cast %add3A_495 : i32 to index
    %swap3A_508 = tpu.vector_load %arg8[%swap3A_507] masked %ne3A_506 {strides = array<i32>} : memref<544xi32, #tpu.memory_space<vmem>>, vector<16xi32>, vector<16xi1>
    tpu.vector_store %arg8[%swap3A_507], %shift_right_arithmetic3A_500 masked %ne3A_506 {strides = array<i32>} : memref<544xi32, #tpu.memory_space<vmem>>, vector<16xi32>, vector<16xi1>
    %convert_element_type3A_509 = arith.extui %ne3A_506 : vector<16xi1> to vector<16xi32>
    %reduce_sum3A_510 = arith.constant true
    %reduce_sum3A_511 = vector.broadcast %reduce_sum3A_510 : i1 to vector<16xi1>
    %reduce_sum3A_512 = tpu.scan <sum>, %convert_element_type3A_509 masked %reduce_sum3A_511 : vector<16xi32>, vector<16xi1> -> vector<16xi32>
    %reduce_sum3A_513 = vector.extract %reduce_sum3A_512[15] : i32 from vector<16xi32>
    %add3A_514 = arith.addi %add3A_495, %reduce_sum3A_513 : i32
    %get3A_515 = arith.constant 448 : index
    %get3A_516 = tpu.vector_load %arg6[%get3A_515] {strides = array<i32>} : memref<544xi32, #tpu.memory_space<vmem>>, vector<16xi32>,
    %shift_right_arithmetic3A_517 = arith.constant 7 : i32
    %shift_right_arithmetic3A_518 = vector.broadcast %shift_right_arithmetic3A_517 : i32 to vector<16xi32>
    %shift_right_arithmetic3A_519 = arith.shrsi %get3A_516, %shift_right_arithmetic3A_518 : vector<16xi32>
    %get3A_520 = arith.constant 447 : index
    %get3A_521 = tpu.vector_load %arg6[%get3A_520] {strides = array<i32>} : memref<544xi32, #tpu.memory_space<vmem>>, vector<16xi32>,
    %shift_right_arithmetic3A_522 = arith.constant 7 : i32
    %shift_right_arithmetic3A_523 = vector.broadcast %shift_right_arithmetic3A_522 : i32 to vector<16xi32>
    %shift_right_arithmetic3A_524 = arith.shrsi %get3A_521, %shift_right_arithmetic3A_523 : vector<16xi32>
    %ne3A_525 = arith.cmpi ne, %shift_right_arithmetic3A_519, %shift_right_arithmetic3A_524 : vector<16xi32>
    %swap3A_526 = arith.index_cast %add3A_514 : i32 to index
    %swap3A_527 = tpu.vector_load %arg8[%swap3A_526] masked %ne3A_525 {strides = array<i32>} : memref<544xi32, #tpu.memory_space<vmem>>, vector<16xi32>, vector<16xi1>
    tpu.vector_store %arg8[%swap3A_526], %shift_right_arithmetic3A_519 masked %ne3A_525 {strides = array<i32>} : memref<544xi32, #tpu.memory_space<vmem>>, vector<16xi32>, vector<16xi1>
    %convert_element_type3A_528 = arith.extui %ne3A_525 : vector<16xi1> to vector<16xi32>
    %reduce_sum3A_529 = arith.constant true
    %reduce_sum3A_530 = vector.broadcast %reduce_sum3A_529 : i1 to vector<16xi1>
    %reduce_sum3A_531 = tpu.scan <sum>, %convert_element_type3A_528 masked %reduce_sum3A_530 : vector<16xi32>, vector<16xi1> -> vector<16xi32>
    %reduce_sum3A_532 = vector.extract %reduce_sum3A_531[15] : i32 from vector<16xi32>
    %add3A_533 = arith.addi %add3A_514, %reduce_sum3A_532 : i32
    %get3A_534 = arith.constant 464 : index
    %get3A_535 = tpu.vector_load %arg6[%get3A_534] {strides = array<i32>} : memref<544xi32, #tpu.memory_space<vmem>>, vector<16xi32>,
    %shift_right_arithmetic3A_536 = arith.constant 7 : i32
    %shift_right_arithmetic3A_537 = vector.broadcast %shift_right_arithmetic3A_536 : i32 to vector<16xi32>
    %shift_right_arithmetic3A_538 = arith.shrsi %get3A_535, %shift_right_arithmetic3A_537 : vector<16xi32>
    %get3A_539 = arith.constant 463 : index
    %get3A_540 = tpu.vector_load %arg6[%get3A_539] {strides = array<i32>} : memref<544xi32, #tpu.memory_space<vmem>>, vector<16xi32>,
    %shift_right_arithmetic3A_541 = arith.constant 7 : i32
    %shift_right_arithmetic3A_542 = vector.broadcast %shift_right_arithmetic3A_541 : i32 to vector<16xi32>
    %shift_right_arithmetic3A_543 = arith.shrsi %get3A_540, %shift_right_arithmetic3A_542 : vector<16xi32>
    %ne3A_544 = arith.cmpi ne, %shift_right_arithmetic3A_538, %shift_right_arithmetic3A_543 : vector<16xi32>
    %swap3A_545 = arith.index_cast %add3A_533 : i32 to index
    %swap3A_546 = tpu.vector_load %arg8[%swap3A_545] masked %ne3A_544 {strides = array<i32>} : memref<544xi32, #tpu.memory_space<vmem>>, vector<16xi32>, vector<16xi1>
    tpu.vector_store %arg8[%swap3A_545], %shift_right_arithmetic3A_538 masked %ne3A_544 {strides = array<i32>} : memref<544xi32, #tpu.memory_space<vmem>>, vector<16xi32>, vector<16xi1>
    %convert_element_type3A_547 = arith.extui %ne3A_544 : vector<16xi1> to vector<16xi32>
    %reduce_sum3A_548 = arith.constant true
    %reduce_sum3A_549 = vector.broadcast %reduce_sum3A_548 : i1 to vector<16xi1>
    %reduce_sum3A_550 = tpu.scan <sum>, %convert_element_type3A_547 masked %reduce_sum3A_549 : vector<16xi32>, vector<16xi1> -> vector<16xi32>
    %reduce_sum3A_551 = vector.extract %reduce_sum3A_550[15] : i32 from vector<16xi32>
    %add3A_552 = arith.addi %add3A_533, %reduce_sum3A_551 : i32
    %get3A_553 = arith.constant 480 : index
    %get3A_554 = tpu.vector_load %arg6[%get3A_553] {strides = array<i32>} : memref<544xi32, #tpu.memory_space<vmem>>, vector<16xi32>,
    %shift_right_arithmetic3A_555 = arith.constant 7 : i32
    %shift_right_arithmetic3A_556 = vector.broadcast %shift_right_arithmetic3A_555 : i32 to vector<16xi32>
    %shift_right_arithmetic3A_557 = arith.shrsi %get3A_554, %shift_right_arithmetic3A_556 : vector<16xi32>
    %get3A_558 = arith.constant 479 : index
    %get3A_559 = tpu.vector_load %arg6[%get3A_558] {strides = array<i32>} : memref<544xi32, #tpu.memory_space<vmem>>, vector<16xi32>,
    %shift_right_arithmetic3A_560 = arith.constant 7 : i32
    %shift_right_arithmetic3A_561 = vector.broadcast %shift_right_arithmetic3A_560 : i32 to vector<16xi32>
    %shift_right_arithmetic3A_562 = arith.shrsi %get3A_559, %shift_right_arithmetic3A_561 : vector<16xi32>
    %ne3A_563 = arith.cmpi ne, %shift_right_arithmetic3A_557, %shift_right_arithmetic3A_562 : vector<16xi32>
    %swap3A_564 = arith.index_cast %add3A_552 : i32 to index
    %swap3A_565 = tpu.vector_load %arg8[%swap3A_564] masked %ne3A_563 {strides = array<i32>} : memref<544xi32, #tpu.memory_space<vmem>>, vector<16xi32>, vector<16xi1>
    tpu.vector_store %arg8[%swap3A_564], %shift_right_arithmetic3A_557 masked %ne3A_563 {strides = array<i32>} : memref<544xi32, #tpu.memory_space<vmem>>, vector<16xi32>, vector<16xi1>
    %convert_element_type3A_566 = arith.extui %ne3A_563 : vector<16xi1> to vector<16xi32>
    %reduce_sum3A_567 = arith.constant true
    %reduce_sum3A_568 = vector.broadcast %reduce_sum3A_567 : i1 to vector<16xi1>
    %reduce_sum3A_569 = tpu.scan <sum>, %convert_element_type3A_566 masked %reduce_sum3A_568 : vector<16xi32>, vector<16xi1> -> vector<16xi32>
    %reduce_sum3A_570 = vector.extract %reduce_sum3A_569[15] : i32 from vector<16xi32>
    %add3A_571 = arith.addi %add3A_552, %reduce_sum3A_570 : i32
    %get3A_572 = arith.constant 496 : index
    %get3A_573 = tpu.vector_load %arg6[%get3A_572] {strides = array<i32>} : memref<544xi32, #tpu.memory_space<vmem>>, vector<16xi32>,
    %shift_right_arithmetic3A_574 = arith.constant 7 : i32
    %shift_right_arithmetic3A_575 = vector.broadcast %shift_right_arithmetic3A_574 : i32 to vector<16xi32>
    %shift_right_arithmetic3A_576 = arith.shrsi %get3A_573, %shift_right_arithmetic3A_575 : vector<16xi32>
    %get3A_577 = arith.constant 495 : index
    %get3A_578 = tpu.vector_load %arg6[%get3A_577] {strides = array<i32>} : memref<544xi32, #tpu.memory_space<vmem>>, vector<16xi32>,
    %shift_right_arithmetic3A_579 = arith.constant 7 : i32
    %shift_right_arithmetic3A_580 = vector.broadcast %shift_right_arithmetic3A_579 : i32 to vector<16xi32>
    %shift_right_arithmetic3A_581 = arith.shrsi %get3A_578, %shift_right_arithmetic3A_580 : vector<16xi32>
    %ne3A_582 = arith.cmpi ne, %shift_right_arithmetic3A_576, %shift_right_arithmetic3A_581 : vector<16xi32>
    %swap3A_583 = arith.index_cast %add3A_571 : i32 to index
    %swap3A_584 = tpu.vector_load %arg8[%swap3A_583] masked %ne3A_582 {strides = array<i32>} : memref<544xi32, #tpu.memory_space<vmem>>, vector<16xi32>, vector<16xi1>
    tpu.vector_store %arg8[%swap3A_583], %shift_right_arithmetic3A_576 masked %ne3A_582 {strides = array<i32>} : memref<544xi32, #tpu.memory_space<vmem>>, vector<16xi32>, vector<16xi1>
    %convert_element_type3A_585 = arith.extui %ne3A_582 : vector<16xi1> to vector<16xi32>
    %reduce_sum3A_586 = arith.constant true
    %reduce_sum3A_587 = vector.broadcast %reduce_sum3A_586 : i1 to vector<16xi1>
    %reduce_sum3A_588 = tpu.scan <sum>, %convert_element_type3A_585 masked %reduce_sum3A_587 : vector<16xi32>, vector<16xi1> -> vector<16xi32>
    %reduce_sum3A_589 = vector.extract %reduce_sum3A_588[15] : i32 from vector<16xi32>
    %add3A_590 = arith.addi %add3A_571, %reduce_sum3A_589 : i32
    %get3A_591 = arith.constant 512 : index
    %get3A_592 = tpu.vector_load %arg6[%get3A_591] {strides = array<i32>} : memref<544xi32, #tpu.memory_space<vmem>>, vector<16xi32>,
    %shift_right_arithmetic3A_593 = arith.constant 7 : i32
    %shift_right_arithmetic3A_594 = vector.broadcast %shift_right_arithmetic3A_593 : i32 to vector<16xi32>
    %shift_right_arithmetic3A_595 = arith.shrsi %get3A_592, %shift_right_arithmetic3A_594 : vector<16xi32>
    %get3A_596 = arith.constant 511 : index
    %get3A_597 = tpu.vector_load %arg6[%get3A_596] {strides = array<i32>} : memref<544xi32, #tpu.memory_space<vmem>>, vector<16xi32>,
    %shift_right_arithmetic3A_598 = arith.constant 7 : i32
    %shift_right_arithmetic3A_599 = vector.broadcast %shift_right_arithmetic3A_598 : i32 to vector<16xi32>
    %shift_right_arithmetic3A_600 = arith.shrsi %get3A_597, %shift_right_arithmetic3A_599 : vector<16xi32>
    %ne3A_601 = arith.cmpi ne, %shift_right_arithmetic3A_595, %shift_right_arithmetic3A_600 : vector<16xi32>
    %swap3A_602 = arith.index_cast %add3A_590 : i32 to index
    %swap3A_603 = tpu.vector_load %arg8[%swap3A_602] masked %ne3A_601 {strides = array<i32>} : memref<544xi32, #tpu.memory_space<vmem>>, vector<16xi32>, vector<16xi1>
    tpu.vector_store %arg8[%swap3A_602], %shift_right_arithmetic3A_595 masked %ne3A_601 {strides = array<i32>} : memref<544xi32, #tpu.memory_space<vmem>>, vector<16xi32>, vector<16xi1>
    %convert_element_type3A_604 = arith.extui %ne3A_601 : vector<16xi1> to vector<16xi32>
    %reduce_sum3A_605 = arith.constant true
    %reduce_sum3A_606 = vector.broadcast %reduce_sum3A_605 : i1 to vector<16xi1>
    %reduce_sum3A_607 = tpu.scan <sum>, %convert_element_type3A_604 masked %reduce_sum3A_606 : vector<16xi32>, vector<16xi1> -> vector<16xi32>
    %reduce_sum3A_608 = vector.extract %reduce_sum3A_607[15] : i32 from vector<16xi32>
    %add3A_609 = arith.addi %add3A_590, %reduce_sum3A_608 : i32
    %gt3A = arith.constant 0 : i32
    %gt3A_610 = arith.cmpi sgt, %add3A_609, %gt3A : i32
    %convert_element_type3A_611 = arith.extui %gt3A_610 : i1 to i32
    %cond3A = arith.constant 0 : i32
    %cond3A_612 = arith.cmpi ne, %convert_element_type3A_611, %cond3A : i32
    scf.if %cond3A_612 {
      %get3A_680 = arith.constant 0 : i32
      %get3A_681 = arith.index_cast %get3A_680 : i32 to index
      %get3A_682 = tpu.vector_load %arg8[%get3A_681] {strides = array<i32>} : memref<544xi32, #tpu.memory_space<vmem>>, vector<16xi32>,
      %slice3A = vector.extract_strided_slice %get3A_682 {offsets = [0], sizes = [1], strides = [1]} : vector<16xi32> to vector<1xi32>
      %squeeze3A = vector.extract %slice3A[0] : i32 from vector<1xi32>
      %mul3A_683 = arith.constant 128 : i32
      %mul3A_684 = arith.muli %squeeze3A, %mul3A_683 : i32
      %min3A = arith.constant 999936 : i32
      %min3A_685 = arith.minsi %mul3A_684, %min3A : i32
      %multiple_of3A = tpu.assume_multiple %min3A_685, 128 : i32
      %dma_start3A = arith.constant 0 : i32
      %dma_start3A_686 = arith.constant 0 : i32
      %dma_start3A_687 = arith.constant 0 : i32
      %dma_start3A_688 = tpu.memref_slice %arg9[%dma_start3A, %dma_start3A_686, %dma_start3A_687] : memref<7x64x128xf32, #tpu.memory_space<vmem>> -> memref<1x64x128xf32, #tpu.memory_space<vmem>>
      %dma_start3A_689 = tpu.memref_squeeze %dma_start3A_688 : memref<1x64x128xf32, #tpu.memory_space<vmem>> -> memref<64x128xf32, #tpu.memory_space<vmem>>
      %dma_start3A_690 = arith.constant 0 : i32
      %dma_start3A_691 = tpu.memref_slice %arg2[%dma_start3A_690, %multiple_of3A] : memref<64x1000000xf32, #tpu.memory_space<hbm>> -> memref<64x128xf32, #tpu.memory_space<hbm>>
      %dma_start3A_692 = arith.constant 0 : i32
      %dma_start3A_693 = arith.constant 0 : i32
      %dma_start3A_694 = tpu.memref_slice %arg9[%dma_start3A, %dma_start3A_692, %dma_start3A_693] : memref<7x64x128xf32, #tpu.memory_space<vmem>> -> memref<1x64x128xf32, #tpu.memory_space<vmem>>
      %dma_start3A_695 = tpu.memref_squeeze %dma_start3A_694 : memref<1x64x128xf32, #tpu.memory_space<vmem>> -> memref<64x128xf32, #tpu.memory_space<vmem>>
      %dma_start3A_696 = arith.constant 0 : i32
      %dma_start3A_697 = tpu.memref_slice %arg2[%dma_start3A_696, %multiple_of3A] : memref<64x1000000xf32, #tpu.memory_space<hbm>> -> memref<64x128xf32, #tpu.memory_space<hbm>>
      tpu.enqueue_dma source(%dma_start3A_697 : memref<64x128xf32, #tpu.memory_space<hbm>>) target(%dma_start3A_695 : memref<64x128xf32, #tpu.memory_space<vmem>>) target_semaphore(%arg11 : memref<!tpu.dma_semaphore, #tpu.memory_space<semaphore_mem>>)
    } else {
    }
    %gt3A_613 = arith.constant 1 : i32
    %gt3A_614 = arith.cmpi sgt, %add3A_609, %gt3A_613 : i32
    %convert_element_type3A_615 = arith.extui %gt3A_614 : i1 to i32
    %cond3A_616 = arith.constant 0 : i32
    %cond3A_617 = arith.cmpi ne, %convert_element_type3A_615, %cond3A_616 : i32
    scf.if %cond3A_617 {
      %get3A_680 = arith.constant 1 : i32
      %get3A_681 = arith.index_cast %get3A_680 : i32 to index
      %get3A_682 = tpu.vector_load %arg8[%get3A_681] {strides = array<i32>} : memref<544xi32, #tpu.memory_space<vmem>>, vector<16xi32>,
      %slice3A = vector.extract_strided_slice %get3A_682 {offsets = [0], sizes = [1], strides = [1]} : vector<16xi32> to vector<1xi32>
      %squeeze3A = vector.extract %slice3A[0] : i32 from vector<1xi32>
      %mul3A_683 = arith.constant 128 : i32
      %mul3A_684 = arith.muli %squeeze3A, %mul3A_683 : i32
      %min3A = arith.constant 999936 : i32
      %min3A_685 = arith.minsi %mul3A_684, %min3A : i32
      %multiple_of3A = tpu.assume_multiple %min3A_685, 128 : i32
      %dma_start3A = arith.constant 1 : i32
      %dma_start3A_686 = arith.constant 0 : i32
      %dma_start3A_687 = arith.constant 0 : i32
      %dma_start3A_688 = tpu.memref_slice %arg9[%dma_start3A, %dma_start3A_686, %dma_start3A_687] : memref<7x64x128xf32, #tpu.memory_space<vmem>> -> memref<1x64x128xf32, #tpu.memory_space<vmem>>
      %dma_start3A_689 = tpu.memref_squeeze %dma_start3A_688 : memref<1x64x128xf32, #tpu.memory_space<vmem>> -> memref<64x128xf32, #tpu.memory_space<vmem>>
      %dma_start3A_690 = arith.constant 0 : i32
      %dma_start3A_691 = tpu.memref_slice %arg2[%dma_start3A_690, %multiple_of3A] : memref<64x1000000xf32, #tpu.memory_space<hbm>> -> memref<64x128xf32, #tpu.memory_space<hbm>>
      %dma_start3A_692 = arith.constant 0 : i32
      %dma_start3A_693 = arith.constant 0 : i32
      %dma_start3A_694 = tpu.memref_slice %arg9[%dma_start3A, %dma_start3A_692, %dma_start3A_693] : memref<7x64x128xf32, #tpu.memory_space<vmem>> -> memref<1x64x128xf32, #tpu.memory_space<vmem>>
      %dma_start3A_695 = tpu.memref_squeeze %dma_start3A_694 : memref<1x64x128xf32, #tpu.memory_space<vmem>> -> memref<64x128xf32, #tpu.memory_space<vmem>>
      %dma_start3A_696 = arith.constant 0 : i32
      %dma_start3A_697 = tpu.memref_slice %arg2[%dma_start3A_696, %multiple_of3A] : memref<64x1000000xf32, #tpu.memory_space<hbm>> -> memref<64x128xf32, #tpu.memory_space<hbm>>
      tpu.enqueue_dma source(%dma_start3A_697 : memref<64x128xf32, #tpu.memory_space<hbm>>) target(%dma_start3A_695 : memref<64x128xf32, #tpu.memory_space<vmem>>) target_semaphore(%arg12 : memref<!tpu.dma_semaphore, #tpu.memory_space<semaphore_mem>>)
    } else {
    }
    %gt3A_618 = arith.constant 2 : i32
    %gt3A_619 = arith.cmpi sgt, %add3A_609, %gt3A_618 : i32
    %convert_element_type3A_620 = arith.extui %gt3A_619 : i1 to i32
    %cond3A_621 = arith.constant 0 : i32
    %cond3A_622 = arith.cmpi ne, %convert_element_type3A_620, %cond3A_621 : i32
    scf.if %cond3A_622 {
      %get3A_680 = arith.constant 2 : i32
      %get3A_681 = arith.index_cast %get3A_680 : i32 to index
      %get3A_682 = tpu.vector_load %arg8[%get3A_681] {strides = array<i32>} : memref<544xi32, #tpu.memory_space<vmem>>, vector<16xi32>,
      %slice3A = vector.extract_strided_slice %get3A_682 {offsets = [0], sizes = [1], strides = [1]} : vector<16xi32> to vector<1xi32>
      %squeeze3A = vector.extract %slice3A[0] : i32 from vector<1xi32>
      %mul3A_683 = arith.constant 128 : i32
      %mul3A_684 = arith.muli %squeeze3A, %mul3A_683 : i32
      %min3A = arith.constant 999936 : i32
      %min3A_685 = arith.minsi %mul3A_684, %min3A : i32
      %multiple_of3A = tpu.assume_multiple %min3A_685, 128 : i32
      %dma_start3A = arith.constant 2 : i32
      %dma_start3A_686 = arith.constant 0 : i32
      %dma_start3A_687 = arith.constant 0 : i32
      %dma_start3A_688 = tpu.memref_slice %arg9[%dma_start3A, %dma_start3A_686, %dma_start3A_687] : memref<7x64x128xf32, #tpu.memory_space<vmem>> -> memref<1x64x128xf32, #tpu.memory_space<vmem>>
      %dma_start3A_689 = tpu.memref_squeeze %dma_start3A_688 : memref<1x64x128xf32, #tpu.memory_space<vmem>> -> memref<64x128xf32, #tpu.memory_space<vmem>>
      %dma_start3A_690 = arith.constant 0 : i32
      %dma_start3A_691 = tpu.memref_slice %arg2[%dma_start3A_690, %multiple_of3A] : memref<64x1000000xf32, #tpu.memory_space<hbm>> -> memref<64x128xf32, #tpu.memory_space<hbm>>
      %dma_start3A_692 = arith.constant 0 : i32
      %dma_start3A_693 = arith.constant 0 : i32
      %dma_start3A_694 = tpu.memref_slice %arg9[%dma_start3A, %dma_start3A_692, %dma_start3A_693] : memref<7x64x128xf32, #tpu.memory_space<vmem>> -> memref<1x64x128xf32, #tpu.memory_space<vmem>>
      %dma_start3A_695 = tpu.memref_squeeze %dma_start3A_694 : memref<1x64x128xf32, #tpu.memory_space<vmem>> -> memref<64x128xf32, #tpu.memory_space<vmem>>
      %dma_start3A_696 = arith.constant 0 : i32
      %dma_start3A_697 = tpu.memref_slice %arg2[%dma_start3A_696, %multiple_of3A] : memref<64x1000000xf32, #tpu.memory_space<hbm>> -> memref<64x128xf32, #tpu.memory_space<hbm>>
      tpu.enqueue_dma source(%dma_start3A_697 : memref<64x128xf32, #tpu.memory_space<hbm>>) target(%dma_start3A_695 : memref<64x128xf32, #tpu.memory_space<vmem>>) target_semaphore(%arg13 : memref<!tpu.dma_semaphore, #tpu.memory_space<semaphore_mem>>)
    } else {
    }
    %gt3A_623 = arith.constant 3 : i32
    %gt3A_624 = arith.cmpi sgt, %add3A_609, %gt3A_623 : i32
    %convert_element_type3A_625 = arith.extui %gt3A_624 : i1 to i32
    %cond3A_626 = arith.constant 0 : i32
    %cond3A_627 = arith.cmpi ne, %convert_element_type3A_625, %cond3A_626 : i32
    scf.if %cond3A_627 {
      %get3A_680 = arith.constant 3 : i32
      %get3A_681 = arith.index_cast %get3A_680 : i32 to index
      %get3A_682 = tpu.vector_load %arg8[%get3A_681] {strides = array<i32>} : memref<544xi32, #tpu.memory_space<vmem>>, vector<16xi32>,
      %slice3A = vector.extract_strided_slice %get3A_682 {offsets = [0], sizes = [1], strides = [1]} : vector<16xi32> to vector<1xi32>
      %squeeze3A = vector.extract %slice3A[0] : i32 from vector<1xi32>
      %mul3A_683 = arith.constant 128 : i32
      %mul3A_684 = arith.muli %squeeze3A, %mul3A_683 : i32
      %min3A = arith.constant 999936 : i32
      %min3A_685 = arith.minsi %mul3A_684, %min3A : i32
      %multiple_of3A = tpu.assume_multiple %min3A_685, 128 : i32
      %dma_start3A = arith.constant 3 : i32
      %dma_start3A_686 = arith.constant 0 : i32
      %dma_start3A_687 = arith.constant 0 : i32
      %dma_start3A_688 = tpu.memref_slice %arg9[%dma_start3A, %dma_start3A_686, %dma_start3A_687] : memref<7x64x128xf32, #tpu.memory_space<vmem>> -> memref<1x64x128xf32, #tpu.memory_space<vmem>>
      %dma_start3A_689 = tpu.memref_squeeze %dma_start3A_688 : memref<1x64x128xf32, #tpu.memory_space<vmem>> -> memref<64x128xf32, #tpu.memory_space<vmem>>
      %dma_start3A_690 = arith.constant 0 : i32
      %dma_start3A_691 = tpu.memref_slice %arg2[%dma_start3A_690, %multiple_of3A] : memref<64x1000000xf32, #tpu.memory_space<hbm>> -> memref<64x128xf32, #tpu.memory_space<hbm>>
      %dma_start3A_692 = arith.constant 0 : i32
      %dma_start3A_693 = arith.constant 0 : i32
      %dma_start3A_694 = tpu.memref_slice %arg9[%dma_start3A, %dma_start3A_692, %dma_start3A_693] : memref<7x64x128xf32, #tpu.memory_space<vmem>> -> memref<1x64x128xf32, #tpu.memory_space<vmem>>
      %dma_start3A_695 = tpu.memref_squeeze %dma_start3A_694 : memref<1x64x128xf32, #tpu.memory_space<vmem>> -> memref<64x128xf32, #tpu.memory_space<vmem>>
      %dma_start3A_696 = arith.constant 0 : i32
      %dma_start3A_697 = tpu.memref_slice %arg2[%dma_start3A_696, %multiple_of3A] : memref<64x1000000xf32, #tpu.memory_space<hbm>> -> memref<64x128xf32, #tpu.memory_space<hbm>>
      tpu.enqueue_dma source(%dma_start3A_697 : memref<64x128xf32, #tpu.memory_space<hbm>>) target(%dma_start3A_695 : memref<64x128xf32, #tpu.memory_space<vmem>>) target_semaphore(%arg14 : memref<!tpu.dma_semaphore, #tpu.memory_space<semaphore_mem>>)
    } else {
    }
    %gt3A_628 = arith.constant 4 : i32
    %gt3A_629 = arith.cmpi sgt, %add3A_609, %gt3A_628 : i32
    %convert_element_type3A_630 = arith.extui %gt3A_629 : i1 to i32
    %cond3A_631 = arith.constant 0 : i32
    %cond3A_632 = arith.cmpi ne, %convert_element_type3A_630, %cond3A_631 : i32
    scf.if %cond3A_632 {
      %get3A_680 = arith.constant 4 : i32
      %get3A_681 = arith.index_cast %get3A_680 : i32 to index
      %get3A_682 = tpu.vector_load %arg8[%get3A_681] {strides = array<i32>} : memref<544xi32, #tpu.memory_space<vmem>>, vector<16xi32>,
      %slice3A = vector.extract_strided_slice %get3A_682 {offsets = [0], sizes = [1], strides = [1]} : vector<16xi32> to vector<1xi32>
      %squeeze3A = vector.extract %slice3A[0] : i32 from vector<1xi32>
      %mul3A_683 = arith.constant 128 : i32
      %mul3A_684 = arith.muli %squeeze3A, %mul3A_683 : i32
      %min3A = arith.constant 999936 : i32
      %min3A_685 = arith.minsi %mul3A_684, %min3A : i32
      %multiple_of3A = tpu.assume_multiple %min3A_685, 128 : i32
      %dma_start3A = arith.constant 4 : i32
      %dma_start3A_686 = arith.constant 0 : i32
      %dma_start3A_687 = arith.constant 0 : i32
      %dma_start3A_688 = tpu.memref_slice %arg9[%dma_start3A, %dma_start3A_686, %dma_start3A_687] : memref<7x64x128xf32, #tpu.memory_space<vmem>> -> memref<1x64x128xf32, #tpu.memory_space<vmem>>
      %dma_start3A_689 = tpu.memref_squeeze %dma_start3A_688 : memref<1x64x128xf32, #tpu.memory_space<vmem>> -> memref<64x128xf32, #tpu.memory_space<vmem>>
      %dma_start3A_690 = arith.constant 0 : i32
      %dma_start3A_691 = tpu.memref_slice %arg2[%dma_start3A_690, %multiple_of3A] : memref<64x1000000xf32, #tpu.memory_space<hbm>> -> memref<64x128xf32, #tpu.memory_space<hbm>>
      %dma_start3A_692 = arith.constant 0 : i32
      %dma_start3A_693 = arith.constant 0 : i32
      %dma_start3A_694 = tpu.memref_slice %arg9[%dma_start3A, %dma_start3A_692, %dma_start3A_693] : memref<7x64x128xf32, #tpu.memory_space<vmem>> -> memref<1x64x128xf32, #tpu.memory_space<vmem>>
      %dma_start3A_695 = tpu.memref_squeeze %dma_start3A_694 : memref<1x64x128xf32, #tpu.memory_space<vmem>> -> memref<64x128xf32, #tpu.memory_space<vmem>>
      %dma_start3A_696 = arith.constant 0 : i32
      %dma_start3A_697 = tpu.memref_slice %arg2[%dma_start3A_696, %multiple_of3A] : memref<64x1000000xf32, #tpu.memory_space<hbm>> -> memref<64x128xf32, #tpu.memory_space<hbm>>
      tpu.enqueue_dma source(%dma_start3A_697 : memref<64x128xf32, #tpu.memory_space<hbm>>) target(%dma_start3A_695 : memref<64x128xf32, #tpu.memory_space<vmem>>) target_semaphore(%arg15 : memref<!tpu.dma_semaphore, #tpu.memory_space<semaphore_mem>>)
    } else {
    }
    %gt3A_633 = arith.constant 5 : i32
    %gt3A_634 = arith.cmpi sgt, %add3A_609, %gt3A_633 : i32
    %convert_element_type3A_635 = arith.extui %gt3A_634 : i1 to i32
    %cond3A_636 = arith.constant 0 : i32
    %cond3A_637 = arith.cmpi ne, %convert_element_type3A_635, %cond3A_636 : i32
    scf.if %cond3A_637 {
      %get3A_680 = arith.constant 5 : i32
      %get3A_681 = arith.index_cast %get3A_680 : i32 to index
      %get3A_682 = tpu.vector_load %arg8[%get3A_681] {strides = array<i32>} : memref<544xi32, #tpu.memory_space<vmem>>, vector<16xi32>,
      %slice3A = vector.extract_strided_slice %get3A_682 {offsets = [0], sizes = [1], strides = [1]} : vector<16xi32> to vector<1xi32>
      %squeeze3A = vector.extract %slice3A[0] : i32 from vector<1xi32>
      %mul3A_683 = arith.constant 128 : i32
      %mul3A_684 = arith.muli %squeeze3A, %mul3A_683 : i32
      %min3A = arith.constant 999936 : i32
      %min3A_685 = arith.minsi %mul3A_684, %min3A : i32
      %multiple_of3A = tpu.assume_multiple %min3A_685, 128 : i32
      %dma_start3A = arith.constant 5 : i32
      %dma_start3A_686 = arith.constant 0 : i32
      %dma_start3A_687 = arith.constant 0 : i32
      %dma_start3A_688 = tpu.memref_slice %arg9[%dma_start3A, %dma_start3A_686, %dma_start3A_687] : memref<7x64x128xf32, #tpu.memory_space<vmem>> -> memref<1x64x128xf32, #tpu.memory_space<vmem>>
      %dma_start3A_689 = tpu.memref_squeeze %dma_start3A_688 : memref<1x64x128xf32, #tpu.memory_space<vmem>> -> memref<64x128xf32, #tpu.memory_space<vmem>>
      %dma_start3A_690 = arith.constant 0 : i32
      %dma_start3A_691 = tpu.memref_slice %arg2[%dma_start3A_690, %multiple_of3A] : memref<64x1000000xf32, #tpu.memory_space<hbm>> -> memref<64x128xf32, #tpu.memory_space<hbm>>
      %dma_start3A_692 = arith.constant 0 : i32
      %dma_start3A_693 = arith.constant 0 : i32
      %dma_start3A_694 = tpu.memref_slice %arg9[%dma_start3A, %dma_start3A_692, %dma_start3A_693] : memref<7x64x128xf32, #tpu.memory_space<vmem>> -> memref<1x64x128xf32, #tpu.memory_space<vmem>>
      %dma_start3A_695 = tpu.memref_squeeze %dma_start3A_694 : memref<1x64x128xf32, #tpu.memory_space<vmem>> -> memref<64x128xf32, #tpu.memory_space<vmem>>
      %dma_start3A_696 = arith.constant 0 : i32
      %dma_start3A_697 = tpu.memref_slice %arg2[%dma_start3A_696, %multiple_of3A] : memref<64x1000000xf32, #tpu.memory_space<hbm>> -> memref<64x128xf32, #tpu.memory_space<hbm>>
      tpu.enqueue_dma source(%dma_start3A_697 : memref<64x128xf32, #tpu.memory_space<hbm>>) target(%dma_start3A_695 : memref<64x128xf32, #tpu.memory_space<vmem>>) target_semaphore(%arg16 : memref<!tpu.dma_semaphore, #tpu.memory_space<semaphore_mem>>)
    } else {
    }
    %gt3A_638 = arith.constant 6 : i32
    %gt3A_639 = arith.cmpi sgt, %add3A_609, %gt3A_638 : i32
    %convert_element_type3A_640 = arith.extui %gt3A_639 : i1 to i32
    %cond3A_641 = arith.constant 0 : i32
    %cond3A_642 = arith.cmpi ne, %convert_element_type3A_640, %cond3A_641 : i32
    scf.if %cond3A_642 {
      %get3A_680 = arith.constant 6 : i32
      %get3A_681 = arith.index_cast %get3A_680 : i32 to index
      %get3A_682 = tpu.vector_load %arg8[%get3A_681] {strides = array<i32>} : memref<544xi32, #tpu.memory_space<vmem>>, vector<16xi32>,
      %slice3A = vector.extract_strided_slice %get3A_682 {offsets = [0], sizes = [1], strides = [1]} : vector<16xi32> to vector<1xi32>
      %squeeze3A = vector.extract %slice3A[0] : i32 from vector<1xi32>
      %mul3A_683 = arith.constant 128 : i32
      %mul3A_684 = arith.muli %squeeze3A, %mul3A_683 : i32
      %min3A = arith.constant 999936 : i32
      %min3A_685 = arith.minsi %mul3A_684, %min3A : i32
      %multiple_of3A = tpu.assume_multiple %min3A_685, 128 : i32
      %dma_start3A = arith.constant 6 : i32
      %dma_start3A_686 = arith.constant 0 : i32
      %dma_start3A_687 = arith.constant 0 : i32
      %dma_start3A_688 = tpu.memref_slice %arg9[%dma_start3A, %dma_start3A_686, %dma_start3A_687] : memref<7x64x128xf32, #tpu.memory_space<vmem>> -> memref<1x64x128xf32, #tpu.memory_space<vmem>>
      %dma_start3A_689 = tpu.memref_squeeze %dma_start3A_688 : memref<1x64x128xf32, #tpu.memory_space<vmem>> -> memref<64x128xf32, #tpu.memory_space<vmem>>
      %dma_start3A_690 = arith.constant 0 : i32
      %dma_start3A_691 = tpu.memref_slice %arg2[%dma_start3A_690, %multiple_of3A] : memref<64x1000000xf32, #tpu.memory_space<hbm>> -> memref<64x128xf32, #tpu.memory_space<hbm>>
      %dma_start3A_692 = arith.constant 0 : i32
      %dma_start3A_693 = arith.constant 0 : i32
      %dma_start3A_694 = tpu.memref_slice %arg9[%dma_start3A, %dma_start3A_692, %dma_start3A_693] : memref<7x64x128xf32, #tpu.memory_space<vmem>> -> memref<1x64x128xf32, #tpu.memory_space<vmem>>
      %dma_start3A_695 = tpu.memref_squeeze %dma_start3A_694 : memref<1x64x128xf32, #tpu.memory_space<vmem>> -> memref<64x128xf32, #tpu.memory_space<vmem>>
      %dma_start3A_696 = arith.constant 0 : i32
      %dma_start3A_697 = tpu.memref_slice %arg2[%dma_start3A_696, %multiple_of3A] : memref<64x1000000xf32, #tpu.memory_space<hbm>> -> memref<64x128xf32, #tpu.memory_space<hbm>>
      tpu.enqueue_dma source(%dma_start3A_697 : memref<64x128xf32, #tpu.memory_space<hbm>>) target(%dma_start3A_695 : memref<64x128xf32, #tpu.memory_space<vmem>>) target_semaphore(%arg17 : memref<!tpu.dma_semaphore, #tpu.memory_space<semaphore_mem>>)
    } else {
    }
    %add3A_643 = arith.constant 7 : i32
    %add3A_644 = arith.addi %add3A_609, %add3A_643 : i32
    %sub3A = arith.constant 1 : i32
    %sub3A_645 = arith.subi %add3A_644, %sub3A : i32
    %jit3A = arith.constant 7 : i32
    %div3A = arith.divsi %sub3A_645, %jit3A : i32
    %sign3A = arith.constant 0 : i32
    %sign3A_646 = arith.cmpi sgt, %sub3A_645, %sign3A : i32
    %sign3A_647 = arith.extui %sign3A_646 : i1 to i32
    %sign3A_648 = arith.constant 0 : i32
    %sign3A_649 = arith.cmpi slt, %sub3A_645, %sign3A_648 : i32
    %sign3A_650 = arith.extui %sign3A_649 : i1 to i32
    %sign3A_651 = arith.subi %sign3A_647, %sign3A_650 : i32
    %sign3A_652 = arith.constant 0 : i32
    %sign3A_653 = arith.cmpi sgt, %jit3A, %sign3A_652 : i32
    %sign3A_654 = arith.extui %sign3A_653 : i1 to i32
    %sign3A_655 = arith.constant 0 : i32
    %sign3A_656 = arith.cmpi slt, %jit3A, %sign3A_655 : i32
    %sign3A_657 = arith.extui %sign3A_656 : i1 to i32
    %sign3A_658 = arith.subi %sign3A_654, %sign3A_657 : i32
    %ne3A_659 = arith.cmpi ne, %sign3A_651, %sign3A_658 : i32
    %rem3A = arith.remsi %sub3A_645, %jit3A : i32
    %ne3A_660 = arith.constant 0 : i32
    %ne3A_661 = arith.cmpi ne, %rem3A, %ne3A_660 : i32
    %and3A = arith.andi %ne3A_659, %ne3A_661 : i1
    %sub3A_662 = arith.constant 1 : i32
    %sub3A_663 = arith.subi %div3A, %sub3A_662 : i32
    %select_n3A = arith.select %and3A, %sub3A_663, %div3A : i32
    %while3A = arith.constant 0 : i32
    %while3A_664 = arith.constant 0 : i32
    %while3A_665 = arith.subi %select_n3A, %while3A : i32
    %while3A_666 = arith.addi %while3A, %while3A_665 : i32
    %while3A_667 = arith.constant 1 : i32
    %while3A_668 = arith.divsi %while3A_665, %while3A_667 : i32
    %while3A_669 = arith.muli %while3A_668, %while3A_667 : i32
    %while3A_670 = arith.addi %while3A, %while3A_669 : i32
    %while3A_671 = arith.constant 1 : i32
    %while3A_672 = scf.for %while3A_680 = %while3A to %while3A_670 step %while3A_671 iter_args(%while3A_681 = %while3A_664) -> (i32)  : i32 {
      %mul3A_682 = arith.constant 7 : i32
      %mul3A_683 = arith.muli %while3A_680, %mul3A_682 : i32
      %add3A_684 = arith.constant 0 : i32
      %add3A_685 = arith.addi %mul3A_683, %add3A_684 : i32
      %lt3A = arith.cmpi slt, %add3A_685, %add3A_609 : i32
      %convert_element_type3A_686 = arith.extui %lt3A : i1 to i32
      %cond3A_687 = arith.constant 0 : i32
      %cond3A_688 = arith.cmpi ne, %convert_element_type3A_686, %cond3A_687 : i32
      scf.if %cond3A_688 {
        %dma_wait3A_802 = arith.constant 0 : i32
        %dma_wait3A_803 = arith.constant 0 : i32
        %dma_wait3A_804 = arith.constant 0 : i32
        %dma_wait3A_805 = tpu.memref_slice %arg9[%dma_wait3A_802, %dma_wait3A_803, %dma_wait3A_804] : memref<7x64x128xf32, #tpu.memory_space<vmem>> -> memref<1x64x128xf32, #tpu.memory_space<vmem>>
        %dma_wait3A_806 = tpu.memref_squeeze %dma_wait3A_805 : memref<1x64x128xf32, #tpu.memory_space<vmem>> -> memref<64x128xf32, #tpu.memory_space<vmem>>
        %dma_wait3A_807 = arith.constant 0 : i32
        %dma_wait3A_808 = arith.constant 0 : i32
        %dma_wait3A_809 = tpu.memref_slice %arg2[%dma_wait3A_807, %dma_wait3A_808] : memref<64x1000000xf32, #tpu.memory_space<hbm>> -> memref<64x128xf32, #tpu.memory_space<hbm>>
        %dma_wait3A_810 = arith.constant 0 : i32
        %dma_wait3A_811 = arith.constant 0 : i32
        %dma_wait3A_812 = tpu.memref_slice %arg9[%dma_wait3A_802, %dma_wait3A_810, %dma_wait3A_811] : memref<7x64x128xf32, #tpu.memory_space<vmem>> -> memref<1x64x128xf32, #tpu.memory_space<vmem>>
        %dma_wait3A_813 = tpu.memref_squeeze %dma_wait3A_812 : memref<1x64x128xf32, #tpu.memory_space<vmem>> -> memref<64x128xf32, #tpu.memory_space<vmem>>
        %dma_wait3A_814 = arith.constant 0 : i32
        %dma_wait3A_815 = arith.constant 0 : i32
        %dma_wait3A_816 = tpu.memref_slice %arg2[%dma_wait3A_814, %dma_wait3A_815] : memref<64x1000000xf32, #tpu.memory_space<hbm>> -> memref<64x128xf32, #tpu.memory_space<hbm>>
        tpu.wait_dma2 semaphore(%arg11 : memref<!tpu.dma_semaphore, #tpu.memory_space<semaphore_mem>>) src(%dma_wait3A_816 : memref<64x128xf32, #tpu.memory_space<hbm>>) dst(%dma_wait3A_813 : memref<64x128xf32, #tpu.memory_space<vmem>>)
      } else {
      }
      %lt3A_689 = arith.cmpi slt, %add3A_685, %add3A_609 : i32
      %convert_element_type3A_690 = arith.extui %lt3A_689 : i1 to i32
      %cond3A_691 = arith.constant 0 : i32
      %cond3A_692 = arith.cmpi ne, %convert_element_type3A_690, %cond3A_691 : i32
      %cond3A_693 = scf.if %cond3A_692 -> (i32) {
        %get3A_802 = arith.index_cast %add3A_685 : i32 to index
        %get3A_803 = tpu.vector_load %arg8[%get3A_802] {strides = array<i32>} : memref<544xi32, #tpu.memory_space<vmem>>, vector<16xi32>,
        %slice3A = vector.extract_strided_slice %get3A_803 {offsets = [0], sizes = [1], strides = [1]} : vector<16xi32> to vector<1xi32>
        %squeeze3A = vector.extract %slice3A[0] : i32 from vector<1xi32>
        %mul3A_804 = arith.constant 128 : i32
        %mul3A_805 = arith.muli %squeeze3A, %mul3A_804 : i32
        %min3A = arith.constant 999936 : i32
        %min3A_806 = arith.minsi %mul3A_805, %min3A : i32
        %add3A_807 = arith.constant 1 : i32
        %add3A_808 = arith.addi %squeeze3A, %add3A_807 : i32
        %mul3A_809 = arith.constant 128 : i32
        %mul3A_810 = arith.muli %add3A_808, %mul3A_809 : i32
        %while3A_811 = arith.constant 0 : i32
        %while3A_812 = scf.while (%while3A_813 = %while3A_681) : (i32) -> i32 {
          %add3A_814 = arith.constant 16 : i32
          %add3A_815 = arith.addi %while3A_813, %add3A_814 : i32
          %get3A_816 = arith.index_cast %add3A_815 : i32 to index
          %get3A_817 = tpu.vector_load %arg6[%get3A_816] {strides = array<i32>} : memref<544xi32, #tpu.memory_space<vmem>>, vector<16xi32>,
          %slice3A_818 = vector.extract_strided_slice %get3A_817 {offsets = [0], sizes = [1], strides = [1]} : vector<16xi32> to vector<1xi32>
          %squeeze3A_819 = vector.extract %slice3A_818[0] : i32 from vector<1xi32>
          %lt3A_820 = arith.constant 512 : i32
          %lt3A_821 = arith.cmpi slt, %while3A_813, %lt3A_820 : i32
          %lt3A_822 = arith.cmpi slt, %squeeze3A_819, %mul3A_810 : i32
          %and3A_823 = arith.andi %lt3A_821, %lt3A_822 : i1
          scf.condition(%and3A_823) %while3A_813 : i32
        } do {
        ^bb0(%while3A_813: i32):
          %add3A_814 = arith.constant 16 : i32
          %add3A_815 = arith.addi %while3A_813, %add3A_814 : i32
          %get3A_816 = arith.index_cast %add3A_815 : i32 to index
          %get3A_817 = tpu.vector_load %arg6[%get3A_816] {strides = array<i32>} : memref<544xi32, #tpu.memory_space<vmem>>, vector<16xi32>,
          %slice3A_818 = vector.extract_strided_slice %get3A_817 {offsets = [0], sizes = [1], strides = [1]} : vector<16xi32> to vector<1xi32>
          %squeeze3A_819 = vector.extract %slice3A_818[0] : i32 from vector<1xi32>
          %get3A_820 = arith.index_cast %while3A_813 : i32 to index
          %get3A_821 = tpu.vector_load %arg7[%get3A_820] {strides = array<i32>} : memref<528xi32, #tpu.memory_space<vmem>>, vector<16xi32>,
          %slice3A_822 = vector.extract_strided_slice %get3A_821 {offsets = [0], sizes = [1], strides = [1]} : vector<16xi32> to vector<1xi32>
          %squeeze3A_823 = vector.extract %slice3A_822[0] : i32 from vector<1xi32>
          %broadcast_in_dim3A_824 = arith.constant 0 : i32
          %broadcast_in_dim3A_825 = vector.broadcast %broadcast_in_dim3A_824 : i32 to vector<16xi32>
          %sub3A_826 = arith.subi %squeeze3A_819, %min3A_806 : i32
          %add3A_827 = vector.broadcast %sub3A_826 : i32 to vector<16xi32>
          %add3A_828 = arith.addi %broadcast_in_dim3A_825, %add3A_827 : vector<16xi32>
          %add3A_829 = arith.constant 0 : i32
          %add3A_830 = vector.broadcast %add3A_829 : i32 to vector<16xi32>
          %add3A_831 = arith.addi %iota3A, %add3A_830 : vector<16xi32>
          %gather3A = arith.constant 0 : i32
          %gather3A_832 = arith.constant 0 : i32
          %gather3A_833 = tpu.memref_slice %arg9[%while3A_811, %gather3A, %gather3A_832] : memref<7x64x128xf32, #tpu.memory_space<vmem>> -> memref<1x64x128xf32, #tpu.memory_space<vmem>>
          %gather3A_834 = tpu.memref_squeeze %gather3A_833 : memref<1x64x128xf32, #tpu.memory_space<vmem>> -> memref<64x128xf32, #tpu.memory_space<vmem>>
          %gather3A_835 = tpu.vector_load_idx %gather3A_834[%add3A_831, %add3A_828] : memref<64x128xf32, #tpu.memory_space<vmem>>[vector<16xi32>, vector<16xi32>], vector<16xf32>,
          %swap3A_836 = arith.index_cast %while3A_813 : i32 to index
          %swap3A_837 = arith.constant 0 : index
          %swap3A_838 = tpu.vector_load %arg10[%swap3A_836, %swap3A_837] {strides = array<i32>} : memref<512x64xf32, #tpu.memory_space<vmem>>, vector<16xf32>,
          tpu.vector_store %arg10[%swap3A_836, %swap3A_837], %gather3A_835 {strides = array<i32>} : memref<512x64xf32, #tpu.memory_space<vmem>>, vector<16xf32>,
          %add3A_839 = arith.constant 16 : i32
          %add3A_840 = vector.broadcast %add3A_839 : i32 to vector<16xi32>
          %add3A_841 = arith.addi %iota3A, %add3A_840 : vector<16xi32>
          %gather3A_842 = arith.constant 0 : i32
          %gather3A_843 = arith.constant 0 : i32
          %gather3A_844 = tpu.memref_slice %arg9[%while3A_811, %gather3A_842, %gather3A_843] : memref<7x64x128xf32, #tpu.memory_space<vmem>> -> memref<1x64x128xf32, #tpu.memory_space<vmem>>
          %gather3A_845 = tpu.memref_squeeze %gather3A_844 : memref<1x64x128xf32, #tpu.memory_space<vmem>> -> memref<64x128xf32, #tpu.memory_space<vmem>>
          %gather3A_846 = tpu.vector_load_idx %gather3A_845[%add3A_841, %add3A_828] : memref<64x128xf32, #tpu.memory_space<vmem>>[vector<16xi32>, vector<16xi32>], vector<16xf32>,
          %swap3A_847 = arith.index_cast %while3A_813 : i32 to index
          %swap3A_848 = arith.constant 16 : index
          %swap3A_849 = tpu.vector_load %arg10[%swap3A_847, %swap3A_848] {strides = array<i32>} : memref<512x64xf32, #tpu.memory_space<vmem>>, vector<16xf32>,
          tpu.vector_store %arg10[%swap3A_847, %swap3A_848], %gather3A_846 {strides = array<i32>} : memref<512x64xf32, #tpu.memory_space<vmem>>, vector<16xf32>,
          %add3A_850 = arith.constant 32 : i32
          %add3A_851 = vector.broadcast %add3A_850 : i32 to vector<16xi32>
          %add3A_852 = arith.addi %iota3A, %add3A_851 : vector<16xi32>
          %gather3A_853 = arith.constant 0 : i32
          %gather3A_854 = arith.constant 0 : i32
          %gather3A_855 = tpu.memref_slice %arg9[%while3A_811, %gather3A_853, %gather3A_854] : memref<7x64x128xf32, #tpu.memory_space<vmem>> -> memref<1x64x128xf32, #tpu.memory_space<vmem>>
          %gather3A_856 = tpu.memref_squeeze %gather3A_855 : memref<1x64x128xf32, #tpu.memory_space<vmem>> -> memref<64x128xf32, #tpu.memory_space<vmem>>
          %gather3A_857 = tpu.vector_load_idx %gather3A_856[%add3A_852, %add3A_828] : memref<64x128xf32, #tpu.memory_space<vmem>>[vector<16xi32>, vector<16xi32>], vector<16xf32>,
          %swap3A_858 = arith.index_cast %while3A_813 : i32 to index
          %swap3A_859 = arith.constant 32 : index
          %swap3A_860 = tpu.vector_load %arg10[%swap3A_858, %swap3A_859] {strides = array<i32>} : memref<512x64xf32, #tpu.memory_space<vmem>>, vector<16xf32>,
          tpu.vector_store %arg10[%swap3A_858, %swap3A_859], %gather3A_857 {strides = array<i32>} : memref<512x64xf32, #tpu.memory_space<vmem>>, vector<16xf32>,
          %add3A_861 = arith.constant 48 : i32
          %add3A_862 = vector.broadcast %add3A_861 : i32 to vector<16xi32>
          %add3A_863 = arith.addi %iota3A, %add3A_862 : vector<16xi32>
          %gather3A_864 = arith.constant 0 : i32
          %gather3A_865 = arith.constant 0 : i32
          %gather3A_866 = tpu.memref_slice %arg9[%while3A_811, %gather3A_864, %gather3A_865] : memref<7x64x128xf32, #tpu.memory_space<vmem>> -> memref<1x64x128xf32, #tpu.memory_space<vmem>>
          %gather3A_867 = tpu.memref_squeeze %gather3A_866 : memref<1x64x128xf32, #tpu.memory_space<vmem>> -> memref<64x128xf32, #tpu.memory_space<vmem>>
          %gather3A_868 = tpu.vector_load_idx %gather3A_867[%add3A_863, %add3A_828] : memref<64x128xf32, #tpu.memory_space<vmem>>[vector<16xi32>, vector<16xi32>], vector<16xf32>,
          %swap3A_869 = arith.index_cast %while3A_813 : i32 to index
          %swap3A_870 = arith.constant 48 : index
          %swap3A_871 = tpu.vector_load %arg10[%swap3A_869, %swap3A_870] {strides = array<i32>} : memref<512x64xf32, #tpu.memory_space<vmem>>, vector<16xf32>,
          tpu.vector_store %arg10[%swap3A_869, %swap3A_870], %gather3A_868 {strides = array<i32>} : memref<512x64xf32, #tpu.memory_space<vmem>>, vector<16xf32>,
          %dma_start3A = arith.constant 0 : i32
          %dma_start3A_872 = tpu.memref_slice %arg10[%while3A_813, %dma_start3A] : memref<512x64xf32, #tpu.memory_space<vmem>> -> memref<1x64xf32, #tpu.memory_space<vmem>>
          %dma_start3A_873 = tpu.memref_squeeze %dma_start3A_872 : memref<1x64xf32, #tpu.memory_space<vmem>> -> memref<64xf32, #tpu.memory_space<vmem>>
          %dma_start3A_874 = arith.constant 0 : i32
          %dma_start3A_875 = tpu.memref_slice %arg5[%squeeze3A_823, %dma_start3A_874] : memref<16384x64xf32, #tpu.memory_space<hbm>> -> memref<1x64xf32, #tpu.memory_space<hbm>>
          %dma_start3A_876 = tpu.memref_squeeze %dma_start3A_875 : memref<1x64xf32, #tpu.memory_space<hbm>> -> memref<64xf32, #tpu.memory_space<hbm>>
          %dma_start3A_877 = arith.constant 0 : i32
          %dma_start3A_878 = tpu.memref_slice %arg5[%squeeze3A_823, %dma_start3A_877] : memref<16384x64xf32, #tpu.memory_space<hbm>> -> memref<1x64xf32, #tpu.memory_space<hbm>>
          %dma_start3A_879 = tpu.memref_squeeze %dma_start3A_878 : memref<1x64xf32, #tpu.memory_space<hbm>> -> memref<64xf32, #tpu.memory_space<hbm>>
          %dma_start3A_880 = arith.constant 0 : i32
          %dma_start3A_881 = tpu.memref_slice %arg10[%while3A_813, %dma_start3A_880] : memref<512x64xf32, #tpu.memory_space<vmem>> -> memref<1x64xf32, #tpu.memory_space<vmem>>
          %dma_start3A_882 = tpu.memref_squeeze %dma_start3A_881 : memref<1x64xf32, #tpu.memory_space<vmem>> -> memref<64xf32, #tpu.memory_space<vmem>>
          tpu.enqueue_dma source(%dma_start3A_882 : memref<64xf32, #tpu.memory_space<vmem>>) target(%dma_start3A_879 : memref<64xf32, #tpu.memory_space<hbm>>) target_semaphore(%arg18 : memref<!tpu.dma_semaphore, #tpu.memory_space<semaphore_mem>>)
          %add3A_883 = arith.constant 1 : i32
          %add3A_884 = arith.addi %while3A_813, %add3A_883 : i32
          scf.yield %add3A_884 : i32
        }
        scf.yield %while3A_812 : i32
      } else {
        scf.yield %while3A_681 : i32
      }
      %add3A_694 = arith.constant 7 : i32
      %add3A_695 = arith.addi %add3A_685, %add3A_694 : i32
      %lt3A_696 = arith.cmpi slt, %add3A_695, %add3A_609 : i32
      %convert_element_type3A_697 = arith.extui %lt3A_696 : i1 to i32
      %cond3A_698 = arith.constant 0 : i32
      %cond3A_699 = arith.cmpi ne, %convert_element_type3A_697, %cond3A_698 : i32
      scf.if %cond3A_699 {
        %add3A_802 = arith.constant 7 : i32
        %add3A_803 = arith.addi %add3A_685, %add3A_802 : i32
        %get3A_804 = arith.index_cast %add3A_803 : i32 to index
        %get3A_805 = tpu.vector_load %arg8[%get3A_804] {strides = array<i32>} : memref<544xi32, #tpu.memory_space<vmem>>, vector<16xi32>,
        %slice3A = vector.extract_strided_slice %get3A_805 {offsets = [0], sizes = [1], strides = [1]} : vector<16xi32> to vector<1xi32>
        %squeeze3A = vector.extract %slice3A[0] : i32 from vector<1xi32>
        %mul3A_806 = arith.constant 128 : i32
        %mul3A_807 = arith.muli %squeeze3A, %mul3A_806 : i32
        %min3A = arith.constant 999936 : i32
        %min3A_808 = arith.minsi %mul3A_807, %min3A : i32
        %multiple_of3A = tpu.assume_multiple %min3A_808, 128 : i32
        %dma_start3A = arith.constant 0 : i32
        %dma_start3A_809 = arith.constant 0 : i32
        %dma_start3A_810 = arith.constant 0 : i32
        %dma_start3A_811 = tpu.memref_slice %arg9[%dma_start3A, %dma_start3A_809, %dma_start3A_810] : memref<7x64x128xf32, #tpu.memory_space<vmem>> -> memref<1x64x128xf32, #tpu.memory_space<vmem>>
        %dma_start3A_812 = tpu.memref_squeeze %dma_start3A_811 : memref<1x64x128xf32, #tpu.memory_space<vmem>> -> memref<64x128xf32, #tpu.memory_space<vmem>>
        %dma_start3A_813 = arith.constant 0 : i32
        %dma_start3A_814 = tpu.memref_slice %arg2[%dma_start3A_813, %multiple_of3A] : memref<64x1000000xf32, #tpu.memory_space<hbm>> -> memref<64x128xf32, #tpu.memory_space<hbm>>
        %dma_start3A_815 = arith.constant 0 : i32
        %dma_start3A_816 = arith.constant 0 : i32
        %dma_start3A_817 = tpu.memref_slice %arg9[%dma_start3A, %dma_start3A_815, %dma_start3A_816] : memref<7x64x128xf32, #tpu.memory_space<vmem>> -> memref<1x64x128xf32, #tpu.memory_space<vmem>>
        %dma_start3A_818 = tpu.memref_squeeze %dma_start3A_817 : memref<1x64x128xf32, #tpu.memory_space<vmem>> -> memref<64x128xf32, #tpu.memory_space<vmem>>
        %dma_start3A_819 = arith.constant 0 : i32
        %dma_start3A_820 = tpu.memref_slice %arg2[%dma_start3A_819, %multiple_of3A] : memref<64x1000000xf32, #tpu.memory_space<hbm>> -> memref<64x128xf32, #tpu.memory_space<hbm>>
        tpu.enqueue_dma source(%dma_start3A_820 : memref<64x128xf32, #tpu.memory_space<hbm>>) target(%dma_start3A_818 : memref<64x128xf32, #tpu.memory_space<vmem>>) target_semaphore(%arg11 : memref<!tpu.dma_semaphore, #tpu.memory_space<semaphore_mem>>)
      } else {
      }
      %add3A_700 = arith.constant 1 : i32
      %add3A_701 = arith.addi %mul3A_683, %add3A_700 : i32
      %lt3A_702 = arith.cmpi slt, %add3A_701, %add3A_609 : i32
      %convert_element_type3A_703 = arith.extui %lt3A_702 : i1 to i32
      %cond3A_704 = arith.constant 0 : i32
      %cond3A_705 = arith.cmpi ne, %convert_element_type3A_703, %cond3A_704 : i32
      scf.if %cond3A_705 {
        %dma_wait3A_802 = arith.constant 1 : i32
        %dma_wait3A_803 = arith.constant 0 : i32
        %dma_wait3A_804 = arith.constant 0 : i32
        %dma_wait3A_805 = tpu.memref_slice %arg9[%dma_wait3A_802, %dma_wait3A_803, %dma_wait3A_804] : memref<7x64x128xf32, #tpu.memory_space<vmem>> -> memref<1x64x128xf32, #tpu.memory_space<vmem>>
        %dma_wait3A_806 = tpu.memref_squeeze %dma_wait3A_805 : memref<1x64x128xf32, #tpu.memory_space<vmem>> -> memref<64x128xf32, #tpu.memory_space<vmem>>
        %dma_wait3A_807 = arith.constant 0 : i32
        %dma_wait3A_808 = arith.constant 0 : i32
        %dma_wait3A_809 = tpu.memref_slice %arg2[%dma_wait3A_807, %dma_wait3A_808] : memref<64x1000000xf32, #tpu.memory_space<hbm>> -> memref<64x128xf32, #tpu.memory_space<hbm>>
        %dma_wait3A_810 = arith.constant 0 : i32
        %dma_wait3A_811 = arith.constant 0 : i32
        %dma_wait3A_812 = tpu.memref_slice %arg9[%dma_wait3A_802, %dma_wait3A_810, %dma_wait3A_811] : memref<7x64x128xf32, #tpu.memory_space<vmem>> -> memref<1x64x128xf32, #tpu.memory_space<vmem>>
        %dma_wait3A_813 = tpu.memref_squeeze %dma_wait3A_812 : memref<1x64x128xf32, #tpu.memory_space<vmem>> -> memref<64x128xf32, #tpu.memory_space<vmem>>
        %dma_wait3A_814 = arith.constant 0 : i32
        %dma_wait3A_815 = arith.constant 0 : i32
        %dma_wait3A_816 = tpu.memref_slice %arg2[%dma_wait3A_814, %dma_wait3A_815] : memref<64x1000000xf32, #tpu.memory_space<hbm>> -> memref<64x128xf32, #tpu.memory_space<hbm>>
        tpu.wait_dma2 semaphore(%arg12 : memref<!tpu.dma_semaphore, #tpu.memory_space<semaphore_mem>>) src(%dma_wait3A_816 : memref<64x128xf32, #tpu.memory_space<hbm>>) dst(%dma_wait3A_813 : memref<64x128xf32, #tpu.memory_space<vmem>>)
      } else {
      }
      %lt3A_706 = arith.cmpi slt, %add3A_701, %add3A_609 : i32
      %convert_element_type3A_707 = arith.extui %lt3A_706 : i1 to i32
      %cond3A_708 = arith.constant 0 : i32
      %cond3A_709 = arith.cmpi ne, %convert_element_type3A_707, %cond3A_708 : i32
      %cond3A_710 = scf.if %cond3A_709 -> (i32) {
        %get3A_802 = arith.index_cast %add3A_701 : i32 to index
        %get3A_803 = tpu.vector_load %arg8[%get3A_802] {strides = array<i32>} : memref<544xi32, #tpu.memory_space<vmem>>, vector<16xi32>,
        %slice3A = vector.extract_strided_slice %get3A_803 {offsets = [0], sizes = [1], strides = [1]} : vector<16xi32> to vector<1xi32>
        %squeeze3A = vector.extract %slice3A[0] : i32 from vector<1xi32>
        %mul3A_804 = arith.constant 128 : i32
        %mul3A_805 = arith.muli %squeeze3A, %mul3A_804 : i32
        %min3A = arith.constant 999936 : i32
        %min3A_806 = arith.minsi %mul3A_805, %min3A : i32
        %add3A_807 = arith.constant 1 : i32
        %add3A_808 = arith.addi %squeeze3A, %add3A_807 : i32
        %mul3A_809 = arith.constant 128 : i32
        %mul3A_810 = arith.muli %add3A_808, %mul3A_809 : i32
        %while3A_811 = arith.constant 1 : i32
        %while3A_812 = scf.while (%while3A_813 = %cond3A_693) : (i32) -> i32 {
          %add3A_814 = arith.constant 16 : i32
          %add3A_815 = arith.addi %while3A_813, %add3A_814 : i32
          %get3A_816 = arith.index_cast %add3A_815 : i32 to index
          %get3A_817 = tpu.vector_load %arg6[%get3A_816] {strides = array<i32>} : memref<544xi32, #tpu.memory_space<vmem>>, vector<16xi32>,
          %slice3A_818 = vector.extract_strided_slice %get3A_817 {offsets = [0], sizes = [1], strides = [1]} : vector<16xi32> to vector<1xi32>
          %squeeze3A_819 = vector.extract %slice3A_818[0] : i32 from vector<1xi32>
          %lt3A_820 = arith.constant 512 : i32
          %lt3A_821 = arith.cmpi slt, %while3A_813, %lt3A_820 : i32
          %lt3A_822 = arith.cmpi slt, %squeeze3A_819, %mul3A_810 : i32
          %and3A_823 = arith.andi %lt3A_821, %lt3A_822 : i1
          scf.condition(%and3A_823) %while3A_813 : i32
        } do {
        ^bb0(%while3A_813: i32):
          %add3A_814 = arith.constant 16 : i32
          %add3A_815 = arith.addi %while3A_813, %add3A_814 : i32
          %get3A_816 = arith.index_cast %add3A_815 : i32 to index
          %get3A_817 = tpu.vector_load %arg6[%get3A_816] {strides = array<i32>} : memref<544xi32, #tpu.memory_space<vmem>>, vector<16xi32>,
          %slice3A_818 = vector.extract_strided_slice %get3A_817 {offsets = [0], sizes = [1], strides = [1]} : vector<16xi32> to vector<1xi32>
          %squeeze3A_819 = vector.extract %slice3A_818[0] : i32 from vector<1xi32>
          %get3A_820 = arith.index_cast %while3A_813 : i32 to index
          %get3A_821 = tpu.vector_load %arg7[%get3A_820] {strides = array<i32>} : memref<528xi32, #tpu.memory_space<vmem>>, vector<16xi32>,
          %slice3A_822 = vector.extract_strided_slice %get3A_821 {offsets = [0], sizes = [1], strides = [1]} : vector<16xi32> to vector<1xi32>
          %squeeze3A_823 = vector.extract %slice3A_822[0] : i32 from vector<1xi32>
          %broadcast_in_dim3A_824 = arith.constant 0 : i32
          %broadcast_in_dim3A_825 = vector.broadcast %broadcast_in_dim3A_824 : i32 to vector<16xi32>
          %sub3A_826 = arith.subi %squeeze3A_819, %min3A_806 : i32
          %add3A_827 = vector.broadcast %sub3A_826 : i32 to vector<16xi32>
          %add3A_828 = arith.addi %broadcast_in_dim3A_825, %add3A_827 : vector<16xi32>
          %add3A_829 = arith.constant 0 : i32
          %add3A_830 = vector.broadcast %add3A_829 : i32 to vector<16xi32>
          %add3A_831 = arith.addi %iota3A, %add3A_830 : vector<16xi32>
          %gather3A = arith.constant 0 : i32
          %gather3A_832 = arith.constant 0 : i32
          %gather3A_833 = tpu.memref_slice %arg9[%while3A_811, %gather3A, %gather3A_832] : memref<7x64x128xf32, #tpu.memory_space<vmem>> -> memref<1x64x128xf32, #tpu.memory_space<vmem>>
          %gather3A_834 = tpu.memref_squeeze %gather3A_833 : memref<1x64x128xf32, #tpu.memory_space<vmem>> -> memref<64x128xf32, #tpu.memory_space<vmem>>
          %gather3A_835 = tpu.vector_load_idx %gather3A_834[%add3A_831, %add3A_828] : memref<64x128xf32, #tpu.memory_space<vmem>>[vector<16xi32>, vector<16xi32>], vector<16xf32>,
          %swap3A_836 = arith.index_cast %while3A_813 : i32 to index
          %swap3A_837 = arith.constant 0 : index
          %swap3A_838 = tpu.vector_load %arg10[%swap3A_836, %swap3A_837] {strides = array<i32>} : memref<512x64xf32, #tpu.memory_space<vmem>>, vector<16xf32>,
          tpu.vector_store %arg10[%swap3A_836, %swap3A_837], %gather3A_835 {strides = array<i32>} : memref<512x64xf32, #tpu.memory_space<vmem>>, vector<16xf32>,
          %add3A_839 = arith.constant 16 : i32
          %add3A_840 = vector.broadcast %add3A_839 : i32 to vector<16xi32>
          %add3A_841 = arith.addi %iota3A, %add3A_840 : vector<16xi32>
          %gather3A_842 = arith.constant 0 : i32
          %gather3A_843 = arith.constant 0 : i32
          %gather3A_844 = tpu.memref_slice %arg9[%while3A_811, %gather3A_842, %gather3A_843] : memref<7x64x128xf32, #tpu.memory_space<vmem>> -> memref<1x64x128xf32, #tpu.memory_space<vmem>>
          %gather3A_845 = tpu.memref_squeeze %gather3A_844 : memref<1x64x128xf32, #tpu.memory_space<vmem>> -> memref<64x128xf32, #tpu.memory_space<vmem>>
          %gather3A_846 = tpu.vector_load_idx %gather3A_845[%add3A_841, %add3A_828] : memref<64x128xf32, #tpu.memory_space<vmem>>[vector<16xi32>, vector<16xi32>], vector<16xf32>,
          %swap3A_847 = arith.index_cast %while3A_813 : i32 to index
          %swap3A_848 = arith.constant 16 : index
          %swap3A_849 = tpu.vector_load %arg10[%swap3A_847, %swap3A_848] {strides = array<i32>} : memref<512x64xf32, #tpu.memory_space<vmem>>, vector<16xf32>,
          tpu.vector_store %arg10[%swap3A_847, %swap3A_848], %gather3A_846 {strides = array<i32>} : memref<512x64xf32, #tpu.memory_space<vmem>>, vector<16xf32>,
          %add3A_850 = arith.constant 32 : i32
          %add3A_851 = vector.broadcast %add3A_850 : i32 to vector<16xi32>
          %add3A_852 = arith.addi %iota3A, %add3A_851 : vector<16xi32>
          %gather3A_853 = arith.constant 0 : i32
          %gather3A_854 = arith.constant 0 : i32
          %gather3A_855 = tpu.memref_slice %arg9[%while3A_811, %gather3A_853, %gather3A_854] : memref<7x64x128xf32, #tpu.memory_space<vmem>> -> memref<1x64x128xf32, #tpu.memory_space<vmem>>
          %gather3A_856 = tpu.memref_squeeze %gather3A_855 : memref<1x64x128xf32, #tpu.memory_space<vmem>> -> memref<64x128xf32, #tpu.memory_space<vmem>>
          %gather3A_857 = tpu.vector_load_idx %gather3A_856[%add3A_852, %add3A_828] : memref<64x128xf32, #tpu.memory_space<vmem>>[vector<16xi32>, vector<16xi32>], vector<16xf32>,
          %swap3A_858 = arith.index_cast %while3A_813 : i32 to index
          %swap3A_859 = arith.constant 32 : index
          %swap3A_860 = tpu.vector_load %arg10[%swap3A_858, %swap3A_859] {strides = array<i32>} : memref<512x64xf32, #tpu.memory_space<vmem>>, vector<16xf32>,
          tpu.vector_store %arg10[%swap3A_858, %swap3A_859], %gather3A_857 {strides = array<i32>} : memref<512x64xf32, #tpu.memory_space<vmem>>, vector<16xf32>,
          %add3A_861 = arith.constant 48 : i32
          %add3A_862 = vector.broadcast %add3A_861 : i32 to vector<16xi32>
          %add3A_863 = arith.addi %iota3A, %add3A_862 : vector<16xi32>
          %gather3A_864 = arith.constant 0 : i32
          %gather3A_865 = arith.constant 0 : i32
          %gather3A_866 = tpu.memref_slice %arg9[%while3A_811, %gather3A_864, %gather3A_865] : memref<7x64x128xf32, #tpu.memory_space<vmem>> -> memref<1x64x128xf32, #tpu.memory_space<vmem>>
          %gather3A_867 = tpu.memref_squeeze %gather3A_866 : memref<1x64x128xf32, #tpu.memory_space<vmem>> -> memref<64x128xf32, #tpu.memory_space<vmem>>
          %gather3A_868 = tpu.vector_load_idx %gather3A_867[%add3A_863, %add3A_828] : memref<64x128xf32, #tpu.memory_space<vmem>>[vector<16xi32>, vector<16xi32>], vector<16xf32>,
          %swap3A_869 = arith.index_cast %while3A_813 : i32 to index
          %swap3A_870 = arith.constant 48 : index
          %swap3A_871 = tpu.vector_load %arg10[%swap3A_869, %swap3A_870] {strides = array<i32>} : memref<512x64xf32, #tpu.memory_space<vmem>>, vector<16xf32>,
          tpu.vector_store %arg10[%swap3A_869, %swap3A_870], %gather3A_868 {strides = array<i32>} : memref<512x64xf32, #tpu.memory_space<vmem>>, vector<16xf32>,
          %dma_start3A = arith.constant 0 : i32
          %dma_start3A_872 = tpu.memref_slice %arg10[%while3A_813, %dma_start3A] : memref<512x64xf32, #tpu.memory_space<vmem>> -> memref<1x64xf32, #tpu.memory_space<vmem>>
          %dma_start3A_873 = tpu.memref_squeeze %dma_start3A_872 : memref<1x64xf32, #tpu.memory_space<vmem>> -> memref<64xf32, #tpu.memory_space<vmem>>
          %dma_start3A_874 = arith.constant 0 : i32
          %dma_start3A_875 = tpu.memref_slice %arg5[%squeeze3A_823, %dma_start3A_874] : memref<16384x64xf32, #tpu.memory_space<hbm>> -> memref<1x64xf32, #tpu.memory_space<hbm>>
          %dma_start3A_876 = tpu.memref_squeeze %dma_start3A_875 : memref<1x64xf32, #tpu.memory_space<hbm>> -> memref<64xf32, #tpu.memory_space<hbm>>
          %dma_start3A_877 = arith.constant 0 : i32
          %dma_start3A_878 = tpu.memref_slice %arg5[%squeeze3A_823, %dma_start3A_877] : memref<16384x64xf32, #tpu.memory_space<hbm>> -> memref<1x64xf32, #tpu.memory_space<hbm>>
          %dma_start3A_879 = tpu.memref_squeeze %dma_start3A_878 : memref<1x64xf32, #tpu.memory_space<hbm>> -> memref<64xf32, #tpu.memory_space<hbm>>
          %dma_start3A_880 = arith.constant 0 : i32
          %dma_start3A_881 = tpu.memref_slice %arg10[%while3A_813, %dma_start3A_880] : memref<512x64xf32, #tpu.memory_space<vmem>> -> memref<1x64xf32, #tpu.memory_space<vmem>>
          %dma_start3A_882 = tpu.memref_squeeze %dma_start3A_881 : memref<1x64xf32, #tpu.memory_space<vmem>> -> memref<64xf32, #tpu.memory_space<vmem>>
          tpu.enqueue_dma source(%dma_start3A_882 : memref<64xf32, #tpu.memory_space<vmem>>) target(%dma_start3A_879 : memref<64xf32, #tpu.memory_space<hbm>>) target_semaphore(%arg18 : memref<!tpu.dma_semaphore, #tpu.memory_space<semaphore_mem>>)
          %add3A_883 = arith.constant 1 : i32
          %add3A_884 = arith.addi %while3A_813, %add3A_883 : i32
          scf.yield %add3A_884 : i32
        }
        scf.yield %while3A_812 : i32
      } else {
        scf.yield %cond3A_693 : i32
      }
      %add3A_711 = arith.constant 7 : i32
      %add3A_712 = arith.addi %add3A_701, %add3A_711 : i32
      %lt3A_713 = arith.cmpi slt, %add3A_712, %add3A_609 : i32
      %convert_element_type3A_714 = arith.extui %lt3A_713 : i1 to i32
      %cond3A_715 = arith.constant 0 : i32
      %cond3A_716 = arith.cmpi ne, %convert_element_type3A_714, %cond3A_715 : i32
      scf.if %cond3A_716 {
        %add3A_802 = arith.constant 7 : i32
        %add3A_803 = arith.addi %add3A_701, %add3A_802 : i32
        %get3A_804 = arith.index_cast %add3A_803 : i32 to index
        %get3A_805 = tpu.vector_load %arg8[%get3A_804] {strides = array<i32>} : memref<544xi32, #tpu.memory_space<vmem>>, vector<16xi32>,
        %slice3A = vector.extract_strided_slice %get3A_805 {offsets = [0], sizes = [1], strides = [1]} : vector<16xi32> to vector<1xi32>
        %squeeze3A = vector.extract %slice3A[0] : i32 from vector<1xi32>
        %mul3A_806 = arith.constant 128 : i32
        %mul3A_807 = arith.muli %squeeze3A, %mul3A_806 : i32
        %min3A = arith.constant 999936 : i32
        %min3A_808 = arith.minsi %mul3A_807, %min3A : i32
        %multiple_of3A = tpu.assume_multiple %min3A_808, 128 : i32
        %dma_start3A = arith.constant 1 : i32
        %dma_start3A_809 = arith.constant 0 : i32
        %dma_start3A_810 = arith.constant 0 : i32
        %dma_start3A_811 = tpu.memref_slice %arg9[%dma_start3A, %dma_start3A_809, %dma_start3A_810] : memref<7x64x128xf32, #tpu.memory_space<vmem>> -> memref<1x64x128xf32, #tpu.memory_space<vmem>>
        %dma_start3A_812 = tpu.memref_squeeze %dma_start3A_811 : memref<1x64x128xf32, #tpu.memory_space<vmem>> -> memref<64x128xf32, #tpu.memory_space<vmem>>
        %dma_start3A_813 = arith.constant 0 : i32
        %dma_start3A_814 = tpu.memref_slice %arg2[%dma_start3A_813, %multiple_of3A] : memref<64x1000000xf32, #tpu.memory_space<hbm>> -> memref<64x128xf32, #tpu.memory_space<hbm>>
        %dma_start3A_815 = arith.constant 0 : i32
        %dma_start3A_816 = arith.constant 0 : i32
        %dma_start3A_817 = tpu.memref_slice %arg9[%dma_start3A, %dma_start3A_815, %dma_start3A_816] : memref<7x64x128xf32, #tpu.memory_space<vmem>> -> memref<1x64x128xf32, #tpu.memory_space<vmem>>
        %dma_start3A_818 = tpu.memref_squeeze %dma_start3A_817 : memref<1x64x128xf32, #tpu.memory_space<vmem>> -> memref<64x128xf32, #tpu.memory_space<vmem>>
        %dma_start3A_819 = arith.constant 0 : i32
        %dma_start3A_820 = tpu.memref_slice %arg2[%dma_start3A_819, %multiple_of3A] : memref<64x1000000xf32, #tpu.memory_space<hbm>> -> memref<64x128xf32, #tpu.memory_space<hbm>>
        tpu.enqueue_dma source(%dma_start3A_820 : memref<64x128xf32, #tpu.memory_space<hbm>>) target(%dma_start3A_818 : memref<64x128xf32, #tpu.memory_space<vmem>>) target_semaphore(%arg12 : memref<!tpu.dma_semaphore, #tpu.memory_space<semaphore_mem>>)
      } else {
      }
      %add3A_717 = arith.constant 2 : i32
      %add3A_718 = arith.addi %mul3A_683, %add3A_717 : i32
      %lt3A_719 = arith.cmpi slt, %add3A_718, %add3A_609 : i32
      %convert_element_type3A_720 = arith.extui %lt3A_719 : i1 to i32
      %cond3A_721 = arith.constant 0 : i32
      %cond3A_722 = arith.cmpi ne, %convert_element_type3A_720, %cond3A_721 : i32
      scf.if %cond3A_722 {
        %dma_wait3A_802 = arith.constant 2 : i32
        %dma_wait3A_803 = arith.constant 0 : i32
        %dma_wait3A_804 = arith.constant 0 : i32
        %dma_wait3A_805 = tpu.memref_slice %arg9[%dma_wait3A_802, %dma_wait3A_803, %dma_wait3A_804] : memref<7x64x128xf32, #tpu.memory_space<vmem>> -> memref<1x64x128xf32, #tpu.memory_space<vmem>>
        %dma_wait3A_806 = tpu.memref_squeeze %dma_wait3A_805 : memref<1x64x128xf32, #tpu.memory_space<vmem>> -> memref<64x128xf32, #tpu.memory_space<vmem>>
        %dma_wait3A_807 = arith.constant 0 : i32
        %dma_wait3A_808 = arith.constant 0 : i32
        %dma_wait3A_809 = tpu.memref_slice %arg2[%dma_wait3A_807, %dma_wait3A_808] : memref<64x1000000xf32, #tpu.memory_space<hbm>> -> memref<64x128xf32, #tpu.memory_space<hbm>>
        %dma_wait3A_810 = arith.constant 0 : i32
        %dma_wait3A_811 = arith.constant 0 : i32
        %dma_wait3A_812 = tpu.memref_slice %arg9[%dma_wait3A_802, %dma_wait3A_810, %dma_wait3A_811] : memref<7x64x128xf32, #tpu.memory_space<vmem>> -> memref<1x64x128xf32, #tpu.memory_space<vmem>>
        %dma_wait3A_813 = tpu.memref_squeeze %dma_wait3A_812 : memref<1x64x128xf32, #tpu.memory_space<vmem>> -> memref<64x128xf32, #tpu.memory_space<vmem>>
        %dma_wait3A_814 = arith.constant 0 : i32
        %dma_wait3A_815 = arith.constant 0 : i32
        %dma_wait3A_816 = tpu.memref_slice %arg2[%dma_wait3A_814, %dma_wait3A_815] : memref<64x1000000xf32, #tpu.memory_space<hbm>> -> memref<64x128xf32, #tpu.memory_space<hbm>>
        tpu.wait_dma2 semaphore(%arg13 : memref<!tpu.dma_semaphore, #tpu.memory_space<semaphore_mem>>) src(%dma_wait3A_816 : memref<64x128xf32, #tpu.memory_space<hbm>>) dst(%dma_wait3A_813 : memref<64x128xf32, #tpu.memory_space<vmem>>)
      } else {
      }
      %lt3A_723 = arith.cmpi slt, %add3A_718, %add3A_609 : i32
      %convert_element_type3A_724 = arith.extui %lt3A_723 : i1 to i32
      %cond3A_725 = arith.constant 0 : i32
      %cond3A_726 = arith.cmpi ne, %convert_element_type3A_724, %cond3A_725 : i32
      %cond3A_727 = scf.if %cond3A_726 -> (i32) {
        %get3A_802 = arith.index_cast %add3A_718 : i32 to index
        %get3A_803 = tpu.vector_load %arg8[%get3A_802] {strides = array<i32>} : memref<544xi32, #tpu.memory_space<vmem>>, vector<16xi32>,
        %slice3A = vector.extract_strided_slice %get3A_803 {offsets = [0], sizes = [1], strides = [1]} : vector<16xi32> to vector<1xi32>
        %squeeze3A = vector.extract %slice3A[0] : i32 from vector<1xi32>
        %mul3A_804 = arith.constant 128 : i32
        %mul3A_805 = arith.muli %squeeze3A, %mul3A_804 : i32
        %min3A = arith.constant 999936 : i32
        %min3A_806 = arith.minsi %mul3A_805, %min3A : i32
        %add3A_807 = arith.constant 1 : i32
        %add3A_808 = arith.addi %squeeze3A, %add3A_807 : i32
        %mul3A_809 = arith.constant 128 : i32
        %mul3A_810 = arith.muli %add3A_808, %mul3A_809 : i32
        %while3A_811 = arith.constant 2 : i32
        %while3A_812 = scf.while (%while3A_813 = %cond3A_710) : (i32) -> i32 {
          %add3A_814 = arith.constant 16 : i32
          %add3A_815 = arith.addi %while3A_813, %add3A_814 : i32
          %get3A_816 = arith.index_cast %add3A_815 : i32 to index
          %get3A_817 = tpu.vector_load %arg6[%get3A_816] {strides = array<i32>} : memref<544xi32, #tpu.memory_space<vmem>>, vector<16xi32>,
          %slice3A_818 = vector.extract_strided_slice %get3A_817 {offsets = [0], sizes = [1], strides = [1]} : vector<16xi32> to vector<1xi32>
          %squeeze3A_819 = vector.extract %slice3A_818[0] : i32 from vector<1xi32>
          %lt3A_820 = arith.constant 512 : i32
          %lt3A_821 = arith.cmpi slt, %while3A_813, %lt3A_820 : i32
          %lt3A_822 = arith.cmpi slt, %squeeze3A_819, %mul3A_810 : i32
          %and3A_823 = arith.andi %lt3A_821, %lt3A_822 : i1
          scf.condition(%and3A_823) %while3A_813 : i32
        } do {
        ^bb0(%while3A_813: i32):
          %add3A_814 = arith.constant 16 : i32
          %add3A_815 = arith.addi %while3A_813, %add3A_814 : i32
          %get3A_816 = arith.index_cast %add3A_815 : i32 to index
          %get3A_817 = tpu.vector_load %arg6[%get3A_816] {strides = array<i32>} : memref<544xi32, #tpu.memory_space<vmem>>, vector<16xi32>,
          %slice3A_818 = vector.extract_strided_slice %get3A_817 {offsets = [0], sizes = [1], strides = [1]} : vector<16xi32> to vector<1xi32>
          %squeeze3A_819 = vector.extract %slice3A_818[0] : i32 from vector<1xi32>
          %get3A_820 = arith.index_cast %while3A_813 : i32 to index
          %get3A_821 = tpu.vector_load %arg7[%get3A_820] {strides = array<i32>} : memref<528xi32, #tpu.memory_space<vmem>>, vector<16xi32>,
          %slice3A_822 = vector.extract_strided_slice %get3A_821 {offsets = [0], sizes = [1], strides = [1]} : vector<16xi32> to vector<1xi32>
          %squeeze3A_823 = vector.extract %slice3A_822[0] : i32 from vector<1xi32>
          %broadcast_in_dim3A_824 = arith.constant 0 : i32
          %broadcast_in_dim3A_825 = vector.broadcast %broadcast_in_dim3A_824 : i32 to vector<16xi32>
          %sub3A_826 = arith.subi %squeeze3A_819, %min3A_806 : i32
          %add3A_827 = vector.broadcast %sub3A_826 : i32 to vector<16xi32>
          %add3A_828 = arith.addi %broadcast_in_dim3A_825, %add3A_827 : vector<16xi32>
          %add3A_829 = arith.constant 0 : i32
          %add3A_830 = vector.broadcast %add3A_829 : i32 to vector<16xi32>
          %add3A_831 = arith.addi %iota3A, %add3A_830 : vector<16xi32>
          %gather3A = arith.constant 0 : i32
          %gather3A_832 = arith.constant 0 : i32
          %gather3A_833 = tpu.memref_slice %arg9[%while3A_811, %gather3A, %gather3A_832] : memref<7x64x128xf32, #tpu.memory_space<vmem>> -> memref<1x64x128xf32, #tpu.memory_space<vmem>>
          %gather3A_834 = tpu.memref_squeeze %gather3A_833 : memref<1x64x128xf32, #tpu.memory_space<vmem>> -> memref<64x128xf32, #tpu.memory_space<vmem>>
          %gather3A_835 = tpu.vector_load_idx %gather3A_834[%add3A_831, %add3A_828] : memref<64x128xf32, #tpu.memory_space<vmem>>[vector<16xi32>, vector<16xi32>], vector<16xf32>,
          %swap3A_836 = arith.index_cast %while3A_813 : i32 to index
          %swap3A_837 = arith.constant 0 : index
          %swap3A_838 = tpu.vector_load %arg10[%swap3A_836, %swap3A_837] {strides = array<i32>} : memref<512x64xf32, #tpu.memory_space<vmem>>, vector<16xf32>,
          tpu.vector_store %arg10[%swap3A_836, %swap3A_837], %gather3A_835 {strides = array<i32>} : memref<512x64xf32, #tpu.memory_space<vmem>>, vector<16xf32>,
          %add3A_839 = arith.constant 16 : i32
          %add3A_840 = vector.broadcast %add3A_839 : i32 to vector<16xi32>
          %add3A_841 = arith.addi %iota3A, %add3A_840 : vector<16xi32>
          %gather3A_842 = arith.constant 0 : i32
          %gather3A_843 = arith.constant 0 : i32
          %gather3A_844 = tpu.memref_slice %arg9[%while3A_811, %gather3A_842, %gather3A_843] : memref<7x64x128xf32, #tpu.memory_space<vmem>> -> memref<1x64x128xf32, #tpu.memory_space<vmem>>
          %gather3A_845 = tpu.memref_squeeze %gather3A_844 : memref<1x64x128xf32, #tpu.memory_space<vmem>> -> memref<64x128xf32, #tpu.memory_space<vmem>>
          %gather3A_846 = tpu.vector_load_idx %gather3A_845[%add3A_841, %add3A_828] : memref<64x128xf32, #tpu.memory_space<vmem>>[vector<16xi32>, vector<16xi32>], vector<16xf32>,
          %swap3A_847 = arith.index_cast %while3A_813 : i32 to index
          %swap3A_848 = arith.constant 16 : index
          %swap3A_849 = tpu.vector_load %arg10[%swap3A_847, %swap3A_848] {strides = array<i32>} : memref<512x64xf32, #tpu.memory_space<vmem>>, vector<16xf32>,
          tpu.vector_store %arg10[%swap3A_847, %swap3A_848], %gather3A_846 {strides = array<i32>} : memref<512x64xf32, #tpu.memory_space<vmem>>, vector<16xf32>,
          %add3A_850 = arith.constant 32 : i32
          %add3A_851 = vector.broadcast %add3A_850 : i32 to vector<16xi32>
          %add3A_852 = arith.addi %iota3A, %add3A_851 : vector<16xi32>
          %gather3A_853 = arith.constant 0 : i32
          %gather3A_854 = arith.constant 0 : i32
          %gather3A_855 = tpu.memref_slice %arg9[%while3A_811, %gather3A_853, %gather3A_854] : memref<7x64x128xf32, #tpu.memory_space<vmem>> -> memref<1x64x128xf32, #tpu.memory_space<vmem>>
          %gather3A_856 = tpu.memref_squeeze %gather3A_855 : memref<1x64x128xf32, #tpu.memory_space<vmem>> -> memref<64x128xf32, #tpu.memory_space<vmem>>
          %gather3A_857 = tpu.vector_load_idx %gather3A_856[%add3A_852, %add3A_828] : memref<64x128xf32, #tpu.memory_space<vmem>>[vector<16xi32>, vector<16xi32>], vector<16xf32>,
          %swap3A_858 = arith.index_cast %while3A_813 : i32 to index
          %swap3A_859 = arith.constant 32 : index
          %swap3A_860 = tpu.vector_load %arg10[%swap3A_858, %swap3A_859] {strides = array<i32>} : memref<512x64xf32, #tpu.memory_space<vmem>>, vector<16xf32>,
          tpu.vector_store %arg10[%swap3A_858, %swap3A_859], %gather3A_857 {strides = array<i32>} : memref<512x64xf32, #tpu.memory_space<vmem>>, vector<16xf32>,
          %add3A_861 = arith.constant 48 : i32
          %add3A_862 = vector.broadcast %add3A_861 : i32 to vector<16xi32>
          %add3A_863 = arith.addi %iota3A, %add3A_862 : vector<16xi32>
          %gather3A_864 = arith.constant 0 : i32
          %gather3A_865 = arith.constant 0 : i32
          %gather3A_866 = tpu.memref_slice %arg9[%while3A_811, %gather3A_864, %gather3A_865] : memref<7x64x128xf32, #tpu.memory_space<vmem>> -> memref<1x64x128xf32, #tpu.memory_space<vmem>>
          %gather3A_867 = tpu.memref_squeeze %gather3A_866 : memref<1x64x128xf32, #tpu.memory_space<vmem>> -> memref<64x128xf32, #tpu.memory_space<vmem>>
          %gather3A_868 = tpu.vector_load_idx %gather3A_867[%add3A_863, %add3A_828] : memref<64x128xf32, #tpu.memory_space<vmem>>[vector<16xi32>, vector<16xi32>], vector<16xf32>,
          %swap3A_869 = arith.index_cast %while3A_813 : i32 to index
          %swap3A_870 = arith.constant 48 : index
          %swap3A_871 = tpu.vector_load %arg10[%swap3A_869, %swap3A_870] {strides = array<i32>} : memref<512x64xf32, #tpu.memory_space<vmem>>, vector<16xf32>,
          tpu.vector_store %arg10[%swap3A_869, %swap3A_870], %gather3A_868 {strides = array<i32>} : memref<512x64xf32, #tpu.memory_space<vmem>>, vector<16xf32>,
          %dma_start3A = arith.constant 0 : i32
          %dma_start3A_872 = tpu.memref_slice %arg10[%while3A_813, %dma_start3A] : memref<512x64xf32, #tpu.memory_space<vmem>> -> memref<1x64xf32, #tpu.memory_space<vmem>>
          %dma_start3A_873 = tpu.memref_squeeze %dma_start3A_872 : memref<1x64xf32, #tpu.memory_space<vmem>> -> memref<64xf32, #tpu.memory_space<vmem>>
          %dma_start3A_874 = arith.constant 0 : i32
          %dma_start3A_875 = tpu.memref_slice %arg5[%squeeze3A_823, %dma_start3A_874] : memref<16384x64xf32, #tpu.memory_space<hbm>> -> memref<1x64xf32, #tpu.memory_space<hbm>>
          %dma_start3A_876 = tpu.memref_squeeze %dma_start3A_875 : memref<1x64xf32, #tpu.memory_space<hbm>> -> memref<64xf32, #tpu.memory_space<hbm>>
          %dma_start3A_877 = arith.constant 0 : i32
          %dma_start3A_878 = tpu.memref_slice %arg5[%squeeze3A_823, %dma_start3A_877] : memref<16384x64xf32, #tpu.memory_space<hbm>> -> memref<1x64xf32, #tpu.memory_space<hbm>>
          %dma_start3A_879 = tpu.memref_squeeze %dma_start3A_878 : memref<1x64xf32, #tpu.memory_space<hbm>> -> memref<64xf32, #tpu.memory_space<hbm>>
          %dma_start3A_880 = arith.constant 0 : i32
          %dma_start3A_881 = tpu.memref_slice %arg10[%while3A_813, %dma_start3A_880] : memref<512x64xf32, #tpu.memory_space<vmem>> -> memref<1x64xf32, #tpu.memory_space<vmem>>
          %dma_start3A_882 = tpu.memref_squeeze %dma_start3A_881 : memref<1x64xf32, #tpu.memory_space<vmem>> -> memref<64xf32, #tpu.memory_space<vmem>>
          tpu.enqueue_dma source(%dma_start3A_882 : memref<64xf32, #tpu.memory_space<vmem>>) target(%dma_start3A_879 : memref<64xf32, #tpu.memory_space<hbm>>) target_semaphore(%arg18 : memref<!tpu.dma_semaphore, #tpu.memory_space<semaphore_mem>>)
          %add3A_883 = arith.constant 1 : i32
          %add3A_884 = arith.addi %while3A_813, %add3A_883 : i32
          scf.yield %add3A_884 : i32
        }
        scf.yield %while3A_812 : i32
      } else {
        scf.yield %cond3A_710 : i32
      }
      %add3A_728 = arith.constant 7 : i32
      %add3A_729 = arith.addi %add3A_718, %add3A_728 : i32
      %lt3A_730 = arith.cmpi slt, %add3A_729, %add3A_609 : i32
      %convert_element_type3A_731 = arith.extui %lt3A_730 : i1 to i32
      %cond3A_732 = arith.constant 0 : i32
      %cond3A_733 = arith.cmpi ne, %convert_element_type3A_731, %cond3A_732 : i32
      scf.if %cond3A_733 {
        %add3A_802 = arith.constant 7 : i32
        %add3A_803 = arith.addi %add3A_718, %add3A_802 : i32
        %get3A_804 = arith.index_cast %add3A_803 : i32 to index
        %get3A_805 = tpu.vector_load %arg8[%get3A_804] {strides = array<i32>} : memref<544xi32, #tpu.memory_space<vmem>>, vector<16xi32>,
        %slice3A = vector.extract_strided_slice %get3A_805 {offsets = [0], sizes = [1], strides = [1]} : vector<16xi32> to vector<1xi32>
        %squeeze3A = vector.extract %slice3A[0] : i32 from vector<1xi32>
        %mul3A_806 = arith.constant 128 : i32
        %mul3A_807 = arith.muli %squeeze3A, %mul3A_806 : i32
        %min3A = arith.constant 999936 : i32
        %min3A_808 = arith.minsi %mul3A_807, %min3A : i32
        %multiple_of3A = tpu.assume_multiple %min3A_808, 128 : i32
        %dma_start3A = arith.constant 2 : i32
        %dma_start3A_809 = arith.constant 0 : i32
        %dma_start3A_810 = arith.constant 0 : i32
        %dma_start3A_811 = tpu.memref_slice %arg9[%dma_start3A, %dma_start3A_809, %dma_start3A_810] : memref<7x64x128xf32, #tpu.memory_space<vmem>> -> memref<1x64x128xf32, #tpu.memory_space<vmem>>
        %dma_start3A_812 = tpu.memref_squeeze %dma_start3A_811 : memref<1x64x128xf32, #tpu.memory_space<vmem>> -> memref<64x128xf32, #tpu.memory_space<vmem>>
        %dma_start3A_813 = arith.constant 0 : i32
        %dma_start3A_814 = tpu.memref_slice %arg2[%dma_start3A_813, %multiple_of3A] : memref<64x1000000xf32, #tpu.memory_space<hbm>> -> memref<64x128xf32, #tpu.memory_space<hbm>>
        %dma_start3A_815 = arith.constant 0 : i32
        %dma_start3A_816 = arith.constant 0 : i32
        %dma_start3A_817 = tpu.memref_slice %arg9[%dma_start3A, %dma_start3A_815, %dma_start3A_816] : memref<7x64x128xf32, #tpu.memory_space<vmem>> -> memref<1x64x128xf32, #tpu.memory_space<vmem>>
        %dma_start3A_818 = tpu.memref_squeeze %dma_start3A_817 : memref<1x64x128xf32, #tpu.memory_space<vmem>> -> memref<64x128xf32, #tpu.memory_space<vmem>>
        %dma_start3A_819 = arith.constant 0 : i32
        %dma_start3A_820 = tpu.memref_slice %arg2[%dma_start3A_819, %multiple_of3A] : memref<64x1000000xf32, #tpu.memory_space<hbm>> -> memref<64x128xf32, #tpu.memory_space<hbm>>
        tpu.enqueue_dma source(%dma_start3A_820 : memref<64x128xf32, #tpu.memory_space<hbm>>) target(%dma_start3A_818 : memref<64x128xf32, #tpu.memory_space<vmem>>) target_semaphore(%arg13 : memref<!tpu.dma_semaphore, #tpu.memory_space<semaphore_mem>>)
      } else {
      }
      %add3A_734 = arith.constant 3 : i32
      %add3A_735 = arith.addi %mul3A_683, %add3A_734 : i32
      %lt3A_736 = arith.cmpi slt, %add3A_735, %add3A_609 : i32
      %convert_element_type3A_737 = arith.extui %lt3A_736 : i1 to i32
      %cond3A_738 = arith.constant 0 : i32
      %cond3A_739 = arith.cmpi ne, %convert_element_type3A_737, %cond3A_738 : i32
      scf.if %cond3A_739 {
        %dma_wait3A_802 = arith.constant 3 : i32
        %dma_wait3A_803 = arith.constant 0 : i32
        %dma_wait3A_804 = arith.constant 0 : i32
        %dma_wait3A_805 = tpu.memref_slice %arg9[%dma_wait3A_802, %dma_wait3A_803, %dma_wait3A_804] : memref<7x64x128xf32, #tpu.memory_space<vmem>> -> memref<1x64x128xf32, #tpu.memory_space<vmem>>
        %dma_wait3A_806 = tpu.memref_squeeze %dma_wait3A_805 : memref<1x64x128xf32, #tpu.memory_space<vmem>> -> memref<64x128xf32, #tpu.memory_space<vmem>>
        %dma_wait3A_807 = arith.constant 0 : i32
        %dma_wait3A_808 = arith.constant 0 : i32
        %dma_wait3A_809 = tpu.memref_slice %arg2[%dma_wait3A_807, %dma_wait3A_808] : memref<64x1000000xf32, #tpu.memory_space<hbm>> -> memref<64x128xf32, #tpu.memory_space<hbm>>
        %dma_wait3A_810 = arith.constant 0 : i32
        %dma_wait3A_811 = arith.constant 0 : i32
        %dma_wait3A_812 = tpu.memref_slice %arg9[%dma_wait3A_802, %dma_wait3A_810, %dma_wait3A_811] : memref<7x64x128xf32, #tpu.memory_space<vmem>> -> memref<1x64x128xf32, #tpu.memory_space<vmem>>
        %dma_wait3A_813 = tpu.memref_squeeze %dma_wait3A_812 : memref<1x64x128xf32, #tpu.memory_space<vmem>> -> memref<64x128xf32, #tpu.memory_space<vmem>>
        %dma_wait3A_814 = arith.constant 0 : i32
        %dma_wait3A_815 = arith.constant 0 : i32
        %dma_wait3A_816 = tpu.memref_slice %arg2[%dma_wait3A_814, %dma_wait3A_815] : memref<64x1000000xf32, #tpu.memory_space<hbm>> -> memref<64x128xf32, #tpu.memory_space<hbm>>
        tpu.wait_dma2 semaphore(%arg14 : memref<!tpu.dma_semaphore, #tpu.memory_space<semaphore_mem>>) src(%dma_wait3A_816 : memref<64x128xf32, #tpu.memory_space<hbm>>) dst(%dma_wait3A_813 : memref<64x128xf32, #tpu.memory_space<vmem>>)
      } else {
      }
      %lt3A_740 = arith.cmpi slt, %add3A_735, %add3A_609 : i32
      %convert_element_type3A_741 = arith.extui %lt3A_740 : i1 to i32
      %cond3A_742 = arith.constant 0 : i32
      %cond3A_743 = arith.cmpi ne, %convert_element_type3A_741, %cond3A_742 : i32
      %cond3A_744 = scf.if %cond3A_743 -> (i32) {
        %get3A_802 = arith.index_cast %add3A_735 : i32 to index
        %get3A_803 = tpu.vector_load %arg8[%get3A_802] {strides = array<i32>} : memref<544xi32, #tpu.memory_space<vmem>>, vector<16xi32>,
        %slice3A = vector.extract_strided_slice %get3A_803 {offsets = [0], sizes = [1], strides = [1]} : vector<16xi32> to vector<1xi32>
        %squeeze3A = vector.extract %slice3A[0] : i32 from vector<1xi32>
        %mul3A_804 = arith.constant 128 : i32
        %mul3A_805 = arith.muli %squeeze3A, %mul3A_804 : i32
        %min3A = arith.constant 999936 : i32
        %min3A_806 = arith.minsi %mul3A_805, %min3A : i32
        %add3A_807 = arith.constant 1 : i32
        %add3A_808 = arith.addi %squeeze3A, %add3A_807 : i32
        %mul3A_809 = arith.constant 128 : i32
        %mul3A_810 = arith.muli %add3A_808, %mul3A_809 : i32
        %while3A_811 = arith.constant 3 : i32
        %while3A_812 = scf.while (%while3A_813 = %cond3A_727) : (i32) -> i32 {
          %add3A_814 = arith.constant 16 : i32
          %add3A_815 = arith.addi %while3A_813, %add3A_814 : i32
          %get3A_816 = arith.index_cast %add3A_815 : i32 to index
          %get3A_817 = tpu.vector_load %arg6[%get3A_816] {strides = array<i32>} : memref<544xi32, #tpu.memory_space<vmem>>, vector<16xi32>,
          %slice3A_818 = vector.extract_strided_slice %get3A_817 {offsets = [0], sizes = [1], strides = [1]} : vector<16xi32> to vector<1xi32>
          %squeeze3A_819 = vector.extract %slice3A_818[0] : i32 from vector<1xi32>
          %lt3A_820 = arith.constant 512 : i32
          %lt3A_821 = arith.cmpi slt, %while3A_813, %lt3A_820 : i32
          %lt3A_822 = arith.cmpi slt, %squeeze3A_819, %mul3A_810 : i32
          %and3A_823 = arith.andi %lt3A_821, %lt3A_822 : i1
          scf.condition(%and3A_823) %while3A_813 : i32
        } do {
        ^bb0(%while3A_813: i32):
          %add3A_814 = arith.constant 16 : i32
          %add3A_815 = arith.addi %while3A_813, %add3A_814 : i32
          %get3A_816 = arith.index_cast %add3A_815 : i32 to index
          %get3A_817 = tpu.vector_load %arg6[%get3A_816] {strides = array<i32>} : memref<544xi32, #tpu.memory_space<vmem>>, vector<16xi32>,
          %slice3A_818 = vector.extract_strided_slice %get3A_817 {offsets = [0], sizes = [1], strides = [1]} : vector<16xi32> to vector<1xi32>
          %squeeze3A_819 = vector.extract %slice3A_818[0] : i32 from vector<1xi32>
          %get3A_820 = arith.index_cast %while3A_813 : i32 to index
          %get3A_821 = tpu.vector_load %arg7[%get3A_820] {strides = array<i32>} : memref<528xi32, #tpu.memory_space<vmem>>, vector<16xi32>,
          %slice3A_822 = vector.extract_strided_slice %get3A_821 {offsets = [0], sizes = [1], strides = [1]} : vector<16xi32> to vector<1xi32>
          %squeeze3A_823 = vector.extract %slice3A_822[0] : i32 from vector<1xi32>
          %broadcast_in_dim3A_824 = arith.constant 0 : i32
          %broadcast_in_dim3A_825 = vector.broadcast %broadcast_in_dim3A_824 : i32 to vector<16xi32>
          %sub3A_826 = arith.subi %squeeze3A_819, %min3A_806 : i32
          %add3A_827 = vector.broadcast %sub3A_826 : i32 to vector<16xi32>
          %add3A_828 = arith.addi %broadcast_in_dim3A_825, %add3A_827 : vector<16xi32>
          %add3A_829 = arith.constant 0 : i32
          %add3A_830 = vector.broadcast %add3A_829 : i32 to vector<16xi32>
          %add3A_831 = arith.addi %iota3A, %add3A_830 : vector<16xi32>
          %gather3A = arith.constant 0 : i32
          %gather3A_832 = arith.constant 0 : i32
          %gather3A_833 = tpu.memref_slice %arg9[%while3A_811, %gather3A, %gather3A_832] : memref<7x64x128xf32, #tpu.memory_space<vmem>> -> memref<1x64x128xf32, #tpu.memory_space<vmem>>
          %gather3A_834 = tpu.memref_squeeze %gather3A_833 : memref<1x64x128xf32, #tpu.memory_space<vmem>> -> memref<64x128xf32, #tpu.memory_space<vmem>>
          %gather3A_835 = tpu.vector_load_idx %gather3A_834[%add3A_831, %add3A_828] : memref<64x128xf32, #tpu.memory_space<vmem>>[vector<16xi32>, vector<16xi32>], vector<16xf32>,
          %swap3A_836 = arith.index_cast %while3A_813 : i32 to index
          %swap3A_837 = arith.constant 0 : index
          %swap3A_838 = tpu.vector_load %arg10[%swap3A_836, %swap3A_837] {strides = array<i32>} : memref<512x64xf32, #tpu.memory_space<vmem>>, vector<16xf32>,
          tpu.vector_store %arg10[%swap3A_836, %swap3A_837], %gather3A_835 {strides = array<i32>} : memref<512x64xf32, #tpu.memory_space<vmem>>, vector<16xf32>,
          %add3A_839 = arith.constant 16 : i32
          %add3A_840 = vector.broadcast %add3A_839 : i32 to vector<16xi32>
          %add3A_841 = arith.addi %iota3A, %add3A_840 : vector<16xi32>
          %gather3A_842 = arith.constant 0 : i32
          %gather3A_843 = arith.constant 0 : i32
          %gather3A_844 = tpu.memref_slice %arg9[%while3A_811, %gather3A_842, %gather3A_843] : memref<7x64x128xf32, #tpu.memory_space<vmem>> -> memref<1x64x128xf32, #tpu.memory_space<vmem>>
          %gather3A_845 = tpu.memref_squeeze %gather3A_844 : memref<1x64x128xf32, #tpu.memory_space<vmem>> -> memref<64x128xf32, #tpu.memory_space<vmem>>
          %gather3A_846 = tpu.vector_load_idx %gather3A_845[%add3A_841, %add3A_828] : memref<64x128xf32, #tpu.memory_space<vmem>>[vector<16xi32>, vector<16xi32>], vector<16xf32>,
          %swap3A_847 = arith.index_cast %while3A_813 : i32 to index
          %swap3A_848 = arith.constant 16 : index
          %swap3A_849 = tpu.vector_load %arg10[%swap3A_847, %swap3A_848] {strides = array<i32>} : memref<512x64xf32, #tpu.memory_space<vmem>>, vector<16xf32>,
          tpu.vector_store %arg10[%swap3A_847, %swap3A_848], %gather3A_846 {strides = array<i32>} : memref<512x64xf32, #tpu.memory_space<vmem>>, vector<16xf32>,
          %add3A_850 = arith.constant 32 : i32
          %add3A_851 = vector.broadcast %add3A_850 : i32 to vector<16xi32>
          %add3A_852 = arith.addi %iota3A, %add3A_851 : vector<16xi32>
          %gather3A_853 = arith.constant 0 : i32
          %gather3A_854 = arith.constant 0 : i32
          %gather3A_855 = tpu.memref_slice %arg9[%while3A_811, %gather3A_853, %gather3A_854] : memref<7x64x128xf32, #tpu.memory_space<vmem>> -> memref<1x64x128xf32, #tpu.memory_space<vmem>>
          %gather3A_856 = tpu.memref_squeeze %gather3A_855 : memref<1x64x128xf32, #tpu.memory_space<vmem>> -> memref<64x128xf32, #tpu.memory_space<vmem>>
          %gather3A_857 = tpu.vector_load_idx %gather3A_856[%add3A_852, %add3A_828] : memref<64x128xf32, #tpu.memory_space<vmem>>[vector<16xi32>, vector<16xi32>], vector<16xf32>,
          %swap3A_858 = arith.index_cast %while3A_813 : i32 to index
          %swap3A_859 = arith.constant 32 : index
          %swap3A_860 = tpu.vector_load %arg10[%swap3A_858, %swap3A_859] {strides = array<i32>} : memref<512x64xf32, #tpu.memory_space<vmem>>, vector<16xf32>,
          tpu.vector_store %arg10[%swap3A_858, %swap3A_859], %gather3A_857 {strides = array<i32>} : memref<512x64xf32, #tpu.memory_space<vmem>>, vector<16xf32>,
          %add3A_861 = arith.constant 48 : i32
          %add3A_862 = vector.broadcast %add3A_861 : i32 to vector<16xi32>
          %add3A_863 = arith.addi %iota3A, %add3A_862 : vector<16xi32>
          %gather3A_864 = arith.constant 0 : i32
          %gather3A_865 = arith.constant 0 : i32
          %gather3A_866 = tpu.memref_slice %arg9[%while3A_811, %gather3A_864, %gather3A_865] : memref<7x64x128xf32, #tpu.memory_space<vmem>> -> memref<1x64x128xf32, #tpu.memory_space<vmem>>
          %gather3A_867 = tpu.memref_squeeze %gather3A_866 : memref<1x64x128xf32, #tpu.memory_space<vmem>> -> memref<64x128xf32, #tpu.memory_space<vmem>>
          %gather3A_868 = tpu.vector_load_idx %gather3A_867[%add3A_863, %add3A_828] : memref<64x128xf32, #tpu.memory_space<vmem>>[vector<16xi32>, vector<16xi32>], vector<16xf32>,
          %swap3A_869 = arith.index_cast %while3A_813 : i32 to index
          %swap3A_870 = arith.constant 48 : index
          %swap3A_871 = tpu.vector_load %arg10[%swap3A_869, %swap3A_870] {strides = array<i32>} : memref<512x64xf32, #tpu.memory_space<vmem>>, vector<16xf32>,
          tpu.vector_store %arg10[%swap3A_869, %swap3A_870], %gather3A_868 {strides = array<i32>} : memref<512x64xf32, #tpu.memory_space<vmem>>, vector<16xf32>,
          %dma_start3A = arith.constant 0 : i32
          %dma_start3A_872 = tpu.memref_slice %arg10[%while3A_813, %dma_start3A] : memref<512x64xf32, #tpu.memory_space<vmem>> -> memref<1x64xf32, #tpu.memory_space<vmem>>
          %dma_start3A_873 = tpu.memref_squeeze %dma_start3A_872 : memref<1x64xf32, #tpu.memory_space<vmem>> -> memref<64xf32, #tpu.memory_space<vmem>>
          %dma_start3A_874 = arith.constant 0 : i32
          %dma_start3A_875 = tpu.memref_slice %arg5[%squeeze3A_823, %dma_start3A_874] : memref<16384x64xf32, #tpu.memory_space<hbm>> -> memref<1x64xf32, #tpu.memory_space<hbm>>
          %dma_start3A_876 = tpu.memref_squeeze %dma_start3A_875 : memref<1x64xf32, #tpu.memory_space<hbm>> -> memref<64xf32, #tpu.memory_space<hbm>>
          %dma_start3A_877 = arith.constant 0 : i32
          %dma_start3A_878 = tpu.memref_slice %arg5[%squeeze3A_823, %dma_start3A_877] : memref<16384x64xf32, #tpu.memory_space<hbm>> -> memref<1x64xf32, #tpu.memory_space<hbm>>
          %dma_start3A_879 = tpu.memref_squeeze %dma_start3A_878 : memref<1x64xf32, #tpu.memory_space<hbm>> -> memref<64xf32, #tpu.memory_space<hbm>>
          %dma_start3A_880 = arith.constant 0 : i32
          %dma_start3A_881 = tpu.memref_slice %arg10[%while3A_813, %dma_start3A_880] : memref<512x64xf32, #tpu.memory_space<vmem>> -> memref<1x64xf32, #tpu.memory_space<vmem>>
          %dma_start3A_882 = tpu.memref_squeeze %dma_start3A_881 : memref<1x64xf32, #tpu.memory_space<vmem>> -> memref<64xf32, #tpu.memory_space<vmem>>
          tpu.enqueue_dma source(%dma_start3A_882 : memref<64xf32, #tpu.memory_space<vmem>>) target(%dma_start3A_879 : memref<64xf32, #tpu.memory_space<hbm>>) target_semaphore(%arg18 : memref<!tpu.dma_semaphore, #tpu.memory_space<semaphore_mem>>)
          %add3A_883 = arith.constant 1 : i32
          %add3A_884 = arith.addi %while3A_813, %add3A_883 : i32
          scf.yield %add3A_884 : i32
        }
        scf.yield %while3A_812 : i32
      } else {
        scf.yield %cond3A_727 : i32
      }
      %add3A_745 = arith.constant 7 : i32
      %add3A_746 = arith.addi %add3A_735, %add3A_745 : i32
      %lt3A_747 = arith.cmpi slt, %add3A_746, %add3A_609 : i32
      %convert_element_type3A_748 = arith.extui %lt3A_747 : i1 to i32
      %cond3A_749 = arith.constant 0 : i32
      %cond3A_750 = arith.cmpi ne, %convert_element_type3A_748, %cond3A_749 : i32
      scf.if %cond3A_750 {
        %add3A_802 = arith.constant 7 : i32
        %add3A_803 = arith.addi %add3A_735, %add3A_802 : i32
        %get3A_804 = arith.index_cast %add3A_803 : i32 to index
        %get3A_805 = tpu.vector_load %arg8[%get3A_804] {strides = array<i32>} : memref<544xi32, #tpu.memory_space<vmem>>, vector<16xi32>,
        %slice3A = vector.extract_strided_slice %get3A_805 {offsets = [0], sizes = [1], strides = [1]} : vector<16xi32> to vector<1xi32>
        %squeeze3A = vector.extract %slice3A[0] : i32 from vector<1xi32>
        %mul3A_806 = arith.constant 128 : i32
        %mul3A_807 = arith.muli %squeeze3A, %mul3A_806 : i32
        %min3A = arith.constant 999936 : i32
        %min3A_808 = arith.minsi %mul3A_807, %min3A : i32
        %multiple_of3A = tpu.assume_multiple %min3A_808, 128 : i32
        %dma_start3A = arith.constant 3 : i32
        %dma_start3A_809 = arith.constant 0 : i32
        %dma_start3A_810 = arith.constant 0 : i32
        %dma_start3A_811 = tpu.memref_slice %arg9[%dma_start3A, %dma_start3A_809, %dma_start3A_810] : memref<7x64x128xf32, #tpu.memory_space<vmem>> -> memref<1x64x128xf32, #tpu.memory_space<vmem>>
        %dma_start3A_812 = tpu.memref_squeeze %dma_start3A_811 : memref<1x64x128xf32, #tpu.memory_space<vmem>> -> memref<64x128xf32, #tpu.memory_space<vmem>>
        %dma_start3A_813 = arith.constant 0 : i32
        %dma_start3A_814 = tpu.memref_slice %arg2[%dma_start3A_813, %multiple_of3A] : memref<64x1000000xf32, #tpu.memory_space<hbm>> -> memref<64x128xf32, #tpu.memory_space<hbm>>
        %dma_start3A_815 = arith.constant 0 : i32
        %dma_start3A_816 = arith.constant 0 : i32
        %dma_start3A_817 = tpu.memref_slice %arg9[%dma_start3A, %dma_start3A_815, %dma_start3A_816] : memref<7x64x128xf32, #tpu.memory_space<vmem>> -> memref<1x64x128xf32, #tpu.memory_space<vmem>>
        %dma_start3A_818 = tpu.memref_squeeze %dma_start3A_817 : memref<1x64x128xf32, #tpu.memory_space<vmem>> -> memref<64x128xf32, #tpu.memory_space<vmem>>
        %dma_start3A_819 = arith.constant 0 : i32
        %dma_start3A_820 = tpu.memref_slice %arg2[%dma_start3A_819, %multiple_of3A] : memref<64x1000000xf32, #tpu.memory_space<hbm>> -> memref<64x128xf32, #tpu.memory_space<hbm>>
        tpu.enqueue_dma source(%dma_start3A_820 : memref<64x128xf32, #tpu.memory_space<hbm>>) target(%dma_start3A_818 : memref<64x128xf32, #tpu.memory_space<vmem>>) target_semaphore(%arg14 : memref<!tpu.dma_semaphore, #tpu.memory_space<semaphore_mem>>)
      } else {
      }
      %add3A_751 = arith.constant 4 : i32
      %add3A_752 = arith.addi %mul3A_683, %add3A_751 : i32
      %lt3A_753 = arith.cmpi slt, %add3A_752, %add3A_609 : i32
      %convert_element_type3A_754 = arith.extui %lt3A_753 : i1 to i32
      %cond3A_755 = arith.constant 0 : i32
      %cond3A_756 = arith.cmpi ne, %convert_element_type3A_754, %cond3A_755 : i32
      scf.if %cond3A_756 {
        %dma_wait3A_802 = arith.constant 4 : i32
        %dma_wait3A_803 = arith.constant 0 : i32
        %dma_wait3A_804 = arith.constant 0 : i32
        %dma_wait3A_805 = tpu.memref_slice %arg9[%dma_wait3A_802, %dma_wait3A_803, %dma_wait3A_804] : memref<7x64x128xf32, #tpu.memory_space<vmem>> -> memref<1x64x128xf32, #tpu.memory_space<vmem>>
        %dma_wait3A_806 = tpu.memref_squeeze %dma_wait3A_805 : memref<1x64x128xf32, #tpu.memory_space<vmem>> -> memref<64x128xf32, #tpu.memory_space<vmem>>
        %dma_wait3A_807 = arith.constant 0 : i32
        %dma_wait3A_808 = arith.constant 0 : i32
        %dma_wait3A_809 = tpu.memref_slice %arg2[%dma_wait3A_807, %dma_wait3A_808] : memref<64x1000000xf32, #tpu.memory_space<hbm>> -> memref<64x128xf32, #tpu.memory_space<hbm>>
        %dma_wait3A_810 = arith.constant 0 : i32
        %dma_wait3A_811 = arith.constant 0 : i32
        %dma_wait3A_812 = tpu.memref_slice %arg9[%dma_wait3A_802, %dma_wait3A_810, %dma_wait3A_811] : memref<7x64x128xf32, #tpu.memory_space<vmem>> -> memref<1x64x128xf32, #tpu.memory_space<vmem>>
        %dma_wait3A_813 = tpu.memref_squeeze %dma_wait3A_812 : memref<1x64x128xf32, #tpu.memory_space<vmem>> -> memref<64x128xf32, #tpu.memory_space<vmem>>
        %dma_wait3A_814 = arith.constant 0 : i32
        %dma_wait3A_815 = arith.constant 0 : i32
        %dma_wait3A_816 = tpu.memref_slice %arg2[%dma_wait3A_814, %dma_wait3A_815] : memref<64x1000000xf32, #tpu.memory_space<hbm>> -> memref<64x128xf32, #tpu.memory_space<hbm>>
        tpu.wait_dma2 semaphore(%arg15 : memref<!tpu.dma_semaphore, #tpu.memory_space<semaphore_mem>>) src(%dma_wait3A_816 : memref<64x128xf32, #tpu.memory_space<hbm>>) dst(%dma_wait3A_813 : memref<64x128xf32, #tpu.memory_space<vmem>>)
      } else {
      }
      %lt3A_757 = arith.cmpi slt, %add3A_752, %add3A_609 : i32
      %convert_element_type3A_758 = arith.extui %lt3A_757 : i1 to i32
      %cond3A_759 = arith.constant 0 : i32
      %cond3A_760 = arith.cmpi ne, %convert_element_type3A_758, %cond3A_759 : i32
      %cond3A_761 = scf.if %cond3A_760 -> (i32) {
        %get3A_802 = arith.index_cast %add3A_752 : i32 to index
        %get3A_803 = tpu.vector_load %arg8[%get3A_802] {strides = array<i32>} : memref<544xi32, #tpu.memory_space<vmem>>, vector<16xi32>,
        %slice3A = vector.extract_strided_slice %get3A_803 {offsets = [0], sizes = [1], strides = [1]} : vector<16xi32> to vector<1xi32>
        %squeeze3A = vector.extract %slice3A[0] : i32 from vector<1xi32>
        %mul3A_804 = arith.constant 128 : i32
        %mul3A_805 = arith.muli %squeeze3A, %mul3A_804 : i32
        %min3A = arith.constant 999936 : i32
        %min3A_806 = arith.minsi %mul3A_805, %min3A : i32
        %add3A_807 = arith.constant 1 : i32
        %add3A_808 = arith.addi %squeeze3A, %add3A_807 : i32
        %mul3A_809 = arith.constant 128 : i32
        %mul3A_810 = arith.muli %add3A_808, %mul3A_809 : i32
        %while3A_811 = arith.constant 4 : i32
        %while3A_812 = scf.while (%while3A_813 = %cond3A_744) : (i32) -> i32 {
          %add3A_814 = arith.constant 16 : i32
          %add3A_815 = arith.addi %while3A_813, %add3A_814 : i32
          %get3A_816 = arith.index_cast %add3A_815 : i32 to index
          %get3A_817 = tpu.vector_load %arg6[%get3A_816] {strides = array<i32>} : memref<544xi32, #tpu.memory_space<vmem>>, vector<16xi32>,
          %slice3A_818 = vector.extract_strided_slice %get3A_817 {offsets = [0], sizes = [1], strides = [1]} : vector<16xi32> to vector<1xi32>
          %squeeze3A_819 = vector.extract %slice3A_818[0] : i32 from vector<1xi32>
          %lt3A_820 = arith.constant 512 : i32
          %lt3A_821 = arith.cmpi slt, %while3A_813, %lt3A_820 : i32
          %lt3A_822 = arith.cmpi slt, %squeeze3A_819, %mul3A_810 : i32
          %and3A_823 = arith.andi %lt3A_821, %lt3A_822 : i1
          scf.condition(%and3A_823) %while3A_813 : i32
        } do {
        ^bb0(%while3A_813: i32):
          %add3A_814 = arith.constant 16 : i32
          %add3A_815 = arith.addi %while3A_813, %add3A_814 : i32
          %get3A_816 = arith.index_cast %add3A_815 : i32 to index
          %get3A_817 = tpu.vector_load %arg6[%get3A_816] {strides = array<i32>} : memref<544xi32, #tpu.memory_space<vmem>>, vector<16xi32>,
          %slice3A_818 = vector.extract_strided_slice %get3A_817 {offsets = [0], sizes = [1], strides = [1]} : vector<16xi32> to vector<1xi32>
          %squeeze3A_819 = vector.extract %slice3A_818[0] : i32 from vector<1xi32>
          %get3A_820 = arith.index_cast %while3A_813 : i32 to index
          %get3A_821 = tpu.vector_load %arg7[%get3A_820] {strides = array<i32>} : memref<528xi32, #tpu.memory_space<vmem>>, vector<16xi32>,
          %slice3A_822 = vector.extract_strided_slice %get3A_821 {offsets = [0], sizes = [1], strides = [1]} : vector<16xi32> to vector<1xi32>
          %squeeze3A_823 = vector.extract %slice3A_822[0] : i32 from vector<1xi32>
          %broadcast_in_dim3A_824 = arith.constant 0 : i32
          %broadcast_in_dim3A_825 = vector.broadcast %broadcast_in_dim3A_824 : i32 to vector<16xi32>
          %sub3A_826 = arith.subi %squeeze3A_819, %min3A_806 : i32
          %add3A_827 = vector.broadcast %sub3A_826 : i32 to vector<16xi32>
          %add3A_828 = arith.addi %broadcast_in_dim3A_825, %add3A_827 : vector<16xi32>
          %add3A_829 = arith.constant 0 : i32
          %add3A_830 = vector.broadcast %add3A_829 : i32 to vector<16xi32>
          %add3A_831 = arith.addi %iota3A, %add3A_830 : vector<16xi32>
          %gather3A = arith.constant 0 : i32
          %gather3A_832 = arith.constant 0 : i32
          %gather3A_833 = tpu.memref_slice %arg9[%while3A_811, %gather3A, %gather3A_832] : memref<7x64x128xf32, #tpu.memory_space<vmem>> -> memref<1x64x128xf32, #tpu.memory_space<vmem>>
          %gather3A_834 = tpu.memref_squeeze %gather3A_833 : memref<1x64x128xf32, #tpu.memory_space<vmem>> -> memref<64x128xf32, #tpu.memory_space<vmem>>
          %gather3A_835 = tpu.vector_load_idx %gather3A_834[%add3A_831, %add3A_828] : memref<64x128xf32, #tpu.memory_space<vmem>>[vector<16xi32>, vector<16xi32>], vector<16xf32>,
          %swap3A_836 = arith.index_cast %while3A_813 : i32 to index
          %swap3A_837 = arith.constant 0 : index
          %swap3A_838 = tpu.vector_load %arg10[%swap3A_836, %swap3A_837] {strides = array<i32>} : memref<512x64xf32, #tpu.memory_space<vmem>>, vector<16xf32>,
          tpu.vector_store %arg10[%swap3A_836, %swap3A_837], %gather3A_835 {strides = array<i32>} : memref<512x64xf32, #tpu.memory_space<vmem>>, vector<16xf32>,
          %add3A_839 = arith.constant 16 : i32
          %add3A_840 = vector.broadcast %add3A_839 : i32 to vector<16xi32>
          %add3A_841 = arith.addi %iota3A, %add3A_840 : vector<16xi32>
          %gather3A_842 = arith.constant 0 : i32
          %gather3A_843 = arith.constant 0 : i32
          %gather3A_844 = tpu.memref_slice %arg9[%while3A_811, %gather3A_842, %gather3A_843] : memref<7x64x128xf32, #tpu.memory_space<vmem>> -> memref<1x64x128xf32, #tpu.memory_space<vmem>>
          %gather3A_845 = tpu.memref_squeeze %gather3A_844 : memref<1x64x128xf32, #tpu.memory_space<vmem>> -> memref<64x128xf32, #tpu.memory_space<vmem>>
          %gather3A_846 = tpu.vector_load_idx %gather3A_845[%add3A_841, %add3A_828] : memref<64x128xf32, #tpu.memory_space<vmem>>[vector<16xi32>, vector<16xi32>], vector<16xf32>,
          %swap3A_847 = arith.index_cast %while3A_813 : i32 to index
          %swap3A_848 = arith.constant 16 : index
          %swap3A_849 = tpu.vector_load %arg10[%swap3A_847, %swap3A_848] {strides = array<i32>} : memref<512x64xf32, #tpu.memory_space<vmem>>, vector<16xf32>,
          tpu.vector_store %arg10[%swap3A_847, %swap3A_848], %gather3A_846 {strides = array<i32>} : memref<512x64xf32, #tpu.memory_space<vmem>>, vector<16xf32>,
          %add3A_850 = arith.constant 32 : i32
          %add3A_851 = vector.broadcast %add3A_850 : i32 to vector<16xi32>
          %add3A_852 = arith.addi %iota3A, %add3A_851 : vector<16xi32>
          %gather3A_853 = arith.constant 0 : i32
          %gather3A_854 = arith.constant 0 : i32
          %gather3A_855 = tpu.memref_slice %arg9[%while3A_811, %gather3A_853, %gather3A_854] : memref<7x64x128xf32, #tpu.memory_space<vmem>> -> memref<1x64x128xf32, #tpu.memory_space<vmem>>
          %gather3A_856 = tpu.memref_squeeze %gather3A_855 : memref<1x64x128xf32, #tpu.memory_space<vmem>> -> memref<64x128xf32, #tpu.memory_space<vmem>>
          %gather3A_857 = tpu.vector_load_idx %gather3A_856[%add3A_852, %add3A_828] : memref<64x128xf32, #tpu.memory_space<vmem>>[vector<16xi32>, vector<16xi32>], vector<16xf32>,
          %swap3A_858 = arith.index_cast %while3A_813 : i32 to index
          %swap3A_859 = arith.constant 32 : index
          %swap3A_860 = tpu.vector_load %arg10[%swap3A_858, %swap3A_859] {strides = array<i32>} : memref<512x64xf32, #tpu.memory_space<vmem>>, vector<16xf32>,
          tpu.vector_store %arg10[%swap3A_858, %swap3A_859], %gather3A_857 {strides = array<i32>} : memref<512x64xf32, #tpu.memory_space<vmem>>, vector<16xf32>,
          %add3A_861 = arith.constant 48 : i32
          %add3A_862 = vector.broadcast %add3A_861 : i32 to vector<16xi32>
          %add3A_863 = arith.addi %iota3A, %add3A_862 : vector<16xi32>
          %gather3A_864 = arith.constant 0 : i32
          %gather3A_865 = arith.constant 0 : i32
          %gather3A_866 = tpu.memref_slice %arg9[%while3A_811, %gather3A_864, %gather3A_865] : memref<7x64x128xf32, #tpu.memory_space<vmem>> -> memref<1x64x128xf32, #tpu.memory_space<vmem>>
          %gather3A_867 = tpu.memref_squeeze %gather3A_866 : memref<1x64x128xf32, #tpu.memory_space<vmem>> -> memref<64x128xf32, #tpu.memory_space<vmem>>
          %gather3A_868 = tpu.vector_load_idx %gather3A_867[%add3A_863, %add3A_828] : memref<64x128xf32, #tpu.memory_space<vmem>>[vector<16xi32>, vector<16xi32>], vector<16xf32>,
          %swap3A_869 = arith.index_cast %while3A_813 : i32 to index
          %swap3A_870 = arith.constant 48 : index
          %swap3A_871 = tpu.vector_load %arg10[%swap3A_869, %swap3A_870] {strides = array<i32>} : memref<512x64xf32, #tpu.memory_space<vmem>>, vector<16xf32>,
          tpu.vector_store %arg10[%swap3A_869, %swap3A_870], %gather3A_868 {strides = array<i32>} : memref<512x64xf32, #tpu.memory_space<vmem>>, vector<16xf32>,
          %dma_start3A = arith.constant 0 : i32
          %dma_start3A_872 = tpu.memref_slice %arg10[%while3A_813, %dma_start3A] : memref<512x64xf32, #tpu.memory_space<vmem>> -> memref<1x64xf32, #tpu.memory_space<vmem>>
          %dma_start3A_873 = tpu.memref_squeeze %dma_start3A_872 : memref<1x64xf32, #tpu.memory_space<vmem>> -> memref<64xf32, #tpu.memory_space<vmem>>
          %dma_start3A_874 = arith.constant 0 : i32
          %dma_start3A_875 = tpu.memref_slice %arg5[%squeeze3A_823, %dma_start3A_874] : memref<16384x64xf32, #tpu.memory_space<hbm>> -> memref<1x64xf32, #tpu.memory_space<hbm>>
          %dma_start3A_876 = tpu.memref_squeeze %dma_start3A_875 : memref<1x64xf32, #tpu.memory_space<hbm>> -> memref<64xf32, #tpu.memory_space<hbm>>
          %dma_start3A_877 = arith.constant 0 : i32
          %dma_start3A_878 = tpu.memref_slice %arg5[%squeeze3A_823, %dma_start3A_877] : memref<16384x64xf32, #tpu.memory_space<hbm>> -> memref<1x64xf32, #tpu.memory_space<hbm>>
          %dma_start3A_879 = tpu.memref_squeeze %dma_start3A_878 : memref<1x64xf32, #tpu.memory_space<hbm>> -> memref<64xf32, #tpu.memory_space<hbm>>
          %dma_start3A_880 = arith.constant 0 : i32
          %dma_start3A_881 = tpu.memref_slice %arg10[%while3A_813, %dma_start3A_880] : memref<512x64xf32, #tpu.memory_space<vmem>> -> memref<1x64xf32, #tpu.memory_space<vmem>>
          %dma_start3A_882 = tpu.memref_squeeze %dma_start3A_881 : memref<1x64xf32, #tpu.memory_space<vmem>> -> memref<64xf32, #tpu.memory_space<vmem>>
          tpu.enqueue_dma source(%dma_start3A_882 : memref<64xf32, #tpu.memory_space<vmem>>) target(%dma_start3A_879 : memref<64xf32, #tpu.memory_space<hbm>>) target_semaphore(%arg18 : memref<!tpu.dma_semaphore, #tpu.memory_space<semaphore_mem>>)
          %add3A_883 = arith.constant 1 : i32
          %add3A_884 = arith.addi %while3A_813, %add3A_883 : i32
          scf.yield %add3A_884 : i32
        }
        scf.yield %while3A_812 : i32
      } else {
        scf.yield %cond3A_744 : i32
      }
      %add3A_762 = arith.constant 7 : i32
      %add3A_763 = arith.addi %add3A_752, %add3A_762 : i32
      %lt3A_764 = arith.cmpi slt, %add3A_763, %add3A_609 : i32
      %convert_element_type3A_765 = arith.extui %lt3A_764 : i1 to i32
      %cond3A_766 = arith.constant 0 : i32
      %cond3A_767 = arith.cmpi ne, %convert_element_type3A_765, %cond3A_766 : i32
      scf.if %cond3A_767 {
        %add3A_802 = arith.constant 7 : i32
        %add3A_803 = arith.addi %add3A_752, %add3A_802 : i32
        %get3A_804 = arith.index_cast %add3A_803 : i32 to index
        %get3A_805 = tpu.vector_load %arg8[%get3A_804] {strides = array<i32>} : memref<544xi32, #tpu.memory_space<vmem>>, vector<16xi32>,
        %slice3A = vector.extract_strided_slice %get3A_805 {offsets = [0], sizes = [1], strides = [1]} : vector<16xi32> to vector<1xi32>
        %squeeze3A = vector.extract %slice3A[0] : i32 from vector<1xi32>
        %mul3A_806 = arith.constant 128 : i32
        %mul3A_807 = arith.muli %squeeze3A, %mul3A_806 : i32
        %min3A = arith.constant 999936 : i32
        %min3A_808 = arith.minsi %mul3A_807, %min3A : i32
        %multiple_of3A = tpu.assume_multiple %min3A_808, 128 : i32
        %dma_start3A = arith.constant 4 : i32
        %dma_start3A_809 = arith.constant 0 : i32
        %dma_start3A_810 = arith.constant 0 : i32
        %dma_start3A_811 = tpu.memref_slice %arg9[%dma_start3A, %dma_start3A_809, %dma_start3A_810] : memref<7x64x128xf32, #tpu.memory_space<vmem>> -> memref<1x64x128xf32, #tpu.memory_space<vmem>>
        %dma_start3A_812 = tpu.memref_squeeze %dma_start3A_811 : memref<1x64x128xf32, #tpu.memory_space<vmem>> -> memref<64x128xf32, #tpu.memory_space<vmem>>
        %dma_start3A_813 = arith.constant 0 : i32
        %dma_start3A_814 = tpu.memref_slice %arg2[%dma_start3A_813, %multiple_of3A] : memref<64x1000000xf32, #tpu.memory_space<hbm>> -> memref<64x128xf32, #tpu.memory_space<hbm>>
        %dma_start3A_815 = arith.constant 0 : i32
        %dma_start3A_816 = arith.constant 0 : i32
        %dma_start3A_817 = tpu.memref_slice %arg9[%dma_start3A, %dma_start3A_815, %dma_start3A_816] : memref<7x64x128xf32, #tpu.memory_space<vmem>> -> memref<1x64x128xf32, #tpu.memory_space<vmem>>
        %dma_start3A_818 = tpu.memref_squeeze %dma_start3A_817 : memref<1x64x128xf32, #tpu.memory_space<vmem>> -> memref<64x128xf32, #tpu.memory_space<vmem>>
        %dma_start3A_819 = arith.constant 0 : i32
        %dma_start3A_820 = tpu.memref_slice %arg2[%dma_start3A_819, %multiple_of3A] : memref<64x1000000xf32, #tpu.memory_space<hbm>> -> memref<64x128xf32, #tpu.memory_space<hbm>>
        tpu.enqueue_dma source(%dma_start3A_820 : memref<64x128xf32, #tpu.memory_space<hbm>>) target(%dma_start3A_818 : memref<64x128xf32, #tpu.memory_space<vmem>>) target_semaphore(%arg15 : memref<!tpu.dma_semaphore, #tpu.memory_space<semaphore_mem>>)
      } else {
      }
      %add3A_768 = arith.constant 5 : i32
      %add3A_769 = arith.addi %mul3A_683, %add3A_768 : i32
      %lt3A_770 = arith.cmpi slt, %add3A_769, %add3A_609 : i32
      %convert_element_type3A_771 = arith.extui %lt3A_770 : i1 to i32
      %cond3A_772 = arith.constant 0 : i32
      %cond3A_773 = arith.cmpi ne, %convert_element_type3A_771, %cond3A_772 : i32
      scf.if %cond3A_773 {
        %dma_wait3A_802 = arith.constant 5 : i32
        %dma_wait3A_803 = arith.constant 0 : i32
        %dma_wait3A_804 = arith.constant 0 : i32
        %dma_wait3A_805 = tpu.memref_slice %arg9[%dma_wait3A_802, %dma_wait3A_803, %dma_wait3A_804] : memref<7x64x128xf32, #tpu.memory_space<vmem>> -> memref<1x64x128xf32, #tpu.memory_space<vmem>>
        %dma_wait3A_806 = tpu.memref_squeeze %dma_wait3A_805 : memref<1x64x128xf32, #tpu.memory_space<vmem>> -> memref<64x128xf32, #tpu.memory_space<vmem>>
        %dma_wait3A_807 = arith.constant 0 : i32
        %dma_wait3A_808 = arith.constant 0 : i32
        %dma_wait3A_809 = tpu.memref_slice %arg2[%dma_wait3A_807, %dma_wait3A_808] : memref<64x1000000xf32, #tpu.memory_space<hbm>> -> memref<64x128xf32, #tpu.memory_space<hbm>>
        %dma_wait3A_810 = arith.constant 0 : i32
        %dma_wait3A_811 = arith.constant 0 : i32
        %dma_wait3A_812 = tpu.memref_slice %arg9[%dma_wait3A_802, %dma_wait3A_810, %dma_wait3A_811] : memref<7x64x128xf32, #tpu.memory_space<vmem>> -> memref<1x64x128xf32, #tpu.memory_space<vmem>>
        %dma_wait3A_813 = tpu.memref_squeeze %dma_wait3A_812 : memref<1x64x128xf32, #tpu.memory_space<vmem>> -> memref<64x128xf32, #tpu.memory_space<vmem>>
        %dma_wait3A_814 = arith.constant 0 : i32
        %dma_wait3A_815 = arith.constant 0 : i32
        %dma_wait3A_816 = tpu.memref_slice %arg2[%dma_wait3A_814, %dma_wait3A_815] : memref<64x1000000xf32, #tpu.memory_space<hbm>> -> memref<64x128xf32, #tpu.memory_space<hbm>>
        tpu.wait_dma2 semaphore(%arg16 : memref<!tpu.dma_semaphore, #tpu.memory_space<semaphore_mem>>) src(%dma_wait3A_816 : memref<64x128xf32, #tpu.memory_space<hbm>>) dst(%dma_wait3A_813 : memref<64x128xf32, #tpu.memory_space<vmem>>)
      } else {
      }
      %lt3A_774 = arith.cmpi slt, %add3A_769, %add3A_609 : i32
      %convert_element_type3A_775 = arith.extui %lt3A_774 : i1 to i32
      %cond3A_776 = arith.constant 0 : i32
      %cond3A_777 = arith.cmpi ne, %convert_element_type3A_775, %cond3A_776 : i32
      %cond3A_778 = scf.if %cond3A_777 -> (i32) {
        %get3A_802 = arith.index_cast %add3A_769 : i32 to index
        %get3A_803 = tpu.vector_load %arg8[%get3A_802] {strides = array<i32>} : memref<544xi32, #tpu.memory_space<vmem>>, vector<16xi32>,
        %slice3A = vector.extract_strided_slice %get3A_803 {offsets = [0], sizes = [1], strides = [1]} : vector<16xi32> to vector<1xi32>
        %squeeze3A = vector.extract %slice3A[0] : i32 from vector<1xi32>
        %mul3A_804 = arith.constant 128 : i32
        %mul3A_805 = arith.muli %squeeze3A, %mul3A_804 : i32
        %min3A = arith.constant 999936 : i32
        %min3A_806 = arith.minsi %mul3A_805, %min3A : i32
        %add3A_807 = arith.constant 1 : i32
        %add3A_808 = arith.addi %squeeze3A, %add3A_807 : i32
        %mul3A_809 = arith.constant 128 : i32
        %mul3A_810 = arith.muli %add3A_808, %mul3A_809 : i32
        %while3A_811 = arith.constant 5 : i32
        %while3A_812 = scf.while (%while3A_813 = %cond3A_761) : (i32) -> i32 {
          %add3A_814 = arith.constant 16 : i32
          %add3A_815 = arith.addi %while3A_813, %add3A_814 : i32
          %get3A_816 = arith.index_cast %add3A_815 : i32 to index
          %get3A_817 = tpu.vector_load %arg6[%get3A_816] {strides = array<i32>} : memref<544xi32, #tpu.memory_space<vmem>>, vector<16xi32>,
          %slice3A_818 = vector.extract_strided_slice %get3A_817 {offsets = [0], sizes = [1], strides = [1]} : vector<16xi32> to vector<1xi32>
          %squeeze3A_819 = vector.extract %slice3A_818[0] : i32 from vector<1xi32>
          %lt3A_820 = arith.constant 512 : i32
          %lt3A_821 = arith.cmpi slt, %while3A_813, %lt3A_820 : i32
          %lt3A_822 = arith.cmpi slt, %squeeze3A_819, %mul3A_810 : i32
          %and3A_823 = arith.andi %lt3A_821, %lt3A_822 : i1
          scf.condition(%and3A_823) %while3A_813 : i32
        } do {
        ^bb0(%while3A_813: i32):
          %add3A_814 = arith.constant 16 : i32
          %add3A_815 = arith.addi %while3A_813, %add3A_814 : i32
          %get3A_816 = arith.index_cast %add3A_815 : i32 to index
          %get3A_817 = tpu.vector_load %arg6[%get3A_816] {strides = array<i32>} : memref<544xi32, #tpu.memory_space<vmem>>, vector<16xi32>,
          %slice3A_818 = vector.extract_strided_slice %get3A_817 {offsets = [0], sizes = [1], strides = [1]} : vector<16xi32> to vector<1xi32>
          %squeeze3A_819 = vector.extract %slice3A_818[0] : i32 from vector<1xi32>
          %get3A_820 = arith.index_cast %while3A_813 : i32 to index
          %get3A_821 = tpu.vector_load %arg7[%get3A_820] {strides = array<i32>} : memref<528xi32, #tpu.memory_space<vmem>>, vector<16xi32>,
          %slice3A_822 = vector.extract_strided_slice %get3A_821 {offsets = [0], sizes = [1], strides = [1]} : vector<16xi32> to vector<1xi32>
          %squeeze3A_823 = vector.extract %slice3A_822[0] : i32 from vector<1xi32>
          %broadcast_in_dim3A_824 = arith.constant 0 : i32
          %broadcast_in_dim3A_825 = vector.broadcast %broadcast_in_dim3A_824 : i32 to vector<16xi32>
          %sub3A_826 = arith.subi %squeeze3A_819, %min3A_806 : i32
          %add3A_827 = vector.broadcast %sub3A_826 : i32 to vector<16xi32>
          %add3A_828 = arith.addi %broadcast_in_dim3A_825, %add3A_827 : vector<16xi32>
          %add3A_829 = arith.constant 0 : i32
          %add3A_830 = vector.broadcast %add3A_829 : i32 to vector<16xi32>
          %add3A_831 = arith.addi %iota3A, %add3A_830 : vector<16xi32>
          %gather3A = arith.constant 0 : i32
          %gather3A_832 = arith.constant 0 : i32
          %gather3A_833 = tpu.memref_slice %arg9[%while3A_811, %gather3A, %gather3A_832] : memref<7x64x128xf32, #tpu.memory_space<vmem>> -> memref<1x64x128xf32, #tpu.memory_space<vmem>>
          %gather3A_834 = tpu.memref_squeeze %gather3A_833 : memref<1x64x128xf32, #tpu.memory_space<vmem>> -> memref<64x128xf32, #tpu.memory_space<vmem>>
          %gather3A_835 = tpu.vector_load_idx %gather3A_834[%add3A_831, %add3A_828] : memref<64x128xf32, #tpu.memory_space<vmem>>[vector<16xi32>, vector<16xi32>], vector<16xf32>,
          %swap3A_836 = arith.index_cast %while3A_813 : i32 to index
          %swap3A_837 = arith.constant 0 : index
          %swap3A_838 = tpu.vector_load %arg10[%swap3A_836, %swap3A_837] {strides = array<i32>} : memref<512x64xf32, #tpu.memory_space<vmem>>, vector<16xf32>,
          tpu.vector_store %arg10[%swap3A_836, %swap3A_837], %gather3A_835 {strides = array<i32>} : memref<512x64xf32, #tpu.memory_space<vmem>>, vector<16xf32>,
          %add3A_839 = arith.constant 16 : i32
          %add3A_840 = vector.broadcast %add3A_839 : i32 to vector<16xi32>
          %add3A_841 = arith.addi %iota3A, %add3A_840 : vector<16xi32>
          %gather3A_842 = arith.constant 0 : i32
          %gather3A_843 = arith.constant 0 : i32
          %gather3A_844 = tpu.memref_slice %arg9[%while3A_811, %gather3A_842, %gather3A_843] : memref<7x64x128xf32, #tpu.memory_space<vmem>> -> memref<1x64x128xf32, #tpu.memory_space<vmem>>
          %gather3A_845 = tpu.memref_squeeze %gather3A_844 : memref<1x64x128xf32, #tpu.memory_space<vmem>> -> memref<64x128xf32, #tpu.memory_space<vmem>>
          %gather3A_846 = tpu.vector_load_idx %gather3A_845[%add3A_841, %add3A_828] : memref<64x128xf32, #tpu.memory_space<vmem>>[vector<16xi32>, vector<16xi32>], vector<16xf32>,
          %swap3A_847 = arith.index_cast %while3A_813 : i32 to index
          %swap3A_848 = arith.constant 16 : index
          %swap3A_849 = tpu.vector_load %arg10[%swap3A_847, %swap3A_848] {strides = array<i32>} : memref<512x64xf32, #tpu.memory_space<vmem>>, vector<16xf32>,
          tpu.vector_store %arg10[%swap3A_847, %swap3A_848], %gather3A_846 {strides = array<i32>} : memref<512x64xf32, #tpu.memory_space<vmem>>, vector<16xf32>,
          %add3A_850 = arith.constant 32 : i32
          %add3A_851 = vector.broadcast %add3A_850 : i32 to vector<16xi32>
          %add3A_852 = arith.addi %iota3A, %add3A_851 : vector<16xi32>
          %gather3A_853 = arith.constant 0 : i32
          %gather3A_854 = arith.constant 0 : i32
          %gather3A_855 = tpu.memref_slice %arg9[%while3A_811, %gather3A_853, %gather3A_854] : memref<7x64x128xf32, #tpu.memory_space<vmem>> -> memref<1x64x128xf32, #tpu.memory_space<vmem>>
          %gather3A_856 = tpu.memref_squeeze %gather3A_855 : memref<1x64x128xf32, #tpu.memory_space<vmem>> -> memref<64x128xf32, #tpu.memory_space<vmem>>
          %gather3A_857 = tpu.vector_load_idx %gather3A_856[%add3A_852, %add3A_828] : memref<64x128xf32, #tpu.memory_space<vmem>>[vector<16xi32>, vector<16xi32>], vector<16xf32>,
          %swap3A_858 = arith.index_cast %while3A_813 : i32 to index
          %swap3A_859 = arith.constant 32 : index
          %swap3A_860 = tpu.vector_load %arg10[%swap3A_858, %swap3A_859] {strides = array<i32>} : memref<512x64xf32, #tpu.memory_space<vmem>>, vector<16xf32>,
          tpu.vector_store %arg10[%swap3A_858, %swap3A_859], %gather3A_857 {strides = array<i32>} : memref<512x64xf32, #tpu.memory_space<vmem>>, vector<16xf32>,
          %add3A_861 = arith.constant 48 : i32
          %add3A_862 = vector.broadcast %add3A_861 : i32 to vector<16xi32>
          %add3A_863 = arith.addi %iota3A, %add3A_862 : vector<16xi32>
          %gather3A_864 = arith.constant 0 : i32
          %gather3A_865 = arith.constant 0 : i32
          %gather3A_866 = tpu.memref_slice %arg9[%while3A_811, %gather3A_864, %gather3A_865] : memref<7x64x128xf32, #tpu.memory_space<vmem>> -> memref<1x64x128xf32, #tpu.memory_space<vmem>>
          %gather3A_867 = tpu.memref_squeeze %gather3A_866 : memref<1x64x128xf32, #tpu.memory_space<vmem>> -> memref<64x128xf32, #tpu.memory_space<vmem>>
          %gather3A_868 = tpu.vector_load_idx %gather3A_867[%add3A_863, %add3A_828] : memref<64x128xf32, #tpu.memory_space<vmem>>[vector<16xi32>, vector<16xi32>], vector<16xf32>,
          %swap3A_869 = arith.index_cast %while3A_813 : i32 to index
          %swap3A_870 = arith.constant 48 : index
          %swap3A_871 = tpu.vector_load %arg10[%swap3A_869, %swap3A_870] {strides = array<i32>} : memref<512x64xf32, #tpu.memory_space<vmem>>, vector<16xf32>,
          tpu.vector_store %arg10[%swap3A_869, %swap3A_870], %gather3A_868 {strides = array<i32>} : memref<512x64xf32, #tpu.memory_space<vmem>>, vector<16xf32>,
          %dma_start3A = arith.constant 0 : i32
          %dma_start3A_872 = tpu.memref_slice %arg10[%while3A_813, %dma_start3A] : memref<512x64xf32, #tpu.memory_space<vmem>> -> memref<1x64xf32, #tpu.memory_space<vmem>>
          %dma_start3A_873 = tpu.memref_squeeze %dma_start3A_872 : memref<1x64xf32, #tpu.memory_space<vmem>> -> memref<64xf32, #tpu.memory_space<vmem>>
          %dma_start3A_874 = arith.constant 0 : i32
          %dma_start3A_875 = tpu.memref_slice %arg5[%squeeze3A_823, %dma_start3A_874] : memref<16384x64xf32, #tpu.memory_space<hbm>> -> memref<1x64xf32, #tpu.memory_space<hbm>>
          %dma_start3A_876 = tpu.memref_squeeze %dma_start3A_875 : memref<1x64xf32, #tpu.memory_space<hbm>> -> memref<64xf32, #tpu.memory_space<hbm>>
          %dma_start3A_877 = arith.constant 0 : i32
          %dma_start3A_878 = tpu.memref_slice %arg5[%squeeze3A_823, %dma_start3A_877] : memref<16384x64xf32, #tpu.memory_space<hbm>> -> memref<1x64xf32, #tpu.memory_space<hbm>>
          %dma_start3A_879 = tpu.memref_squeeze %dma_start3A_878 : memref<1x64xf32, #tpu.memory_space<hbm>> -> memref<64xf32, #tpu.memory_space<hbm>>
          %dma_start3A_880 = arith.constant 0 : i32
          %dma_start3A_881 = tpu.memref_slice %arg10[%while3A_813, %dma_start3A_880] : memref<512x64xf32, #tpu.memory_space<vmem>> -> memref<1x64xf32, #tpu.memory_space<vmem>>
          %dma_start3A_882 = tpu.memref_squeeze %dma_start3A_881 : memref<1x64xf32, #tpu.memory_space<vmem>> -> memref<64xf32, #tpu.memory_space<vmem>>
          tpu.enqueue_dma source(%dma_start3A_882 : memref<64xf32, #tpu.memory_space<vmem>>) target(%dma_start3A_879 : memref<64xf32, #tpu.memory_space<hbm>>) target_semaphore(%arg18 : memref<!tpu.dma_semaphore, #tpu.memory_space<semaphore_mem>>)
          %add3A_883 = arith.constant 1 : i32
          %add3A_884 = arith.addi %while3A_813, %add3A_883 : i32
          scf.yield %add3A_884 : i32
        }
        scf.yield %while3A_812 : i32
      } else {
        scf.yield %cond3A_761 : i32
      }
      %add3A_779 = arith.constant 7 : i32
      %add3A_780 = arith.addi %add3A_769, %add3A_779 : i32
      %lt3A_781 = arith.cmpi slt, %add3A_780, %add3A_609 : i32
      %convert_element_type3A_782 = arith.extui %lt3A_781 : i1 to i32
      %cond3A_783 = arith.constant 0 : i32
      %cond3A_784 = arith.cmpi ne, %convert_element_type3A_782, %cond3A_783 : i32
      scf.if %cond3A_784 {
        %add3A_802 = arith.constant 7 : i32
        %add3A_803 = arith.addi %add3A_769, %add3A_802 : i32
        %get3A_804 = arith.index_cast %add3A_803 : i32 to index
        %get3A_805 = tpu.vector_load %arg8[%get3A_804] {strides = array<i32>} : memref<544xi32, #tpu.memory_space<vmem>>, vector<16xi32>,
        %slice3A = vector.extract_strided_slice %get3A_805 {offsets = [0], sizes = [1], strides = [1]} : vector<16xi32> to vector<1xi32>
        %squeeze3A = vector.extract %slice3A[0] : i32 from vector<1xi32>
        %mul3A_806 = arith.constant 128 : i32
        %mul3A_807 = arith.muli %squeeze3A, %mul3A_806 : i32
        %min3A = arith.constant 999936 : i32
        %min3A_808 = arith.minsi %mul3A_807, %min3A : i32
        %multiple_of3A = tpu.assume_multiple %min3A_808, 128 : i32
        %dma_start3A = arith.constant 5 : i32
        %dma_start3A_809 = arith.constant 0 : i32
        %dma_start3A_810 = arith.constant 0 : i32
        %dma_start3A_811 = tpu.memref_slice %arg9[%dma_start3A, %dma_start3A_809, %dma_start3A_810] : memref<7x64x128xf32, #tpu.memory_space<vmem>> -> memref<1x64x128xf32, #tpu.memory_space<vmem>>
        %dma_start3A_812 = tpu.memref_squeeze %dma_start3A_811 : memref<1x64x128xf32, #tpu.memory_space<vmem>> -> memref<64x128xf32, #tpu.memory_space<vmem>>
        %dma_start3A_813 = arith.constant 0 : i32
        %dma_start3A_814 = tpu.memref_slice %arg2[%dma_start3A_813, %multiple_of3A] : memref<64x1000000xf32, #tpu.memory_space<hbm>> -> memref<64x128xf32, #tpu.memory_space<hbm>>
        %dma_start3A_815 = arith.constant 0 : i32
        %dma_start3A_816 = arith.constant 0 : i32
        %dma_start3A_817 = tpu.memref_slice %arg9[%dma_start3A, %dma_start3A_815, %dma_start3A_816] : memref<7x64x128xf32, #tpu.memory_space<vmem>> -> memref<1x64x128xf32, #tpu.memory_space<vmem>>
        %dma_start3A_818 = tpu.memref_squeeze %dma_start3A_817 : memref<1x64x128xf32, #tpu.memory_space<vmem>> -> memref<64x128xf32, #tpu.memory_space<vmem>>
        %dma_start3A_819 = arith.constant 0 : i32
        %dma_start3A_820 = tpu.memref_slice %arg2[%dma_start3A_819, %multiple_of3A] : memref<64x1000000xf32, #tpu.memory_space<hbm>> -> memref<64x128xf32, #tpu.memory_space<hbm>>
        tpu.enqueue_dma source(%dma_start3A_820 : memref<64x128xf32, #tpu.memory_space<hbm>>) target(%dma_start3A_818 : memref<64x128xf32, #tpu.memory_space<vmem>>) target_semaphore(%arg16 : memref<!tpu.dma_semaphore, #tpu.memory_space<semaphore_mem>>)
      } else {
      }
      %add3A_785 = arith.constant 6 : i32
      %add3A_786 = arith.addi %mul3A_683, %add3A_785 : i32
      %lt3A_787 = arith.cmpi slt, %add3A_786, %add3A_609 : i32
      %convert_element_type3A_788 = arith.extui %lt3A_787 : i1 to i32
      %cond3A_789 = arith.constant 0 : i32
      %cond3A_790 = arith.cmpi ne, %convert_element_type3A_788, %cond3A_789 : i32
      scf.if %cond3A_790 {
        %dma_wait3A_802 = arith.constant 6 : i32
        %dma_wait3A_803 = arith.constant 0 : i32
        %dma_wait3A_804 = arith.constant 0 : i32
        %dma_wait3A_805 = tpu.memref_slice %arg9[%dma_wait3A_802, %dma_wait3A_803, %dma_wait3A_804] : memref<7x64x128xf32, #tpu.memory_space<vmem>> -> memref<1x64x128xf32, #tpu.memory_space<vmem>>
        %dma_wait3A_806 = tpu.memref_squeeze %dma_wait3A_805 : memref<1x64x128xf32, #tpu.memory_space<vmem>> -> memref<64x128xf32, #tpu.memory_space<vmem>>
        %dma_wait3A_807 = arith.constant 0 : i32
        %dma_wait3A_808 = arith.constant 0 : i32
        %dma_wait3A_809 = tpu.memref_slice %arg2[%dma_wait3A_807, %dma_wait3A_808] : memref<64x1000000xf32, #tpu.memory_space<hbm>> -> memref<64x128xf32, #tpu.memory_space<hbm>>
        %dma_wait3A_810 = arith.constant 0 : i32
        %dma_wait3A_811 = arith.constant 0 : i32
        %dma_wait3A_812 = tpu.memref_slice %arg9[%dma_wait3A_802, %dma_wait3A_810, %dma_wait3A_811] : memref<7x64x128xf32, #tpu.memory_space<vmem>> -> memref<1x64x128xf32, #tpu.memory_space<vmem>>
        %dma_wait3A_813 = tpu.memref_squeeze %dma_wait3A_812 : memref<1x64x128xf32, #tpu.memory_space<vmem>> -> memref<64x128xf32, #tpu.memory_space<vmem>>
        %dma_wait3A_814 = arith.constant 0 : i32
        %dma_wait3A_815 = arith.constant 0 : i32
        %dma_wait3A_816 = tpu.memref_slice %arg2[%dma_wait3A_814, %dma_wait3A_815] : memref<64x1000000xf32, #tpu.memory_space<hbm>> -> memref<64x128xf32, #tpu.memory_space<hbm>>
        tpu.wait_dma2 semaphore(%arg17 : memref<!tpu.dma_semaphore, #tpu.memory_space<semaphore_mem>>) src(%dma_wait3A_816 : memref<64x128xf32, #tpu.memory_space<hbm>>) dst(%dma_wait3A_813 : memref<64x128xf32, #tpu.memory_space<vmem>>)
      } else {
      }
      %lt3A_791 = arith.cmpi slt, %add3A_786, %add3A_609 : i32
      %convert_element_type3A_792 = arith.extui %lt3A_791 : i1 to i32
      %cond3A_793 = arith.constant 0 : i32
      %cond3A_794 = arith.cmpi ne, %convert_element_type3A_792, %cond3A_793 : i32
      %cond3A_795 = scf.if %cond3A_794 -> (i32) {
        %get3A_802 = arith.index_cast %add3A_786 : i32 to index
        %get3A_803 = tpu.vector_load %arg8[%get3A_802] {strides = array<i32>} : memref<544xi32, #tpu.memory_space<vmem>>, vector<16xi32>,
        %slice3A = vector.extract_strided_slice %get3A_803 {offsets = [0], sizes = [1], strides = [1]} : vector<16xi32> to vector<1xi32>
        %squeeze3A = vector.extract %slice3A[0] : i32 from vector<1xi32>
        %mul3A_804 = arith.constant 128 : i32
        %mul3A_805 = arith.muli %squeeze3A, %mul3A_804 : i32
        %min3A = arith.constant 999936 : i32
        %min3A_806 = arith.minsi %mul3A_805, %min3A : i32
        %add3A_807 = arith.constant 1 : i32
        %add3A_808 = arith.addi %squeeze3A, %add3A_807 : i32
        %mul3A_809 = arith.constant 128 : i32
        %mul3A_810 = arith.muli %add3A_808, %mul3A_809 : i32
        %while3A_811 = arith.constant 6 : i32
        %while3A_812 = scf.while (%while3A_813 = %cond3A_778) : (i32) -> i32 {
          %add3A_814 = arith.constant 16 : i32
          %add3A_815 = arith.addi %while3A_813, %add3A_814 : i32
          %get3A_816 = arith.index_cast %add3A_815 : i32 to index
          %get3A_817 = tpu.vector_load %arg6[%get3A_816] {strides = array<i32>} : memref<544xi32, #tpu.memory_space<vmem>>, vector<16xi32>,
          %slice3A_818 = vector.extract_strided_slice %get3A_817 {offsets = [0], sizes = [1], strides = [1]} : vector<16xi32> to vector<1xi32>
          %squeeze3A_819 = vector.extract %slice3A_818[0] : i32 from vector<1xi32>
          %lt3A_820 = arith.constant 512 : i32
          %lt3A_821 = arith.cmpi slt, %while3A_813, %lt3A_820 : i32
          %lt3A_822 = arith.cmpi slt, %squeeze3A_819, %mul3A_810 : i32
          %and3A_823 = arith.andi %lt3A_821, %lt3A_822 : i1
          scf.condition(%and3A_823) %while3A_813 : i32
        } do {
        ^bb0(%while3A_813: i32):
          %add3A_814 = arith.constant 16 : i32
          %add3A_815 = arith.addi %while3A_813, %add3A_814 : i32
          %get3A_816 = arith.index_cast %add3A_815 : i32 to index
          %get3A_817 = tpu.vector_load %arg6[%get3A_816] {strides = array<i32>} : memref<544xi32, #tpu.memory_space<vmem>>, vector<16xi32>,
          %slice3A_818 = vector.extract_strided_slice %get3A_817 {offsets = [0], sizes = [1], strides = [1]} : vector<16xi32> to vector<1xi32>
          %squeeze3A_819 = vector.extract %slice3A_818[0] : i32 from vector<1xi32>
          %get3A_820 = arith.index_cast %while3A_813 : i32 to index
          %get3A_821 = tpu.vector_load %arg7[%get3A_820] {strides = array<i32>} : memref<528xi32, #tpu.memory_space<vmem>>, vector<16xi32>,
          %slice3A_822 = vector.extract_strided_slice %get3A_821 {offsets = [0], sizes = [1], strides = [1]} : vector<16xi32> to vector<1xi32>
          %squeeze3A_823 = vector.extract %slice3A_822[0] : i32 from vector<1xi32>
          %broadcast_in_dim3A_824 = arith.constant 0 : i32
          %broadcast_in_dim3A_825 = vector.broadcast %broadcast_in_dim3A_824 : i32 to vector<16xi32>
          %sub3A_826 = arith.subi %squeeze3A_819, %min3A_806 : i32
          %add3A_827 = vector.broadcast %sub3A_826 : i32 to vector<16xi32>
          %add3A_828 = arith.addi %broadcast_in_dim3A_825, %add3A_827 : vector<16xi32>
          %add3A_829 = arith.constant 0 : i32
          %add3A_830 = vector.broadcast %add3A_829 : i32 to vector<16xi32>
          %add3A_831 = arith.addi %iota3A, %add3A_830 : vector<16xi32>
          %gather3A = arith.constant 0 : i32
          %gather3A_832 = arith.constant 0 : i32
          %gather3A_833 = tpu.memref_slice %arg9[%while3A_811, %gather3A, %gather3A_832] : memref<7x64x128xf32, #tpu.memory_space<vmem>> -> memref<1x64x128xf32, #tpu.memory_space<vmem>>
          %gather3A_834 = tpu.memref_squeeze %gather3A_833 : memref<1x64x128xf32, #tpu.memory_space<vmem>> -> memref<64x128xf32, #tpu.memory_space<vmem>>
          %gather3A_835 = tpu.vector_load_idx %gather3A_834[%add3A_831, %add3A_828] : memref<64x128xf32, #tpu.memory_space<vmem>>[vector<16xi32>, vector<16xi32>], vector<16xf32>,
          %swap3A_836 = arith.index_cast %while3A_813 : i32 to index
          %swap3A_837 = arith.constant 0 : index
          %swap3A_838 = tpu.vector_load %arg10[%swap3A_836, %swap3A_837] {strides = array<i32>} : memref<512x64xf32, #tpu.memory_space<vmem>>, vector<16xf32>,
          tpu.vector_store %arg10[%swap3A_836, %swap3A_837], %gather3A_835 {strides = array<i32>} : memref<512x64xf32, #tpu.memory_space<vmem>>, vector<16xf32>,
          %add3A_839 = arith.constant 16 : i32
          %add3A_840 = vector.broadcast %add3A_839 : i32 to vector<16xi32>
          %add3A_841 = arith.addi %iota3A, %add3A_840 : vector<16xi32>
          %gather3A_842 = arith.constant 0 : i32
          %gather3A_843 = arith.constant 0 : i32
          %gather3A_844 = tpu.memref_slice %arg9[%while3A_811, %gather3A_842, %gather3A_843] : memref<7x64x128xf32, #tpu.memory_space<vmem>> -> memref<1x64x128xf32, #tpu.memory_space<vmem>>
          %gather3A_845 = tpu.memref_squeeze %gather3A_844 : memref<1x64x128xf32, #tpu.memory_space<vmem>> -> memref<64x128xf32, #tpu.memory_space<vmem>>
          %gather3A_846 = tpu.vector_load_idx %gather3A_845[%add3A_841, %add3A_828] : memref<64x128xf32, #tpu.memory_space<vmem>>[vector<16xi32>, vector<16xi32>], vector<16xf32>,
          %swap3A_847 = arith.index_cast %while3A_813 : i32 to index
          %swap3A_848 = arith.constant 16 : index
          %swap3A_849 = tpu.vector_load %arg10[%swap3A_847, %swap3A_848] {strides = array<i32>} : memref<512x64xf32, #tpu.memory_space<vmem>>, vector<16xf32>,
          tpu.vector_store %arg10[%swap3A_847, %swap3A_848], %gather3A_846 {strides = array<i32>} : memref<512x64xf32, #tpu.memory_space<vmem>>, vector<16xf32>,
          %add3A_850 = arith.constant 32 : i32
          %add3A_851 = vector.broadcast %add3A_850 : i32 to vector<16xi32>
          %add3A_852 = arith.addi %iota3A, %add3A_851 : vector<16xi32>
          %gather3A_853 = arith.constant 0 : i32
          %gather3A_854 = arith.constant 0 : i32
          %gather3A_855 = tpu.memref_slice %arg9[%while3A_811, %gather3A_853, %gather3A_854] : memref<7x64x128xf32, #tpu.memory_space<vmem>> -> memref<1x64x128xf32, #tpu.memory_space<vmem>>
          %gather3A_856 = tpu.memref_squeeze %gather3A_855 : memref<1x64x128xf32, #tpu.memory_space<vmem>> -> memref<64x128xf32, #tpu.memory_space<vmem>>
          %gather3A_857 = tpu.vector_load_idx %gather3A_856[%add3A_852, %add3A_828] : memref<64x128xf32, #tpu.memory_space<vmem>>[vector<16xi32>, vector<16xi32>], vector<16xf32>,
          %swap3A_858 = arith.index_cast %while3A_813 : i32 to index
          %swap3A_859 = arith.constant 32 : index
          %swap3A_860 = tpu.vector_load %arg10[%swap3A_858, %swap3A_859] {strides = array<i32>} : memref<512x64xf32, #tpu.memory_space<vmem>>, vector<16xf32>,
          tpu.vector_store %arg10[%swap3A_858, %swap3A_859], %gather3A_857 {strides = array<i32>} : memref<512x64xf32, #tpu.memory_space<vmem>>, vector<16xf32>,
          %add3A_861 = arith.constant 48 : i32
          %add3A_862 = vector.broadcast %add3A_861 : i32 to vector<16xi32>
          %add3A_863 = arith.addi %iota3A, %add3A_862 : vector<16xi32>
          %gather3A_864 = arith.constant 0 : i32
          %gather3A_865 = arith.constant 0 : i32
          %gather3A_866 = tpu.memref_slice %arg9[%while3A_811, %gather3A_864, %gather3A_865] : memref<7x64x128xf32, #tpu.memory_space<vmem>> -> memref<1x64x128xf32, #tpu.memory_space<vmem>>
          %gather3A_867 = tpu.memref_squeeze %gather3A_866 : memref<1x64x128xf32, #tpu.memory_space<vmem>> -> memref<64x128xf32, #tpu.memory_space<vmem>>
          %gather3A_868 = tpu.vector_load_idx %gather3A_867[%add3A_863, %add3A_828] : memref<64x128xf32, #tpu.memory_space<vmem>>[vector<16xi32>, vector<16xi32>], vector<16xf32>,
          %swap3A_869 = arith.index_cast %while3A_813 : i32 to index
          %swap3A_870 = arith.constant 48 : index
          %swap3A_871 = tpu.vector_load %arg10[%swap3A_869, %swap3A_870] {strides = array<i32>} : memref<512x64xf32, #tpu.memory_space<vmem>>, vector<16xf32>,
          tpu.vector_store %arg10[%swap3A_869, %swap3A_870], %gather3A_868 {strides = array<i32>} : memref<512x64xf32, #tpu.memory_space<vmem>>, vector<16xf32>,
          %dma_start3A = arith.constant 0 : i32
          %dma_start3A_872 = tpu.memref_slice %arg10[%while3A_813, %dma_start3A] : memref<512x64xf32, #tpu.memory_space<vmem>> -> memref<1x64xf32, #tpu.memory_space<vmem>>
          %dma_start3A_873 = tpu.memref_squeeze %dma_start3A_872 : memref<1x64xf32, #tpu.memory_space<vmem>> -> memref<64xf32, #tpu.memory_space<vmem>>
          %dma_start3A_874 = arith.constant 0 : i32
          %dma_start3A_875 = tpu.memref_slice %arg5[%squeeze3A_823, %dma_start3A_874] : memref<16384x64xf32, #tpu.memory_space<hbm>> -> memref<1x64xf32, #tpu.memory_space<hbm>>
          %dma_start3A_876 = tpu.memref_squeeze %dma_start3A_875 : memref<1x64xf32, #tpu.memory_space<hbm>> -> memref<64xf32, #tpu.memory_space<hbm>>
          %dma_start3A_877 = arith.constant 0 : i32
          %dma_start3A_878 = tpu.memref_slice %arg5[%squeeze3A_823, %dma_start3A_877] : memref<16384x64xf32, #tpu.memory_space<hbm>> -> memref<1x64xf32, #tpu.memory_space<hbm>>
          %dma_start3A_879 = tpu.memref_squeeze %dma_start3A_878 : memref<1x64xf32, #tpu.memory_space<hbm>> -> memref<64xf32, #tpu.memory_space<hbm>>
          %dma_start3A_880 = arith.constant 0 : i32
          %dma_start3A_881 = tpu.memref_slice %arg10[%while3A_813, %dma_start3A_880] : memref<512x64xf32, #tpu.memory_space<vmem>> -> memref<1x64xf32, #tpu.memory_space<vmem>>
          %dma_start3A_882 = tpu.memref_squeeze %dma_start3A_881 : memref<1x64xf32, #tpu.memory_space<vmem>> -> memref<64xf32, #tpu.memory_space<vmem>>
          tpu.enqueue_dma source(%dma_start3A_882 : memref<64xf32, #tpu.memory_space<vmem>>) target(%dma_start3A_879 : memref<64xf32, #tpu.memory_space<hbm>>) target_semaphore(%arg18 : memref<!tpu.dma_semaphore, #tpu.memory_space<semaphore_mem>>)
          %add3A_883 = arith.constant 1 : i32
          %add3A_884 = arith.addi %while3A_813, %add3A_883 : i32
          scf.yield %add3A_884 : i32
        }
        scf.yield %while3A_812 : i32
      } else {
        scf.yield %cond3A_778 : i32
      }
      %add3A_796 = arith.constant 7 : i32
      %add3A_797 = arith.addi %add3A_786, %add3A_796 : i32
      %lt3A_798 = arith.cmpi slt, %add3A_797, %add3A_609 : i32
      %convert_element_type3A_799 = arith.extui %lt3A_798 : i1 to i32
      %cond3A_800 = arith.constant 0 : i32
      %cond3A_801 = arith.cmpi ne, %convert_element_type3A_799, %cond3A_800 : i32
      scf.if %cond3A_801 {
        %add3A_802 = arith.constant 7 : i32
        %add3A_803 = arith.addi %add3A_786, %add3A_802 : i32
        %get3A_804 = arith.index_cast %add3A_803 : i32 to index
        %get3A_805 = tpu.vector_load %arg8[%get3A_804] {strides = array<i32>} : memref<544xi32, #tpu.memory_space<vmem>>, vector<16xi32>,
        %slice3A = vector.extract_strided_slice %get3A_805 {offsets = [0], sizes = [1], strides = [1]} : vector<16xi32> to vector<1xi32>
        %squeeze3A = vector.extract %slice3A[0] : i32 from vector<1xi32>
        %mul3A_806 = arith.constant 128 : i32
        %mul3A_807 = arith.muli %squeeze3A, %mul3A_806 : i32
        %min3A = arith.constant 999936 : i32
        %min3A_808 = arith.minsi %mul3A_807, %min3A : i32
        %multiple_of3A = tpu.assume_multiple %min3A_808, 128 : i32
        %dma_start3A = arith.constant 6 : i32
        %dma_start3A_809 = arith.constant 0 : i32
        %dma_start3A_810 = arith.constant 0 : i32
        %dma_start3A_811 = tpu.memref_slice %arg9[%dma_start3A, %dma_start3A_809, %dma_start3A_810] : memref<7x64x128xf32, #tpu.memory_space<vmem>> -> memref<1x64x128xf32, #tpu.memory_space<vmem>>
        %dma_start3A_812 = tpu.memref_squeeze %dma_start3A_811 : memref<1x64x128xf32, #tpu.memory_space<vmem>> -> memref<64x128xf32, #tpu.memory_space<vmem>>
        %dma_start3A_813 = arith.constant 0 : i32
        %dma_start3A_814 = tpu.memref_slice %arg2[%dma_start3A_813, %multiple_of3A] : memref<64x1000000xf32, #tpu.memory_space<hbm>> -> memref<64x128xf32, #tpu.memory_space<hbm>>
        %dma_start3A_815 = arith.constant 0 : i32
        %dma_start3A_816 = arith.constant 0 : i32
        %dma_start3A_817 = tpu.memref_slice %arg9[%dma_start3A, %dma_start3A_815, %dma_start3A_816] : memref<7x64x128xf32, #tpu.memory_space<vmem>> -> memref<1x64x128xf32, #tpu.memory_space<vmem>>
        %dma_start3A_818 = tpu.memref_squeeze %dma_start3A_817 : memref<1x64x128xf32, #tpu.memory_space<vmem>> -> memref<64x128xf32, #tpu.memory_space<vmem>>
        %dma_start3A_819 = arith.constant 0 : i32
        %dma_start3A_820 = tpu.memref_slice %arg2[%dma_start3A_819, %multiple_of3A] : memref<64x1000000xf32, #tpu.memory_space<hbm>> -> memref<64x128xf32, #tpu.memory_space<hbm>>
        tpu.enqueue_dma source(%dma_start3A_820 : memref<64x128xf32, #tpu.memory_space<hbm>>) target(%dma_start3A_818 : memref<64x128xf32, #tpu.memory_space<vmem>>) target_semaphore(%arg17 : memref<!tpu.dma_semaphore, #tpu.memory_space<semaphore_mem>>)
      } else {
      }
      scf.yield %cond3A_795 : i32
    }
    %while3A_673 = arith.constant 1 : i32
    %while3A_674 = scf.for %while3A_680 = %while3A_670 to %while3A_666 step %while3A_673 iter_args(%while3A_681 = %while3A_672) -> (i32)  : i32 {
      %mul3A_682 = arith.constant 7 : i32
      %mul3A_683 = arith.muli %while3A_680, %mul3A_682 : i32
      %add3A_684 = arith.constant 0 : i32
      %add3A_685 = arith.addi %mul3A_683, %add3A_684 : i32
      %lt3A = arith.cmpi slt, %add3A_685, %add3A_609 : i32
      %convert_element_type3A_686 = arith.extui %lt3A : i1 to i32
      %cond3A_687 = arith.constant 0 : i32
      %cond3A_688 = arith.cmpi ne, %convert_element_type3A_686, %cond3A_687 : i32
      scf.if %cond3A_688 {
        %dma_wait3A_802 = arith.constant 0 : i32
        %dma_wait3A_803 = arith.constant 0 : i32
        %dma_wait3A_804 = arith.constant 0 : i32
        %dma_wait3A_805 = tpu.memref_slice %arg9[%dma_wait3A_802, %dma_wait3A_803, %dma_wait3A_804] : memref<7x64x128xf32, #tpu.memory_space<vmem>> -> memref<1x64x128xf32, #tpu.memory_space<vmem>>
        %dma_wait3A_806 = tpu.memref_squeeze %dma_wait3A_805 : memref<1x64x128xf32, #tpu.memory_space<vmem>> -> memref<64x128xf32, #tpu.memory_space<vmem>>
        %dma_wait3A_807 = arith.constant 0 : i32
        %dma_wait3A_808 = arith.constant 0 : i32
        %dma_wait3A_809 = tpu.memref_slice %arg2[%dma_wait3A_807, %dma_wait3A_808] : memref<64x1000000xf32, #tpu.memory_space<hbm>> -> memref<64x128xf32, #tpu.memory_space<hbm>>
        %dma_wait3A_810 = arith.constant 0 : i32
        %dma_wait3A_811 = arith.constant 0 : i32
        %dma_wait3A_812 = tpu.memref_slice %arg9[%dma_wait3A_802, %dma_wait3A_810, %dma_wait3A_811] : memref<7x64x128xf32, #tpu.memory_space<vmem>> -> memref<1x64x128xf32, #tpu.memory_space<vmem>>
        %dma_wait3A_813 = tpu.memref_squeeze %dma_wait3A_812 : memref<1x64x128xf32, #tpu.memory_space<vmem>> -> memref<64x128xf32, #tpu.memory_space<vmem>>
        %dma_wait3A_814 = arith.constant 0 : i32
        %dma_wait3A_815 = arith.constant 0 : i32
        %dma_wait3A_816 = tpu.memref_slice %arg2[%dma_wait3A_814, %dma_wait3A_815] : memref<64x1000000xf32, #tpu.memory_space<hbm>> -> memref<64x128xf32, #tpu.memory_space<hbm>>
        tpu.wait_dma2 semaphore(%arg11 : memref<!tpu.dma_semaphore, #tpu.memory_space<semaphore_mem>>) src(%dma_wait3A_816 : memref<64x128xf32, #tpu.memory_space<hbm>>) dst(%dma_wait3A_813 : memref<64x128xf32, #tpu.memory_space<vmem>>)
      } else {
      }
      %lt3A_689 = arith.cmpi slt, %add3A_685, %add3A_609 : i32
      %convert_element_type3A_690 = arith.extui %lt3A_689 : i1 to i32
      %cond3A_691 = arith.constant 0 : i32
      %cond3A_692 = arith.cmpi ne, %convert_element_type3A_690, %cond3A_691 : i32
      %cond3A_693 = scf.if %cond3A_692 -> (i32) {
        %get3A_802 = arith.index_cast %add3A_685 : i32 to index
        %get3A_803 = tpu.vector_load %arg8[%get3A_802] {strides = array<i32>} : memref<544xi32, #tpu.memory_space<vmem>>, vector<16xi32>,
        %slice3A = vector.extract_strided_slice %get3A_803 {offsets = [0], sizes = [1], strides = [1]} : vector<16xi32> to vector<1xi32>
        %squeeze3A = vector.extract %slice3A[0] : i32 from vector<1xi32>
        %mul3A_804 = arith.constant 128 : i32
        %mul3A_805 = arith.muli %squeeze3A, %mul3A_804 : i32
        %min3A = arith.constant 999936 : i32
        %min3A_806 = arith.minsi %mul3A_805, %min3A : i32
        %add3A_807 = arith.constant 1 : i32
        %add3A_808 = arith.addi %squeeze3A, %add3A_807 : i32
        %mul3A_809 = arith.constant 128 : i32
        %mul3A_810 = arith.muli %add3A_808, %mul3A_809 : i32
        %while3A_811 = arith.constant 0 : i32
        %while3A_812 = scf.while (%while3A_813 = %while3A_681) : (i32) -> i32 {
          %add3A_814 = arith.constant 16 : i32
          %add3A_815 = arith.addi %while3A_813, %add3A_814 : i32
          %get3A_816 = arith.index_cast %add3A_815 : i32 to index
          %get3A_817 = tpu.vector_load %arg6[%get3A_816] {strides = array<i32>} : memref<544xi32, #tpu.memory_space<vmem>>, vector<16xi32>,
          %slice3A_818 = vector.extract_strided_slice %get3A_817 {offsets = [0], sizes = [1], strides = [1]} : vector<16xi32> to vector<1xi32>
          %squeeze3A_819 = vector.extract %slice3A_818[0] : i32 from vector<1xi32>
          %lt3A_820 = arith.constant 512 : i32
          %lt3A_821 = arith.cmpi slt, %while3A_813, %lt3A_820 : i32
          %lt3A_822 = arith.cmpi slt, %squeeze3A_819, %mul3A_810 : i32
          %and3A_823 = arith.andi %lt3A_821, %lt3A_822 : i1
          scf.condition(%and3A_823) %while3A_813 : i32
        } do {
        ^bb0(%while3A_813: i32):
          %add3A_814 = arith.constant 16 : i32
          %add3A_815 = arith.addi %while3A_813, %add3A_814 : i32
          %get3A_816 = arith.index_cast %add3A_815 : i32 to index
          %get3A_817 = tpu.vector_load %arg6[%get3A_816] {strides = array<i32>} : memref<544xi32, #tpu.memory_space<vmem>>, vector<16xi32>,
          %slice3A_818 = vector.extract_strided_slice %get3A_817 {offsets = [0], sizes = [1], strides = [1]} : vector<16xi32> to vector<1xi32>
          %squeeze3A_819 = vector.extract %slice3A_818[0] : i32 from vector<1xi32>
          %get3A_820 = arith.index_cast %while3A_813 : i32 to index
          %get3A_821 = tpu.vector_load %arg7[%get3A_820] {strides = array<i32>} : memref<528xi32, #tpu.memory_space<vmem>>, vector<16xi32>,
          %slice3A_822 = vector.extract_strided_slice %get3A_821 {offsets = [0], sizes = [1], strides = [1]} : vector<16xi32> to vector<1xi32>
          %squeeze3A_823 = vector.extract %slice3A_822[0] : i32 from vector<1xi32>
          %broadcast_in_dim3A_824 = arith.constant 0 : i32
          %broadcast_in_dim3A_825 = vector.broadcast %broadcast_in_dim3A_824 : i32 to vector<16xi32>
          %sub3A_826 = arith.subi %squeeze3A_819, %min3A_806 : i32
          %add3A_827 = vector.broadcast %sub3A_826 : i32 to vector<16xi32>
          %add3A_828 = arith.addi %broadcast_in_dim3A_825, %add3A_827 : vector<16xi32>
          %add3A_829 = arith.constant 0 : i32
          %add3A_830 = vector.broadcast %add3A_829 : i32 to vector<16xi32>
          %add3A_831 = arith.addi %iota3A, %add3A_830 : vector<16xi32>
          %gather3A = arith.constant 0 : i32
          %gather3A_832 = arith.constant 0 : i32
          %gather3A_833 = tpu.memref_slice %arg9[%while3A_811, %gather3A, %gather3A_832] : memref<7x64x128xf32, #tpu.memory_space<vmem>> -> memref<1x64x128xf32, #tpu.memory_space<vmem>>
          %gather3A_834 = tpu.memref_squeeze %gather3A_833 : memref<1x64x128xf32, #tpu.memory_space<vmem>> -> memref<64x128xf32, #tpu.memory_space<vmem>>
          %gather3A_835 = tpu.vector_load_idx %gather3A_834[%add3A_831, %add3A_828] : memref<64x128xf32, #tpu.memory_space<vmem>>[vector<16xi32>, vector<16xi32>], vector<16xf32>,
          %swap3A_836 = arith.index_cast %while3A_813 : i32 to index
          %swap3A_837 = arith.constant 0 : index
          %swap3A_838 = tpu.vector_load %arg10[%swap3A_836, %swap3A_837] {strides = array<i32>} : memref<512x64xf32, #tpu.memory_space<vmem>>, vector<16xf32>,
          tpu.vector_store %arg10[%swap3A_836, %swap3A_837], %gather3A_835 {strides = array<i32>} : memref<512x64xf32, #tpu.memory_space<vmem>>, vector<16xf32>,
          %add3A_839 = arith.constant 16 : i32
          %add3A_840 = vector.broadcast %add3A_839 : i32 to vector<16xi32>
          %add3A_841 = arith.addi %iota3A, %add3A_840 : vector<16xi32>
          %gather3A_842 = arith.constant 0 : i32
          %gather3A_843 = arith.constant 0 : i32
          %gather3A_844 = tpu.memref_slice %arg9[%while3A_811, %gather3A_842, %gather3A_843] : memref<7x64x128xf32, #tpu.memory_space<vmem>> -> memref<1x64x128xf32, #tpu.memory_space<vmem>>
          %gather3A_845 = tpu.memref_squeeze %gather3A_844 : memref<1x64x128xf32, #tpu.memory_space<vmem>> -> memref<64x128xf32, #tpu.memory_space<vmem>>
          %gather3A_846 = tpu.vector_load_idx %gather3A_845[%add3A_841, %add3A_828] : memref<64x128xf32, #tpu.memory_space<vmem>>[vector<16xi32>, vector<16xi32>], vector<16xf32>,
          %swap3A_847 = arith.index_cast %while3A_813 : i32 to index
          %swap3A_848 = arith.constant 16 : index
          %swap3A_849 = tpu.vector_load %arg10[%swap3A_847, %swap3A_848] {strides = array<i32>} : memref<512x64xf32, #tpu.memory_space<vmem>>, vector<16xf32>,
          tpu.vector_store %arg10[%swap3A_847, %swap3A_848], %gather3A_846 {strides = array<i32>} : memref<512x64xf32, #tpu.memory_space<vmem>>, vector<16xf32>,
          %add3A_850 = arith.constant 32 : i32
          %add3A_851 = vector.broadcast %add3A_850 : i32 to vector<16xi32>
          %add3A_852 = arith.addi %iota3A, %add3A_851 : vector<16xi32>
          %gather3A_853 = arith.constant 0 : i32
          %gather3A_854 = arith.constant 0 : i32
          %gather3A_855 = tpu.memref_slice %arg9[%while3A_811, %gather3A_853, %gather3A_854] : memref<7x64x128xf32, #tpu.memory_space<vmem>> -> memref<1x64x128xf32, #tpu.memory_space<vmem>>
          %gather3A_856 = tpu.memref_squeeze %gather3A_855 : memref<1x64x128xf32, #tpu.memory_space<vmem>> -> memref<64x128xf32, #tpu.memory_space<vmem>>
          %gather3A_857 = tpu.vector_load_idx %gather3A_856[%add3A_852, %add3A_828] : memref<64x128xf32, #tpu.memory_space<vmem>>[vector<16xi32>, vector<16xi32>], vector<16xf32>,
          %swap3A_858 = arith.index_cast %while3A_813 : i32 to index
          %swap3A_859 = arith.constant 32 : index
          %swap3A_860 = tpu.vector_load %arg10[%swap3A_858, %swap3A_859] {strides = array<i32>} : memref<512x64xf32, #tpu.memory_space<vmem>>, vector<16xf32>,
          tpu.vector_store %arg10[%swap3A_858, %swap3A_859], %gather3A_857 {strides = array<i32>} : memref<512x64xf32, #tpu.memory_space<vmem>>, vector<16xf32>,
          %add3A_861 = arith.constant 48 : i32
          %add3A_862 = vector.broadcast %add3A_861 : i32 to vector<16xi32>
          %add3A_863 = arith.addi %iota3A, %add3A_862 : vector<16xi32>
          %gather3A_864 = arith.constant 0 : i32
          %gather3A_865 = arith.constant 0 : i32
          %gather3A_866 = tpu.memref_slice %arg9[%while3A_811, %gather3A_864, %gather3A_865] : memref<7x64x128xf32, #tpu.memory_space<vmem>> -> memref<1x64x128xf32, #tpu.memory_space<vmem>>
          %gather3A_867 = tpu.memref_squeeze %gather3A_866 : memref<1x64x128xf32, #tpu.memory_space<vmem>> -> memref<64x128xf32, #tpu.memory_space<vmem>>
          %gather3A_868 = tpu.vector_load_idx %gather3A_867[%add3A_863, %add3A_828] : memref<64x128xf32, #tpu.memory_space<vmem>>[vector<16xi32>, vector<16xi32>], vector<16xf32>,
          %swap3A_869 = arith.index_cast %while3A_813 : i32 to index
          %swap3A_870 = arith.constant 48 : index
          %swap3A_871 = tpu.vector_load %arg10[%swap3A_869, %swap3A_870] {strides = array<i32>} : memref<512x64xf32, #tpu.memory_space<vmem>>, vector<16xf32>,
          tpu.vector_store %arg10[%swap3A_869, %swap3A_870], %gather3A_868 {strides = array<i32>} : memref<512x64xf32, #tpu.memory_space<vmem>>, vector<16xf32>,
          %dma_start3A = arith.constant 0 : i32
          %dma_start3A_872 = tpu.memref_slice %arg10[%while3A_813, %dma_start3A] : memref<512x64xf32, #tpu.memory_space<vmem>> -> memref<1x64xf32, #tpu.memory_space<vmem>>
          %dma_start3A_873 = tpu.memref_squeeze %dma_start3A_872 : memref<1x64xf32, #tpu.memory_space<vmem>> -> memref<64xf32, #tpu.memory_space<vmem>>
          %dma_start3A_874 = arith.constant 0 : i32
          %dma_start3A_875 = tpu.memref_slice %arg5[%squeeze3A_823, %dma_start3A_874] : memref<16384x64xf32, #tpu.memory_space<hbm>> -> memref<1x64xf32, #tpu.memory_space<hbm>>
          %dma_start3A_876 = tpu.memref_squeeze %dma_start3A_875 : memref<1x64xf32, #tpu.memory_space<hbm>> -> memref<64xf32, #tpu.memory_space<hbm>>
          %dma_start3A_877 = arith.constant 0 : i32
          %dma_start3A_878 = tpu.memref_slice %arg5[%squeeze3A_823, %dma_start3A_877] : memref<16384x64xf32, #tpu.memory_space<hbm>> -> memref<1x64xf32, #tpu.memory_space<hbm>>
          %dma_start3A_879 = tpu.memref_squeeze %dma_start3A_878 : memref<1x64xf32, #tpu.memory_space<hbm>> -> memref<64xf32, #tpu.memory_space<hbm>>
          %dma_start3A_880 = arith.constant 0 : i32
          %dma_start3A_881 = tpu.memref_slice %arg10[%while3A_813, %dma_start3A_880] : memref<512x64xf32, #tpu.memory_space<vmem>> -> memref<1x64xf32, #tpu.memory_space<vmem>>
          %dma_start3A_882 = tpu.memref_squeeze %dma_start3A_881 : memref<1x64xf32, #tpu.memory_space<vmem>> -> memref<64xf32, #tpu.memory_space<vmem>>
          tpu.enqueue_dma source(%dma_start3A_882 : memref<64xf32, #tpu.memory_space<vmem>>) target(%dma_start3A_879 : memref<64xf32, #tpu.memory_space<hbm>>) target_semaphore(%arg18 : memref<!tpu.dma_semaphore, #tpu.memory_space<semaphore_mem>>)
          %add3A_883 = arith.constant 1 : i32
          %add3A_884 = arith.addi %while3A_813, %add3A_883 : i32
          scf.yield %add3A_884 : i32
        }
        scf.yield %while3A_812 : i32
      } else {
        scf.yield %while3A_681 : i32
      }
      %add3A_694 = arith.constant 7 : i32
      %add3A_695 = arith.addi %add3A_685, %add3A_694 : i32
      %lt3A_696 = arith.cmpi slt, %add3A_695, %add3A_609 : i32
      %convert_element_type3A_697 = arith.extui %lt3A_696 : i1 to i32
      %cond3A_698 = arith.constant 0 : i32
      %cond3A_699 = arith.cmpi ne, %convert_element_type3A_697, %cond3A_698 : i32
      scf.if %cond3A_699 {
        %add3A_802 = arith.constant 7 : i32
        %add3A_803 = arith.addi %add3A_685, %add3A_802 : i32
        %get3A_804 = arith.index_cast %add3A_803 : i32 to index
        %get3A_805 = tpu.vector_load %arg8[%get3A_804] {strides = array<i32>} : memref<544xi32, #tpu.memory_space<vmem>>, vector<16xi32>,
        %slice3A = vector.extract_strided_slice %get3A_805 {offsets = [0], sizes = [1], strides = [1]} : vector<16xi32> to vector<1xi32>
        %squeeze3A = vector.extract %slice3A[0] : i32 from vector<1xi32>
        %mul3A_806 = arith.constant 128 : i32
        %mul3A_807 = arith.muli %squeeze3A, %mul3A_806 : i32
        %min3A = arith.constant 999936 : i32
        %min3A_808 = arith.minsi %mul3A_807, %min3A : i32
        %multiple_of3A = tpu.assume_multiple %min3A_808, 128 : i32
        %dma_start3A = arith.constant 0 : i32
        %dma_start3A_809 = arith.constant 0 : i32
        %dma_start3A_810 = arith.constant 0 : i32
        %dma_start3A_811 = tpu.memref_slice %arg9[%dma_start3A, %dma_start3A_809, %dma_start3A_810] : memref<7x64x128xf32, #tpu.memory_space<vmem>> -> memref<1x64x128xf32, #tpu.memory_space<vmem>>
        %dma_start3A_812 = tpu.memref_squeeze %dma_start3A_811 : memref<1x64x128xf32, #tpu.memory_space<vmem>> -> memref<64x128xf32, #tpu.memory_space<vmem>>
        %dma_start3A_813 = arith.constant 0 : i32
        %dma_start3A_814 = tpu.memref_slice %arg2[%dma_start3A_813, %multiple_of3A] : memref<64x1000000xf32, #tpu.memory_space<hbm>> -> memref<64x128xf32, #tpu.memory_space<hbm>>
        %dma_start3A_815 = arith.constant 0 : i32
        %dma_start3A_816 = arith.constant 0 : i32
        %dma_start3A_817 = tpu.memref_slice %arg9[%dma_start3A, %dma_start3A_815, %dma_start3A_816] : memref<7x64x128xf32, #tpu.memory_space<vmem>> -> memref<1x64x128xf32, #tpu.memory_space<vmem>>
        %dma_start3A_818 = tpu.memref_squeeze %dma_start3A_817 : memref<1x64x128xf32, #tpu.memory_space<vmem>> -> memref<64x128xf32, #tpu.memory_space<vmem>>
        %dma_start3A_819 = arith.constant 0 : i32
        %dma_start3A_820 = tpu.memref_slice %arg2[%dma_start3A_819, %multiple_of3A] : memref<64x1000000xf32, #tpu.memory_space<hbm>> -> memref<64x128xf32, #tpu.memory_space<hbm>>
        tpu.enqueue_dma source(%dma_start3A_820 : memref<64x128xf32, #tpu.memory_space<hbm>>) target(%dma_start3A_818 : memref<64x128xf32, #tpu.memory_space<vmem>>) target_semaphore(%arg11 : memref<!tpu.dma_semaphore, #tpu.memory_space<semaphore_mem>>)
      } else {
      }
      %add3A_700 = arith.constant 1 : i32
      %add3A_701 = arith.addi %mul3A_683, %add3A_700 : i32
      %lt3A_702 = arith.cmpi slt, %add3A_701, %add3A_609 : i32
      %convert_element_type3A_703 = arith.extui %lt3A_702 : i1 to i32
      %cond3A_704 = arith.constant 0 : i32
      %cond3A_705 = arith.cmpi ne, %convert_element_type3A_703, %cond3A_704 : i32
      scf.if %cond3A_705 {
        %dma_wait3A_802 = arith.constant 1 : i32
        %dma_wait3A_803 = arith.constant 0 : i32
        %dma_wait3A_804 = arith.constant 0 : i32
        %dma_wait3A_805 = tpu.memref_slice %arg9[%dma_wait3A_802, %dma_wait3A_803, %dma_wait3A_804] : memref<7x64x128xf32, #tpu.memory_space<vmem>> -> memref<1x64x128xf32, #tpu.memory_space<vmem>>
        %dma_wait3A_806 = tpu.memref_squeeze %dma_wait3A_805 : memref<1x64x128xf32, #tpu.memory_space<vmem>> -> memref<64x128xf32, #tpu.memory_space<vmem>>
        %dma_wait3A_807 = arith.constant 0 : i32
        %dma_wait3A_808 = arith.constant 0 : i32
        %dma_wait3A_809 = tpu.memref_slice %arg2[%dma_wait3A_807, %dma_wait3A_808] : memref<64x1000000xf32, #tpu.memory_space<hbm>> -> memref<64x128xf32, #tpu.memory_space<hbm>>
        %dma_wait3A_810 = arith.constant 0 : i32
        %dma_wait3A_811 = arith.constant 0 : i32
        %dma_wait3A_812 = tpu.memref_slice %arg9[%dma_wait3A_802, %dma_wait3A_810, %dma_wait3A_811] : memref<7x64x128xf32, #tpu.memory_space<vmem>> -> memref<1x64x128xf32, #tpu.memory_space<vmem>>
        %dma_wait3A_813 = tpu.memref_squeeze %dma_wait3A_812 : memref<1x64x128xf32, #tpu.memory_space<vmem>> -> memref<64x128xf32, #tpu.memory_space<vmem>>
        %dma_wait3A_814 = arith.constant 0 : i32
        %dma_wait3A_815 = arith.constant 0 : i32
        %dma_wait3A_816 = tpu.memref_slice %arg2[%dma_wait3A_814, %dma_wait3A_815] : memref<64x1000000xf32, #tpu.memory_space<hbm>> -> memref<64x128xf32, #tpu.memory_space<hbm>>
        tpu.wait_dma2 semaphore(%arg12 : memref<!tpu.dma_semaphore, #tpu.memory_space<semaphore_mem>>) src(%dma_wait3A_816 : memref<64x128xf32, #tpu.memory_space<hbm>>) dst(%dma_wait3A_813 : memref<64x128xf32, #tpu.memory_space<vmem>>)
      } else {
      }
      %lt3A_706 = arith.cmpi slt, %add3A_701, %add3A_609 : i32
      %convert_element_type3A_707 = arith.extui %lt3A_706 : i1 to i32
      %cond3A_708 = arith.constant 0 : i32
      %cond3A_709 = arith.cmpi ne, %convert_element_type3A_707, %cond3A_708 : i32
      %cond3A_710 = scf.if %cond3A_709 -> (i32) {
        %get3A_802 = arith.index_cast %add3A_701 : i32 to index
        %get3A_803 = tpu.vector_load %arg8[%get3A_802] {strides = array<i32>} : memref<544xi32, #tpu.memory_space<vmem>>, vector<16xi32>,
        %slice3A = vector.extract_strided_slice %get3A_803 {offsets = [0], sizes = [1], strides = [1]} : vector<16xi32> to vector<1xi32>
        %squeeze3A = vector.extract %slice3A[0] : i32 from vector<1xi32>
        %mul3A_804 = arith.constant 128 : i32
        %mul3A_805 = arith.muli %squeeze3A, %mul3A_804 : i32
        %min3A = arith.constant 999936 : i32
        %min3A_806 = arith.minsi %mul3A_805, %min3A : i32
        %add3A_807 = arith.constant 1 : i32
        %add3A_808 = arith.addi %squeeze3A, %add3A_807 : i32
        %mul3A_809 = arith.constant 128 : i32
        %mul3A_810 = arith.muli %add3A_808, %mul3A_809 : i32
        %while3A_811 = arith.constant 1 : i32
        %while3A_812 = scf.while (%while3A_813 = %cond3A_693) : (i32) -> i32 {
          %add3A_814 = arith.constant 16 : i32
          %add3A_815 = arith.addi %while3A_813, %add3A_814 : i32
          %get3A_816 = arith.index_cast %add3A_815 : i32 to index
          %get3A_817 = tpu.vector_load %arg6[%get3A_816] {strides = array<i32>} : memref<544xi32, #tpu.memory_space<vmem>>, vector<16xi32>,
          %slice3A_818 = vector.extract_strided_slice %get3A_817 {offsets = [0], sizes = [1], strides = [1]} : vector<16xi32> to vector<1xi32>
          %squeeze3A_819 = vector.extract %slice3A_818[0] : i32 from vector<1xi32>
          %lt3A_820 = arith.constant 512 : i32
          %lt3A_821 = arith.cmpi slt, %while3A_813, %lt3A_820 : i32
          %lt3A_822 = arith.cmpi slt, %squeeze3A_819, %mul3A_810 : i32
          %and3A_823 = arith.andi %lt3A_821, %lt3A_822 : i1
          scf.condition(%and3A_823) %while3A_813 : i32
        } do {
        ^bb0(%while3A_813: i32):
          %add3A_814 = arith.constant 16 : i32
          %add3A_815 = arith.addi %while3A_813, %add3A_814 : i32
          %get3A_816 = arith.index_cast %add3A_815 : i32 to index
          %get3A_817 = tpu.vector_load %arg6[%get3A_816] {strides = array<i32>} : memref<544xi32, #tpu.memory_space<vmem>>, vector<16xi32>,
          %slice3A_818 = vector.extract_strided_slice %get3A_817 {offsets = [0], sizes = [1], strides = [1]} : vector<16xi32> to vector<1xi32>
          %squeeze3A_819 = vector.extract %slice3A_818[0] : i32 from vector<1xi32>
          %get3A_820 = arith.index_cast %while3A_813 : i32 to index
          %get3A_821 = tpu.vector_load %arg7[%get3A_820] {strides = array<i32>} : memref<528xi32, #tpu.memory_space<vmem>>, vector<16xi32>,
          %slice3A_822 = vector.extract_strided_slice %get3A_821 {offsets = [0], sizes = [1], strides = [1]} : vector<16xi32> to vector<1xi32>
          %squeeze3A_823 = vector.extract %slice3A_822[0] : i32 from vector<1xi32>
          %broadcast_in_dim3A_824 = arith.constant 0 : i32
          %broadcast_in_dim3A_825 = vector.broadcast %broadcast_in_dim3A_824 : i32 to vector<16xi32>
          %sub3A_826 = arith.subi %squeeze3A_819, %min3A_806 : i32
          %add3A_827 = vector.broadcast %sub3A_826 : i32 to vector<16xi32>
          %add3A_828 = arith.addi %broadcast_in_dim3A_825, %add3A_827 : vector<16xi32>
          %add3A_829 = arith.constant 0 : i32
          %add3A_830 = vector.broadcast %add3A_829 : i32 to vector<16xi32>
          %add3A_831 = arith.addi %iota3A, %add3A_830 : vector<16xi32>
          %gather3A = arith.constant 0 : i32
          %gather3A_832 = arith.constant 0 : i32
          %gather3A_833 = tpu.memref_slice %arg9[%while3A_811, %gather3A, %gather3A_832] : memref<7x64x128xf32, #tpu.memory_space<vmem>> -> memref<1x64x128xf32, #tpu.memory_space<vmem>>
          %gather3A_834 = tpu.memref_squeeze %gather3A_833 : memref<1x64x128xf32, #tpu.memory_space<vmem>> -> memref<64x128xf32, #tpu.memory_space<vmem>>
          %gather3A_835 = tpu.vector_load_idx %gather3A_834[%add3A_831, %add3A_828] : memref<64x128xf32, #tpu.memory_space<vmem>>[vector<16xi32>, vector<16xi32>], vector<16xf32>,
          %swap3A_836 = arith.index_cast %while3A_813 : i32 to index
          %swap3A_837 = arith.constant 0 : index
          %swap3A_838 = tpu.vector_load %arg10[%swap3A_836, %swap3A_837] {strides = array<i32>} : memref<512x64xf32, #tpu.memory_space<vmem>>, vector<16xf32>,
          tpu.vector_store %arg10[%swap3A_836, %swap3A_837], %gather3A_835 {strides = array<i32>} : memref<512x64xf32, #tpu.memory_space<vmem>>, vector<16xf32>,
          %add3A_839 = arith.constant 16 : i32
          %add3A_840 = vector.broadcast %add3A_839 : i32 to vector<16xi32>
          %add3A_841 = arith.addi %iota3A, %add3A_840 : vector<16xi32>
          %gather3A_842 = arith.constant 0 : i32
          %gather3A_843 = arith.constant 0 : i32
          %gather3A_844 = tpu.memref_slice %arg9[%while3A_811, %gather3A_842, %gather3A_843] : memref<7x64x128xf32, #tpu.memory_space<vmem>> -> memref<1x64x128xf32, #tpu.memory_space<vmem>>
          %gather3A_845 = tpu.memref_squeeze %gather3A_844 : memref<1x64x128xf32, #tpu.memory_space<vmem>> -> memref<64x128xf32, #tpu.memory_space<vmem>>
          %gather3A_846 = tpu.vector_load_idx %gather3A_845[%add3A_841, %add3A_828] : memref<64x128xf32, #tpu.memory_space<vmem>>[vector<16xi32>, vector<16xi32>], vector<16xf32>,
          %swap3A_847 = arith.index_cast %while3A_813 : i32 to index
          %swap3A_848 = arith.constant 16 : index
          %swap3A_849 = tpu.vector_load %arg10[%swap3A_847, %swap3A_848] {strides = array<i32>} : memref<512x64xf32, #tpu.memory_space<vmem>>, vector<16xf32>,
          tpu.vector_store %arg10[%swap3A_847, %swap3A_848], %gather3A_846 {strides = array<i32>} : memref<512x64xf32, #tpu.memory_space<vmem>>, vector<16xf32>,
          %add3A_850 = arith.constant 32 : i32
          %add3A_851 = vector.broadcast %add3A_850 : i32 to vector<16xi32>
          %add3A_852 = arith.addi %iota3A, %add3A_851 : vector<16xi32>
          %gather3A_853 = arith.constant 0 : i32
          %gather3A_854 = arith.constant 0 : i32
          %gather3A_855 = tpu.memref_slice %arg9[%while3A_811, %gather3A_853, %gather3A_854] : memref<7x64x128xf32, #tpu.memory_space<vmem>> -> memref<1x64x128xf32, #tpu.memory_space<vmem>>
          %gather3A_856 = tpu.memref_squeeze %gather3A_855 : memref<1x64x128xf32, #tpu.memory_space<vmem>> -> memref<64x128xf32, #tpu.memory_space<vmem>>
          %gather3A_857 = tpu.vector_load_idx %gather3A_856[%add3A_852, %add3A_828] : memref<64x128xf32, #tpu.memory_space<vmem>>[vector<16xi32>, vector<16xi32>], vector<16xf32>,
          %swap3A_858 = arith.index_cast %while3A_813 : i32 to index
          %swap3A_859 = arith.constant 32 : index
          %swap3A_860 = tpu.vector_load %arg10[%swap3A_858, %swap3A_859] {strides = array<i32>} : memref<512x64xf32, #tpu.memory_space<vmem>>, vector<16xf32>,
          tpu.vector_store %arg10[%swap3A_858, %swap3A_859], %gather3A_857 {strides = array<i32>} : memref<512x64xf32, #tpu.memory_space<vmem>>, vector<16xf32>,
          %add3A_861 = arith.constant 48 : i32
          %add3A_862 = vector.broadcast %add3A_861 : i32 to vector<16xi32>
          %add3A_863 = arith.addi %iota3A, %add3A_862 : vector<16xi32>
          %gather3A_864 = arith.constant 0 : i32
          %gather3A_865 = arith.constant 0 : i32
          %gather3A_866 = tpu.memref_slice %arg9[%while3A_811, %gather3A_864, %gather3A_865] : memref<7x64x128xf32, #tpu.memory_space<vmem>> -> memref<1x64x128xf32, #tpu.memory_space<vmem>>
          %gather3A_867 = tpu.memref_squeeze %gather3A_866 : memref<1x64x128xf32, #tpu.memory_space<vmem>> -> memref<64x128xf32, #tpu.memory_space<vmem>>
          %gather3A_868 = tpu.vector_load_idx %gather3A_867[%add3A_863, %add3A_828] : memref<64x128xf32, #tpu.memory_space<vmem>>[vector<16xi32>, vector<16xi32>], vector<16xf32>,
          %swap3A_869 = arith.index_cast %while3A_813 : i32 to index
          %swap3A_870 = arith.constant 48 : index
          %swap3A_871 = tpu.vector_load %arg10[%swap3A_869, %swap3A_870] {strides = array<i32>} : memref<512x64xf32, #tpu.memory_space<vmem>>, vector<16xf32>,
          tpu.vector_store %arg10[%swap3A_869, %swap3A_870], %gather3A_868 {strides = array<i32>} : memref<512x64xf32, #tpu.memory_space<vmem>>, vector<16xf32>,
          %dma_start3A = arith.constant 0 : i32
          %dma_start3A_872 = tpu.memref_slice %arg10[%while3A_813, %dma_start3A] : memref<512x64xf32, #tpu.memory_space<vmem>> -> memref<1x64xf32, #tpu.memory_space<vmem>>
          %dma_start3A_873 = tpu.memref_squeeze %dma_start3A_872 : memref<1x64xf32, #tpu.memory_space<vmem>> -> memref<64xf32, #tpu.memory_space<vmem>>
          %dma_start3A_874 = arith.constant 0 : i32
          %dma_start3A_875 = tpu.memref_slice %arg5[%squeeze3A_823, %dma_start3A_874] : memref<16384x64xf32, #tpu.memory_space<hbm>> -> memref<1x64xf32, #tpu.memory_space<hbm>>
          %dma_start3A_876 = tpu.memref_squeeze %dma_start3A_875 : memref<1x64xf32, #tpu.memory_space<hbm>> -> memref<64xf32, #tpu.memory_space<hbm>>
          %dma_start3A_877 = arith.constant 0 : i32
          %dma_start3A_878 = tpu.memref_slice %arg5[%squeeze3A_823, %dma_start3A_877] : memref<16384x64xf32, #tpu.memory_space<hbm>> -> memref<1x64xf32, #tpu.memory_space<hbm>>
          %dma_start3A_879 = tpu.memref_squeeze %dma_start3A_878 : memref<1x64xf32, #tpu.memory_space<hbm>> -> memref<64xf32, #tpu.memory_space<hbm>>
          %dma_start3A_880 = arith.constant 0 : i32
          %dma_start3A_881 = tpu.memref_slice %arg10[%while3A_813, %dma_start3A_880] : memref<512x64xf32, #tpu.memory_space<vmem>> -> memref<1x64xf32, #tpu.memory_space<vmem>>
          %dma_start3A_882 = tpu.memref_squeeze %dma_start3A_881 : memref<1x64xf32, #tpu.memory_space<vmem>> -> memref<64xf32, #tpu.memory_space<vmem>>
          tpu.enqueue_dma source(%dma_start3A_882 : memref<64xf32, #tpu.memory_space<vmem>>) target(%dma_start3A_879 : memref<64xf32, #tpu.memory_space<hbm>>) target_semaphore(%arg18 : memref<!tpu.dma_semaphore, #tpu.memory_space<semaphore_mem>>)
          %add3A_883 = arith.constant 1 : i32
          %add3A_884 = arith.addi %while3A_813, %add3A_883 : i32
          scf.yield %add3A_884 : i32
        }
        scf.yield %while3A_812 : i32
      } else {
        scf.yield %cond3A_693 : i32
      }
      %add3A_711 = arith.constant 7 : i32
      %add3A_712 = arith.addi %add3A_701, %add3A_711 : i32
      %lt3A_713 = arith.cmpi slt, %add3A_712, %add3A_609 : i32
      %convert_element_type3A_714 = arith.extui %lt3A_713 : i1 to i32
      %cond3A_715 = arith.constant 0 : i32
      %cond3A_716 = arith.cmpi ne, %convert_element_type3A_714, %cond3A_715 : i32
      scf.if %cond3A_716 {
        %add3A_802 = arith.constant 7 : i32
        %add3A_803 = arith.addi %add3A_701, %add3A_802 : i32
        %get3A_804 = arith.index_cast %add3A_803 : i32 to index
        %get3A_805 = tpu.vector_load %arg8[%get3A_804] {strides = array<i32>} : memref<544xi32, #tpu.memory_space<vmem>>, vector<16xi32>,
        %slice3A = vector.extract_strided_slice %get3A_805 {offsets = [0], sizes = [1], strides = [1]} : vector<16xi32> to vector<1xi32>
        %squeeze3A = vector.extract %slice3A[0] : i32 from vector<1xi32>
        %mul3A_806 = arith.constant 128 : i32
        %mul3A_807 = arith.muli %squeeze3A, %mul3A_806 : i32
        %min3A = arith.constant 999936 : i32
        %min3A_808 = arith.minsi %mul3A_807, %min3A : i32
        %multiple_of3A = tpu.assume_multiple %min3A_808, 128 : i32
        %dma_start3A = arith.constant 1 : i32
        %dma_start3A_809 = arith.constant 0 : i32
        %dma_start3A_810 = arith.constant 0 : i32
        %dma_start3A_811 = tpu.memref_slice %arg9[%dma_start3A, %dma_start3A_809, %dma_start3A_810] : memref<7x64x128xf32, #tpu.memory_space<vmem>> -> memref<1x64x128xf32, #tpu.memory_space<vmem>>
        %dma_start3A_812 = tpu.memref_squeeze %dma_start3A_811 : memref<1x64x128xf32, #tpu.memory_space<vmem>> -> memref<64x128xf32, #tpu.memory_space<vmem>>
        %dma_start3A_813 = arith.constant 0 : i32
        %dma_start3A_814 = tpu.memref_slice %arg2[%dma_start3A_813, %multiple_of3A] : memref<64x1000000xf32, #tpu.memory_space<hbm>> -> memref<64x128xf32, #tpu.memory_space<hbm>>
        %dma_start3A_815 = arith.constant 0 : i32
        %dma_start3A_816 = arith.constant 0 : i32
        %dma_start3A_817 = tpu.memref_slice %arg9[%dma_start3A, %dma_start3A_815, %dma_start3A_816] : memref<7x64x128xf32, #tpu.memory_space<vmem>> -> memref<1x64x128xf32, #tpu.memory_space<vmem>>
        %dma_start3A_818 = tpu.memref_squeeze %dma_start3A_817 : memref<1x64x128xf32, #tpu.memory_space<vmem>> -> memref<64x128xf32, #tpu.memory_space<vmem>>
        %dma_start3A_819 = arith.constant 0 : i32
        %dma_start3A_820 = tpu.memref_slice %arg2[%dma_start3A_819, %multiple_of3A] : memref<64x1000000xf32, #tpu.memory_space<hbm>> -> memref<64x128xf32, #tpu.memory_space<hbm>>
        tpu.enqueue_dma source(%dma_start3A_820 : memref<64x128xf32, #tpu.memory_space<hbm>>) target(%dma_start3A_818 : memref<64x128xf32, #tpu.memory_space<vmem>>) target_semaphore(%arg12 : memref<!tpu.dma_semaphore, #tpu.memory_space<semaphore_mem>>)
      } else {
      }
      %add3A_717 = arith.constant 2 : i32
      %add3A_718 = arith.addi %mul3A_683, %add3A_717 : i32
      %lt3A_719 = arith.cmpi slt, %add3A_718, %add3A_609 : i32
      %convert_element_type3A_720 = arith.extui %lt3A_719 : i1 to i32
      %cond3A_721 = arith.constant 0 : i32
      %cond3A_722 = arith.cmpi ne, %convert_element_type3A_720, %cond3A_721 : i32
      scf.if %cond3A_722 {
        %dma_wait3A_802 = arith.constant 2 : i32
        %dma_wait3A_803 = arith.constant 0 : i32
        %dma_wait3A_804 = arith.constant 0 : i32
        %dma_wait3A_805 = tpu.memref_slice %arg9[%dma_wait3A_802, %dma_wait3A_803, %dma_wait3A_804] : memref<7x64x128xf32, #tpu.memory_space<vmem>> -> memref<1x64x128xf32, #tpu.memory_space<vmem>>
        %dma_wait3A_806 = tpu.memref_squeeze %dma_wait3A_805 : memref<1x64x128xf32, #tpu.memory_space<vmem>> -> memref<64x128xf32, #tpu.memory_space<vmem>>
        %dma_wait3A_807 = arith.constant 0 : i32
        %dma_wait3A_808 = arith.constant 0 : i32
        %dma_wait3A_809 = tpu.memref_slice %arg2[%dma_wait3A_807, %dma_wait3A_808] : memref<64x1000000xf32, #tpu.memory_space<hbm>> -> memref<64x128xf32, #tpu.memory_space<hbm>>
        %dma_wait3A_810 = arith.constant 0 : i32
        %dma_wait3A_811 = arith.constant 0 : i32
        %dma_wait3A_812 = tpu.memref_slice %arg9[%dma_wait3A_802, %dma_wait3A_810, %dma_wait3A_811] : memref<7x64x128xf32, #tpu.memory_space<vmem>> -> memref<1x64x128xf32, #tpu.memory_space<vmem>>
        %dma_wait3A_813 = tpu.memref_squeeze %dma_wait3A_812 : memref<1x64x128xf32, #tpu.memory_space<vmem>> -> memref<64x128xf32, #tpu.memory_space<vmem>>
        %dma_wait3A_814 = arith.constant 0 : i32
        %dma_wait3A_815 = arith.constant 0 : i32
        %dma_wait3A_816 = tpu.memref_slice %arg2[%dma_wait3A_814, %dma_wait3A_815] : memref<64x1000000xf32, #tpu.memory_space<hbm>> -> memref<64x128xf32, #tpu.memory_space<hbm>>
        tpu.wait_dma2 semaphore(%arg13 : memref<!tpu.dma_semaphore, #tpu.memory_space<semaphore_mem>>) src(%dma_wait3A_816 : memref<64x128xf32, #tpu.memory_space<hbm>>) dst(%dma_wait3A_813 : memref<64x128xf32, #tpu.memory_space<vmem>>)
      } else {
      }
      %lt3A_723 = arith.cmpi slt, %add3A_718, %add3A_609 : i32
      %convert_element_type3A_724 = arith.extui %lt3A_723 : i1 to i32
      %cond3A_725 = arith.constant 0 : i32
      %cond3A_726 = arith.cmpi ne, %convert_element_type3A_724, %cond3A_725 : i32
      %cond3A_727 = scf.if %cond3A_726 -> (i32) {
        %get3A_802 = arith.index_cast %add3A_718 : i32 to index
        %get3A_803 = tpu.vector_load %arg8[%get3A_802] {strides = array<i32>} : memref<544xi32, #tpu.memory_space<vmem>>, vector<16xi32>,
        %slice3A = vector.extract_strided_slice %get3A_803 {offsets = [0], sizes = [1], strides = [1]} : vector<16xi32> to vector<1xi32>
        %squeeze3A = vector.extract %slice3A[0] : i32 from vector<1xi32>
        %mul3A_804 = arith.constant 128 : i32
        %mul3A_805 = arith.muli %squeeze3A, %mul3A_804 : i32
        %min3A = arith.constant 999936 : i32
        %min3A_806 = arith.minsi %mul3A_805, %min3A : i32
        %add3A_807 = arith.constant 1 : i32
        %add3A_808 = arith.addi %squeeze3A, %add3A_807 : i32
        %mul3A_809 = arith.constant 128 : i32
        %mul3A_810 = arith.muli %add3A_808, %mul3A_809 : i32
        %while3A_811 = arith.constant 2 : i32
        %while3A_812 = scf.while (%while3A_813 = %cond3A_710) : (i32) -> i32 {
          %add3A_814 = arith.constant 16 : i32
          %add3A_815 = arith.addi %while3A_813, %add3A_814 : i32
          %get3A_816 = arith.index_cast %add3A_815 : i32 to index
          %get3A_817 = tpu.vector_load %arg6[%get3A_816] {strides = array<i32>} : memref<544xi32, #tpu.memory_space<vmem>>, vector<16xi32>,
          %slice3A_818 = vector.extract_strided_slice %get3A_817 {offsets = [0], sizes = [1], strides = [1]} : vector<16xi32> to vector<1xi32>
          %squeeze3A_819 = vector.extract %slice3A_818[0] : i32 from vector<1xi32>
          %lt3A_820 = arith.constant 512 : i32
          %lt3A_821 = arith.cmpi slt, %while3A_813, %lt3A_820 : i32
          %lt3A_822 = arith.cmpi slt, %squeeze3A_819, %mul3A_810 : i32
          %and3A_823 = arith.andi %lt3A_821, %lt3A_822 : i1
          scf.condition(%and3A_823) %while3A_813 : i32
        } do {
        ^bb0(%while3A_813: i32):
          %add3A_814 = arith.constant 16 : i32
          %add3A_815 = arith.addi %while3A_813, %add3A_814 : i32
          %get3A_816 = arith.index_cast %add3A_815 : i32 to index
          %get3A_817 = tpu.vector_load %arg6[%get3A_816] {strides = array<i32>} : memref<544xi32, #tpu.memory_space<vmem>>, vector<16xi32>,
          %slice3A_818 = vector.extract_strided_slice %get3A_817 {offsets = [0], sizes = [1], strides = [1]} : vector<16xi32> to vector<1xi32>
          %squeeze3A_819 = vector.extract %slice3A_818[0] : i32 from vector<1xi32>
          %get3A_820 = arith.index_cast %while3A_813 : i32 to index
          %get3A_821 = tpu.vector_load %arg7[%get3A_820] {strides = array<i32>} : memref<528xi32, #tpu.memory_space<vmem>>, vector<16xi32>,
          %slice3A_822 = vector.extract_strided_slice %get3A_821 {offsets = [0], sizes = [1], strides = [1]} : vector<16xi32> to vector<1xi32>
          %squeeze3A_823 = vector.extract %slice3A_822[0] : i32 from vector<1xi32>
          %broadcast_in_dim3A_824 = arith.constant 0 : i32
          %broadcast_in_dim3A_825 = vector.broadcast %broadcast_in_dim3A_824 : i32 to vector<16xi32>
          %sub3A_826 = arith.subi %squeeze3A_819, %min3A_806 : i32
          %add3A_827 = vector.broadcast %sub3A_826 : i32 to vector<16xi32>
          %add3A_828 = arith.addi %broadcast_in_dim3A_825, %add3A_827 : vector<16xi32>
          %add3A_829 = arith.constant 0 : i32
          %add3A_830 = vector.broadcast %add3A_829 : i32 to vector<16xi32>
          %add3A_831 = arith.addi %iota3A, %add3A_830 : vector<16xi32>
          %gather3A = arith.constant 0 : i32
          %gather3A_832 = arith.constant 0 : i32
          %gather3A_833 = tpu.memref_slice %arg9[%while3A_811, %gather3A, %gather3A_832] : memref<7x64x128xf32, #tpu.memory_space<vmem>> -> memref<1x64x128xf32, #tpu.memory_space<vmem>>
          %gather3A_834 = tpu.memref_squeeze %gather3A_833 : memref<1x64x128xf32, #tpu.memory_space<vmem>> -> memref<64x128xf32, #tpu.memory_space<vmem>>
          %gather3A_835 = tpu.vector_load_idx %gather3A_834[%add3A_831, %add3A_828] : memref<64x128xf32, #tpu.memory_space<vmem>>[vector<16xi32>, vector<16xi32>], vector<16xf32>,
          %swap3A_836 = arith.index_cast %while3A_813 : i32 to index
          %swap3A_837 = arith.constant 0 : index
          %swap3A_838 = tpu.vector_load %arg10[%swap3A_836, %swap3A_837] {strides = array<i32>} : memref<512x64xf32, #tpu.memory_space<vmem>>, vector<16xf32>,
          tpu.vector_store %arg10[%swap3A_836, %swap3A_837], %gather3A_835 {strides = array<i32>} : memref<512x64xf32, #tpu.memory_space<vmem>>, vector<16xf32>,
          %add3A_839 = arith.constant 16 : i32
          %add3A_840 = vector.broadcast %add3A_839 : i32 to vector<16xi32>
          %add3A_841 = arith.addi %iota3A, %add3A_840 : vector<16xi32>
          %gather3A_842 = arith.constant 0 : i32
          %gather3A_843 = arith.constant 0 : i32
          %gather3A_844 = tpu.memref_slice %arg9[%while3A_811, %gather3A_842, %gather3A_843] : memref<7x64x128xf32, #tpu.memory_space<vmem>> -> memref<1x64x128xf32, #tpu.memory_space<vmem>>
          %gather3A_845 = tpu.memref_squeeze %gather3A_844 : memref<1x64x128xf32, #tpu.memory_space<vmem>> -> memref<64x128xf32, #tpu.memory_space<vmem>>
          %gather3A_846 = tpu.vector_load_idx %gather3A_845[%add3A_841, %add3A_828] : memref<64x128xf32, #tpu.memory_space<vmem>>[vector<16xi32>, vector<16xi32>], vector<16xf32>,
          %swap3A_847 = arith.index_cast %while3A_813 : i32 to index
          %swap3A_848 = arith.constant 16 : index
          %swap3A_849 = tpu.vector_load %arg10[%swap3A_847, %swap3A_848] {strides = array<i32>} : memref<512x64xf32, #tpu.memory_space<vmem>>, vector<16xf32>,
          tpu.vector_store %arg10[%swap3A_847, %swap3A_848], %gather3A_846 {strides = array<i32>} : memref<512x64xf32, #tpu.memory_space<vmem>>, vector<16xf32>,
          %add3A_850 = arith.constant 32 : i32
          %add3A_851 = vector.broadcast %add3A_850 : i32 to vector<16xi32>
          %add3A_852 = arith.addi %iota3A, %add3A_851 : vector<16xi32>
          %gather3A_853 = arith.constant 0 : i32
          %gather3A_854 = arith.constant 0 : i32
          %gather3A_855 = tpu.memref_slice %arg9[%while3A_811, %gather3A_853, %gather3A_854] : memref<7x64x128xf32, #tpu.memory_space<vmem>> -> memref<1x64x128xf32, #tpu.memory_space<vmem>>
          %gather3A_856 = tpu.memref_squeeze %gather3A_855 : memref<1x64x128xf32, #tpu.memory_space<vmem>> -> memref<64x128xf32, #tpu.memory_space<vmem>>
          %gather3A_857 = tpu.vector_load_idx %gather3A_856[%add3A_852, %add3A_828] : memref<64x128xf32, #tpu.memory_space<vmem>>[vector<16xi32>, vector<16xi32>], vector<16xf32>,
          %swap3A_858 = arith.index_cast %while3A_813 : i32 to index
          %swap3A_859 = arith.constant 32 : index
          %swap3A_860 = tpu.vector_load %arg10[%swap3A_858, %swap3A_859] {strides = array<i32>} : memref<512x64xf32, #tpu.memory_space<vmem>>, vector<16xf32>,
          tpu.vector_store %arg10[%swap3A_858, %swap3A_859], %gather3A_857 {strides = array<i32>} : memref<512x64xf32, #tpu.memory_space<vmem>>, vector<16xf32>,
          %add3A_861 = arith.constant 48 : i32
          %add3A_862 = vector.broadcast %add3A_861 : i32 to vector<16xi32>
          %add3A_863 = arith.addi %iota3A, %add3A_862 : vector<16xi32>
          %gather3A_864 = arith.constant 0 : i32
          %gather3A_865 = arith.constant 0 : i32
          %gather3A_866 = tpu.memref_slice %arg9[%while3A_811, %gather3A_864, %gather3A_865] : memref<7x64x128xf32, #tpu.memory_space<vmem>> -> memref<1x64x128xf32, #tpu.memory_space<vmem>>
          %gather3A_867 = tpu.memref_squeeze %gather3A_866 : memref<1x64x128xf32, #tpu.memory_space<vmem>> -> memref<64x128xf32, #tpu.memory_space<vmem>>
          %gather3A_868 = tpu.vector_load_idx %gather3A_867[%add3A_863, %add3A_828] : memref<64x128xf32, #tpu.memory_space<vmem>>[vector<16xi32>, vector<16xi32>], vector<16xf32>,
          %swap3A_869 = arith.index_cast %while3A_813 : i32 to index
          %swap3A_870 = arith.constant 48 : index
          %swap3A_871 = tpu.vector_load %arg10[%swap3A_869, %swap3A_870] {strides = array<i32>} : memref<512x64xf32, #tpu.memory_space<vmem>>, vector<16xf32>,
          tpu.vector_store %arg10[%swap3A_869, %swap3A_870], %gather3A_868 {strides = array<i32>} : memref<512x64xf32, #tpu.memory_space<vmem>>, vector<16xf32>,
          %dma_start3A = arith.constant 0 : i32
          %dma_start3A_872 = tpu.memref_slice %arg10[%while3A_813, %dma_start3A] : memref<512x64xf32, #tpu.memory_space<vmem>> -> memref<1x64xf32, #tpu.memory_space<vmem>>
          %dma_start3A_873 = tpu.memref_squeeze %dma_start3A_872 : memref<1x64xf32, #tpu.memory_space<vmem>> -> memref<64xf32, #tpu.memory_space<vmem>>
          %dma_start3A_874 = arith.constant 0 : i32
          %dma_start3A_875 = tpu.memref_slice %arg5[%squeeze3A_823, %dma_start3A_874] : memref<16384x64xf32, #tpu.memory_space<hbm>> -> memref<1x64xf32, #tpu.memory_space<hbm>>
          %dma_start3A_876 = tpu.memref_squeeze %dma_start3A_875 : memref<1x64xf32, #tpu.memory_space<hbm>> -> memref<64xf32, #tpu.memory_space<hbm>>
          %dma_start3A_877 = arith.constant 0 : i32
          %dma_start3A_878 = tpu.memref_slice %arg5[%squeeze3A_823, %dma_start3A_877] : memref<16384x64xf32, #tpu.memory_space<hbm>> -> memref<1x64xf32, #tpu.memory_space<hbm>>
          %dma_start3A_879 = tpu.memref_squeeze %dma_start3A_878 : memref<1x64xf32, #tpu.memory_space<hbm>> -> memref<64xf32, #tpu.memory_space<hbm>>
          %dma_start3A_880 = arith.constant 0 : i32
          %dma_start3A_881 = tpu.memref_slice %arg10[%while3A_813, %dma_start3A_880] : memref<512x64xf32, #tpu.memory_space<vmem>> -> memref<1x64xf32, #tpu.memory_space<vmem>>
          %dma_start3A_882 = tpu.memref_squeeze %dma_start3A_881 : memref<1x64xf32, #tpu.memory_space<vmem>> -> memref<64xf32, #tpu.memory_space<vmem>>
          tpu.enqueue_dma source(%dma_start3A_882 : memref<64xf32, #tpu.memory_space<vmem>>) target(%dma_start3A_879 : memref<64xf32, #tpu.memory_space<hbm>>) target_semaphore(%arg18 : memref<!tpu.dma_semaphore, #tpu.memory_space<semaphore_mem>>)
          %add3A_883 = arith.constant 1 : i32
          %add3A_884 = arith.addi %while3A_813, %add3A_883 : i32
          scf.yield %add3A_884 : i32
        }
        scf.yield %while3A_812 : i32
      } else {
        scf.yield %cond3A_710 : i32
      }
      %add3A_728 = arith.constant 7 : i32
      %add3A_729 = arith.addi %add3A_718, %add3A_728 : i32
      %lt3A_730 = arith.cmpi slt, %add3A_729, %add3A_609 : i32
      %convert_element_type3A_731 = arith.extui %lt3A_730 : i1 to i32
      %cond3A_732 = arith.constant 0 : i32
      %cond3A_733 = arith.cmpi ne, %convert_element_type3A_731, %cond3A_732 : i32
      scf.if %cond3A_733 {
        %add3A_802 = arith.constant 7 : i32
        %add3A_803 = arith.addi %add3A_718, %add3A_802 : i32
        %get3A_804 = arith.index_cast %add3A_803 : i32 to index
        %get3A_805 = tpu.vector_load %arg8[%get3A_804] {strides = array<i32>} : memref<544xi32, #tpu.memory_space<vmem>>, vector<16xi32>,
        %slice3A = vector.extract_strided_slice %get3A_805 {offsets = [0], sizes = [1], strides = [1]} : vector<16xi32> to vector<1xi32>
        %squeeze3A = vector.extract %slice3A[0] : i32 from vector<1xi32>
        %mul3A_806 = arith.constant 128 : i32
        %mul3A_807 = arith.muli %squeeze3A, %mul3A_806 : i32
        %min3A = arith.constant 999936 : i32
        %min3A_808 = arith.minsi %mul3A_807, %min3A : i32
        %multiple_of3A = tpu.assume_multiple %min3A_808, 128 : i32
        %dma_start3A = arith.constant 2 : i32
        %dma_start3A_809 = arith.constant 0 : i32
        %dma_start3A_810 = arith.constant 0 : i32
        %dma_start3A_811 = tpu.memref_slice %arg9[%dma_start3A, %dma_start3A_809, %dma_start3A_810] : memref<7x64x128xf32, #tpu.memory_space<vmem>> -> memref<1x64x128xf32, #tpu.memory_space<vmem>>
        %dma_start3A_812 = tpu.memref_squeeze %dma_start3A_811 : memref<1x64x128xf32, #tpu.memory_space<vmem>> -> memref<64x128xf32, #tpu.memory_space<vmem>>
        %dma_start3A_813 = arith.constant 0 : i32
        %dma_start3A_814 = tpu.memref_slice %arg2[%dma_start3A_813, %multiple_of3A] : memref<64x1000000xf32, #tpu.memory_space<hbm>> -> memref<64x128xf32, #tpu.memory_space<hbm>>
        %dma_start3A_815 = arith.constant 0 : i32
        %dma_start3A_816 = arith.constant 0 : i32
        %dma_start3A_817 = tpu.memref_slice %arg9[%dma_start3A, %dma_start3A_815, %dma_start3A_816] : memref<7x64x128xf32, #tpu.memory_space<vmem>> -> memref<1x64x128xf32, #tpu.memory_space<vmem>>
        %dma_start3A_818 = tpu.memref_squeeze %dma_start3A_817 : memref<1x64x128xf32, #tpu.memory_space<vmem>> -> memref<64x128xf32, #tpu.memory_space<vmem>>
        %dma_start3A_819 = arith.constant 0 : i32
        %dma_start3A_820 = tpu.memref_slice %arg2[%dma_start3A_819, %multiple_of3A] : memref<64x1000000xf32, #tpu.memory_space<hbm>> -> memref<64x128xf32, #tpu.memory_space<hbm>>
        tpu.enqueue_dma source(%dma_start3A_820 : memref<64x128xf32, #tpu.memory_space<hbm>>) target(%dma_start3A_818 : memref<64x128xf32, #tpu.memory_space<vmem>>) target_semaphore(%arg13 : memref<!tpu.dma_semaphore, #tpu.memory_space<semaphore_mem>>)
      } else {
      }
      %add3A_734 = arith.constant 3 : i32
      %add3A_735 = arith.addi %mul3A_683, %add3A_734 : i32
      %lt3A_736 = arith.cmpi slt, %add3A_735, %add3A_609 : i32
      %convert_element_type3A_737 = arith.extui %lt3A_736 : i1 to i32
      %cond3A_738 = arith.constant 0 : i32
      %cond3A_739 = arith.cmpi ne, %convert_element_type3A_737, %cond3A_738 : i32
      scf.if %cond3A_739 {
        %dma_wait3A_802 = arith.constant 3 : i32
        %dma_wait3A_803 = arith.constant 0 : i32
        %dma_wait3A_804 = arith.constant 0 : i32
        %dma_wait3A_805 = tpu.memref_slice %arg9[%dma_wait3A_802, %dma_wait3A_803, %dma_wait3A_804] : memref<7x64x128xf32, #tpu.memory_space<vmem>> -> memref<1x64x128xf32, #tpu.memory_space<vmem>>
        %dma_wait3A_806 = tpu.memref_squeeze %dma_wait3A_805 : memref<1x64x128xf32, #tpu.memory_space<vmem>> -> memref<64x128xf32, #tpu.memory_space<vmem>>
        %dma_wait3A_807 = arith.constant 0 : i32
        %dma_wait3A_808 = arith.constant 0 : i32
        %dma_wait3A_809 = tpu.memref_slice %arg2[%dma_wait3A_807, %dma_wait3A_808] : memref<64x1000000xf32, #tpu.memory_space<hbm>> -> memref<64x128xf32, #tpu.memory_space<hbm>>
        %dma_wait3A_810 = arith.constant 0 : i32
        %dma_wait3A_811 = arith.constant 0 : i32
        %dma_wait3A_812 = tpu.memref_slice %arg9[%dma_wait3A_802, %dma_wait3A_810, %dma_wait3A_811] : memref<7x64x128xf32, #tpu.memory_space<vmem>> -> memref<1x64x128xf32, #tpu.memory_space<vmem>>
        %dma_wait3A_813 = tpu.memref_squeeze %dma_wait3A_812 : memref<1x64x128xf32, #tpu.memory_space<vmem>> -> memref<64x128xf32, #tpu.memory_space<vmem>>
        %dma_wait3A_814 = arith.constant 0 : i32
        %dma_wait3A_815 = arith.constant 0 : i32
        %dma_wait3A_816 = tpu.memref_slice %arg2[%dma_wait3A_814, %dma_wait3A_815] : memref<64x1000000xf32, #tpu.memory_space<hbm>> -> memref<64x128xf32, #tpu.memory_space<hbm>>
        tpu.wait_dma2 semaphore(%arg14 : memref<!tpu.dma_semaphore, #tpu.memory_space<semaphore_mem>>) src(%dma_wait3A_816 : memref<64x128xf32, #tpu.memory_space<hbm>>) dst(%dma_wait3A_813 : memref<64x128xf32, #tpu.memory_space<vmem>>)
      } else {
      }
      %lt3A_740 = arith.cmpi slt, %add3A_735, %add3A_609 : i32
      %convert_element_type3A_741 = arith.extui %lt3A_740 : i1 to i32
      %cond3A_742 = arith.constant 0 : i32
      %cond3A_743 = arith.cmpi ne, %convert_element_type3A_741, %cond3A_742 : i32
      %cond3A_744 = scf.if %cond3A_743 -> (i32) {
        %get3A_802 = arith.index_cast %add3A_735 : i32 to index
        %get3A_803 = tpu.vector_load %arg8[%get3A_802] {strides = array<i32>} : memref<544xi32, #tpu.memory_space<vmem>>, vector<16xi32>,
        %slice3A = vector.extract_strided_slice %get3A_803 {offsets = [0], sizes = [1], strides = [1]} : vector<16xi32> to vector<1xi32>
        %squeeze3A = vector.extract %slice3A[0] : i32 from vector<1xi32>
        %mul3A_804 = arith.constant 128 : i32
        %mul3A_805 = arith.muli %squeeze3A, %mul3A_804 : i32
        %min3A = arith.constant 999936 : i32
        %min3A_806 = arith.minsi %mul3A_805, %min3A : i32
        %add3A_807 = arith.constant 1 : i32
        %add3A_808 = arith.addi %squeeze3A, %add3A_807 : i32
        %mul3A_809 = arith.constant 128 : i32
        %mul3A_810 = arith.muli %add3A_808, %mul3A_809 : i32
        %while3A_811 = arith.constant 3 : i32
        %while3A_812 = scf.while (%while3A_813 = %cond3A_727) : (i32) -> i32 {
          %add3A_814 = arith.constant 16 : i32
          %add3A_815 = arith.addi %while3A_813, %add3A_814 : i32
          %get3A_816 = arith.index_cast %add3A_815 : i32 to index
          %get3A_817 = tpu.vector_load %arg6[%get3A_816] {strides = array<i32>} : memref<544xi32, #tpu.memory_space<vmem>>, vector<16xi32>,
          %slice3A_818 = vector.extract_strided_slice %get3A_817 {offsets = [0], sizes = [1], strides = [1]} : vector<16xi32> to vector<1xi32>
          %squeeze3A_819 = vector.extract %slice3A_818[0] : i32 from vector<1xi32>
          %lt3A_820 = arith.constant 512 : i32
          %lt3A_821 = arith.cmpi slt, %while3A_813, %lt3A_820 : i32
          %lt3A_822 = arith.cmpi slt, %squeeze3A_819, %mul3A_810 : i32
          %and3A_823 = arith.andi %lt3A_821, %lt3A_822 : i1
          scf.condition(%and3A_823) %while3A_813 : i32
        } do {
        ^bb0(%while3A_813: i32):
          %add3A_814 = arith.constant 16 : i32
          %add3A_815 = arith.addi %while3A_813, %add3A_814 : i32
          %get3A_816 = arith.index_cast %add3A_815 : i32 to index
          %get3A_817 = tpu.vector_load %arg6[%get3A_816] {strides = array<i32>} : memref<544xi32, #tpu.memory_space<vmem>>, vector<16xi32>,
          %slice3A_818 = vector.extract_strided_slice %get3A_817 {offsets = [0], sizes = [1], strides = [1]} : vector<16xi32> to vector<1xi32>
          %squeeze3A_819 = vector.extract %slice3A_818[0] : i32 from vector<1xi32>
          %get3A_820 = arith.index_cast %while3A_813 : i32 to index
          %get3A_821 = tpu.vector_load %arg7[%get3A_820] {strides = array<i32>} : memref<528xi32, #tpu.memory_space<vmem>>, vector<16xi32>,
          %slice3A_822 = vector.extract_strided_slice %get3A_821 {offsets = [0], sizes = [1], strides = [1]} : vector<16xi32> to vector<1xi32>
          %squeeze3A_823 = vector.extract %slice3A_822[0] : i32 from vector<1xi32>
          %broadcast_in_dim3A_824 = arith.constant 0 : i32
          %broadcast_in_dim3A_825 = vector.broadcast %broadcast_in_dim3A_824 : i32 to vector<16xi32>
          %sub3A_826 = arith.subi %squeeze3A_819, %min3A_806 : i32
          %add3A_827 = vector.broadcast %sub3A_826 : i32 to vector<16xi32>
          %add3A_828 = arith.addi %broadcast_in_dim3A_825, %add3A_827 : vector<16xi32>
          %add3A_829 = arith.constant 0 : i32
          %add3A_830 = vector.broadcast %add3A_829 : i32 to vector<16xi32>
          %add3A_831 = arith.addi %iota3A, %add3A_830 : vector<16xi32>
          %gather3A = arith.constant 0 : i32
          %gather3A_832 = arith.constant 0 : i32
          %gather3A_833 = tpu.memref_slice %arg9[%while3A_811, %gather3A, %gather3A_832] : memref<7x64x128xf32, #tpu.memory_space<vmem>> -> memref<1x64x128xf32, #tpu.memory_space<vmem>>
          %gather3A_834 = tpu.memref_squeeze %gather3A_833 : memref<1x64x128xf32, #tpu.memory_space<vmem>> -> memref<64x128xf32, #tpu.memory_space<vmem>>
          %gather3A_835 = tpu.vector_load_idx %gather3A_834[%add3A_831, %add3A_828] : memref<64x128xf32, #tpu.memory_space<vmem>>[vector<16xi32>, vector<16xi32>], vector<16xf32>,
          %swap3A_836 = arith.index_cast %while3A_813 : i32 to index
          %swap3A_837 = arith.constant 0 : index
          %swap3A_838 = tpu.vector_load %arg10[%swap3A_836, %swap3A_837] {strides = array<i32>} : memref<512x64xf32, #tpu.memory_space<vmem>>, vector<16xf32>,
          tpu.vector_store %arg10[%swap3A_836, %swap3A_837], %gather3A_835 {strides = array<i32>} : memref<512x64xf32, #tpu.memory_space<vmem>>, vector<16xf32>,
          %add3A_839 = arith.constant 16 : i32
          %add3A_840 = vector.broadcast %add3A_839 : i32 to vector<16xi32>
          %add3A_841 = arith.addi %iota3A, %add3A_840 : vector<16xi32>
          %gather3A_842 = arith.constant 0 : i32
          %gather3A_843 = arith.constant 0 : i32
          %gather3A_844 = tpu.memref_slice %arg9[%while3A_811, %gather3A_842, %gather3A_843] : memref<7x64x128xf32, #tpu.memory_space<vmem>> -> memref<1x64x128xf32, #tpu.memory_space<vmem>>
          %gather3A_845 = tpu.memref_squeeze %gather3A_844 : memref<1x64x128xf32, #tpu.memory_space<vmem>> -> memref<64x128xf32, #tpu.memory_space<vmem>>
          %gather3A_846 = tpu.vector_load_idx %gather3A_845[%add3A_841, %add3A_828] : memref<64x128xf32, #tpu.memory_space<vmem>>[vector<16xi32>, vector<16xi32>], vector<16xf32>,
          %swap3A_847 = arith.index_cast %while3A_813 : i32 to index
          %swap3A_848 = arith.constant 16 : index
          %swap3A_849 = tpu.vector_load %arg10[%swap3A_847, %swap3A_848] {strides = array<i32>} : memref<512x64xf32, #tpu.memory_space<vmem>>, vector<16xf32>,
          tpu.vector_store %arg10[%swap3A_847, %swap3A_848], %gather3A_846 {strides = array<i32>} : memref<512x64xf32, #tpu.memory_space<vmem>>, vector<16xf32>,
          %add3A_850 = arith.constant 32 : i32
          %add3A_851 = vector.broadcast %add3A_850 : i32 to vector<16xi32>
          %add3A_852 = arith.addi %iota3A, %add3A_851 : vector<16xi32>
          %gather3A_853 = arith.constant 0 : i32
          %gather3A_854 = arith.constant 0 : i32
          %gather3A_855 = tpu.memref_slice %arg9[%while3A_811, %gather3A_853, %gather3A_854] : memref<7x64x128xf32, #tpu.memory_space<vmem>> -> memref<1x64x128xf32, #tpu.memory_space<vmem>>
          %gather3A_856 = tpu.memref_squeeze %gather3A_855 : memref<1x64x128xf32, #tpu.memory_space<vmem>> -> memref<64x128xf32, #tpu.memory_space<vmem>>
          %gather3A_857 = tpu.vector_load_idx %gather3A_856[%add3A_852, %add3A_828] : memref<64x128xf32, #tpu.memory_space<vmem>>[vector<16xi32>, vector<16xi32>], vector<16xf32>,
          %swap3A_858 = arith.index_cast %while3A_813 : i32 to index
          %swap3A_859 = arith.constant 32 : index
          %swap3A_860 = tpu.vector_load %arg10[%swap3A_858, %swap3A_859] {strides = array<i32>} : memref<512x64xf32, #tpu.memory_space<vmem>>, vector<16xf32>,
          tpu.vector_store %arg10[%swap3A_858, %swap3A_859], %gather3A_857 {strides = array<i32>} : memref<512x64xf32, #tpu.memory_space<vmem>>, vector<16xf32>,
          %add3A_861 = arith.constant 48 : i32
          %add3A_862 = vector.broadcast %add3A_861 : i32 to vector<16xi32>
          %add3A_863 = arith.addi %iota3A, %add3A_862 : vector<16xi32>
          %gather3A_864 = arith.constant 0 : i32
          %gather3A_865 = arith.constant 0 : i32
          %gather3A_866 = tpu.memref_slice %arg9[%while3A_811, %gather3A_864, %gather3A_865] : memref<7x64x128xf32, #tpu.memory_space<vmem>> -> memref<1x64x128xf32, #tpu.memory_space<vmem>>
          %gather3A_867 = tpu.memref_squeeze %gather3A_866 : memref<1x64x128xf32, #tpu.memory_space<vmem>> -> memref<64x128xf32, #tpu.memory_space<vmem>>
          %gather3A_868 = tpu.vector_load_idx %gather3A_867[%add3A_863, %add3A_828] : memref<64x128xf32, #tpu.memory_space<vmem>>[vector<16xi32>, vector<16xi32>], vector<16xf32>,
          %swap3A_869 = arith.index_cast %while3A_813 : i32 to index
          %swap3A_870 = arith.constant 48 : index
          %swap3A_871 = tpu.vector_load %arg10[%swap3A_869, %swap3A_870] {strides = array<i32>} : memref<512x64xf32, #tpu.memory_space<vmem>>, vector<16xf32>,
          tpu.vector_store %arg10[%swap3A_869, %swap3A_870], %gather3A_868 {strides = array<i32>} : memref<512x64xf32, #tpu.memory_space<vmem>>, vector<16xf32>,
          %dma_start3A = arith.constant 0 : i32
          %dma_start3A_872 = tpu.memref_slice %arg10[%while3A_813, %dma_start3A] : memref<512x64xf32, #tpu.memory_space<vmem>> -> memref<1x64xf32, #tpu.memory_space<vmem>>
          %dma_start3A_873 = tpu.memref_squeeze %dma_start3A_872 : memref<1x64xf32, #tpu.memory_space<vmem>> -> memref<64xf32, #tpu.memory_space<vmem>>
          %dma_start3A_874 = arith.constant 0 : i32
          %dma_start3A_875 = tpu.memref_slice %arg5[%squeeze3A_823, %dma_start3A_874] : memref<16384x64xf32, #tpu.memory_space<hbm>> -> memref<1x64xf32, #tpu.memory_space<hbm>>
          %dma_start3A_876 = tpu.memref_squeeze %dma_start3A_875 : memref<1x64xf32, #tpu.memory_space<hbm>> -> memref<64xf32, #tpu.memory_space<hbm>>
          %dma_start3A_877 = arith.constant 0 : i32
          %dma_start3A_878 = tpu.memref_slice %arg5[%squeeze3A_823, %dma_start3A_877] : memref<16384x64xf32, #tpu.memory_space<hbm>> -> memref<1x64xf32, #tpu.memory_space<hbm>>
          %dma_start3A_879 = tpu.memref_squeeze %dma_start3A_878 : memref<1x64xf32, #tpu.memory_space<hbm>> -> memref<64xf32, #tpu.memory_space<hbm>>
          %dma_start3A_880 = arith.constant 0 : i32
          %dma_start3A_881 = tpu.memref_slice %arg10[%while3A_813, %dma_start3A_880] : memref<512x64xf32, #tpu.memory_space<vmem>> -> memref<1x64xf32, #tpu.memory_space<vmem>>
          %dma_start3A_882 = tpu.memref_squeeze %dma_start3A_881 : memref<1x64xf32, #tpu.memory_space<vmem>> -> memref<64xf32, #tpu.memory_space<vmem>>
          tpu.enqueue_dma source(%dma_start3A_882 : memref<64xf32, #tpu.memory_space<vmem>>) target(%dma_start3A_879 : memref<64xf32, #tpu.memory_space<hbm>>) target_semaphore(%arg18 : memref<!tpu.dma_semaphore, #tpu.memory_space<semaphore_mem>>)
          %add3A_883 = arith.constant 1 : i32
          %add3A_884 = arith.addi %while3A_813, %add3A_883 : i32
          scf.yield %add3A_884 : i32
        }
        scf.yield %while3A_812 : i32
      } else {
        scf.yield %cond3A_727 : i32
      }
      %add3A_745 = arith.constant 7 : i32
      %add3A_746 = arith.addi %add3A_735, %add3A_745 : i32
      %lt3A_747 = arith.cmpi slt, %add3A_746, %add3A_609 : i32
      %convert_element_type3A_748 = arith.extui %lt3A_747 : i1 to i32
      %cond3A_749 = arith.constant 0 : i32
      %cond3A_750 = arith.cmpi ne, %convert_element_type3A_748, %cond3A_749 : i32
      scf.if %cond3A_750 {
        %add3A_802 = arith.constant 7 : i32
        %add3A_803 = arith.addi %add3A_735, %add3A_802 : i32
        %get3A_804 = arith.index_cast %add3A_803 : i32 to index
        %get3A_805 = tpu.vector_load %arg8[%get3A_804] {strides = array<i32>} : memref<544xi32, #tpu.memory_space<vmem>>, vector<16xi32>,
        %slice3A = vector.extract_strided_slice %get3A_805 {offsets = [0], sizes = [1], strides = [1]} : vector<16xi32> to vector<1xi32>
        %squeeze3A = vector.extract %slice3A[0] : i32 from vector<1xi32>
        %mul3A_806 = arith.constant 128 : i32
        %mul3A_807 = arith.muli %squeeze3A, %mul3A_806 : i32
        %min3A = arith.constant 999936 : i32
        %min3A_808 = arith.minsi %mul3A_807, %min3A : i32
        %multiple_of3A = tpu.assume_multiple %min3A_808, 128 : i32
        %dma_start3A = arith.constant 3 : i32
        %dma_start3A_809 = arith.constant 0 : i32
        %dma_start3A_810 = arith.constant 0 : i32
        %dma_start3A_811 = tpu.memref_slice %arg9[%dma_start3A, %dma_start3A_809, %dma_start3A_810] : memref<7x64x128xf32, #tpu.memory_space<vmem>> -> memref<1x64x128xf32, #tpu.memory_space<vmem>>
        %dma_start3A_812 = tpu.memref_squeeze %dma_start3A_811 : memref<1x64x128xf32, #tpu.memory_space<vmem>> -> memref<64x128xf32, #tpu.memory_space<vmem>>
        %dma_start3A_813 = arith.constant 0 : i32
        %dma_start3A_814 = tpu.memref_slice %arg2[%dma_start3A_813, %multiple_of3A] : memref<64x1000000xf32, #tpu.memory_space<hbm>> -> memref<64x128xf32, #tpu.memory_space<hbm>>
        %dma_start3A_815 = arith.constant 0 : i32
        %dma_start3A_816 = arith.constant 0 : i32
        %dma_start3A_817 = tpu.memref_slice %arg9[%dma_start3A, %dma_start3A_815, %dma_start3A_816] : memref<7x64x128xf32, #tpu.memory_space<vmem>> -> memref<1x64x128xf32, #tpu.memory_space<vmem>>
        %dma_start3A_818 = tpu.memref_squeeze %dma_start3A_817 : memref<1x64x128xf32, #tpu.memory_space<vmem>> -> memref<64x128xf32, #tpu.memory_space<vmem>>
        %dma_start3A_819 = arith.constant 0 : i32
        %dma_start3A_820 = tpu.memref_slice %arg2[%dma_start3A_819, %multiple_of3A] : memref<64x1000000xf32, #tpu.memory_space<hbm>> -> memref<64x128xf32, #tpu.memory_space<hbm>>
        tpu.enqueue_dma source(%dma_start3A_820 : memref<64x128xf32, #tpu.memory_space<hbm>>) target(%dma_start3A_818 : memref<64x128xf32, #tpu.memory_space<vmem>>) target_semaphore(%arg14 : memref<!tpu.dma_semaphore, #tpu.memory_space<semaphore_mem>>)
      } else {
      }
      %add3A_751 = arith.constant 4 : i32
      %add3A_752 = arith.addi %mul3A_683, %add3A_751 : i32
      %lt3A_753 = arith.cmpi slt, %add3A_752, %add3A_609 : i32
      %convert_element_type3A_754 = arith.extui %lt3A_753 : i1 to i32
      %cond3A_755 = arith.constant 0 : i32
      %cond3A_756 = arith.cmpi ne, %convert_element_type3A_754, %cond3A_755 : i32
      scf.if %cond3A_756 {
        %dma_wait3A_802 = arith.constant 4 : i32
        %dma_wait3A_803 = arith.constant 0 : i32
        %dma_wait3A_804 = arith.constant 0 : i32
        %dma_wait3A_805 = tpu.memref_slice %arg9[%dma_wait3A_802, %dma_wait3A_803, %dma_wait3A_804] : memref<7x64x128xf32, #tpu.memory_space<vmem>> -> memref<1x64x128xf32, #tpu.memory_space<vmem>>
        %dma_wait3A_806 = tpu.memref_squeeze %dma_wait3A_805 : memref<1x64x128xf32, #tpu.memory_space<vmem>> -> memref<64x128xf32, #tpu.memory_space<vmem>>
        %dma_wait3A_807 = arith.constant 0 : i32
        %dma_wait3A_808 = arith.constant 0 : i32
        %dma_wait3A_809 = tpu.memref_slice %arg2[%dma_wait3A_807, %dma_wait3A_808] : memref<64x1000000xf32, #tpu.memory_space<hbm>> -> memref<64x128xf32, #tpu.memory_space<hbm>>
        %dma_wait3A_810 = arith.constant 0 : i32
        %dma_wait3A_811 = arith.constant 0 : i32
        %dma_wait3A_812 = tpu.memref_slice %arg9[%dma_wait3A_802, %dma_wait3A_810, %dma_wait3A_811] : memref<7x64x128xf32, #tpu.memory_space<vmem>> -> memref<1x64x128xf32, #tpu.memory_space<vmem>>
        %dma_wait3A_813 = tpu.memref_squeeze %dma_wait3A_812 : memref<1x64x128xf32, #tpu.memory_space<vmem>> -> memref<64x128xf32, #tpu.memory_space<vmem>>
        %dma_wait3A_814 = arith.constant 0 : i32
        %dma_wait3A_815 = arith.constant 0 : i32
        %dma_wait3A_816 = tpu.memref_slice %arg2[%dma_wait3A_814, %dma_wait3A_815] : memref<64x1000000xf32, #tpu.memory_space<hbm>> -> memref<64x128xf32, #tpu.memory_space<hbm>>
        tpu.wait_dma2 semaphore(%arg15 : memref<!tpu.dma_semaphore, #tpu.memory_space<semaphore_mem>>) src(%dma_wait3A_816 : memref<64x128xf32, #tpu.memory_space<hbm>>) dst(%dma_wait3A_813 : memref<64x128xf32, #tpu.memory_space<vmem>>)
      } else {
      }
      %lt3A_757 = arith.cmpi slt, %add3A_752, %add3A_609 : i32
      %convert_element_type3A_758 = arith.extui %lt3A_757 : i1 to i32
      %cond3A_759 = arith.constant 0 : i32
      %cond3A_760 = arith.cmpi ne, %convert_element_type3A_758, %cond3A_759 : i32
      %cond3A_761 = scf.if %cond3A_760 -> (i32) {
        %get3A_802 = arith.index_cast %add3A_752 : i32 to index
        %get3A_803 = tpu.vector_load %arg8[%get3A_802] {strides = array<i32>} : memref<544xi32, #tpu.memory_space<vmem>>, vector<16xi32>,
        %slice3A = vector.extract_strided_slice %get3A_803 {offsets = [0], sizes = [1], strides = [1]} : vector<16xi32> to vector<1xi32>
        %squeeze3A = vector.extract %slice3A[0] : i32 from vector<1xi32>
        %mul3A_804 = arith.constant 128 : i32
        %mul3A_805 = arith.muli %squeeze3A, %mul3A_804 : i32
        %min3A = arith.constant 999936 : i32
        %min3A_806 = arith.minsi %mul3A_805, %min3A : i32
        %add3A_807 = arith.constant 1 : i32
        %add3A_808 = arith.addi %squeeze3A, %add3A_807 : i32
        %mul3A_809 = arith.constant 128 : i32
        %mul3A_810 = arith.muli %add3A_808, %mul3A_809 : i32
        %while3A_811 = arith.constant 4 : i32
        %while3A_812 = scf.while (%while3A_813 = %cond3A_744) : (i32) -> i32 {
          %add3A_814 = arith.constant 16 : i32
          %add3A_815 = arith.addi %while3A_813, %add3A_814 : i32
          %get3A_816 = arith.index_cast %add3A_815 : i32 to index
          %get3A_817 = tpu.vector_load %arg6[%get3A_816] {strides = array<i32>} : memref<544xi32, #tpu.memory_space<vmem>>, vector<16xi32>,
          %slice3A_818 = vector.extract_strided_slice %get3A_817 {offsets = [0], sizes = [1], strides = [1]} : vector<16xi32> to vector<1xi32>
          %squeeze3A_819 = vector.extract %slice3A_818[0] : i32 from vector<1xi32>
          %lt3A_820 = arith.constant 512 : i32
          %lt3A_821 = arith.cmpi slt, %while3A_813, %lt3A_820 : i32
          %lt3A_822 = arith.cmpi slt, %squeeze3A_819, %mul3A_810 : i32
          %and3A_823 = arith.andi %lt3A_821, %lt3A_822 : i1
          scf.condition(%and3A_823) %while3A_813 : i32
        } do {
        ^bb0(%while3A_813: i32):
          %add3A_814 = arith.constant 16 : i32
          %add3A_815 = arith.addi %while3A_813, %add3A_814 : i32
          %get3A_816 = arith.index_cast %add3A_815 : i32 to index
          %get3A_817 = tpu.vector_load %arg6[%get3A_816] {strides = array<i32>} : memref<544xi32, #tpu.memory_space<vmem>>, vector<16xi32>,
          %slice3A_818 = vector.extract_strided_slice %get3A_817 {offsets = [0], sizes = [1], strides = [1]} : vector<16xi32> to vector<1xi32>
          %squeeze3A_819 = vector.extract %slice3A_818[0] : i32 from vector<1xi32>
          %get3A_820 = arith.index_cast %while3A_813 : i32 to index
          %get3A_821 = tpu.vector_load %arg7[%get3A_820] {strides = array<i32>} : memref<528xi32, #tpu.memory_space<vmem>>, vector<16xi32>,
          %slice3A_822 = vector.extract_strided_slice %get3A_821 {offsets = [0], sizes = [1], strides = [1]} : vector<16xi32> to vector<1xi32>
          %squeeze3A_823 = vector.extract %slice3A_822[0] : i32 from vector<1xi32>
          %broadcast_in_dim3A_824 = arith.constant 0 : i32
          %broadcast_in_dim3A_825 = vector.broadcast %broadcast_in_dim3A_824 : i32 to vector<16xi32>
          %sub3A_826 = arith.subi %squeeze3A_819, %min3A_806 : i32
          %add3A_827 = vector.broadcast %sub3A_826 : i32 to vector<16xi32>
          %add3A_828 = arith.addi %broadcast_in_dim3A_825, %add3A_827 : vector<16xi32>
          %add3A_829 = arith.constant 0 : i32
          %add3A_830 = vector.broadcast %add3A_829 : i32 to vector<16xi32>
          %add3A_831 = arith.addi %iota3A, %add3A_830 : vector<16xi32>
          %gather3A = arith.constant 0 : i32
          %gather3A_832 = arith.constant 0 : i32
          %gather3A_833 = tpu.memref_slice %arg9[%while3A_811, %gather3A, %gather3A_832] : memref<7x64x128xf32, #tpu.memory_space<vmem>> -> memref<1x64x128xf32, #tpu.memory_space<vmem>>
          %gather3A_834 = tpu.memref_squeeze %gather3A_833 : memref<1x64x128xf32, #tpu.memory_space<vmem>> -> memref<64x128xf32, #tpu.memory_space<vmem>>
          %gather3A_835 = tpu.vector_load_idx %gather3A_834[%add3A_831, %add3A_828] : memref<64x128xf32, #tpu.memory_space<vmem>>[vector<16xi32>, vector<16xi32>], vector<16xf32>,
          %swap3A_836 = arith.index_cast %while3A_813 : i32 to index
          %swap3A_837 = arith.constant 0 : index
          %swap3A_838 = tpu.vector_load %arg10[%swap3A_836, %swap3A_837] {strides = array<i32>} : memref<512x64xf32, #tpu.memory_space<vmem>>, vector<16xf32>,
          tpu.vector_store %arg10[%swap3A_836, %swap3A_837], %gather3A_835 {strides = array<i32>} : memref<512x64xf32, #tpu.memory_space<vmem>>, vector<16xf32>,
          %add3A_839 = arith.constant 16 : i32
          %add3A_840 = vector.broadcast %add3A_839 : i32 to vector<16xi32>
          %add3A_841 = arith.addi %iota3A, %add3A_840 : vector<16xi32>
          %gather3A_842 = arith.constant 0 : i32
          %gather3A_843 = arith.constant 0 : i32
          %gather3A_844 = tpu.memref_slice %arg9[%while3A_811, %gather3A_842, %gather3A_843] : memref<7x64x128xf32, #tpu.memory_space<vmem>> -> memref<1x64x128xf32, #tpu.memory_space<vmem>>
          %gather3A_845 = tpu.memref_squeeze %gather3A_844 : memref<1x64x128xf32, #tpu.memory_space<vmem>> -> memref<64x128xf32, #tpu.memory_space<vmem>>
          %gather3A_846 = tpu.vector_load_idx %gather3A_845[%add3A_841, %add3A_828] : memref<64x128xf32, #tpu.memory_space<vmem>>[vector<16xi32>, vector<16xi32>], vector<16xf32>,
          %swap3A_847 = arith.index_cast %while3A_813 : i32 to index
          %swap3A_848 = arith.constant 16 : index
          %swap3A_849 = tpu.vector_load %arg10[%swap3A_847, %swap3A_848] {strides = array<i32>} : memref<512x64xf32, #tpu.memory_space<vmem>>, vector<16xf32>,
          tpu.vector_store %arg10[%swap3A_847, %swap3A_848], %gather3A_846 {strides = array<i32>} : memref<512x64xf32, #tpu.memory_space<vmem>>, vector<16xf32>,
          %add3A_850 = arith.constant 32 : i32
          %add3A_851 = vector.broadcast %add3A_850 : i32 to vector<16xi32>
          %add3A_852 = arith.addi %iota3A, %add3A_851 : vector<16xi32>
          %gather3A_853 = arith.constant 0 : i32
          %gather3A_854 = arith.constant 0 : i32
          %gather3A_855 = tpu.memref_slice %arg9[%while3A_811, %gather3A_853, %gather3A_854] : memref<7x64x128xf32, #tpu.memory_space<vmem>> -> memref<1x64x128xf32, #tpu.memory_space<vmem>>
          %gather3A_856 = tpu.memref_squeeze %gather3A_855 : memref<1x64x128xf32, #tpu.memory_space<vmem>> -> memref<64x128xf32, #tpu.memory_space<vmem>>
          %gather3A_857 = tpu.vector_load_idx %gather3A_856[%add3A_852, %add3A_828] : memref<64x128xf32, #tpu.memory_space<vmem>>[vector<16xi32>, vector<16xi32>], vector<16xf32>,
          %swap3A_858 = arith.index_cast %while3A_813 : i32 to index
          %swap3A_859 = arith.constant 32 : index
          %swap3A_860 = tpu.vector_load %arg10[%swap3A_858, %swap3A_859] {strides = array<i32>} : memref<512x64xf32, #tpu.memory_space<vmem>>, vector<16xf32>,
          tpu.vector_store %arg10[%swap3A_858, %swap3A_859], %gather3A_857 {strides = array<i32>} : memref<512x64xf32, #tpu.memory_space<vmem>>, vector<16xf32>,
          %add3A_861 = arith.constant 48 : i32
          %add3A_862 = vector.broadcast %add3A_861 : i32 to vector<16xi32>
          %add3A_863 = arith.addi %iota3A, %add3A_862 : vector<16xi32>
          %gather3A_864 = arith.constant 0 : i32
          %gather3A_865 = arith.constant 0 : i32
          %gather3A_866 = tpu.memref_slice %arg9[%while3A_811, %gather3A_864, %gather3A_865] : memref<7x64x128xf32, #tpu.memory_space<vmem>> -> memref<1x64x128xf32, #tpu.memory_space<vmem>>
          %gather3A_867 = tpu.memref_squeeze %gather3A_866 : memref<1x64x128xf32, #tpu.memory_space<vmem>> -> memref<64x128xf32, #tpu.memory_space<vmem>>
          %gather3A_868 = tpu.vector_load_idx %gather3A_867[%add3A_863, %add3A_828] : memref<64x128xf32, #tpu.memory_space<vmem>>[vector<16xi32>, vector<16xi32>], vector<16xf32>,
          %swap3A_869 = arith.index_cast %while3A_813 : i32 to index
          %swap3A_870 = arith.constant 48 : index
          %swap3A_871 = tpu.vector_load %arg10[%swap3A_869, %swap3A_870] {strides = array<i32>} : memref<512x64xf32, #tpu.memory_space<vmem>>, vector<16xf32>,
          tpu.vector_store %arg10[%swap3A_869, %swap3A_870], %gather3A_868 {strides = array<i32>} : memref<512x64xf32, #tpu.memory_space<vmem>>, vector<16xf32>,
          %dma_start3A = arith.constant 0 : i32
          %dma_start3A_872 = tpu.memref_slice %arg10[%while3A_813, %dma_start3A] : memref<512x64xf32, #tpu.memory_space<vmem>> -> memref<1x64xf32, #tpu.memory_space<vmem>>
          %dma_start3A_873 = tpu.memref_squeeze %dma_start3A_872 : memref<1x64xf32, #tpu.memory_space<vmem>> -> memref<64xf32, #tpu.memory_space<vmem>>
          %dma_start3A_874 = arith.constant 0 : i32
          %dma_start3A_875 = tpu.memref_slice %arg5[%squeeze3A_823, %dma_start3A_874] : memref<16384x64xf32, #tpu.memory_space<hbm>> -> memref<1x64xf32, #tpu.memory_space<hbm>>
          %dma_start3A_876 = tpu.memref_squeeze %dma_start3A_875 : memref<1x64xf32, #tpu.memory_space<hbm>> -> memref<64xf32, #tpu.memory_space<hbm>>
          %dma_start3A_877 = arith.constant 0 : i32
          %dma_start3A_878 = tpu.memref_slice %arg5[%squeeze3A_823, %dma_start3A_877] : memref<16384x64xf32, #tpu.memory_space<hbm>> -> memref<1x64xf32, #tpu.memory_space<hbm>>
          %dma_start3A_879 = tpu.memref_squeeze %dma_start3A_878 : memref<1x64xf32, #tpu.memory_space<hbm>> -> memref<64xf32, #tpu.memory_space<hbm>>
          %dma_start3A_880 = arith.constant 0 : i32
          %dma_start3A_881 = tpu.memref_slice %arg10[%while3A_813, %dma_start3A_880] : memref<512x64xf32, #tpu.memory_space<vmem>> -> memref<1x64xf32, #tpu.memory_space<vmem>>
          %dma_start3A_882 = tpu.memref_squeeze %dma_start3A_881 : memref<1x64xf32, #tpu.memory_space<vmem>> -> memref<64xf32, #tpu.memory_space<vmem>>
          tpu.enqueue_dma source(%dma_start3A_882 : memref<64xf32, #tpu.memory_space<vmem>>) target(%dma_start3A_879 : memref<64xf32, #tpu.memory_space<hbm>>) target_semaphore(%arg18 : memref<!tpu.dma_semaphore, #tpu.memory_space<semaphore_mem>>)
          %add3A_883 = arith.constant 1 : i32
          %add3A_884 = arith.addi %while3A_813, %add3A_883 : i32
          scf.yield %add3A_884 : i32
        }
        scf.yield %while3A_812 : i32
      } else {
        scf.yield %cond3A_744 : i32
      }
      %add3A_762 = arith.constant 7 : i32
      %add3A_763 = arith.addi %add3A_752, %add3A_762 : i32
      %lt3A_764 = arith.cmpi slt, %add3A_763, %add3A_609 : i32
      %convert_element_type3A_765 = arith.extui %lt3A_764 : i1 to i32
      %cond3A_766 = arith.constant 0 : i32
      %cond3A_767 = arith.cmpi ne, %convert_element_type3A_765, %cond3A_766 : i32
      scf.if %cond3A_767 {
        %add3A_802 = arith.constant 7 : i32
        %add3A_803 = arith.addi %add3A_752, %add3A_802 : i32
        %get3A_804 = arith.index_cast %add3A_803 : i32 to index
        %get3A_805 = tpu.vector_load %arg8[%get3A_804] {strides = array<i32>} : memref<544xi32, #tpu.memory_space<vmem>>, vector<16xi32>,
        %slice3A = vector.extract_strided_slice %get3A_805 {offsets = [0], sizes = [1], strides = [1]} : vector<16xi32> to vector<1xi32>
        %squeeze3A = vector.extract %slice3A[0] : i32 from vector<1xi32>
        %mul3A_806 = arith.constant 128 : i32
        %mul3A_807 = arith.muli %squeeze3A, %mul3A_806 : i32
        %min3A = arith.constant 999936 : i32
        %min3A_808 = arith.minsi %mul3A_807, %min3A : i32
        %multiple_of3A = tpu.assume_multiple %min3A_808, 128 : i32
        %dma_start3A = arith.constant 4 : i32
        %dma_start3A_809 = arith.constant 0 : i32
        %dma_start3A_810 = arith.constant 0 : i32
        %dma_start3A_811 = tpu.memref_slice %arg9[%dma_start3A, %dma_start3A_809, %dma_start3A_810] : memref<7x64x128xf32, #tpu.memory_space<vmem>> -> memref<1x64x128xf32, #tpu.memory_space<vmem>>
        %dma_start3A_812 = tpu.memref_squeeze %dma_start3A_811 : memref<1x64x128xf32, #tpu.memory_space<vmem>> -> memref<64x128xf32, #tpu.memory_space<vmem>>
        %dma_start3A_813 = arith.constant 0 : i32
        %dma_start3A_814 = tpu.memref_slice %arg2[%dma_start3A_813, %multiple_of3A] : memref<64x1000000xf32, #tpu.memory_space<hbm>> -> memref<64x128xf32, #tpu.memory_space<hbm>>
        %dma_start3A_815 = arith.constant 0 : i32
        %dma_start3A_816 = arith.constant 0 : i32
        %dma_start3A_817 = tpu.memref_slice %arg9[%dma_start3A, %dma_start3A_815, %dma_start3A_816] : memref<7x64x128xf32, #tpu.memory_space<vmem>> -> memref<1x64x128xf32, #tpu.memory_space<vmem>>
        %dma_start3A_818 = tpu.memref_squeeze %dma_start3A_817 : memref<1x64x128xf32, #tpu.memory_space<vmem>> -> memref<64x128xf32, #tpu.memory_space<vmem>>
        %dma_start3A_819 = arith.constant 0 : i32
        %dma_start3A_820 = tpu.memref_slice %arg2[%dma_start3A_819, %multiple_of3A] : memref<64x1000000xf32, #tpu.memory_space<hbm>> -> memref<64x128xf32, #tpu.memory_space<hbm>>
        tpu.enqueue_dma source(%dma_start3A_820 : memref<64x128xf32, #tpu.memory_space<hbm>>) target(%dma_start3A_818 : memref<64x128xf32, #tpu.memory_space<vmem>>) target_semaphore(%arg15 : memref<!tpu.dma_semaphore, #tpu.memory_space<semaphore_mem>>)
      } else {
      }
      %add3A_768 = arith.constant 5 : i32
      %add3A_769 = arith.addi %mul3A_683, %add3A_768 : i32
      %lt3A_770 = arith.cmpi slt, %add3A_769, %add3A_609 : i32
      %convert_element_type3A_771 = arith.extui %lt3A_770 : i1 to i32
      %cond3A_772 = arith.constant 0 : i32
      %cond3A_773 = arith.cmpi ne, %convert_element_type3A_771, %cond3A_772 : i32
      scf.if %cond3A_773 {
        %dma_wait3A_802 = arith.constant 5 : i32
        %dma_wait3A_803 = arith.constant 0 : i32
        %dma_wait3A_804 = arith.constant 0 : i32
        %dma_wait3A_805 = tpu.memref_slice %arg9[%dma_wait3A_802, %dma_wait3A_803, %dma_wait3A_804] : memref<7x64x128xf32, #tpu.memory_space<vmem>> -> memref<1x64x128xf32, #tpu.memory_space<vmem>>
        %dma_wait3A_806 = tpu.memref_squeeze %dma_wait3A_805 : memref<1x64x128xf32, #tpu.memory_space<vmem>> -> memref<64x128xf32, #tpu.memory_space<vmem>>
        %dma_wait3A_807 = arith.constant 0 : i32
        %dma_wait3A_808 = arith.constant 0 : i32
        %dma_wait3A_809 = tpu.memref_slice %arg2[%dma_wait3A_807, %dma_wait3A_808] : memref<64x1000000xf32, #tpu.memory_space<hbm>> -> memref<64x128xf32, #tpu.memory_space<hbm>>
        %dma_wait3A_810 = arith.constant 0 : i32
        %dma_wait3A_811 = arith.constant 0 : i32
        %dma_wait3A_812 = tpu.memref_slice %arg9[%dma_wait3A_802, %dma_wait3A_810, %dma_wait3A_811] : memref<7x64x128xf32, #tpu.memory_space<vmem>> -> memref<1x64x128xf32, #tpu.memory_space<vmem>>
        %dma_wait3A_813 = tpu.memref_squeeze %dma_wait3A_812 : memref<1x64x128xf32, #tpu.memory_space<vmem>> -> memref<64x128xf32, #tpu.memory_space<vmem>>
        %dma_wait3A_814 = arith.constant 0 : i32
        %dma_wait3A_815 = arith.constant 0 : i32
        %dma_wait3A_816 = tpu.memref_slice %arg2[%dma_wait3A_814, %dma_wait3A_815] : memref<64x1000000xf32, #tpu.memory_space<hbm>> -> memref<64x128xf32, #tpu.memory_space<hbm>>
        tpu.wait_dma2 semaphore(%arg16 : memref<!tpu.dma_semaphore, #tpu.memory_space<semaphore_mem>>) src(%dma_wait3A_816 : memref<64x128xf32, #tpu.memory_space<hbm>>) dst(%dma_wait3A_813 : memref<64x128xf32, #tpu.memory_space<vmem>>)
      } else {
      }
      %lt3A_774 = arith.cmpi slt, %add3A_769, %add3A_609 : i32
      %convert_element_type3A_775 = arith.extui %lt3A_774 : i1 to i32
      %cond3A_776 = arith.constant 0 : i32
      %cond3A_777 = arith.cmpi ne, %convert_element_type3A_775, %cond3A_776 : i32
      %cond3A_778 = scf.if %cond3A_777 -> (i32) {
        %get3A_802 = arith.index_cast %add3A_769 : i32 to index
        %get3A_803 = tpu.vector_load %arg8[%get3A_802] {strides = array<i32>} : memref<544xi32, #tpu.memory_space<vmem>>, vector<16xi32>,
        %slice3A = vector.extract_strided_slice %get3A_803 {offsets = [0], sizes = [1], strides = [1]} : vector<16xi32> to vector<1xi32>
        %squeeze3A = vector.extract %slice3A[0] : i32 from vector<1xi32>
        %mul3A_804 = arith.constant 128 : i32
        %mul3A_805 = arith.muli %squeeze3A, %mul3A_804 : i32
        %min3A = arith.constant 999936 : i32
        %min3A_806 = arith.minsi %mul3A_805, %min3A : i32
        %add3A_807 = arith.constant 1 : i32
        %add3A_808 = arith.addi %squeeze3A, %add3A_807 : i32
        %mul3A_809 = arith.constant 128 : i32
        %mul3A_810 = arith.muli %add3A_808, %mul3A_809 : i32
        %while3A_811 = arith.constant 5 : i32
        %while3A_812 = scf.while (%while3A_813 = %cond3A_761) : (i32) -> i32 {
          %add3A_814 = arith.constant 16 : i32
          %add3A_815 = arith.addi %while3A_813, %add3A_814 : i32
          %get3A_816 = arith.index_cast %add3A_815 : i32 to index
          %get3A_817 = tpu.vector_load %arg6[%get3A_816] {strides = array<i32>} : memref<544xi32, #tpu.memory_space<vmem>>, vector<16xi32>,
          %slice3A_818 = vector.extract_strided_slice %get3A_817 {offsets = [0], sizes = [1], strides = [1]} : vector<16xi32> to vector<1xi32>
          %squeeze3A_819 = vector.extract %slice3A_818[0] : i32 from vector<1xi32>
          %lt3A_820 = arith.constant 512 : i32
          %lt3A_821 = arith.cmpi slt, %while3A_813, %lt3A_820 : i32
          %lt3A_822 = arith.cmpi slt, %squeeze3A_819, %mul3A_810 : i32
          %and3A_823 = arith.andi %lt3A_821, %lt3A_822 : i1
          scf.condition(%and3A_823) %while3A_813 : i32
        } do {
        ^bb0(%while3A_813: i32):
          %add3A_814 = arith.constant 16 : i32
          %add3A_815 = arith.addi %while3A_813, %add3A_814 : i32
          %get3A_816 = arith.index_cast %add3A_815 : i32 to index
          %get3A_817 = tpu.vector_load %arg6[%get3A_816] {strides = array<i32>} : memref<544xi32, #tpu.memory_space<vmem>>, vector<16xi32>,
          %slice3A_818 = vector.extract_strided_slice %get3A_817 {offsets = [0], sizes = [1], strides = [1]} : vector<16xi32> to vector<1xi32>
          %squeeze3A_819 = vector.extract %slice3A_818[0] : i32 from vector<1xi32>
          %get3A_820 = arith.index_cast %while3A_813 : i32 to index
          %get3A_821 = tpu.vector_load %arg7[%get3A_820] {strides = array<i32>} : memref<528xi32, #tpu.memory_space<vmem>>, vector<16xi32>,
          %slice3A_822 = vector.extract_strided_slice %get3A_821 {offsets = [0], sizes = [1], strides = [1]} : vector<16xi32> to vector<1xi32>
          %squeeze3A_823 = vector.extract %slice3A_822[0] : i32 from vector<1xi32>
          %broadcast_in_dim3A_824 = arith.constant 0 : i32
          %broadcast_in_dim3A_825 = vector.broadcast %broadcast_in_dim3A_824 : i32 to vector<16xi32>
          %sub3A_826 = arith.subi %squeeze3A_819, %min3A_806 : i32
          %add3A_827 = vector.broadcast %sub3A_826 : i32 to vector<16xi32>
          %add3A_828 = arith.addi %broadcast_in_dim3A_825, %add3A_827 : vector<16xi32>
          %add3A_829 = arith.constant 0 : i32
          %add3A_830 = vector.broadcast %add3A_829 : i32 to vector<16xi32>
          %add3A_831 = arith.addi %iota3A, %add3A_830 : vector<16xi32>
          %gather3A = arith.constant 0 : i32
          %gather3A_832 = arith.constant 0 : i32
          %gather3A_833 = tpu.memref_slice %arg9[%while3A_811, %gather3A, %gather3A_832] : memref<7x64x128xf32, #tpu.memory_space<vmem>> -> memref<1x64x128xf32, #tpu.memory_space<vmem>>
          %gather3A_834 = tpu.memref_squeeze %gather3A_833 : memref<1x64x128xf32, #tpu.memory_space<vmem>> -> memref<64x128xf32, #tpu.memory_space<vmem>>
          %gather3A_835 = tpu.vector_load_idx %gather3A_834[%add3A_831, %add3A_828] : memref<64x128xf32, #tpu.memory_space<vmem>>[vector<16xi32>, vector<16xi32>], vector<16xf32>,
          %swap3A_836 = arith.index_cast %while3A_813 : i32 to index
          %swap3A_837 = arith.constant 0 : index
          %swap3A_838 = tpu.vector_load %arg10[%swap3A_836, %swap3A_837] {strides = array<i32>} : memref<512x64xf32, #tpu.memory_space<vmem>>, vector<16xf32>,
          tpu.vector_store %arg10[%swap3A_836, %swap3A_837], %gather3A_835 {strides = array<i32>} : memref<512x64xf32, #tpu.memory_space<vmem>>, vector<16xf32>,
          %add3A_839 = arith.constant 16 : i32
          %add3A_840 = vector.broadcast %add3A_839 : i32 to vector<16xi32>
          %add3A_841 = arith.addi %iota3A, %add3A_840 : vector<16xi32>
          %gather3A_842 = arith.constant 0 : i32
          %gather3A_843 = arith.constant 0 : i32
          %gather3A_844 = tpu.memref_slice %arg9[%while3A_811, %gather3A_842, %gather3A_843] : memref<7x64x128xf32, #tpu.memory_space<vmem>> -> memref<1x64x128xf32, #tpu.memory_space<vmem>>
          %gather3A_845 = tpu.memref_squeeze %gather3A_844 : memref<1x64x128xf32, #tpu.memory_space<vmem>> -> memref<64x128xf32, #tpu.memory_space<vmem>>
          %gather3A_846 = tpu.vector_load_idx %gather3A_845[%add3A_841, %add3A_828] : memref<64x128xf32, #tpu.memory_space<vmem>>[vector<16xi32>, vector<16xi32>], vector<16xf32>,
          %swap3A_847 = arith.index_cast %while3A_813 : i32 to index
          %swap3A_848 = arith.constant 16 : index
          %swap3A_849 = tpu.vector_load %arg10[%swap3A_847, %swap3A_848] {strides = array<i32>} : memref<512x64xf32, #tpu.memory_space<vmem>>, vector<16xf32>,
          tpu.vector_store %arg10[%swap3A_847, %swap3A_848], %gather3A_846 {strides = array<i32>} : memref<512x64xf32, #tpu.memory_space<vmem>>, vector<16xf32>,
          %add3A_850 = arith.constant 32 : i32
          %add3A_851 = vector.broadcast %add3A_850 : i32 to vector<16xi32>
          %add3A_852 = arith.addi %iota3A, %add3A_851 : vector<16xi32>
          %gather3A_853 = arith.constant 0 : i32
          %gather3A_854 = arith.constant 0 : i32
          %gather3A_855 = tpu.memref_slice %arg9[%while3A_811, %gather3A_853, %gather3A_854] : memref<7x64x128xf32, #tpu.memory_space<vmem>> -> memref<1x64x128xf32, #tpu.memory_space<vmem>>
          %gather3A_856 = tpu.memref_squeeze %gather3A_855 : memref<1x64x128xf32, #tpu.memory_space<vmem>> -> memref<64x128xf32, #tpu.memory_space<vmem>>
          %gather3A_857 = tpu.vector_load_idx %gather3A_856[%add3A_852, %add3A_828] : memref<64x128xf32, #tpu.memory_space<vmem>>[vector<16xi32>, vector<16xi32>], vector<16xf32>,
          %swap3A_858 = arith.index_cast %while3A_813 : i32 to index
          %swap3A_859 = arith.constant 32 : index
          %swap3A_860 = tpu.vector_load %arg10[%swap3A_858, %swap3A_859] {strides = array<i32>} : memref<512x64xf32, #tpu.memory_space<vmem>>, vector<16xf32>,
          tpu.vector_store %arg10[%swap3A_858, %swap3A_859], %gather3A_857 {strides = array<i32>} : memref<512x64xf32, #tpu.memory_space<vmem>>, vector<16xf32>,
          %add3A_861 = arith.constant 48 : i32
          %add3A_862 = vector.broadcast %add3A_861 : i32 to vector<16xi32>
          %add3A_863 = arith.addi %iota3A, %add3A_862 : vector<16xi32>
          %gather3A_864 = arith.constant 0 : i32
          %gather3A_865 = arith.constant 0 : i32
          %gather3A_866 = tpu.memref_slice %arg9[%while3A_811, %gather3A_864, %gather3A_865] : memref<7x64x128xf32, #tpu.memory_space<vmem>> -> memref<1x64x128xf32, #tpu.memory_space<vmem>>
          %gather3A_867 = tpu.memref_squeeze %gather3A_866 : memref<1x64x128xf32, #tpu.memory_space<vmem>> -> memref<64x128xf32, #tpu.memory_space<vmem>>
          %gather3A_868 = tpu.vector_load_idx %gather3A_867[%add3A_863, %add3A_828] : memref<64x128xf32, #tpu.memory_space<vmem>>[vector<16xi32>, vector<16xi32>], vector<16xf32>,
          %swap3A_869 = arith.index_cast %while3A_813 : i32 to index
          %swap3A_870 = arith.constant 48 : index
          %swap3A_871 = tpu.vector_load %arg10[%swap3A_869, %swap3A_870] {strides = array<i32>} : memref<512x64xf32, #tpu.memory_space<vmem>>, vector<16xf32>,
          tpu.vector_store %arg10[%swap3A_869, %swap3A_870], %gather3A_868 {strides = array<i32>} : memref<512x64xf32, #tpu.memory_space<vmem>>, vector<16xf32>,
          %dma_start3A = arith.constant 0 : i32
          %dma_start3A_872 = tpu.memref_slice %arg10[%while3A_813, %dma_start3A] : memref<512x64xf32, #tpu.memory_space<vmem>> -> memref<1x64xf32, #tpu.memory_space<vmem>>
          %dma_start3A_873 = tpu.memref_squeeze %dma_start3A_872 : memref<1x64xf32, #tpu.memory_space<vmem>> -> memref<64xf32, #tpu.memory_space<vmem>>
          %dma_start3A_874 = arith.constant 0 : i32
          %dma_start3A_875 = tpu.memref_slice %arg5[%squeeze3A_823, %dma_start3A_874] : memref<16384x64xf32, #tpu.memory_space<hbm>> -> memref<1x64xf32, #tpu.memory_space<hbm>>
          %dma_start3A_876 = tpu.memref_squeeze %dma_start3A_875 : memref<1x64xf32, #tpu.memory_space<hbm>> -> memref<64xf32, #tpu.memory_space<hbm>>
          %dma_start3A_877 = arith.constant 0 : i32
          %dma_start3A_878 = tpu.memref_slice %arg5[%squeeze3A_823, %dma_start3A_877] : memref<16384x64xf32, #tpu.memory_space<hbm>> -> memref<1x64xf32, #tpu.memory_space<hbm>>
          %dma_start3A_879 = tpu.memref_squeeze %dma_start3A_878 : memref<1x64xf32, #tpu.memory_space<hbm>> -> memref<64xf32, #tpu.memory_space<hbm>>
          %dma_start3A_880 = arith.constant 0 : i32
          %dma_start3A_881 = tpu.memref_slice %arg10[%while3A_813, %dma_start3A_880] : memref<512x64xf32, #tpu.memory_space<vmem>> -> memref<1x64xf32, #tpu.memory_space<vmem>>
          %dma_start3A_882 = tpu.memref_squeeze %dma_start3A_881 : memref<1x64xf32, #tpu.memory_space<vmem>> -> memref<64xf32, #tpu.memory_space<vmem>>
          tpu.enqueue_dma source(%dma_start3A_882 : memref<64xf32, #tpu.memory_space<vmem>>) target(%dma_start3A_879 : memref<64xf32, #tpu.memory_space<hbm>>) target_semaphore(%arg18 : memref<!tpu.dma_semaphore, #tpu.memory_space<semaphore_mem>>)
          %add3A_883 = arith.constant 1 : i32
          %add3A_884 = arith.addi %while3A_813, %add3A_883 : i32
          scf.yield %add3A_884 : i32
        }
        scf.yield %while3A_812 : i32
      } else {
        scf.yield %cond3A_761 : i32
      }
      %add3A_779 = arith.constant 7 : i32
      %add3A_780 = arith.addi %add3A_769, %add3A_779 : i32
      %lt3A_781 = arith.cmpi slt, %add3A_780, %add3A_609 : i32
      %convert_element_type3A_782 = arith.extui %lt3A_781 : i1 to i32
      %cond3A_783 = arith.constant 0 : i32
      %cond3A_784 = arith.cmpi ne, %convert_element_type3A_782, %cond3A_783 : i32
      scf.if %cond3A_784 {
        %add3A_802 = arith.constant 7 : i32
        %add3A_803 = arith.addi %add3A_769, %add3A_802 : i32
        %get3A_804 = arith.index_cast %add3A_803 : i32 to index
        %get3A_805 = tpu.vector_load %arg8[%get3A_804] {strides = array<i32>} : memref<544xi32, #tpu.memory_space<vmem>>, vector<16xi32>,
        %slice3A = vector.extract_strided_slice %get3A_805 {offsets = [0], sizes = [1], strides = [1]} : vector<16xi32> to vector<1xi32>
        %squeeze3A = vector.extract %slice3A[0] : i32 from vector<1xi32>
        %mul3A_806 = arith.constant 128 : i32
        %mul3A_807 = arith.muli %squeeze3A, %mul3A_806 : i32
        %min3A = arith.constant 999936 : i32
        %min3A_808 = arith.minsi %mul3A_807, %min3A : i32
        %multiple_of3A = tpu.assume_multiple %min3A_808, 128 : i32
        %dma_start3A = arith.constant 5 : i32
        %dma_start3A_809 = arith.constant 0 : i32
        %dma_start3A_810 = arith.constant 0 : i32
        %dma_start3A_811 = tpu.memref_slice %arg9[%dma_start3A, %dma_start3A_809, %dma_start3A_810] : memref<7x64x128xf32, #tpu.memory_space<vmem>> -> memref<1x64x128xf32, #tpu.memory_space<vmem>>
        %dma_start3A_812 = tpu.memref_squeeze %dma_start3A_811 : memref<1x64x128xf32, #tpu.memory_space<vmem>> -> memref<64x128xf32, #tpu.memory_space<vmem>>
        %dma_start3A_813 = arith.constant 0 : i32
        %dma_start3A_814 = tpu.memref_slice %arg2[%dma_start3A_813, %multiple_of3A] : memref<64x1000000xf32, #tpu.memory_space<hbm>> -> memref<64x128xf32, #tpu.memory_space<hbm>>
        %dma_start3A_815 = arith.constant 0 : i32
        %dma_start3A_816 = arith.constant 0 : i32
        %dma_start3A_817 = tpu.memref_slice %arg9[%dma_start3A, %dma_start3A_815, %dma_start3A_816] : memref<7x64x128xf32, #tpu.memory_space<vmem>> -> memref<1x64x128xf32, #tpu.memory_space<vmem>>
        %dma_start3A_818 = tpu.memref_squeeze %dma_start3A_817 : memref<1x64x128xf32, #tpu.memory_space<vmem>> -> memref<64x128xf32, #tpu.memory_space<vmem>>
        %dma_start3A_819 = arith.constant 0 : i32
        %dma_start3A_820 = tpu.memref_slice %arg2[%dma_start3A_819, %multiple_of3A] : memref<64x1000000xf32, #tpu.memory_space<hbm>> -> memref<64x128xf32, #tpu.memory_space<hbm>>
        tpu.enqueue_dma source(%dma_start3A_820 : memref<64x128xf32, #tpu.memory_space<hbm>>) target(%dma_start3A_818 : memref<64x128xf32, #tpu.memory_space<vmem>>) target_semaphore(%arg16 : memref<!tpu.dma_semaphore, #tpu.memory_space<semaphore_mem>>)
      } else {
      }
      %add3A_785 = arith.constant 6 : i32
      %add3A_786 = arith.addi %mul3A_683, %add3A_785 : i32
      %lt3A_787 = arith.cmpi slt, %add3A_786, %add3A_609 : i32
      %convert_element_type3A_788 = arith.extui %lt3A_787 : i1 to i32
      %cond3A_789 = arith.constant 0 : i32
      %cond3A_790 = arith.cmpi ne, %convert_element_type3A_788, %cond3A_789 : i32
      scf.if %cond3A_790 {
        %dma_wait3A_802 = arith.constant 6 : i32
        %dma_wait3A_803 = arith.constant 0 : i32
        %dma_wait3A_804 = arith.constant 0 : i32
        %dma_wait3A_805 = tpu.memref_slice %arg9[%dma_wait3A_802, %dma_wait3A_803, %dma_wait3A_804] : memref<7x64x128xf32, #tpu.memory_space<vmem>> -> memref<1x64x128xf32, #tpu.memory_space<vmem>>
        %dma_wait3A_806 = tpu.memref_squeeze %dma_wait3A_805 : memref<1x64x128xf32, #tpu.memory_space<vmem>> -> memref<64x128xf32, #tpu.memory_space<vmem>>
        %dma_wait3A_807 = arith.constant 0 : i32
        %dma_wait3A_808 = arith.constant 0 : i32
        %dma_wait3A_809 = tpu.memref_slice %arg2[%dma_wait3A_807, %dma_wait3A_808] : memref<64x1000000xf32, #tpu.memory_space<hbm>> -> memref<64x128xf32, #tpu.memory_space<hbm>>
        %dma_wait3A_810 = arith.constant 0 : i32
        %dma_wait3A_811 = arith.constant 0 : i32
        %dma_wait3A_812 = tpu.memref_slice %arg9[%dma_wait3A_802, %dma_wait3A_810, %dma_wait3A_811] : memref<7x64x128xf32, #tpu.memory_space<vmem>> -> memref<1x64x128xf32, #tpu.memory_space<vmem>>
        %dma_wait3A_813 = tpu.memref_squeeze %dma_wait3A_812 : memref<1x64x128xf32, #tpu.memory_space<vmem>> -> memref<64x128xf32, #tpu.memory_space<vmem>>
        %dma_wait3A_814 = arith.constant 0 : i32
        %dma_wait3A_815 = arith.constant 0 : i32
        %dma_wait3A_816 = tpu.memref_slice %arg2[%dma_wait3A_814, %dma_wait3A_815] : memref<64x1000000xf32, #tpu.memory_space<hbm>> -> memref<64x128xf32, #tpu.memory_space<hbm>>
        tpu.wait_dma2 semaphore(%arg17 : memref<!tpu.dma_semaphore, #tpu.memory_space<semaphore_mem>>) src(%dma_wait3A_816 : memref<64x128xf32, #tpu.memory_space<hbm>>) dst(%dma_wait3A_813 : memref<64x128xf32, #tpu.memory_space<vmem>>)
      } else {
      }
      %lt3A_791 = arith.cmpi slt, %add3A_786, %add3A_609 : i32
      %convert_element_type3A_792 = arith.extui %lt3A_791 : i1 to i32
      %cond3A_793 = arith.constant 0 : i32
      %cond3A_794 = arith.cmpi ne, %convert_element_type3A_792, %cond3A_793 : i32
      %cond3A_795 = scf.if %cond3A_794 -> (i32) {
        %get3A_802 = arith.index_cast %add3A_786 : i32 to index
        %get3A_803 = tpu.vector_load %arg8[%get3A_802] {strides = array<i32>} : memref<544xi32, #tpu.memory_space<vmem>>, vector<16xi32>,
        %slice3A = vector.extract_strided_slice %get3A_803 {offsets = [0], sizes = [1], strides = [1]} : vector<16xi32> to vector<1xi32>
        %squeeze3A = vector.extract %slice3A[0] : i32 from vector<1xi32>
        %mul3A_804 = arith.constant 128 : i32
        %mul3A_805 = arith.muli %squeeze3A, %mul3A_804 : i32
        %min3A = arith.constant 999936 : i32
        %min3A_806 = arith.minsi %mul3A_805, %min3A : i32
        %add3A_807 = arith.constant 1 : i32
        %add3A_808 = arith.addi %squeeze3A, %add3A_807 : i32
        %mul3A_809 = arith.constant 128 : i32
        %mul3A_810 = arith.muli %add3A_808, %mul3A_809 : i32
        %while3A_811 = arith.constant 6 : i32
        %while3A_812 = scf.while (%while3A_813 = %cond3A_778) : (i32) -> i32 {
          %add3A_814 = arith.constant 16 : i32
          %add3A_815 = arith.addi %while3A_813, %add3A_814 : i32
          %get3A_816 = arith.index_cast %add3A_815 : i32 to index
          %get3A_817 = tpu.vector_load %arg6[%get3A_816] {strides = array<i32>} : memref<544xi32, #tpu.memory_space<vmem>>, vector<16xi32>,
          %slice3A_818 = vector.extract_strided_slice %get3A_817 {offsets = [0], sizes = [1], strides = [1]} : vector<16xi32> to vector<1xi32>
          %squeeze3A_819 = vector.extract %slice3A_818[0] : i32 from vector<1xi32>
          %lt3A_820 = arith.constant 512 : i32
          %lt3A_821 = arith.cmpi slt, %while3A_813, %lt3A_820 : i32
          %lt3A_822 = arith.cmpi slt, %squeeze3A_819, %mul3A_810 : i32
          %and3A_823 = arith.andi %lt3A_821, %lt3A_822 : i1
          scf.condition(%and3A_823) %while3A_813 : i32
        } do {
        ^bb0(%while3A_813: i32):
          %add3A_814 = arith.constant 16 : i32
          %add3A_815 = arith.addi %while3A_813, %add3A_814 : i32
          %get3A_816 = arith.index_cast %add3A_815 : i32 to index
          %get3A_817 = tpu.vector_load %arg6[%get3A_816] {strides = array<i32>} : memref<544xi32, #tpu.memory_space<vmem>>, vector<16xi32>,
          %slice3A_818 = vector.extract_strided_slice %get3A_817 {offsets = [0], sizes = [1], strides = [1]} : vector<16xi32> to vector<1xi32>
          %squeeze3A_819 = vector.extract %slice3A_818[0] : i32 from vector<1xi32>
          %get3A_820 = arith.index_cast %while3A_813 : i32 to index
          %get3A_821 = tpu.vector_load %arg7[%get3A_820] {strides = array<i32>} : memref<528xi32, #tpu.memory_space<vmem>>, vector<16xi32>,
          %slice3A_822 = vector.extract_strided_slice %get3A_821 {offsets = [0], sizes = [1], strides = [1]} : vector<16xi32> to vector<1xi32>
          %squeeze3A_823 = vector.extract %slice3A_822[0] : i32 from vector<1xi32>
          %broadcast_in_dim3A_824 = arith.constant 0 : i32
          %broadcast_in_dim3A_825 = vector.broadcast %broadcast_in_dim3A_824 : i32 to vector<16xi32>
          %sub3A_826 = arith.subi %squeeze3A_819, %min3A_806 : i32
          %add3A_827 = vector.broadcast %sub3A_826 : i32 to vector<16xi32>
          %add3A_828 = arith.addi %broadcast_in_dim3A_825, %add3A_827 : vector<16xi32>
          %add3A_829 = arith.constant 0 : i32
          %add3A_830 = vector.broadcast %add3A_829 : i32 to vector<16xi32>
          %add3A_831 = arith.addi %iota3A, %add3A_830 : vector<16xi32>
          %gather3A = arith.constant 0 : i32
          %gather3A_832 = arith.constant 0 : i32
          %gather3A_833 = tpu.memref_slice %arg9[%while3A_811, %gather3A, %gather3A_832] : memref<7x64x128xf32, #tpu.memory_space<vmem>> -> memref<1x64x128xf32, #tpu.memory_space<vmem>>
          %gather3A_834 = tpu.memref_squeeze %gather3A_833 : memref<1x64x128xf32, #tpu.memory_space<vmem>> -> memref<64x128xf32, #tpu.memory_space<vmem>>
          %gather3A_835 = tpu.vector_load_idx %gather3A_834[%add3A_831, %add3A_828] : memref<64x128xf32, #tpu.memory_space<vmem>>[vector<16xi32>, vector<16xi32>], vector<16xf32>,
          %swap3A_836 = arith.index_cast %while3A_813 : i32 to index
          %swap3A_837 = arith.constant 0 : index
          %swap3A_838 = tpu.vector_load %arg10[%swap3A_836, %swap3A_837] {strides = array<i32>} : memref<512x64xf32, #tpu.memory_space<vmem>>, vector<16xf32>,
          tpu.vector_store %arg10[%swap3A_836, %swap3A_837], %gather3A_835 {strides = array<i32>} : memref<512x64xf32, #tpu.memory_space<vmem>>, vector<16xf32>,
          %add3A_839 = arith.constant 16 : i32
          %add3A_840 = vector.broadcast %add3A_839 : i32 to vector<16xi32>
          %add3A_841 = arith.addi %iota3A, %add3A_840 : vector<16xi32>
          %gather3A_842 = arith.constant 0 : i32
          %gather3A_843 = arith.constant 0 : i32
          %gather3A_844 = tpu.memref_slice %arg9[%while3A_811, %gather3A_842, %gather3A_843] : memref<7x64x128xf32, #tpu.memory_space<vmem>> -> memref<1x64x128xf32, #tpu.memory_space<vmem>>
          %gather3A_845 = tpu.memref_squeeze %gather3A_844 : memref<1x64x128xf32, #tpu.memory_space<vmem>> -> memref<64x128xf32, #tpu.memory_space<vmem>>
          %gather3A_846 = tpu.vector_load_idx %gather3A_845[%add3A_841, %add3A_828] : memref<64x128xf32, #tpu.memory_space<vmem>>[vector<16xi32>, vector<16xi32>], vector<16xf32>,
          %swap3A_847 = arith.index_cast %while3A_813 : i32 to index
          %swap3A_848 = arith.constant 16 : index
          %swap3A_849 = tpu.vector_load %arg10[%swap3A_847, %swap3A_848] {strides = array<i32>} : memref<512x64xf32, #tpu.memory_space<vmem>>, vector<16xf32>,
          tpu.vector_store %arg10[%swap3A_847, %swap3A_848], %gather3A_846 {strides = array<i32>} : memref<512x64xf32, #tpu.memory_space<vmem>>, vector<16xf32>,
          %add3A_850 = arith.constant 32 : i32
          %add3A_851 = vector.broadcast %add3A_850 : i32 to vector<16xi32>
          %add3A_852 = arith.addi %iota3A, %add3A_851 : vector<16xi32>
          %gather3A_853 = arith.constant 0 : i32
          %gather3A_854 = arith.constant 0 : i32
          %gather3A_855 = tpu.memref_slice %arg9[%while3A_811, %gather3A_853, %gather3A_854] : memref<7x64x128xf32, #tpu.memory_space<vmem>> -> memref<1x64x128xf32, #tpu.memory_space<vmem>>
          %gather3A_856 = tpu.memref_squeeze %gather3A_855 : memref<1x64x128xf32, #tpu.memory_space<vmem>> -> memref<64x128xf32, #tpu.memory_space<vmem>>
          %gather3A_857 = tpu.vector_load_idx %gather3A_856[%add3A_852, %add3A_828] : memref<64x128xf32, #tpu.memory_space<vmem>>[vector<16xi32>, vector<16xi32>], vector<16xf32>,
          %swap3A_858 = arith.index_cast %while3A_813 : i32 to index
          %swap3A_859 = arith.constant 32 : index
          %swap3A_860 = tpu.vector_load %arg10[%swap3A_858, %swap3A_859] {strides = array<i32>} : memref<512x64xf32, #tpu.memory_space<vmem>>, vector<16xf32>,
          tpu.vector_store %arg10[%swap3A_858, %swap3A_859], %gather3A_857 {strides = array<i32>} : memref<512x64xf32, #tpu.memory_space<vmem>>, vector<16xf32>,
          %add3A_861 = arith.constant 48 : i32
          %add3A_862 = vector.broadcast %add3A_861 : i32 to vector<16xi32>
          %add3A_863 = arith.addi %iota3A, %add3A_862 : vector<16xi32>
          %gather3A_864 = arith.constant 0 : i32
          %gather3A_865 = arith.constant 0 : i32
          %gather3A_866 = tpu.memref_slice %arg9[%while3A_811, %gather3A_864, %gather3A_865] : memref<7x64x128xf32, #tpu.memory_space<vmem>> -> memref<1x64x128xf32, #tpu.memory_space<vmem>>
          %gather3A_867 = tpu.memref_squeeze %gather3A_866 : memref<1x64x128xf32, #tpu.memory_space<vmem>> -> memref<64x128xf32, #tpu.memory_space<vmem>>
          %gather3A_868 = tpu.vector_load_idx %gather3A_867[%add3A_863, %add3A_828] : memref<64x128xf32, #tpu.memory_space<vmem>>[vector<16xi32>, vector<16xi32>], vector<16xf32>,
          %swap3A_869 = arith.index_cast %while3A_813 : i32 to index
          %swap3A_870 = arith.constant 48 : index
          %swap3A_871 = tpu.vector_load %arg10[%swap3A_869, %swap3A_870] {strides = array<i32>} : memref<512x64xf32, #tpu.memory_space<vmem>>, vector<16xf32>,
          tpu.vector_store %arg10[%swap3A_869, %swap3A_870], %gather3A_868 {strides = array<i32>} : memref<512x64xf32, #tpu.memory_space<vmem>>, vector<16xf32>,
          %dma_start3A = arith.constant 0 : i32
          %dma_start3A_872 = tpu.memref_slice %arg10[%while3A_813, %dma_start3A] : memref<512x64xf32, #tpu.memory_space<vmem>> -> memref<1x64xf32, #tpu.memory_space<vmem>>
          %dma_start3A_873 = tpu.memref_squeeze %dma_start3A_872 : memref<1x64xf32, #tpu.memory_space<vmem>> -> memref<64xf32, #tpu.memory_space<vmem>>
          %dma_start3A_874 = arith.constant 0 : i32
          %dma_start3A_875 = tpu.memref_slice %arg5[%squeeze3A_823, %dma_start3A_874] : memref<16384x64xf32, #tpu.memory_space<hbm>> -> memref<1x64xf32, #tpu.memory_space<hbm>>
          %dma_start3A_876 = tpu.memref_squeeze %dma_start3A_875 : memref<1x64xf32, #tpu.memory_space<hbm>> -> memref<64xf32, #tpu.memory_space<hbm>>
          %dma_start3A_877 = arith.constant 0 : i32
          %dma_start3A_878 = tpu.memref_slice %arg5[%squeeze3A_823, %dma_start3A_877] : memref<16384x64xf32, #tpu.memory_space<hbm>> -> memref<1x64xf32, #tpu.memory_space<hbm>>
          %dma_start3A_879 = tpu.memref_squeeze %dma_start3A_878 : memref<1x64xf32, #tpu.memory_space<hbm>> -> memref<64xf32, #tpu.memory_space<hbm>>
          %dma_start3A_880 = arith.constant 0 : i32
          %dma_start3A_881 = tpu.memref_slice %arg10[%while3A_813, %dma_start3A_880] : memref<512x64xf32, #tpu.memory_space<vmem>> -> memref<1x64xf32, #tpu.memory_space<vmem>>
          %dma_start3A_882 = tpu.memref_squeeze %dma_start3A_881 : memref<1x64xf32, #tpu.memory_space<vmem>> -> memref<64xf32, #tpu.memory_space<vmem>>
          tpu.enqueue_dma source(%dma_start3A_882 : memref<64xf32, #tpu.memory_space<vmem>>) target(%dma_start3A_879 : memref<64xf32, #tpu.memory_space<hbm>>) target_semaphore(%arg18 : memref<!tpu.dma_semaphore, #tpu.memory_space<semaphore_mem>>)
          %add3A_883 = arith.constant 1 : i32
          %add3A_884 = arith.addi %while3A_813, %add3A_883 : i32
          scf.yield %add3A_884 : i32
        }
        scf.yield %while3A_812 : i32
      } else {
        scf.yield %cond3A_778 : i32
      }
      %add3A_796 = arith.constant 7 : i32
      %add3A_797 = arith.addi %add3A_786, %add3A_796 : i32
      %lt3A_798 = arith.cmpi slt, %add3A_797, %add3A_609 : i32
      %convert_element_type3A_799 = arith.extui %lt3A_798 : i1 to i32
      %cond3A_800 = arith.constant 0 : i32
      %cond3A_801 = arith.cmpi ne, %convert_element_type3A_799, %cond3A_800 : i32
      scf.if %cond3A_801 {
        %add3A_802 = arith.constant 7 : i32
        %add3A_803 = arith.addi %add3A_786, %add3A_802 : i32
        %get3A_804 = arith.index_cast %add3A_803 : i32 to index
        %get3A_805 = tpu.vector_load %arg8[%get3A_804] {strides = array<i32>} : memref<544xi32, #tpu.memory_space<vmem>>, vector<16xi32>,
        %slice3A = vector.extract_strided_slice %get3A_805 {offsets = [0], sizes = [1], strides = [1]} : vector<16xi32> to vector<1xi32>
        %squeeze3A = vector.extract %slice3A[0] : i32 from vector<1xi32>
        %mul3A_806 = arith.constant 128 : i32
        %mul3A_807 = arith.muli %squeeze3A, %mul3A_806 : i32
        %min3A = arith.constant 999936 : i32
        %min3A_808 = arith.minsi %mul3A_807, %min3A : i32
        %multiple_of3A = tpu.assume_multiple %min3A_808, 128 : i32
        %dma_start3A = arith.constant 6 : i32
        %dma_start3A_809 = arith.constant 0 : i32
        %dma_start3A_810 = arith.constant 0 : i32
        %dma_start3A_811 = tpu.memref_slice %arg9[%dma_start3A, %dma_start3A_809, %dma_start3A_810] : memref<7x64x128xf32, #tpu.memory_space<vmem>> -> memref<1x64x128xf32, #tpu.memory_space<vmem>>
        %dma_start3A_812 = tpu.memref_squeeze %dma_start3A_811 : memref<1x64x128xf32, #tpu.memory_space<vmem>> -> memref<64x128xf32, #tpu.memory_space<vmem>>
        %dma_start3A_813 = arith.constant 0 : i32
        %dma_start3A_814 = tpu.memref_slice %arg2[%dma_start3A_813, %multiple_of3A] : memref<64x1000000xf32, #tpu.memory_space<hbm>> -> memref<64x128xf32, #tpu.memory_space<hbm>>
        %dma_start3A_815 = arith.constant 0 : i32
        %dma_start3A_816 = arith.constant 0 : i32
        %dma_start3A_817 = tpu.memref_slice %arg9[%dma_start3A, %dma_start3A_815, %dma_start3A_816] : memref<7x64x128xf32, #tpu.memory_space<vmem>> -> memref<1x64x128xf32, #tpu.memory_space<vmem>>
        %dma_start3A_818 = tpu.memref_squeeze %dma_start3A_817 : memref<1x64x128xf32, #tpu.memory_space<vmem>> -> memref<64x128xf32, #tpu.memory_space<vmem>>
        %dma_start3A_819 = arith.constant 0 : i32
        %dma_start3A_820 = tpu.memref_slice %arg2[%dma_start3A_819, %multiple_of3A] : memref<64x1000000xf32, #tpu.memory_space<hbm>> -> memref<64x128xf32, #tpu.memory_space<hbm>>
        tpu.enqueue_dma source(%dma_start3A_820 : memref<64x128xf32, #tpu.memory_space<hbm>>) target(%dma_start3A_818 : memref<64x128xf32, #tpu.memory_space<vmem>>) target_semaphore(%arg17 : memref<!tpu.dma_semaphore, #tpu.memory_space<semaphore_mem>>)
      } else {
      }
      scf.yield %cond3A_795 : i32
    }
    %dma_wait3A = arith.constant 0 : i32
    %dma_wait3A_675 = arith.constant 0 : i32
    %dma_wait3A_676 = tpu.memref_slice %arg5[%dma_wait3A, %dma_wait3A_675] : memref<16384x64xf32, #tpu.memory_space<hbm>> -> memref<512x64xf32, #tpu.memory_space<hbm>>
    %dma_wait3A_677 = arith.constant 0 : i32
    %dma_wait3A_678 = arith.constant 0 : i32
    %dma_wait3A_679 = tpu.memref_slice %arg5[%dma_wait3A_677, %dma_wait3A_678] : memref<16384x64xf32, #tpu.memory_space<hbm>> -> memref<512x64xf32, #tpu.memory_space<hbm>>
    tpu.wait_dma2 semaphore(%arg18 : memref<!tpu.dma_semaphore, #tpu.memory_space<semaphore_mem>>) src(%dma_wait3A_679 : memref<512x64xf32, #tpu.memory_space<hbm>>) dst(%arg10 : memref<512x64xf32, #tpu.memory_space<vmem>>)
    return
  }
}

</mosaic_0001>

<sc_bundles>
// kernel: kernel.3.cloned.1.call-start
scs
__scs_entry_jumppad:
0x0: {  	(pc) =	sbr.rel $0x88, $3  }
0x1: {  	(tag) =	ssettag $0x0;
	lr =	simm.s32 $0x1  }
0x2: {  	[smem:$0x3F9F] =	sst lr;
	_ =	strace $0xD0000000  }
0x3: {  	_ = 	snop  }
0x4: {  	_ = 	snop  }
0x5: {  	_ = 	snop  }
0x6: {  	_ = 	snop  }
0x7: {  	_ = 	snop  }
__scs_overlays_trampoline_lowered:
0x8: {  	[smem:$0x3FAE] =	sst s0  }
0x9: {  	[smem:$0x3FAF] =	sst s1  }
0xa: {  	[smem:$0x3FB0] =	sst s2  }
0xb: {  	[smem:$0x3FB1] =	sst s3  }
0xc: {  	[smem:$0x3FB2] =	sst s4  }
0xd: {  	[smem:$0x3FB3] =	sst s5  }
0xe: {  	[smem:$0x3FB4] =	sst s6  }
0xf: {  	[smem:$0x3FB5] =	sst s7  }
0x10: {  	[smem:$0x3FB6] =	sst s8  }
0x11: {  	[smem:$0x3FB7] =	sst s9;
	s0 =	simm.s32 @!p0 $0x0  }
0x12: {  	s1 =	sld [smem:$0x3F9D];
	s0 =	simm.s32 @p0 $0x1  }
0x13: {  	[smem:$0x3FB8] =	sst s0;
	s0 =	simm.s32 @!p1 $0x0  }
0x14: {  	s2 =	sld [smem:$0x3F9C];
	s0 =	simm.s32 @p1 $0x1  }
0x15: {  	[smem:$0x3FB9] =	sst s0;
	s0 =	simm.s32 @!p2 $0x0  }
0x16: {  	s3 =	sld [smem:$0x3FDB];
	s0 =	simm.s32 @p2 $0x1  }
0x17: {  	s4 =	simm.s32 $0x1BF5;
	[smem:$0x3FBB] =	sst s0  }
0x18: {  	s0 =	sld [smem:$0x3F9E];
	_ =	swait.ge [sflag:s4], $0x0  }
0x19: {  	s7 =	sld [smem:$0x3F9F]  }
0x1a: {  	s8 =	sadd.s32 $0xFFFFE003, lr  }
0x1b: {  	s9 =	sadd.s32 $0xFFFFFEF7, lr;
	s5 =	simm.s32 $0xFFFFFFFF;
	p2 =	slt.u32 s8, $0xFFFFF086  }
0x1c: {  	p1 =	slt.u32 s9, $0xF7A;
	s5 =	simm.s32 @!p2 $0x0  }
0x1d: {  	s5 =	simm.s32 @p1 $0x1;
	p0 =	seq.s32 s7, s2  }
0x1e: {  	s7 =	smul.u32 @!p0 $0xF7A, s2;
	p2 =	seq.s32 @!p0 s5, $0x0  }
0x1f: {  	s9 =	smul.u32 $0xF7A, s1;
	s8 =	simm.s32 @!p0 $0x1BF5;
	p2 =	por !p2, p0  }
0x20: {  	[sflag:s8] =	ssyncset.s32 @!p0 $0xFFFFF086;
	s6 =	sadd.s32 @!p0 s3, s7;
	s7 =	simm.s32 @!p0 $0x108  }
0x21: {  	s3 =	sadd.s32 s3, s9;
	s6 =	sadd.s32 @!p0 $0x88, s6;
	s7 =	simm.s32 @p2 $0x1082  }
0x22: {  	[simem:s7], [sflag:s8] =	dma.local @!p0 [hbm:s6], $0xF7A  }
0x23: {  	s9 =	sor.u32 $0xD0000000, s2;
	s6 =	simm.s32 $0x108;
	_ =	swait.ge @!p0 [sflag:s8], $0x0  }
0x24: {  	s3 =	sadd.s32 $0x88, s3;
	s6 =	simm.s32 @!p1 $0x1082;
	[sflag:s4] =	ssyncset.s32 $0xFFFFF086  }
0x25: {  	[simem:s6], [sflag:s4] =	dma.local [hbm:s3], $0xF7A  }
0x26: {  	[smem:$0x3F9F] =	sst s1;
	(tag) =	ssettag s2;
	_ =	strace s9  }
0x27: {  	s1 =	sld [smem:$0x3FAF]  }
0x28: {  	s2 =	sld [smem:$0x3FB0]  }
0x29: {  	s4 =	sld [smem:$0x3FB2]  }
0x2a: {  	p0 =	seq.s32 s5, $0x0;
	s5 =	sld [smem:$0x3FB3]  }
0x2b: {  	s6 =	sld [smem:$0x3FB4]  }
0x2c: {  	s7 =	sld [smem:$0x3FB5]  }
0x2d: {  	s3 =	simm.s32 $0x108;
	s8 =	sld [smem:$0x3FB6]  }
0x2e: {  	s3 =	simm.s32 @!p0 $0x1082;
	s9 =	sld [smem:$0x3FB7]  }
0x2f: {  	lr =	sadd.s32 s0, s3;
	s0 =	sld [smem:$0x3FAE]  }
0x30: {  	s3 =	sld [smem:$0x3FB1]  }
0x31: {  	[smem:$0x3FBA] =	sst s10  }
0x32: {  	s10 =	sld [smem:$0x3FB8];
	_ =	sdelay $0x3  }
0x33: {  	p0 =	seq.s32 s10, $0x1;
	s10 =	sld [smem:$0x3FBA];
	_ =	sdelay $0x3  }
0x34: {  	[smem:$0x3FBA] =	sst s10  }
0x35: {  	s10 =	sld [smem:$0x3FB9];
	_ =	sdelay $0x3  }
0x36: {  	p1 =	seq.s32 s10, $0x1;
	s10 =	sld [smem:$0x3FBA];
	_ =	sdelay $0x3  }
0x37: {  	[smem:$0x3FBA] =	sst s10  }
0x38: {  	s10 =	sld [smem:$0x3FBB]  }
0x39: {  	_ = 	snop;
	(pc) =	sbr.ind lr, $3  }
0x3a: {  	_ = 	snop  }
0x3b: {  	_ = 	snop  }
0x3c: {  	p2 =	seq.s32 s10, $0x1;
	s10 =	sld [smem:$0x3FBA]  }
0x3d: {  	_ =	shalt  }
0x3e: {  	_ =	shalt  }
0x3f: {  	_ =	shalt  }
0x40: {  	_ =	shalt  }
0x41: {  	_ =	shalt  }
0x42: {  	_ =	shalt  }
0x43: {  	_ =	shalt  }
0x44: {  	_ =	shalt  }
0x45: {  	_ =	shalt  }
0x46: {  	_ =	shalt  }
0x47: {  	_ =	shalt  }
0x48: {  	_ =	shalt  }
0x49: {  	_ =	shalt  }
0x4a: {  	_ =	shalt  }
0x4b: {  	_ =	shalt  }
0x4c: {  	_ =	shalt  }
0x4d: {  	_ =	shalt  }
0x4e: {  	_ =	shalt  }
0x4f: {  	_ =	shalt  }
0x50: {  	_ =	shalt  }
0x51: {  	_ =	shalt  }
0x52: {  	_ =	shalt  }
0x53: {  	_ =	shalt  }
0x54: {  	_ =	shalt  }
0x55: {  	_ =	shalt  }
0x56: {  	_ =	shalt  }
0x57: {  	_ =	shalt  }
0x58: {  	_ =	shalt  }
0x59: {  	_ =	shalt  }
0x5a: {  	_ =	shalt  }
0x5b: {  	_ =	shalt  }
0x5c: {  	_ =	shalt  }
0x5d: {  	_ =	shalt  }
0x5e: {  	_ =	shalt  }
0x5f: {  	_ =	shalt  }
0x60: {  	_ =	shalt  }
0x61: {  	_ =	shalt  }
0x62: {  	_ =	shalt  }
0x63: {  	_ =	shalt  }
0x64: {  	_ =	shalt  }
0x65: {  	_ =	shalt  }
0x66: {  	_ =	shalt  }
0x67: {  	_ =	shalt  }
0x68: {  	_ =	shalt  }
0x69: {  	_ =	shalt  }
0x6a: {  	_ =	shalt  }
0x6b: {  	_ =	shalt  }
0x6c: {  	_ =	shalt  }
0x6d: {  	_ =	shalt  }
0x6e: {  	_ =	shalt  }
0x6f: {  	_ =	shalt  }
0x70: {  	_ =	shalt  }
0x71: {  	_ =	shalt  }
0x72: {  	_ =	shalt  }
0x73: {  	_ =	shalt  }
0x74: {  	_ =	shalt  }
0x75: {  	_ =	shalt  }
0x76: {  	_ =	shalt  }
0x77: {  	_ =	shalt  }
0x78: {  	_ =	shalt  }
0x79: {  	_ =	shalt  }
0x7a: {  	_ =	shalt  }
0x7b: {  	_ =	shalt  }
0x7c: {  	_ =	shalt  }
0x7d: {  	_ =	shalt  }
0x7e: {  	_ =	shalt  }
0x7f: {  	_ =	shalt  }
0x80: {  	_ =	shalt  }
0x81: {  	_ =	shalt  }
0x82: {  	_ =	shalt  }
0x83: {  	_ =	shalt  }
0x84: {  	_ =	shalt  }
0x85: {  	_ =	shalt  }
0x86: {  	_ =	shalt  }
0x87: {  	_ =	shalt  }
.Lfunc_end0:
.L_simem_size_0:
called_computation_lowered:
.L_overlay_start_0:
0x88: {  	s2 =	sld [smem:$0x3FD9]  }
0x89: {  	s3 =	sld [smem:$0x3FFE];
	_ =	sdelay $0x1  }
0x8a: {  	s1 =	srdreg.scid  }
0x8b: {  	s0 =	sand.u32 $0x1, s1  }
0x8c: {  	s17 =	sshll.u32 s0, $0xA;
	s2 =	sadd.s32 s3, s2  }
0x8d: {  	s2 =	sadd.s32 s2, s17  }
0x8e: {  	[smem:$0x3FC6] =	sst s2  }
0x8f: {  	_ = 	snop  }
0x90: {  	s2 =	sld [smem:$0x3FC9]  }
0x91: {  	s18 =	sld [smem:$0x3FD0];
	(tm) =	ssettm $0x1  }
0x92: {  	s4 =	sld [smem:$0x3FFB];
	_ =	sdelay $0x3  }
0x93: {  	_ =	strace s4  }
0x94: {  	s4 =	sld [smem:$0x3FFC];
	_ =	sdelay $0x3  }
0x95: {  	_ =	strace s4  }
0x96: {  	s4 =	sld [smem:$0x3FFD];
	_ =	sdelay $0x3  }
0x97: {  	_ =	strace s4  }
0x98: {  	_ =	strace $0x8FFFFFFF  }
0x99: {  	s19 =	sld [smem:$0x3FDB];
	_ =	sdelay $0x1  }
0x9a: {  	s5 =	simm.s32 $_scs_section_size  }
0x9b: {  	s6 =	simm.s32 $_size__tile_overlayer_lowered;
	s7 =	simm.s32 $_tile_overlayer_lowered  }
0x9c: {  	s22 =	simm.s32 $0x1BFF;
	s21 =	sshll.u32 s7, $0x1;
	s4 =	sadd.s32 s5, s19  }
0x9d: {  	s8 =	simm.s32 $0x0;
	s20 =	sshll.u32 s6, $0x1;
	s6 =	sadd.s32 s21, s4  }
0x9e: {  	[timem:s8], [sflag:s22] =	dma.local [hbm:s6], s20  }
0x9f: {  	_ =	swait.ge [sflag:s22], s20  }
0xa0: {  	s5 =	ssub.s32 $0x0, s20;
	[sflag:s22] =	ssyncset.done $0x0  }
0xa1: {  	[sflag:s22] =	ssyncadd.s32 s5;
	_ =	sdelay $0x1  }
0xa2: {  	s23 =	simm.s32 $0x1B8B  }
0xa3: {  	_ =	swait.ge [sflag:s23], $0x1  }
0xa4: {  	[sflag:s23] =	ssyncset.done $0x0  }
0xa5: {  	s25 =	simm.s32 $0x1B8E;
	s24 =	sld [smem:$0x3FFE];
	[sflag:s23] =	ssyncadd.s32 $0xFFFFFFFF  }
0xa6: {  	s26 =	simm.s32 $execute0_lowered;
	[smem:$0x3FD2] =	sst s25  }
0xa7: {  	s6 =	sshll.u32 s26, $0x1;
	_ =	strace $0x80000046;
	[dreg:$0x1] =	wrdreg $0xFFFFFFFF  }
0xa8: {  	s28 =	simm.s32 $_size_execute0_lowered;
	s4 =	sadd.s32 s4, s6;
	[dreg:$0x0] =	wrdreg $0x0  }
0xa9: {  	s6 =	sshll.u32 s28, $0x1;
	[dreg:$0x2] =	wrdreg s4  }
0xaa: {  	[dreg:$0x3] =	wrdreg s6  }
0xab: {  	[dreg:$0x4] =	wrdreg $0xC0  }
0xac: {  	_ =	task [dreg:s8], $0x5FFFF  }
0xad: {  	[dreg:$0x1] =	wrdreg $0xFFFFFFFF  }
0xae: {  	[dreg:$0x0] =	wrdreg $0x60  }
0xaf: {  	[dreg:$0x2] =	wrdreg s2  }
0xb0: {  	[dreg:$0x3] =	wrdreg s18  }
0xb1: {  	[dreg:$0x4] =	wrdreg s24  }
0xb2: {  	[dreg:$0x5] =	wrdreg $0x9  }
0xb3: {  	_ =	task.clear_ibuf [dreg:s8], $0x6FFFF;
	_ =	strace $0x90000046  }
0xb4: {  	s29 =	simm.s32 $0x9;
	_ =	strace $0x80000048  }
0xb5: {  	_ =	swait.ge [sflag:s29], $0x1  }
0xb6: {  	[sflag:s29] =	ssyncadd.s32 $0xFFFFFFFF  }
0xb7: {  	_ =	strace $0x90000048  }
0xb8: {  	_ =	sfence  }
0xb9: {  	s30 =	sld [smem:$0x0];
	_ =	sdelay $0x2  }
0xba: {  	s31 =	sshll.u32 s1, $0xD;
	s1 =	sshrl.u32 s1, $0x2  }
0xbb: {  	s3 =	sand.u32 $0x4000, s31;
	s1 =	sadd.s32 s1, s30  }
0xbc: {  	s0 =	sor.u32 s3, s0;
	s1 =	sshll.u32 s1, $0x11  }
0xbd: {  	s0 =	sor.u32 s1, s0  }
0xbe: {  	s0 =	sadd.s32 $0x8F2B, s0  }
0xbf: {  	[sflag:s0] =	ssyncadd.remote.s32 $0x1  }
0xc0: {  	_ =	sfence.sel $0xFFFF  }
0xc1: {  	[dreg:$0x0] =	wrdreg $0xFFFFFFFF;
	(pc) =	sbr.abs _section_cstart, $3  }
0xc2: {  	[dreg:$0x1] =	wrdreg $0xFFFFFFFF  }
0xc3: {  	_ =	task.clear_ibuf [dreg:s8], $0x2FFFF;
	_ =	strace $0x9FFFFFFF  }
0xc4: {  	(tm) =	ssettm $0x7FFFFFFF  }
0xc5: {  	_ =	shalt  }
tec
execute0_lowered:
.L_overlay_start_1:
0x0: {  	(tag) =	ssettag $0x1  }
0x1: {  	s1 =	rddreg [dreg:$0x0]  }
0x2: {  	s0 =	rddreg [dreg:$0x1]  }
0x3: {  	s3 =	rddreg [dreg:$0x2];
	s2 =	simm.s32 $0x0  }
0x4: {  	s4 =	srdreg.scid;
	s7 =	stileid.u32;
	s10 =	simm.s32 $0x280  }
0x5: {  	s11 =	simm.s32 $0x500;
	s12 =	simm.s32 $0x780;
	s13 =	simm.s32 $0x2780  }
0x6: {  	s14 =	simm.s32 $0x4780;
	s15 =	simm.s32 $0x6780;
	s16 =	simm.s32 $0x8780  }
0x7: {  	s17 =	simm.s32 $0xA780;
	s18 =	simm.s32 $0xC780;
	s19 =	simm.s32 $0x8  }
0x8: {  	s21 =	simm.s32 $0x7A1400;
	s22 =	simm.s32 $0x0;
	[smem:$0x7FF] =	sst s2  }
.Ltmp0:
0x9: {  	s4 =	sand.u32 $0x1, s4;
	s7 =	sshll.u32 s7, $0x7;
	(pc) =	sbr.rel .LBB2_1-.Ltmp0, $4  }
0xa: {  	_ =	strace $0x80000047;
	s5 =	ssub.s32 $0x2, s4;
	s8 =	sshll.u32 s4, $0x6  }
0xb: {  	s4 =	sadd.s32 $0x800, s3;
	s6 =	sshrl.u32 s5, $0x1;
	s31 =	sor.u32 s8, s7  }
0xc: {  	v2 =	vlaneseq.u32;
	s8 =	simm.s32 $0x10;
	s9 =	ssub.s32 s5, s6;
	s5 =	sadd.s32 s0, s31  }
0xd: {  	v0 =	vimm.s32 $0xFFFFFFFF;
	v1 =	vimm.s32 $0x0;
	v2 =	vmul.u32 $0x80, v2;
	s6 =	sadd.s32 s3, s31;
	s7 =	smax.u32 s9, $0x1;
	s9 =	simm.s32 $0x9  }
.LBB2_40:
0xe: {  	s22 =	sadd.s32 $0x1, s22  }
0xf: {  	p0 =	sne.s32 s22, s7  }
.Ltmp1:
0x10: {  	_ = 	snop;
	(pc) =	sbr.rel @!p0 .LBB2_41-.Ltmp1, $4  }
0x11: {  	_ = 	snop  }
0x12: {  	_ =	swait.ge [sflag:s19], $0x10000  }
0x13: {  	[sflag:s19] =	ssyncset.done $0x0  }
0x14: {  	[sflag:s19] =	ssyncadd.s32 $0xFFFF0000  }
.LBB2_1:
0x15: {  	[tilespmem:$0x0] =	vst v0  }
0x16: {  	[tilespmem:s8], [sflag:$0x9] =	stream.linear.gather [hbm4b:s5+s2], $0x200, $0x38;
	[tilespmem:$0x1E780] =	vst v63  }
0x17: {  	_ =	swait.ge [sflag:s9], $0x200  }
0x18: {  	[sflag:s9] =	ssyncset.done $0x0  }
0x19: {  	[sflag:s9] =	ssyncadd.s32 $0xFFFFFE00  }
0x1a: {  	[tilespmem:s10], [sflag:$0x9] =	stream.linear.gather [hbm4b:s6+s2], $0x200, $0x38;
	[tilespmem:$0x1E780] =	vst v63  }
0x1b: {  	_ =	swait.ge [sflag:s9], $0x200  }
0x1c: {  	[sflag:s9] =	ssyncset.done $0x0  }
0x1d: {  	[sflag:s9] =	ssyncadd.s32 $0xFFFFFE00  }
0x1e: {  	v3 =	vld [tilespmem:$0x10]  }
0x1f: {  	v4 =	vld [tilespmem:$0xF];
	_ =	sdelay $0x4  }
0x20: {  	v3 =	vshra.s32 v3, $0x7;
	v4 =	vshra.s32 v4, $0x7  }
0x21: {  	vm0 =	vne.s32 v3, v4  }
0x22: {  	[tilespmem:s11+$0x0] =	vst.msk vm0, v3  }
0x23: {  	v3 =	vsel vm0, $0x1, v1;
	v17 =	vld [tilespmem:$0x20]  }
0x24: {  	(xrf0) =	vadd.scan.msk.s32 $0xffff, v3;
	v3 =	vld [tilespmem:$0x1F];
	_ =	sdelay $0x4  }
0x25: {  	v4 =	vshra.s32 v17, $0x7;
	v3 =	vshra.s32 v3, $0x7  }
0x26: {  	v5, _, _ =	vpop (xrf0);
	vm9 =	vne.s32 v4, v3  }
0x27: {  	(v2sf) =	vpush v5, $0xF;
	v3 =	vsel vm9, $0x1, v1  }
0x28: {  	(xrf0) =	vadd.scan.msk.s32 $0xffff, v3;
	_ =	sdelay $0x5  }
0x29: {  	v3, _, _ =	vpop (xrf0)  }
0x2a: {  	(v2sf) =	vpush v3, $0xF;
	_ =	sdelay $0x6  }
0x2b: {  	s0 =	spop (v2sf)  }
0x2c: {  	[tilespmem:s0+$0x500] =	vst.msk vm9, v4  }
0x2d: {  	v3 =	vld [tilespmem:$0x30]  }
0x2e: {  	v4 =	vld [tilespmem:$0x2F];
	_ =	sdelay $0x4  }
0x2f: {  	v3 =	vshra.s32 v3, $0x7;
	v4 =	vshra.s32 v4, $0x7;
	s3 =	spop (v2sf)  }
0x30: {  	vm10 =	vne.s32 v3, v4;
	s0 =	sadd.s32 s0, s3  }
0x31: {  	[tilespmem:s0+$0x500] =	vst.msk vm10, v3;
	v3 =	vsel vm10, $0x1, v1  }
0x32: {  	(xrf0) =	vadd.scan.msk.s32 $0xffff, v3;
	v3 =	vld [tilespmem:$0x40]  }
0x33: {  	v18 =	vld [tilespmem:$0x3F];
	_ =	sdelay $0x4  }
0x34: {  	v3 =	vshra.s32 v3, $0x7;
	v4 =	vshra.s32 v18, $0x7;
	v19, _, _ =	vpop (xrf0)  }
0x35: {  	vm11 =	vne.s32 v3, v4;
	(v2sf) =	vpush v19, $0xF  }
0x36: {  	v4 =	vsel vm11, $0x1, v1  }
0x37: {  	(xrf0) =	vadd.scan.msk.s32 $0xffff, v4;
	_ =	sdelay $0x5  }
0x38: {  	v4, _, _ =	vpop (xrf0)  }
0x39: {  	(v2sf) =	vpush v4, $0xF;
	_ =	sdelay $0x5  }
0x3a: {  	s29 =	spop (v2sf)  }
0x3b: {  	s0 =	sadd.s32 s0, s29  }
0x3c: {  	[tilespmem:s0+$0x500] =	vst.msk vm11, v3  }
0x3d: {  	v3 =	vld [tilespmem:$0x50]  }
0x3e: {  	v20 =	vld [tilespmem:$0x4F];
	_ =	sdelay $0x4  }
0x3f: {  	s30 =	spop (v2sf);
	v3 =	vshra.s32 v3, $0x7;
	v4 =	vshra.s32 v20, $0x7  }
0x40: {  	s0 =	sadd.s32 s0, s30;
	vm12 =	vne.s32 v3, v4  }
0x41: {  	[tilespmem:s0+$0x500] =	vst.msk vm12, v3;
	v3 =	vsel vm12, $0x1, v1  }
0x42: {  	(xrf0) =	vadd.scan.msk.s32 $0xffff, v3;
	v3 =	vld [tilespmem:$0x60]  }
0x43: {  	v21 =	vld [tilespmem:$0x5F];
	_ =	sdelay $0x4  }
0x44: {  	v3 =	vshra.s32 v3, $0x7;
	v4 =	vshra.s32 v21, $0x7;
	v22, _, _ =	vpop (xrf0)  }
0x45: {  	vm13 =	vne.s32 v3, v4;
	(v2sf) =	vpush v22, $0xF  }
0x46: {  	v4 =	vsel vm13, $0x1, v1  }
0x47: {  	(xrf0) =	vadd.scan.msk.s32 $0xffff, v4;
	_ =	sdelay $0x5  }
0x48: {  	v4, _, _ =	vpop (xrf0)  }
0x49: {  	(v2sf) =	vpush v4, $0xF;
	_ =	sdelay $0x5  }
0x4a: {  	s31 =	spop (v2sf)  }
0x4b: {  	s0 =	sadd.s32 s0, s31  }
0x4c: {  	[tilespmem:s0+$0x500] =	vst.msk vm13, v3  }
0x4d: {  	v3 =	vld [tilespmem:$0x70]  }
0x4e: {  	v23 =	vld [tilespmem:$0x6F];
	_ =	sdelay $0x4  }
0x4f: {  	s20 =	spop (v2sf);
	v3 =	vshra.s32 v3, $0x7;
	v4 =	vshra.s32 v23, $0x7  }
0x50: {  	s0 =	sadd.s32 s0, s20;
	vm14 =	vne.s32 v3, v4  }
0x51: {  	[tilespmem:s0+$0x500] =	vst.msk vm14, v3;
	v3 =	vsel vm14, $0x1, v1  }
0x52: {  	(xrf0) =	vadd.scan.msk.s32 $0xffff, v3;
	v3 =	vld [tilespmem:$0x80]  }
0x53: {  	v24 =	vld [tilespmem:$0x7F];
	_ =	sdelay $0x4  }
0x54: {  	v3 =	vshra.s32 v3, $0x7;
	v4 =	vshra.s32 v24, $0x7;
	v25, _, _ =	vpop (xrf0)  }
0x55: {  	vm15 =	vne.s32 v3, v4;
	(v2sf) =	vpush v25, $0xF  }
0x56: {  	v4 =	vsel vm15, $0x1, v1  }
0x57: {  	(xrf0) =	vadd.scan.msk.s32 $0xffff, v4;
	_ =	sdelay $0x5  }
0x58: {  	v4, _, _ =	vpop (xrf0)  }
0x59: {  	(v2sf) =	vpush v4, $0xF;
	_ =	sdelay $0x5  }
0x5a: {  	s23 =	spop (v2sf)  }
0x5b: {  	s0 =	sadd.s32 s0, s23  }
0x5c: {  	[tilespmem:s0+$0x500] =	vst.msk vm15, v3  }
0x5d: {  	v3 =	vld [tilespmem:$0x90]  }
0x5e: {  	v26 =	vld [tilespmem:$0x8F];
	_ =	sdelay $0x4  }
0x5f: {  	s24 =	spop (v2sf);
	v3 =	vshra.s32 v3, $0x7;
	v4 =	vshra.s32 v26, $0x7  }
0x60: {  	s0 =	sadd.s32 s0, s24;
	vm4 =	vne.s32 v3, v4  }
0x61: {  	[tilespmem:s0+$0x500] =	vst.msk vm4, v3;
	v3 =	vsel vm4, $0x1, v1  }
0x62: {  	(xrf0) =	vadd.scan.msk.s32 $0xffff, v3;
	v3 =	vld [tilespmem:$0xA0]  }
0x63: {  	v27 =	vld [tilespmem:$0x9F];
	_ =	sdelay $0x4  }
0x64: {  	v3 =	vshra.s32 v3, $0x7;
	v4 =	vshra.s32 v27, $0x7;
	v28, _, _ =	vpop (xrf0)  }
0x65: {  	vm5 =	vne.s32 v3, v4;
	(v2sf) =	vpush v28, $0xF  }
0x66: {  	v4 =	vsel vm5, $0x1, v1  }
0x67: {  	(xrf0) =	vadd.scan.msk.s32 $0xffff, v4;
	_ =	sdelay $0x5  }
0x68: {  	v4, _, _ =	vpop (xrf0)  }
0x69: {  	(v2sf) =	vpush v4, $0xF;
	_ =	sdelay $0x5  }
0x6a: {  	s25 =	spop (v2sf)  }
0x6b: {  	s0 =	sadd.s32 s0, s25  }
0x6c: {  	[tilespmem:s0+$0x500] =	vst.msk vm5, v3  }
0x6d: {  	v3 =	vld [tilespmem:$0xB0]  }
0x6e: {  	v29 =	vld [tilespmem:$0xAF];
	_ =	sdelay $0x4  }
0x6f: {  	s26 =	spop (v2sf);
	v3 =	vshra.s32 v3, $0x7;
	v4 =	vshra.s32 v29, $0x7  }
0x70: {  	s0 =	sadd.s32 s0, s26;
	vm6 =	vne.s32 v3, v4  }
0x71: {  	[tilespmem:s0+$0x500] =	vst.msk vm6, v3;
	v3 =	vsel vm6, $0x1, v1  }
0x72: {  	(xrf0) =	vadd.scan.msk.s32 $0xffff, v3;
	v3 =	vld [tilespmem:$0xC0]  }
0x73: {  	v30 =	vld [tilespmem:$0xBF];
	_ =	sdelay $0x4  }
0x74: {  	v3 =	vshra.s32 v3, $0x7;
	v4 =	vshra.s32 v30, $0x7;
	v31, _, _ =	vpop (xrf0)  }
0x75: {  	vm7 =	vne.s32 v3, v4;
	(v2sf) =	vpush v31, $0xF  }
0x76: {  	v4 =	vsel vm7, $0x1, v1  }
0x77: {  	(xrf0) =	vadd.scan.msk.s32 $0xffff, v4;
	_ =	sdelay $0x5  }
0x78: {  	v4, _, _ =	vpop (xrf0)  }
0x79: {  	(v2sf) =	vpush v4, $0xF;
	_ =	sdelay $0x5  }
0x7a: {  	s28 =	spop (v2sf)  }
0x7b: {  	s0 =	sadd.s32 s0, s28  }
0x7c: {  	[tilespmem:s0+$0x500] =	vst.msk vm7, v3  }
0x7d: {  	v3 =	vld [tilespmem:$0xD0]  }
0x7e: {  	v32 =	vld [tilespmem:$0xCF];
	_ =	sdelay $0x4  }
0x7f: {  	s29 =	spop (v2sf);
	v3 =	vshra.s32 v3, $0x7;
	v4 =	vshra.s32 v32, $0x7  }
0x80: {  	s0 =	sadd.s32 s0, s29;
	vm8 =	vne.s32 v3, v4  }
0x81: {  	[tilespmem:s0+$0x500] =	vst.msk vm8, v3;
	v3 =	vsel vm8, $0x1, v1  }
0x82: {  	(xrf0) =	vadd.scan.msk.s32 $0xffff, v3;
	v3 =	vld [tilespmem:$0xE0]  }
0x83: {  	v33 =	vld [tilespmem:$0xDF];
	_ =	sdelay $0x4  }
0x84: {  	v3 =	vshra.s32 v3, $0x7;
	v4 =	vshra.s32 v33, $0x7;
	v34, _, _ =	vpop (xrf0)  }
0x85: {  	vm9 =	vne.s32 v3, v4;
	(v2sf) =	vpush v34, $0xF  }
0x86: {  	v4 =	vsel vm9, $0x1, v1  }
0x87: {  	(xrf0) =	vadd.scan.msk.s32 $0xffff, v4;
	_ =	sdelay $0x5  }
0x88: {  	v4, _, _ =	vpop (xrf0)  }
0x89: {  	(v2sf) =	vpush v4, $0xF;
	_ =	sdelay $0x5  }
0x8a: {  	s30 =	spop (v2sf)  }
0x8b: {  	s0 =	sadd.s32 s0, s30  }
0x8c: {  	[tilespmem:s0+$0x500] =	vst.msk vm9, v3  }
0x8d: {  	v3 =	vld [tilespmem:$0xF0]  }
0x8e: {  	v35 =	vld [tilespmem:$0xEF];
	_ =	sdelay $0x4  }
0x8f: {  	s31 =	spop (v2sf);
	v3 =	vshra.s32 v3, $0x7;
	v4 =	vshra.s32 v35, $0x7  }
0x90: {  	s0 =	sadd.s32 s0, s31;
	vm10 =	vne.s32 v3, v4  }
0x91: {  	[tilespmem:s0+$0x500] =	vst.msk vm10, v3;
	v3 =	vsel vm10, $0x1, v1  }
0x92: {  	(xrf0) =	vadd.scan.msk.s32 $0xffff, v3;
	v3 =	vld [tilespmem:$0x100]  }
0x93: {  	v36 =	vld [tilespmem:$0xFF];
	_ =	sdelay $0x4  }
0x94: {  	v3 =	vshra.s32 v3, $0x7;
	v4 =	vshra.s32 v36, $0x7;
	v37, _, _ =	vpop (xrf0)  }
0x95: {  	vm11 =	vne.s32 v3, v4;
	(v2sf) =	vpush v37, $0xF  }
0x96: {  	v4 =	vsel vm11, $0x1, v1  }
0x97: {  	(xrf0) =	vadd.scan.msk.s32 $0xffff, v4;
	_ =	sdelay $0x5  }
0x98: {  	v4, _, _ =	vpop (xrf0)  }
0x99: {  	(v2sf) =	vpush v4, $0xF;
	_ =	sdelay $0x5  }
0x9a: {  	s20 =	spop (v2sf)  }
0x9b: {  	s0 =	sadd.s32 s0, s20  }
0x9c: {  	[tilespmem:s0+$0x500] =	vst.msk vm11, v3  }
0x9d: {  	v3 =	vld [tilespmem:$0x110]  }
0x9e: {  	v38 =	vld [tilespmem:$0x10F];
	_ =	sdelay $0x4  }
0x9f: {  	s23 =	spop (v2sf);
	v3 =	vshra.s32 v3, $0x7;
	v4 =	vshra.s32 v38, $0x7  }
0xa0: {  	s0 =	sadd.s32 s0, s23;
	vm12 =	vne.s32 v3, v4  }
0xa1: {  	[tilespmem:s0+$0x500] =	vst.msk vm12, v3;
	v3 =	vsel vm12, $0x1, v1  }
0xa2: {  	(xrf0) =	vadd.scan.msk.s32 $0xffff, v3;
	v3 =	vld [tilespmem:$0x120]  }
0xa3: {  	v39 =	vld [tilespmem:$0x11F];
	_ =	sdelay $0x4  }
0xa4: {  	v3 =	vshra.s32 v3, $0x7;
	v4 =	vshra.s32 v39, $0x7;
	v40, _, _ =	vpop (xrf0)  }
0xa5: {  	vm13 =	vne.s32 v3, v4;
	(v2sf) =	vpush v40, $0xF  }
0xa6: {  	v4 =	vsel vm13, $0x1, v1  }
0xa7: {  	(xrf0) =	vadd.scan.msk.s32 $0xffff, v4;
	_ =	sdelay $0x5  }
0xa8: {  	v4, _, _ =	vpop (xrf0)  }
0xa9: {  	(v2sf) =	vpush v4, $0xF;
	_ =	sdelay $0x5  }
0xaa: {  	s24 =	spop (v2sf)  }
0xab: {  	s0 =	sadd.s32 s0, s24  }
0xac: {  	[tilespmem:s0+$0x500] =	vst.msk vm13, v3  }
0xad: {  	v3 =	vld [tilespmem:$0x130]  }
0xae: {  	v41 =	vld [tilespmem:$0x12F];
	_ =	sdelay $0x4  }
0xaf: {  	s25 =	spop (v2sf);
	v3 =	vshra.s32 v3, $0x7;
	v4 =	vshra.s32 v41, $0x7  }
0xb0: {  	s0 =	sadd.s32 s0, s25;
	vm14 =	vne.s32 v3, v4  }
0xb1: {  	[tilespmem:s0+$0x500] =	vst.msk vm14, v3;
	v3 =	vsel vm14, $0x1, v1  }
0xb2: {  	(xrf0) =	vadd.scan.msk.s32 $0xffff, v3;
	v3 =	vld [tilespmem:$0x140]  }
0xb3: {  	v42 =	vld [tilespmem:$0x13F];
	_ =	sdelay $0x4  }
0xb4: {  	v3 =	vshra.s32 v3, $0x7;
	v4 =	vshra.s32 v42, $0x7;
	v43, _, _ =	vpop (xrf0)  }
0xb5: {  	vm15 =	vne.s32 v3, v4;
	(v2sf) =	vpush v43, $0xF  }
0xb6: {  	v4 =	vsel vm15, $0x1, v1  }
0xb7: {  	(xrf0) =	vadd.scan.msk.s32 $0xffff, v4;
	_ =	sdelay $0x5  }
0xb8: {  	v4, _, _ =	vpop (xrf0)  }
0xb9: {  	(v2sf) =	vpush v4, $0xF;
	_ =	sdelay $0x5  }
0xba: {  	s26 =	spop (v2sf)  }
0xbb: {  	s0 =	sadd.s32 s0, s26  }
0xbc: {  	[tilespmem:s0+$0x500] =	vst.msk vm15, v3  }
0xbd: {  	v3 =	vld [tilespmem:$0x150]  }
0xbe: {  	v44 =	vld [tilespmem:$0x14F];
	_ =	sdelay $0x4  }
0xbf: {  	s28 =	spop (v2sf);
	v3 =	vshra.s32 v3, $0x7;
	v4 =	vshra.s32 v44, $0x7  }
0xc0: {  	s0 =	sadd.s32 s0, s28;
	vm4 =	vne.s32 v3, v4  }
0xc1: {  	[tilespmem:s0+$0x500] =	vst.msk vm4, v3;
	v3 =	vsel vm4, $0x1, v1  }
0xc2: {  	(xrf0) =	vadd.scan.msk.s32 $0xffff, v3;
	v3 =	vld [tilespmem:$0x160]  }
0xc3: {  	v45 =	vld [tilespmem:$0x15F];
	_ =	sdelay $0x4  }
0xc4: {  	v3 =	vshra.s32 v3, $0x7;
	v4 =	vshra.s32 v45, $0x7;
	v46, _, _ =	vpop (xrf0)  }
0xc5: {  	vm5 =	vne.s32 v3, v4;
	(v2sf) =	vpush v46, $0xF  }
0xc6: {  	v4 =	vsel vm5, $0x1, v1  }
0xc7: {  	(xrf0) =	vadd.scan.msk.s32 $0xffff, v4;
	_ =	sdelay $0x5  }
0xc8: {  	v4, _, _ =	vpop (xrf0)  }
0xc9: {  	(v2sf) =	vpush v4, $0xF;
	_ =	sdelay $0x5  }
0xca: {  	s29 =	spop (v2sf)  }
0xcb: {  	s0 =	sadd.s32 s0, s29  }
0xcc: {  	[tilespmem:s0+$0x500] =	vst.msk vm5, v3  }
0xcd: {  	v3 =	vld [tilespmem:$0x170]  }
0xce: {  	v47 =	vld [tilespmem:$0x16F];
	_ =	sdelay $0x4  }
0xcf: {  	s30 =	spop (v2sf);
	v3 =	vshra.s32 v3, $0x7;
	v4 =	vshra.s32 v47, $0x7  }
0xd0: {  	s0 =	sadd.s32 s0, s30;
	vm6 =	vne.s32 v3, v4  }
0xd1: {  	[tilespmem:s0+$0x500] =	vst.msk vm6, v3;
	v3 =	vsel vm6, $0x1, v1  }
0xd2: {  	(xrf0) =	vadd.scan.msk.s32 $0xffff, v3;
	v3 =	vld [tilespmem:$0x180]  }
0xd3: {  	v48 =	vld [tilespmem:$0x17F];
	_ =	sdelay $0x4  }
0xd4: {  	v3 =	vshra.s32 v3, $0x7;
	v4 =	vshra.s32 v48, $0x7;
	v49, _, _ =	vpop (xrf0)  }
0xd5: {  	vm7 =	vne.s32 v3, v4;
	(v2sf) =	vpush v49, $0xF  }
0xd6: {  	v4 =	vsel vm7, $0x1, v1  }
0xd7: {  	(xrf0) =	vadd.scan.msk.s32 $0xffff, v4;
	_ =	sdelay $0x5  }
0xd8: {  	v4, _, _ =	vpop (xrf0)  }
0xd9: {  	(v2sf) =	vpush v4, $0xF;
	_ =	sdelay $0x5  }
0xda: {  	s31 =	spop (v2sf)  }
0xdb: {  	s0 =	sadd.s32 s0, s31  }
0xdc: {  	[tilespmem:s0+$0x500] =	vst.msk vm7, v3  }
0xdd: {  	v3 =	vld [tilespmem:$0x190]  }
0xde: {  	v50 =	vld [tilespmem:$0x18F];
	_ =	sdelay $0x4  }
0xdf: {  	s20 =	spop (v2sf);
	v3 =	vshra.s32 v3, $0x7;
	v4 =	vshra.s32 v50, $0x7  }
0xe0: {  	s0 =	sadd.s32 s0, s20;
	vm8 =	vne.s32 v3, v4  }
0xe1: {  	[tilespmem:s0+$0x500] =	vst.msk vm8, v3;
	v3 =	vsel vm8, $0x1, v1  }
0xe2: {  	(xrf0) =	vadd.scan.msk.s32 $0xffff, v3;
	v3 =	vld [tilespmem:$0x1A0]  }
0xe3: {  	v51 =	vld [tilespmem:$0x19F];
	_ =	sdelay $0x4  }
0xe4: {  	v3 =	vshra.s32 v3, $0x7;
	v4 =	vshra.s32 v51, $0x7;
	v52, _, _ =	vpop (xrf0)  }
0xe5: {  	vm9 =	vne.s32 v3, v4;
	(v2sf) =	vpush v52, $0xF  }
0xe6: {  	v4 =	vsel vm9, $0x1, v1  }
0xe7: {  	(xrf0) =	vadd.scan.msk.s32 $0xffff, v4;
	_ =	sdelay $0x5  }
0xe8: {  	v4, _, _ =	vpop (xrf0)  }
0xe9: {  	(v2sf) =	vpush v4, $0xF;
	_ =	sdelay $0x5  }
0xea: {  	s23 =	spop (v2sf)  }
0xeb: {  	s0 =	sadd.s32 s0, s23  }
0xec: {  	[tilespmem:s0+$0x500] =	vst.msk vm9, v3  }
0xed: {  	v3 =	vld [tilespmem:$0x1B0]  }
0xee: {  	v53 =	vld [tilespmem:$0x1AF];
	_ =	sdelay $0x4  }
0xef: {  	s24 =	spop (v2sf);
	v3 =	vshra.s32 v3, $0x7;
	v4 =	vshra.s32 v53, $0x7  }
0xf0: {  	s0 =	sadd.s32 s0, s24;
	vm10 =	vne.s32 v3, v4  }
0xf1: {  	[tilespmem:s0+$0x500] =	vst.msk vm10, v3;
	v3 =	vsel vm10, $0x1, v1  }
0xf2: {  	(xrf0) =	vadd.scan.msk.s32 $0xffff, v3;
	v3 =	vld [tilespmem:$0x1C0]  }
0xf3: {  	v54 =	vld [tilespmem:$0x1BF];
	_ =	sdelay $0x4  }
0xf4: {  	v3 =	vshra.s32 v3, $0x7;
	v4 =	vshra.s32 v54, $0x7;
	v55, _, _ =	vpop (xrf0)  }
0xf5: {  	vm11 =	vne.s32 v3, v4;
	(v2sf) =	vpush v55, $0xF  }
0xf6: {  	v4 =	vsel vm11, $0x1, v1  }
0xf7: {  	(xrf0) =	vadd.scan.msk.s32 $0xffff, v4;
	_ =	sdelay $0x5  }
0xf8: {  	v4, _, _ =	vpop (xrf0)  }
0xf9: {  	(v2sf) =	vpush v4, $0xF;
	_ =	sdelay $0x5  }
0xfa: {  	s25 =	spop (v2sf)  }
0xfb: {  	s0 =	sadd.s32 s0, s25  }
0xfc: {  	[tilespmem:s0+$0x500] =	vst.msk vm11, v3  }
0xfd: {  	v3 =	vld [tilespmem:$0x1D0]  }
0xfe: {  	v56 =	vld [tilespmem:$0x1CF];
	_ =	sdelay $0x4  }
0xff: {  	s26 =	spop (v2sf);
	v3 =	vshra.s32 v3, $0x7;
	v4 =	vshra.s32 v56, $0x7  }
0x100: {  	s0 =	sadd.s32 s0, s26;
	vm12 =	vne.s32 v3, v4  }
0x101: {  	[tilespmem:s0+$0x500] =	vst.msk vm12, v3;
	v3 =	vsel vm12, $0x1, v1  }
0x102: {  	(xrf0) =	vadd.scan.msk.s32 $0xffff, v3;
	v3 =	vld [tilespmem:$0x1E0]  }
0x103: {  	v57 =	vld [tilespmem:$0x1DF];
	_ =	sdelay $0x4  }
0x104: {  	v3 =	vshra.s32 v3, $0x7;
	v4 =	vshra.s32 v57, $0x7;
	v58, _, _ =	vpop (xrf0)  }
0x105: {  	vm13 =	vne.s32 v3, v4;
	(v2sf) =	vpush v58, $0xF  }
0x106: {  	v4 =	vsel vm13, $0x1, v1  }
0x107: {  	(xrf0) =	vadd.scan.msk.s32 $0xffff, v4;
	_ =	sdelay $0x5  }
0x108: {  	v4, _, _ =	vpop (xrf0)  }
0x109: {  	(v2sf) =	vpush v4, $0xF;
	_ =	sdelay $0x5  }
0x10a: {  	s28 =	spop (v2sf)  }
0x10b: {  	s0 =	sadd.s32 s0, s28  }
0x10c: {  	[tilespmem:s0+$0x500] =	vst.msk vm13, v3  }
0x10d: {  	v3 =	vld [tilespmem:$0x1F0]  }
0x10e: {  	v59 =	vld [tilespmem:$0x1EF];
	_ =	sdelay $0x4  }
0x10f: {  	s29 =	spop (v2sf);
	v3 =	vshra.s32 v3, $0x7;
	v4 =	vshra.s32 v59, $0x7  }
0x110: {  	s0 =	sadd.s32 s0, s29;
	vm14 =	vne.s32 v3, v4  }
0x111: {  	[tilespmem:s0+$0x500] =	vst.msk vm14, v3  }
0x112: {  	v3 =	vld [tilespmem:$0x200]  }
0x113: {  	v60 =	vld [tilespmem:$0x1FF];
	_ =	sdelay $0x4  }
0x114: {  	v3 =	vshra.s32 v3, $0x7;
	v4 =	vshra.s32 v60, $0x7  }
0x115: {  	v61 =	vsel vm14, $0x1, v1;
	vm15 =	vne.s32 v3, v4  }
0x116: {  	(xrf0) =	vadd.scan.msk.s32 $0xffff, v61;
	v4 =	vsel vm15, $0x1, v1  }
0x117: {  	(xrf0) =	vadd.scan.msk.s32 $0xffff, v4;
	_ =	sdelay $0x4  }
0x118: {  	v62, _, _ =	vpop (xrf0)  }
0x119: {  	(v2sf) =	vpush v62, $0xF;
	v63, _, _ =	vpop (xrf0)  }
0x11a: {  	(v2sf) =	vpush v63, $0xF;
	_ =	sdelay $0xd  }
0x11b: {  	s30 =	spop (v2sf)  }
0x11c: {  	s0 =	sadd.s32 s0, s30;
	s31 =	spop (v2sf)  }
0x11d: {  	s23 =	sadd.s32 s0, s31  }
0x11e: {  	[tilespmem:s0+$0x500] =	vst.msk vm15, v3;
	p0 =	slt.s32 s23, $0x1  }
0x11f: {  	v3 =	vld @!p0 [tilespmem:$0x500];
	_ =	sdelay $0x4  }
0x120: {  	(v2sf) =	vpush @!p0 v3, $0x0;
	_ =	sdelay $0xe  }
0x121: {  	s0 =	spop @!p0 (v2sf)  }
0x122: {  	s0 =	sshll.u32 @!p0 s0, $0x7  }
0x123: {  	p1 =	slt.s32 @!p0 s0, $0xF4200  }
0x124: {  	p1 =	por !p1, p0  }
0x125: {  	s3 =	simm.s32 @!p0 $0x400;
	s20 =	simm.s32 @!p0 $0x7A1400;
	s0 =	simm.s32 @p1 $0xF4200  }
0x126: {  	s24 =	simm.s32 @!p0 $0x780;
	p1 =	seq.s32 @!p0 s23, $0x1;
	s0 =	sadd.s32 @!p0 s1, s0  }
0x127: {  	[tilespmem:s24], [sflag:$0x1] =	stream.strided.gather @!p0 [hbm4b:s0+s3], $0x2000, s20, s3, $0x38;
	[tilespmem:$0x1E780] =	vst v63  }
0x128: {  	p0 =	por p0, p1  }
0x129: {  	v3 =	vld @!p0 [tilespmem:$0x501];
	_ =	sdelay $0x4  }
0x12a: {  	(v2sf) =	vpush @!p0 v3, $0x0;
	_ =	sdelay $0xe  }
0x12b: {  	s0 =	spop @!p0 (v2sf)  }
0x12c: {  	s0 =	sshll.u32 @!p0 s0, $0x7  }
0x12d: {  	p1 =	slt.s32 @!p0 s0, $0xF4200  }
0x12e: {  	p1 =	por !p1, p0  }
0x12f: {  	s3 =	simm.s32 @!p0 $0x400;
	s20 =	simm.s32 @!p0 $0x7A1400;
	s0 =	simm.s32 @p1 $0xF4200  }
0x130: {  	s24 =	simm.s32 @!p0 $0x2780;
	p1 =	slt.u32 @!p0 s23, $0x3;
	s0 =	sadd.s32 @!p0 s1, s0  }
0x131: {  	[tilespmem:s24], [sflag:$0x2] =	stream.strided.gather @!p0 [hbm4b:s0+s3], $0x2000, s20, s3, $0x38;
	[tilespmem:$0x1E780] =	vst v63  }
0x132: {  	p0 =	por p0, p1  }
0x133: {  	v3 =	vld @!p0 [tilespmem:$0x502];
	_ =	sdelay $0x4  }
0x134: {  	(v2sf) =	vpush @!p0 v3, $0x0;
	_ =	sdelay $0xe  }
0x135: {  	s0 =	spop @!p0 (v2sf)  }
0x136: {  	s0 =	sshll.u32 @!p0 s0, $0x7  }
0x137: {  	p1 =	slt.s32 @!p0 s0, $0xF4200  }
0x138: {  	p1 =	por !p1, p0  }
0x139: {  	s3 =	simm.s32 @!p0 $0x400;
	s20 =	simm.s32 @!p0 $0x7A1400;
	s0 =	simm.s32 @p1 $0xF4200  }
0x13a: {  	s24 =	simm.s32 @!p0 $0x4780;
	p1 =	seq.s32 @!p0 s23, $0x3;
	s0 =	sadd.s32 @!p0 s1, s0  }
0x13b: {  	[tilespmem:s24], [sflag:$0x3] =	stream.strided.gather @!p0 [hbm4b:s0+s3], $0x2000, s20, s3, $0x38;
	[tilespmem:$0x1E780] =	vst v63  }
0x13c: {  	p0 =	por p0, p1  }
.Ltmp2:
0x13d: {  	_ = 	snop;
	(pc) =	sbr.rel @p0 .LBB2_3-.Ltmp2, $1  }
0x13e: {  	_ =	sdelay $0x3  }
0x13f: {  	v3 =	vld [tilespmem:$0x503];
	_ =	sdelay $0x4  }
0x140: {  	(v2sf) =	vpush v3, $0x0;
	_ =	sdelay $0xe  }
0x141: {  	s0 =	spop (v2sf)  }
0x142: {  	s0 =	sshll.u32 s0, $0x7  }
0x143: {  	p0 =	slt.s32 s0, $0xF4200  }
0x144: {  	s0 =	simm.s32 @!p0 $0xF4200  }
0x145: {  	s3 =	simm.s32 $0x400;
	p0 =	slt.u32 s23, $0x5;
	s0 =	sadd.s32 s1, s0  }
0x146: {  	[tilespmem:s15], [sflag:$0x4] =	stream.strided.gather [hbm4b:s0+s3], $0x2000, s21, s3, $0x38;
	[tilespmem:$0x1E780] =	vst v63  }
0x147: {  	v3 =	vld @!p0 [tilespmem:$0x504];
	_ =	sdelay $0x4  }
0x148: {  	(v2sf) =	vpush @!p0 v3, $0x0;
	_ =	sdelay $0xe  }
0x149: {  	s0 =	spop @!p0 (v2sf)  }
0x14a: {  	s0 =	sshll.u32 @!p0 s0, $0x7  }
0x14b: {  	p1 =	slt.s32 @!p0 s0, $0xF4200  }
0x14c: {  	s20 =	simm.s32 @!p0 $0x7A1400;
	p1 =	por !p1, p0  }
0x14d: {  	s24 =	simm.s32 @!p0 $0x8780;
	s0 =	simm.s32 @p1 $0xF4200;
	p1 =	seq.s32 @!p0 s23, $0x5  }
0x14e: {  	s3 =	simm.s32 @!p0 $0x400;
	s0 =	sadd.s32 @!p0 s1, s0;
	p2 =	por p1, p0  }
0x14f: {  	[tilespmem:s24], [sflag:$0x5] =	stream.strided.gather @!p0 [hbm4b:s0+s3], $0x2000, s20, s3, $0x38;
	[tilespmem:$0x1E780] =	vst v63  }
0x150: {  	v3 =	vld @!p2 [tilespmem:$0x505];
	_ =	sdelay $0x4  }
0x151: {  	(v2sf) =	vpush @!p2 v3, $0x0;
	_ =	sdelay $0xe  }
0x152: {  	s0 =	spop @!p2 (v2sf)  }
0x153: {  	s0 =	sshll.u32 @!p2 s0, $0x7  }
0x154: {  	p3 =	slt.s32 @!p2 s0, $0xF4200  }
0x155: {  	p3 =	por @!p0 !p3, p1  }
0x156: {  	s3 =	simm.s32 @!p2 $0x400;
	p3 =	por !p3, p0  }
0x157: {  	s20 =	simm.s32 @!p2 $0x7A1400;
	s0 =	simm.s32 @!p3 $0xF4200;
	p3 =	slt.u32 @!p2 s23, $0x7  }
0x158: {  	s24 =	simm.s32 @!p2 $0xA780;
	s0 =	sadd.s32 @!p2 s1, s0;
	p4 =	por @!p0 p3, p1  }
0x159: {  	[tilespmem:s24], [sflag:$0x6] =	stream.strided.gather @!p2 [hbm4b:s0+s3], $0x2000, s20, s3, $0x38;
	[tilespmem:$0x1E780] =	vst v63  }
0x15a: {  	p4 =	por p4, p0  }
0x15b: {  	v3 =	vld @!p4 [tilespmem:$0x506];
	_ =	sdelay $0x4  }
0x15c: {  	(v2sf) =	vpush @!p4 v3, $0x0;
	_ =	sdelay $0xe  }
0x15d: {  	s0 =	spop @!p4 (v2sf)  }
0x15e: {  	s0 =	sshll.u32 @!p4 s0, $0x7  }
0x15f: {  	p5 =	slt.s32 @!p4 s0, $0xF4200  }
0x160: {  	p2 =	por @!p2 !p5, p3  }
0x161: {  	p1 =	por @!p0 !p2, p1  }
0x162: {  	p0 =	por !p1, p0  }
0x163: {  	s3 =	simm.s32 @!p4 $0x400;
	s0 =	simm.s32 @p0 $0xF4200  }
0x164: {  	s20 =	simm.s32 @!p4 $0x7A1400;
	s24 =	simm.s32 @!p4 $0xC780;
	s0 =	sadd.s32 @!p4 s1, s0  }
0x165: {  	[tilespmem:s24], [sflag:$0x7] =	stream.strided.gather @!p4 [hbm4b:s0+s3], $0x2000, s20, s3, $0x38;
	[tilespmem:$0x1E780] =	vst v63  }
.LBB2_3:
0x166: {  	s0 =	sadd.s32 $0x6, s23  }
0x167: {  	s3 =	smulhi.u32 $0x92492493, s0;
	s20 =	sshra.s32 s0, $0x1F  }
0x168: {  	s24 =	ssub.s32 $0xFFFFFFFA, s23;
	s20 =	smul.u32 $0x92492493, s20  }
0x169: {  	s3 =	sadd.s32 s24, s3  }
0x16a: {  	s3 =	sadd.s32 s20, s3  }
0x16b: {  	s3 =	sadd.s32 s0, s3  }
0x16c: {  	s31 =	sshrl.u32 s3, $0x1F;
	s3 =	sshra.s32 s3, $0x2  }
0x16d: {  	s3 =	sadd.s32 s31, s3  }
0x16e: {  	s20 =	smul.u32 $0xFFFFFFF9, s3;
	_ =	sdelay $0x1  }
0x16f: {  	p0 =	slt.s32 s0, $0x1;
	p1 =	sne.s32 s20, s24  }
0x170: {  	p0 =	por !p0, !p1  }
0x171: {  	s0 =	simm.s32 $0x1;
	p0 =	por !p0, !p0  }
0x172: {  	s0 =	simm.s32 @!p0 $0x0  }
0x173: {  	s24 =	ssub.s32 s3, s0  }
0x174: {  	p0 =	slt.s32 s24, $0x1  }
.Ltmp3:
0x175: {  	_ = 	snop;
	(pc) =	sbr.rel @!p0 .LBB2_4-.Ltmp3, $4  }
.Ltmp4:
0x176: {  	_ = 	snop;
	(pc) =	sbr.rel @p0 .LBB2_40-.Ltmp4, $4  }
0x177: {  	_ = 	snop  }
0x178: {  	_ = 	snop  }
0x179: {  	s28 =	simm.s32 $0x0;
	s25 =	simm.s32 $0x0  }
0x17a: {  	_ = 	snop  }
.LBB2_35:
0x17b: {  	s0 =	smov.u32 s28  }
0x17c: {  	s0 =	smov.u32 @p0 s28  }
0x17d: {  	s28 =	smov.u32 @p1 s0  }
.LBB2_39:
0x17e: {  	s0 =	sadd.s32 $0xD, s26  }
0x17f: {  	p0 =	sge.s32 s0, s23  }
0x180: {  	v3 =	vld @!p0 [tilespmem:s0+$0x500];
	_ =	sdelay $0x4  }
0x181: {  	(v2sf) =	vpush @!p0 v3, $0x0;
	_ =	sdelay $0xe  }
0x182: {  	s0 =	spop @!p0 (v2sf)  }
0x183: {  	s0 =	sshll.u32 @!p0 s0, $0x7  }
0x184: {  	p1 =	slt.s32 @!p0 s0, $0xF4200  }
0x185: {  	p1 =	por !p1, p0  }
0x186: {  	s25 =	sadd.s32 $0x1, s25;
	s3 =	simm.s32 @!p0 $0x400;
	s0 =	simm.s32 @p1 $0xF4200  }
0x187: {  	s20 =	simm.s32 @!p0 $0x7A1400;
	s26 =	simm.s32 @!p0 $0xC780;
	s0 =	sadd.s32 @!p0 s1, s0  }
0x188: {  	[tilespmem:s26], [sflag:$0x7] =	stream.strided.gather @!p0 [hbm4b:s0+s3], $0x2000, s20, s3, $0x38;
	[tilespmem:$0x1E780] =	vst v63  }
0x189: {  	p0 =	sne.s32 s25, s24  }
.Ltmp5:
0x18a: {  	_ = 	snop;
	(pc) =	sbr.rel @!p0 .LBB2_40-.Ltmp5, $1  }
0x18b: {  	_ =	sdelay $0x3  }
.LBB2_4:
0x18c: {  	s26 =	smul.u32 $0x7, s25;
	_ =	sdelay $0x1  }
0x18d: {  	p0 =	sge.s32 s26, s23  }
0x18e: {  	s0 =	simm.s32 @!p0 $0x1  }
0x18f: {  	_ =	swait.ge @!p0 [sflag:s0], $0x2000  }
0x190: {  	[sflag:s0] =	ssyncset.done @!p0 $0x0  }
0x191: {  	[sflag:s0] =	ssyncadd.s32 @!p0 $0xFFFFE000  }
0x192: {  	v3 =	vld @!p0 [tilespmem:s26+$0x500];
	_ =	sdelay $0x1  }
0x193: {  	v4 =	vld @!p0 [tilespmem:s28+$0x10];
	_ =	sdelay $0x2  }
0x194: {  	(v2sf) =	vpush @!p0 v3, $0x0;
	_ =	sdelay $0x1  }
0x195: {  	(v2sf) =	vpush @!p0 v4, $0x0;
	_ =	sdelay $0xc  }
0x196: {  	s0 =	spop @!p0 (v2sf)  }
0x197: {  	p1 =	sgt.s32 @!p0 s28, $0x1FF;
	s29 =	sshll.u32 @!p0 s0, $0x7  }
0x198: {  	p1 =	por p0, p1;
	s20 =	spop @!p0 (v2sf);
	s30 =	sadd.s32 @!p0 $0x80, s29  }
0x199: {  	p2 =	sge.s32 @!p1 s20, s30  }
0x19a: {  	p2 =	por p1, p2  }
.Ltmp6:
0x19b: {  	_ = 	snop;
	(pc) =	sbr.rel @p2 .LBB2_5-.Ltmp6, $1  }
0x19c: {  	_ =	sdelay $0x3  }
0x19d: {  	p1 =	slt.s32 @!p0 s29, $0xF4200  }
0x19e: {  	s0 =	sshll.u32 s28, $0x2;
	s3 =	sshll.u32 s28, $0x9;
	p0 =	por !p1, p0  }
0x19f: {  	s0 =	sshra.s32 s0, $0x2;
	s3 =	sshra.s32 s3, $0x2;
	s29 =	simm.s32 @p0 $0xF4200  }
0x1a0: {  	s31 =	sadd.s32 $0x11, s0;
	s0 =	sadd.s32 $0x280, s0;
	s3 =	sadd.s32 $0xE780, s3  }
.LBB2_7:
0x1a1: {  	s20 =	ssub.s32 s20, s29  }
0x1a2: {  	v3 =	vadd.s32 s20, v2;
	_ =	sdelay $0x3  }
0x1a3: {  	v4 =	vld [tilespmem:s0+$0x0]  }
0x1a4: {  	v5 =	vor.u32 $0x800, v2;
	v3 =	vld.idx.msk [tilespmem:v3+s12+$0x0], $0xffff  }
0x1a5: {  	v5 =	vadd.s32 s20, v5;
	_ =	sdelay $0x3  }
0x1a6: {  	(v2sf) =	vpush v4, $0x0;
	[tilespmem:s3+$0x0] =	vst v3  }
0x1a7: {  	v62 =	vor.u32 $0x1000, v2;
	v3 =	vld.idx.msk [tilespmem:v5+s12+$0x0], $0xffff  }
0x1a8: {  	v4 =	vadd.s32 s20, v62;
	_ =	sdelay $0x3  }
0x1a9: {  	[tilespmem:s3+$0x10] =	vst v3  }
0x1aa: {  	v63 =	vor.u32 $0x1800, v2;
	v3 =	vld.idx.msk [tilespmem:v4+s12+$0x0], $0xffff  }
0x1ab: {  	v4 =	vadd.s32 s20, v63;
	_ =	sdelay $0x3  }
0x1ac: {  	[tilespmem:s3+$0x20] =	vst v3  }
0x1ad: {  	v3 =	vld.idx.msk [tilespmem:v4+s12+$0x0], $0xffff;
	_ =	sdelay $0x1  }
0x1ae: {  	s20 =	spop (v2sf)  }
0x1af: {  	s20 =	sshll.u32 s20, $0x4  }
0x1b0: {  	s20 =	sand.u32 $0x1FFFFFF0, s20  }
0x1b1: {  	s20 =	sadd.s32 s4, s20;
	[tilespmem:s3+$0x30] =	vst v3  }
0x1b2: {  	[hbm4b:s20+s2] =	stream.linear.scatter [tilespmem:s3], [sflag:$0x8], $0x80, $0x38;
	[tilespmem:$0x1E780] =	vst v63  }
0x1b3: {  	v3 =	vld [tilespmem:s31+$0x0];
	_ =	sdelay $0x4  }
0x1b4: {  	(v2sf) =	vpush v3, $0x0;
	_ =	sdelay $0xe  }
0x1b5: {  	p0 =	sgt.s32 s28, $0x1FE;
	s20 =	spop (v2sf)  }
0x1b6: {  	p1 =	slt.s32 @!p0 s20, s30  }
0x1b7: {  	p1 =	por p0, !p1  }
.Ltmp7:
0x1b8: {  	_ = 	snop;
	(pc) =	sbr.rel @!p1 .LBB2_7-.Ltmp7, $3  }
0x1b9: {  	_ =	sdelay $0x1  }
0x1ba: {  	s28 =	sadd.s32 $0x1, s28  }
0x1bb: {  	s0 =	sadd.s32 $0x1, s0;
	s3 =	sadd.s32 $0x80, s3;
	s31 =	sadd.s32 $0x1, s31  }
.Ltmp8:
0x1bc: {  	(pc) =	sbr.rel .LBB2_9-.Ltmp8, $2  }
0x1bd: {  	_ =	sdelay $0x2  }
0x1be: {  	s28 =	smov.u32 @p0 s28  }
.LBB2_5:
0x1bf: {  	s0 =	smov.u32 s28  }
0x1c0: {  	s0 =	smov.u32 @p0 s28  }
0x1c1: {  	s28 =	smov.u32 @p1 s0  }
.LBB2_9:
0x1c2: {  	s0 =	sadd.s32 $0x7, s26  }
0x1c3: {  	p0 =	sge.s32 s0, s23  }
0x1c4: {  	v3 =	vld @!p0 [tilespmem:s0+$0x500];
	_ =	sdelay $0x4  }
0x1c5: {  	(v2sf) =	vpush @!p0 v3, $0x0;
	_ =	sdelay $0xe  }
0x1c6: {  	s0 =	spop @!p0 (v2sf)  }
0x1c7: {  	s0 =	sshll.u32 @!p0 s0, $0x7  }
0x1c8: {  	p1 =	slt.s32 @!p0 s0, $0xF4200  }
0x1c9: {  	p1 =	por !p1, p0  }
0x1ca: {  	s3 =	simm.s32 @!p0 $0x400;
	s0 =	simm.s32 @p1 $0xF4200  }
0x1cb: {  	s20 =	simm.s32 @!p0 $0x7A1400;
	s29 =	simm.s32 @!p0 $0x780;
	s0 =	sadd.s32 @!p0 s1, s0  }
0x1cc: {  	[tilespmem:s29], [sflag:$0x1] =	stream.strided.gather @!p0 [hbm4b:s0+s3], $0x2000, s20, s3, $0x38;
	[tilespmem:$0x1E780] =	vst v63  }
0x1cd: {  	s0 =	sadd.s32 $0x1, s26  }
0x1ce: {  	p0 =	sge.s32 s0, s23  }
0x1cf: {  	s3 =	simm.s32 @!p0 $0x2  }
0x1d0: {  	_ =	swait.ge @!p0 [sflag:s3], $0x2000  }
0x1d1: {  	[sflag:s3] =	ssyncset.done @!p0 $0x0  }
0x1d2: {  	[sflag:s3] =	ssyncadd.s32 @!p0 $0xFFFFE000  }
0x1d3: {  	v3 =	vld @!p0 [tilespmem:s0+$0x500];
	_ =	sdelay $0x1  }
0x1d4: {  	v4 =	vld @!p0 [tilespmem:s28+$0x10];
	_ =	sdelay $0x2  }
0x1d5: {  	(v2sf) =	vpush @!p0 v3, $0x0;
	_ =	sdelay $0x1  }
0x1d6: {  	(v2sf) =	vpush @!p0 v4, $0x0;
	_ =	sdelay $0xc  }
0x1d7: {  	s0 =	spop @!p0 (v2sf)  }
0x1d8: {  	p1 =	sgt.s32 @!p0 s28, $0x1FF;
	s29 =	sshll.u32 @!p0 s0, $0x7  }
0x1d9: {  	p1 =	por p0, p1;
	s20 =	spop @!p0 (v2sf);
	s30 =	sadd.s32 @!p0 $0x80, s29  }
0x1da: {  	p2 =	sge.s32 @!p1 s20, s30  }
0x1db: {  	p2 =	por p1, p2  }
.Ltmp9:
0x1dc: {  	_ = 	snop;
	(pc) =	sbr.rel @p2 .LBB2_10-.Ltmp9, $1  }
0x1dd: {  	_ =	sdelay $0x3  }
0x1de: {  	p1 =	slt.s32 @!p0 s29, $0xF4200  }
0x1df: {  	s0 =	sshll.u32 s28, $0x2;
	s3 =	sshll.u32 s28, $0x9;
	p0 =	por !p1, p0  }
0x1e0: {  	s0 =	sshra.s32 s0, $0x2;
	s3 =	sshra.s32 s3, $0x2;
	s29 =	simm.s32 @p0 $0xF4200  }
0x1e1: {  	s31 =	sadd.s32 $0x11, s0;
	s0 =	sadd.s32 $0x280, s0;
	s3 =	sadd.s32 $0xE780, s3  }
.LBB2_12:
0x1e2: {  	s20 =	ssub.s32 s20, s29  }
0x1e3: {  	v3 =	vadd.s32 s20, v2;
	_ =	sdelay $0x3  }
0x1e4: {  	v4 =	vld [tilespmem:s0+$0x0]  }
0x1e5: {  	v5 =	vor.u32 $0x800, v2;
	v3 =	vld.idx.msk [tilespmem:v3+s13+$0x0], $0xffff  }
0x1e6: {  	v5 =	vadd.s32 s20, v5;
	_ =	sdelay $0x3  }
0x1e7: {  	(v2sf) =	vpush v4, $0x0;
	[tilespmem:s3+$0x0] =	vst v3  }
0x1e8: {  	v62 =	vor.u32 $0x1000, v2;
	v3 =	vld.idx.msk [tilespmem:v5+s13+$0x0], $0xffff  }
0x1e9: {  	v4 =	vadd.s32 s20, v62;
	_ =	sdelay $0x3  }
0x1ea: {  	[tilespmem:s3+$0x10] =	vst v3  }
0x1eb: {  	v63 =	vor.u32 $0x1800, v2;
	v3 =	vld.idx.msk [tilespmem:v4+s13+$0x0], $0xffff  }
0x1ec: {  	v4 =	vadd.s32 s20, v63;
	_ =	sdelay $0x3  }
0x1ed: {  	[tilespmem:s3+$0x20] =	vst v3  }
0x1ee: {  	v3 =	vld.idx.msk [tilespmem:v4+s13+$0x0], $0xffff;
	_ =	sdelay $0x1  }
0x1ef: {  	s20 =	spop (v2sf)  }
0x1f0: {  	s20 =	sshll.u32 s20, $0x4  }
0x1f1: {  	s20 =	sand.u32 $0x1FFFFFF0, s20  }
0x1f2: {  	s20 =	sadd.s32 s4, s20;
	[tilespmem:s3+$0x30] =	vst v3  }
0x1f3: {  	[hbm4b:s20+s2] =	stream.linear.scatter [tilespmem:s3], [sflag:$0x8], $0x80, $0x38;
	[tilespmem:$0x1E780] =	vst v63  }
0x1f4: {  	v3 =	vld [tilespmem:s31+$0x0];
	_ =	sdelay $0x4  }
0x1f5: {  	(v2sf) =	vpush v3, $0x0;
	_ =	sdelay $0xe  }
0x1f6: {  	p0 =	sgt.s32 s28, $0x1FE;
	s20 =	spop (v2sf)  }
0x1f7: {  	p1 =	slt.s32 @!p0 s20, s30  }
0x1f8: {  	p1 =	por p0, !p1  }
.Ltmp10:
0x1f9: {  	_ = 	snop;
	(pc) =	sbr.rel @!p1 .LBB2_12-.Ltmp10, $3  }
0x1fa: {  	_ =	sdelay $0x1  }
0x1fb: {  	s28 =	sadd.s32 $0x1, s28  }
0x1fc: {  	s0 =	sadd.s32 $0x1, s0;
	s3 =	sadd.s32 $0x80, s3;
	s31 =	sadd.s32 $0x1, s31  }
.Ltmp11:
0x1fd: {  	(pc) =	sbr.rel .LBB2_14-.Ltmp11, $2  }
0x1fe: {  	_ =	sdelay $0x2  }
0x1ff: {  	s28 =	smov.u32 @p0 s28  }
.LBB2_10:
0x200: {  	s0 =	smov.u32 s28  }
0x201: {  	s0 =	smov.u32 @p0 s28  }
0x202: {  	s28 =	smov.u32 @p1 s0  }
.LBB2_14:
0x203: {  	s0 =	sadd.s32 $0x8, s26  }
0x204: {  	p0 =	sge.s32 s0, s23  }
0x205: {  	v3 =	vld @!p0 [tilespmem:s0+$0x500];
	_ =	sdelay $0x4  }
0x206: {  	(v2sf) =	vpush @!p0 v3, $0x0;
	_ =	sdelay $0xe  }
0x207: {  	s0 =	spop @!p0 (v2sf)  }
0x208: {  	s0 =	sshll.u32 @!p0 s0, $0x7  }
0x209: {  	p1 =	slt.s32 @!p0 s0, $0xF4200  }
0x20a: {  	p1 =	por !p1, p0  }
0x20b: {  	s3 =	simm.s32 @!p0 $0x400;
	s0 =	simm.s32 @p1 $0xF4200  }
0x20c: {  	s20 =	simm.s32 @!p0 $0x7A1400;
	s29 =	simm.s32 @!p0 $0x2780;
	s0 =	sadd.s32 @!p0 s1, s0  }
0x20d: {  	[tilespmem:s29], [sflag:$0x2] =	stream.strided.gather @!p0 [hbm4b:s0+s3], $0x2000, s20, s3, $0x38;
	[tilespmem:$0x1E780] =	vst v63  }
0x20e: {  	s0 =	sadd.s32 $0x2, s26  }
0x20f: {  	p0 =	sge.s32 s0, s23  }
0x210: {  	s3 =	simm.s32 @!p0 $0x3  }
0x211: {  	_ =	swait.ge @!p0 [sflag:s3], $0x2000  }
0x212: {  	[sflag:s3] =	ssyncset.done @!p0 $0x0  }
0x213: {  	[sflag:s3] =	ssyncadd.s32 @!p0 $0xFFFFE000  }
0x214: {  	v3 =	vld @!p0 [tilespmem:s0+$0x500];
	_ =	sdelay $0x1  }
0x215: {  	v4 =	vld @!p0 [tilespmem:s28+$0x10];
	_ =	sdelay $0x2  }
0x216: {  	(v2sf) =	vpush @!p0 v3, $0x0;
	_ =	sdelay $0x1  }
0x217: {  	(v2sf) =	vpush @!p0 v4, $0x0;
	_ =	sdelay $0xc  }
0x218: {  	s0 =	spop @!p0 (v2sf)  }
0x219: {  	p1 =	sgt.s32 @!p0 s28, $0x1FF;
	s29 =	sshll.u32 @!p0 s0, $0x7  }
0x21a: {  	p1 =	por p0, p1;
	s20 =	spop @!p0 (v2sf);
	s30 =	sadd.s32 @!p0 $0x80, s29  }
0x21b: {  	p2 =	sge.s32 @!p1 s20, s30  }
0x21c: {  	p2 =	por p1, p2  }
.Ltmp12:
0x21d: {  	_ = 	snop;
	(pc) =	sbr.rel @p2 .LBB2_15-.Ltmp12, $1  }
0x21e: {  	_ =	sdelay $0x3  }
0x21f: {  	p1 =	slt.s32 @!p0 s29, $0xF4200  }
0x220: {  	s0 =	sshll.u32 s28, $0x2;
	s3 =	sshll.u32 s28, $0x9;
	p0 =	por !p1, p0  }
0x221: {  	s0 =	sshra.s32 s0, $0x2;
	s3 =	sshra.s32 s3, $0x2;
	s29 =	simm.s32 @p0 $0xF4200  }
0x222: {  	s31 =	sadd.s32 $0x11, s0;
	s0 =	sadd.s32 $0x280, s0;
	s3 =	sadd.s32 $0xE780, s3  }
.LBB2_17:
0x223: {  	s20 =	ssub.s32 s20, s29  }
0x224: {  	v3 =	vadd.s32 s20, v2;
	_ =	sdelay $0x3  }
0x225: {  	v4 =	vld [tilespmem:s0+$0x0]  }
0x226: {  	v5 =	vor.u32 $0x800, v2;
	v3 =	vld.idx.msk [tilespmem:v3+s14+$0x0], $0xffff  }
0x227: {  	v5 =	vadd.s32 s20, v5;
	_ =	sdelay $0x3  }
0x228: {  	(v2sf) =	vpush v4, $0x0;
	[tilespmem:s3+$0x0] =	vst v3  }
0x229: {  	v62 =	vor.u32 $0x1000, v2;
	v3 =	vld.idx.msk [tilespmem:v5+s14+$0x0], $0xffff  }
0x22a: {  	v4 =	vadd.s32 s20, v62;
	_ =	sdelay $0x3  }
0x22b: {  	[tilespmem:s3+$0x10] =	vst v3  }
0x22c: {  	v63 =	vor.u32 $0x1800, v2;
	v3 =	vld.idx.msk [tilespmem:v4+s14+$0x0], $0xffff  }
0x22d: {  	v4 =	vadd.s32 s20, v63;
	_ =	sdelay $0x3  }
0x22e: {  	[tilespmem:s3+$0x20] =	vst v3  }
0x22f: {  	v3 =	vld.idx.msk [tilespmem:v4+s14+$0x0], $0xffff;
	_ =	sdelay $0x1  }
0x230: {  	s20 =	spop (v2sf)  }
0x231: {  	s20 =	sshll.u32 s20, $0x4  }
0x232: {  	s20 =	sand.u32 $0x1FFFFFF0, s20  }
0x233: {  	s20 =	sadd.s32 s4, s20;
	[tilespmem:s3+$0x30] =	vst v3  }
0x234: {  	[hbm4b:s20+s2] =	stream.linear.scatter [tilespmem:s3], [sflag:$0x8], $0x80, $0x38;
	[tilespmem:$0x1E780] =	vst v63  }
0x235: {  	v3 =	vld [tilespmem:s31+$0x0];
	_ =	sdelay $0x4  }
0x236: {  	(v2sf) =	vpush v3, $0x0;
	_ =	sdelay $0xe  }
0x237: {  	p0 =	sgt.s32 s28, $0x1FE;
	s20 =	spop (v2sf)  }
0x238: {  	p1 =	slt.s32 @!p0 s20, s30  }
0x239: {  	p1 =	por p0, !p1  }
.Ltmp13:
0x23a: {  	_ = 	snop;
	(pc) =	sbr.rel @!p1 .LBB2_17-.Ltmp13, $3  }
0x23b: {  	_ =	sdelay $0x1  }
0x23c: {  	s28 =	sadd.s32 $0x1, s28  }
0x23d: {  	s0 =	sadd.s32 $0x1, s0;
	s3 =	sadd.s32 $0x80, s3;
	s31 =	sadd.s32 $0x1, s31  }
.Ltmp14:
0x23e: {  	(pc) =	sbr.rel .LBB2_19-.Ltmp14, $2  }
0x23f: {  	_ =	sdelay $0x2  }
0x240: {  	s28 =	smov.u32 @p0 s28  }
.LBB2_15:
0x241: {  	s0 =	smov.u32 s28  }
0x242: {  	s0 =	smov.u32 @p0 s28  }
0x243: {  	s28 =	smov.u32 @p1 s0  }
.LBB2_19:
0x244: {  	s0 =	sadd.s32 $0x9, s26  }
0x245: {  	p0 =	sge.s32 s0, s23  }
0x246: {  	v3 =	vld @!p0 [tilespmem:s0+$0x500];
	_ =	sdelay $0x4  }
0x247: {  	(v2sf) =	vpush @!p0 v3, $0x0;
	_ =	sdelay $0xe  }
0x248: {  	s0 =	spop @!p0 (v2sf)  }
0x249: {  	s0 =	sshll.u32 @!p0 s0, $0x7  }
0x24a: {  	p1 =	slt.s32 @!p0 s0, $0xF4200  }
0x24b: {  	p1 =	por !p1, p0  }
0x24c: {  	s3 =	simm.s32 @!p0 $0x400;
	s0 =	simm.s32 @p1 $0xF4200  }
0x24d: {  	s20 =	simm.s32 @!p0 $0x7A1400;
	s29 =	simm.s32 @!p0 $0x4780;
	s0 =	sadd.s32 @!p0 s1, s0  }
0x24e: {  	[tilespmem:s29], [sflag:$0x3] =	stream.strided.gather @!p0 [hbm4b:s0+s3], $0x2000, s20, s3, $0x38;
	[tilespmem:$0x1E780] =	vst v63  }
0x24f: {  	s0 =	sadd.s32 $0x3, s26  }
0x250: {  	p0 =	sge.s32 s0, s23  }
0x251: {  	s3 =	simm.s32 @!p0 $0x4  }
0x252: {  	_ =	swait.ge @!p0 [sflag:s3], $0x2000  }
0x253: {  	[sflag:s3] =	ssyncset.done @!p0 $0x0  }
0x254: {  	[sflag:s3] =	ssyncadd.s32 @!p0 $0xFFFFE000  }
0x255: {  	v3 =	vld @!p0 [tilespmem:s0+$0x500];
	_ =	sdelay $0x1  }
0x256: {  	v4 =	vld @!p0 [tilespmem:s28+$0x10];
	_ =	sdelay $0x2  }
0x257: {  	(v2sf) =	vpush @!p0 v3, $0x0;
	_ =	sdelay $0x1  }
0x258: {  	(v2sf) =	vpush @!p0 v4, $0x0;
	_ =	sdelay $0xc  }
0x259: {  	s0 =	spop @!p0 (v2sf)  }
0x25a: {  	p1 =	sgt.s32 @!p0 s28, $0x1FF;
	s29 =	sshll.u32 @!p0 s0, $0x7  }
0x25b: {  	p1 =	por p0, p1;
	s20 =	spop @!p0 (v2sf);
	s30 =	sadd.s32 @!p0 $0x80, s29  }
0x25c: {  	p2 =	sge.s32 @!p1 s20, s30  }
0x25d: {  	p2 =	por p1, p2  }
.Ltmp15:
0x25e: {  	_ = 	snop;
	(pc) =	sbr.rel @p2 .LBB2_20-.Ltmp15, $1  }
0x25f: {  	_ =	sdelay $0x3  }
0x260: {  	p1 =	slt.s32 @!p0 s29, $0xF4200  }
0x261: {  	s0 =	sshll.u32 s28, $0x2;
	s3 =	sshll.u32 s28, $0x9;
	p0 =	por !p1, p0  }
0x262: {  	s0 =	sshra.s32 s0, $0x2;
	s3 =	sshra.s32 s3, $0x2;
	s29 =	simm.s32 @p0 $0xF4200  }
0x263: {  	s31 =	sadd.s32 $0x11, s0;
	s0 =	sadd.s32 $0x280, s0;
	s3 =	sadd.s32 $0xE780, s3  }
.LBB2_22:
0x264: {  	s20 =	ssub.s32 s20, s29  }
0x265: {  	v3 =	vadd.s32 s20, v2;
	_ =	sdelay $0x3  }
0x266: {  	v4 =	vld [tilespmem:s0+$0x0]  }
0x267: {  	v5 =	vor.u32 $0x800, v2;
	v3 =	vld.idx.msk [tilespmem:v3+s15+$0x0], $0xffff  }
0x268: {  	v5 =	vadd.s32 s20, v5;
	_ =	sdelay $0x3  }
0x269: {  	(v2sf) =	vpush v4, $0x0;
	[tilespmem:s3+$0x0] =	vst v3  }
0x26a: {  	v62 =	vor.u32 $0x1000, v2;
	v3 =	vld.idx.msk [tilespmem:v5+s15+$0x0], $0xffff  }
0x26b: {  	v4 =	vadd.s32 s20, v62;
	_ =	sdelay $0x3  }
0x26c: {  	[tilespmem:s3+$0x10] =	vst v3  }
0x26d: {  	v63 =	vor.u32 $0x1800, v2;
	v3 =	vld.idx.msk [tilespmem:v4+s15+$0x0], $0xffff  }
0x26e: {  	v4 =	vadd.s32 s20, v63;
	_ =	sdelay $0x3  }
0x26f: {  	[tilespmem:s3+$0x20] =	vst v3  }
0x270: {  	v3 =	vld.idx.msk [tilespmem:v4+s15+$0x0], $0xffff;
	_ =	sdelay $0x1  }
0x271: {  	s20 =	spop (v2sf)  }
0x272: {  	s20 =	sshll.u32 s20, $0x4  }
0x273: {  	s20 =	sand.u32 $0x1FFFFFF0, s20  }
0x274: {  	s20 =	sadd.s32 s4, s20;
	[tilespmem:s3+$0x30] =	vst v3  }
0x275: {  	[hbm4b:s20+s2] =	stream.linear.scatter [tilespmem:s3], [sflag:$0x8], $0x80, $0x38;
	[tilespmem:$0x1E780] =	vst v63  }
0x276: {  	v3 =	vld [tilespmem:s31+$0x0];
	_ =	sdelay $0x4  }
0x277: {  	(v2sf) =	vpush v3, $0x0;
	_ =	sdelay $0xe  }
0x278: {  	p0 =	sgt.s32 s28, $0x1FE;
	s20 =	spop (v2sf)  }
0x279: {  	p1 =	slt.s32 @!p0 s20, s30  }
0x27a: {  	p1 =	por p0, !p1  }
.Ltmp16:
0x27b: {  	_ = 	snop;
	(pc) =	sbr.rel @!p1 .LBB2_22-.Ltmp16, $3  }
0x27c: {  	_ =	sdelay $0x1  }
0x27d: {  	s28 =	sadd.s32 $0x1, s28  }
0x27e: {  	s0 =	sadd.s32 $0x1, s0;
	s3 =	sadd.s32 $0x80, s3;
	s31 =	sadd.s32 $0x1, s31  }
.Ltmp17:
0x27f: {  	(pc) =	sbr.rel .LBB2_24-.Ltmp17, $2  }
0x280: {  	_ =	sdelay $0x2  }
0x281: {  	s28 =	smov.u32 @p0 s28  }
.LBB2_20:
0x282: {  	s0 =	smov.u32 s28  }
0x283: {  	s0 =	smov.u32 @p0 s28  }
0x284: {  	s28 =	smov.u32 @p1 s0  }
.LBB2_24:
0x285: {  	s0 =	sadd.s32 $0xA, s26  }
0x286: {  	p0 =	sge.s32 s0, s23  }
0x287: {  	v3 =	vld @!p0 [tilespmem:s0+$0x500];
	_ =	sdelay $0x4  }
0x288: {  	(v2sf) =	vpush @!p0 v3, $0x0;
	_ =	sdelay $0xe  }
0x289: {  	s0 =	spop @!p0 (v2sf)  }
0x28a: {  	s0 =	sshll.u32 @!p0 s0, $0x7  }
0x28b: {  	p1 =	slt.s32 @!p0 s0, $0xF4200  }
0x28c: {  	p1 =	por !p1, p0  }
0x28d: {  	s3 =	simm.s32 @!p0 $0x400;
	s0 =	simm.s32 @p1 $0xF4200  }
0x28e: {  	s20 =	simm.s32 @!p0 $0x7A1400;
	s29 =	simm.s32 @!p0 $0x6780;
	s0 =	sadd.s32 @!p0 s1, s0  }
0x28f: {  	[tilespmem:s29], [sflag:$0x4] =	stream.strided.gather @!p0 [hbm4b:s0+s3], $0x2000, s20, s3, $0x38;
	[tilespmem:$0x1E780] =	vst v63  }
0x290: {  	s0 =	sadd.s32 $0x4, s26  }
0x291: {  	p0 =	sge.s32 s0, s23  }
0x292: {  	s3 =	simm.s32 @!p0 $0x5  }
0x293: {  	_ =	swait.ge @!p0 [sflag:s3], $0x2000  }
0x294: {  	[sflag:s3] =	ssyncset.done @!p0 $0x0  }
0x295: {  	[sflag:s3] =	ssyncadd.s32 @!p0 $0xFFFFE000  }
0x296: {  	v3 =	vld @!p0 [tilespmem:s0+$0x500];
	_ =	sdelay $0x1  }
0x297: {  	v4 =	vld @!p0 [tilespmem:s28+$0x10];
	_ =	sdelay $0x2  }
0x298: {  	(v2sf) =	vpush @!p0 v3, $0x0;
	_ =	sdelay $0x1  }
0x299: {  	(v2sf) =	vpush @!p0 v4, $0x0;
	_ =	sdelay $0xc  }
0x29a: {  	s0 =	spop @!p0 (v2sf)  }
0x29b: {  	p1 =	sgt.s32 @!p0 s28, $0x1FF;
	s29 =	sshll.u32 @!p0 s0, $0x7  }
0x29c: {  	p1 =	por p0, p1;
	s20 =	spop @!p0 (v2sf);
	s30 =	sadd.s32 @!p0 $0x80, s29  }
0x29d: {  	p2 =	sge.s32 @!p1 s20, s30  }
0x29e: {  	p2 =	por p1, p2  }
.Ltmp18:
0x29f: {  	_ = 	snop;
	(pc) =	sbr.rel @p2 .LBB2_25-.Ltmp18, $1  }
0x2a0: {  	_ =	sdelay $0x3  }
0x2a1: {  	p1 =	slt.s32 @!p0 s29, $0xF4200  }
0x2a2: {  	s0 =	sshll.u32 s28, $0x2;
	s3 =	sshll.u32 s28, $0x9;
	p0 =	por !p1, p0  }
0x2a3: {  	s0 =	sshra.s32 s0, $0x2;
	s3 =	sshra.s32 s3, $0x2;
	s29 =	simm.s32 @p0 $0xF4200  }
0x2a4: {  	s31 =	sadd.s32 $0x11, s0;
	s0 =	sadd.s32 $0x280, s0;
	s3 =	sadd.s32 $0xE780, s3  }
.LBB2_27:
0x2a5: {  	s20 =	ssub.s32 s20, s29  }
0x2a6: {  	v3 =	vadd.s32 s20, v2;
	_ =	sdelay $0x3  }
0x2a7: {  	v4 =	vld [tilespmem:s0+$0x0]  }
0x2a8: {  	v5 =	vor.u32 $0x800, v2;
	v3 =	vld.idx.msk [tilespmem:v3+s16+$0x0], $0xffff  }
0x2a9: {  	v5 =	vadd.s32 s20, v5;
	_ =	sdelay $0x3  }
0x2aa: {  	(v2sf) =	vpush v4, $0x0;
	[tilespmem:s3+$0x0] =	vst v3  }
0x2ab: {  	v62 =	vor.u32 $0x1000, v2;
	v3 =	vld.idx.msk [tilespmem:v5+s16+$0x0], $0xffff  }
0x2ac: {  	v4 =	vadd.s32 s20, v62;
	_ =	sdelay $0x3  }
0x2ad: {  	[tilespmem:s3+$0x10] =	vst v3  }
0x2ae: {  	v63 =	vor.u32 $0x1800, v2;
	v3 =	vld.idx.msk [tilespmem:v4+s16+$0x0], $0xffff  }
0x2af: {  	v4 =	vadd.s32 s20, v63;
	_ =	sdelay $0x3  }
0x2b0: {  	[tilespmem:s3+$0x20] =	vst v3  }
0x2b1: {  	v3 =	vld.idx.msk [tilespmem:v4+s16+$0x0], $0xffff;
	_ =	sdelay $0x1  }
0x2b2: {  	s20 =	spop (v2sf)  }
0x2b3: {  	s20 =	sshll.u32 s20, $0x4  }
0x2b4: {  	s20 =	sand.u32 $0x1FFFFFF0, s20  }
0x2b5: {  	s20 =	sadd.s32 s4, s20;
	[tilespmem:s3+$0x30] =	vst v3  }
0x2b6: {  	[hbm4b:s20+s2] =	stream.linear.scatter [tilespmem:s3], [sflag:$0x8], $0x80, $0x38;
	[tilespmem:$0x1E780] =	vst v63  }
0x2b7: {  	v3 =	vld [tilespmem:s31+$0x0];
	_ =	sdelay $0x4  }
0x2b8: {  	(v2sf) =	vpush v3, $0x0;
	_ =	sdelay $0xe  }
0x2b9: {  	p0 =	sgt.s32 s28, $0x1FE;
	s20 =	spop (v2sf)  }
0x2ba: {  	p1 =	slt.s32 @!p0 s20, s30  }
0x2bb: {  	p1 =	por p0, !p1  }
.Ltmp19:
0x2bc: {  	_ = 	snop;
	(pc) =	sbr.rel @!p1 .LBB2_27-.Ltmp19, $3  }
0x2bd: {  	_ =	sdelay $0x1  }
0x2be: {  	s28 =	sadd.s32 $0x1, s28  }
0x2bf: {  	s0 =	sadd.s32 $0x1, s0;
	s3 =	sadd.s32 $0x80, s3;
	s31 =	sadd.s32 $0x1, s31  }
.Ltmp20:
0x2c0: {  	(pc) =	sbr.rel .LBB2_29-.Ltmp20, $2  }
0x2c1: {  	_ =	sdelay $0x2  }
0x2c2: {  	s28 =	smov.u32 @p0 s28  }
.LBB2_25:
0x2c3: {  	s0 =	smov.u32 s28  }
0x2c4: {  	s0 =	smov.u32 @p0 s28  }
0x2c5: {  	s28 =	smov.u32 @p1 s0  }
.LBB2_29:
0x2c6: {  	s0 =	sadd.s32 $0xB, s26  }
0x2c7: {  	p0 =	sge.s32 s0, s23  }
0x2c8: {  	v3 =	vld @!p0 [tilespmem:s0+$0x500];
	_ =	sdelay $0x4  }
0x2c9: {  	(v2sf) =	vpush @!p0 v3, $0x0;
	_ =	sdelay $0xe  }
0x2ca: {  	s0 =	spop @!p0 (v2sf)  }
0x2cb: {  	s0 =	sshll.u32 @!p0 s0, $0x7  }
0x2cc: {  	p1 =	slt.s32 @!p0 s0, $0xF4200  }
0x2cd: {  	p1 =	por !p1, p0  }
0x2ce: {  	s3 =	simm.s32 @!p0 $0x400;
	s0 =	simm.s32 @p1 $0xF4200  }
0x2cf: {  	s20 =	simm.s32 @!p0 $0x7A1400;
	s29 =	simm.s32 @!p0 $0x8780;
	s0 =	sadd.s32 @!p0 s1, s0  }
0x2d0: {  	[tilespmem:s29], [sflag:$0x5] =	stream.strided.gather @!p0 [hbm4b:s0+s3], $0x2000, s20, s3, $0x38;
	[tilespmem:$0x1E780] =	vst v63  }
0x2d1: {  	s0 =	sadd.s32 $0x5, s26  }
0x2d2: {  	p0 =	sge.s32 s0, s23  }
0x2d3: {  	s3 =	simm.s32 @!p0 $0x6  }
0x2d4: {  	_ =	swait.ge @!p0 [sflag:s3], $0x2000  }
0x2d5: {  	[sflag:s3] =	ssyncset.done @!p0 $0x0  }
0x2d6: {  	[sflag:s3] =	ssyncadd.s32 @!p0 $0xFFFFE000  }
0x2d7: {  	v3 =	vld @!p0 [tilespmem:s0+$0x500];
	_ =	sdelay $0x1  }
0x2d8: {  	v4 =	vld @!p0 [tilespmem:s28+$0x10];
	_ =	sdelay $0x2  }
0x2d9: {  	(v2sf) =	vpush @!p0 v3, $0x0;
	_ =	sdelay $0x1  }
0x2da: {  	(v2sf) =	vpush @!p0 v4, $0x0;
	_ =	sdelay $0xc  }
0x2db: {  	s0 =	spop @!p0 (v2sf)  }
0x2dc: {  	p1 =	sgt.s32 @!p0 s28, $0x1FF;
	s29 =	sshll.u32 @!p0 s0, $0x7  }
0x2dd: {  	p1 =	por p0, p1;
	s20 =	spop @!p0 (v2sf);
	s30 =	sadd.s32 @!p0 $0x80, s29  }
0x2de: {  	p2 =	sge.s32 @!p1 s20, s30  }
0x2df: {  	p2 =	por p1, p2  }
.Ltmp21:
0x2e0: {  	_ = 	snop;
	(pc) =	sbr.rel @p2 .LBB2_30-.Ltmp21, $1  }
0x2e1: {  	_ =	sdelay $0x3  }
0x2e2: {  	p1 =	slt.s32 @!p0 s29, $0xF4200  }
0x2e3: {  	s0 =	sshll.u32 s28, $0x2;
	s3 =	sshll.u32 s28, $0x9;
	p0 =	por !p1, p0  }
0x2e4: {  	s0 =	sshra.s32 s0, $0x2;
	s3 =	sshra.s32 s3, $0x2;
	s29 =	simm.s32 @p0 $0xF4200  }
0x2e5: {  	s31 =	sadd.s32 $0x11, s0;
	s0 =	sadd.s32 $0x280, s0;
	s3 =	sadd.s32 $0xE780, s3  }
.LBB2_32:
0x2e6: {  	s20 =	ssub.s32 s20, s29  }
0x2e7: {  	v3 =	vadd.s32 s20, v2;
	_ =	sdelay $0x3  }
0x2e8: {  	v4 =	vld [tilespmem:s0+$0x0]  }
0x2e9: {  	v5 =	vor.u32 $0x800, v2;
	v3 =	vld.idx.msk [tilespmem:v3+s17+$0x0], $0xffff  }
0x2ea: {  	v5 =	vadd.s32 s20, v5;
	_ =	sdelay $0x3  }
0x2eb: {  	(v2sf) =	vpush v4, $0x0;
	[tilespmem:s3+$0x0] =	vst v3  }
0x2ec: {  	v62 =	vor.u32 $0x1000, v2;
	v3 =	vld.idx.msk [tilespmem:v5+s17+$0x0], $0xffff  }
0x2ed: {  	v4 =	vadd.s32 s20, v62;
	_ =	sdelay $0x3  }
0x2ee: {  	[tilespmem:s3+$0x10] =	vst v3  }
0x2ef: {  	v63 =	vor.u32 $0x1800, v2;
	v3 =	vld.idx.msk [tilespmem:v4+s17+$0x0], $0xffff  }
0x2f0: {  	v4 =	vadd.s32 s20, v63;
	_ =	sdelay $0x3  }
0x2f1: {  	[tilespmem:s3+$0x20] =	vst v3  }
0x2f2: {  	v3 =	vld.idx.msk [tilespmem:v4+s17+$0x0], $0xffff;
	_ =	sdelay $0x1  }
0x2f3: {  	s20 =	spop (v2sf)  }
0x2f4: {  	s20 =	sshll.u32 s20, $0x4  }
0x2f5: {  	s20 =	sand.u32 $0x1FFFFFF0, s20  }
0x2f6: {  	s20 =	sadd.s32 s4, s20;
	[tilespmem:s3+$0x30] =	vst v3  }
0x2f7: {  	[hbm4b:s20+s2] =	stream.linear.scatter [tilespmem:s3], [sflag:$0x8], $0x80, $0x38;
	[tilespmem:$0x1E780] =	vst v63  }
0x2f8: {  	v3 =	vld [tilespmem:s31+$0x0];
	_ =	sdelay $0x4  }
0x2f9: {  	(v2sf) =	vpush v3, $0x0;
	_ =	sdelay $0xe  }
0x2fa: {  	p0 =	sgt.s32 s28, $0x1FE;
	s20 =	spop (v2sf)  }
0x2fb: {  	p1 =	slt.s32 @!p0 s20, s30  }
0x2fc: {  	p1 =	por p0, !p1  }
.Ltmp22:
0x2fd: {  	_ = 	snop;
	(pc) =	sbr.rel @!p1 .LBB2_32-.Ltmp22, $3  }
0x2fe: {  	_ =	sdelay $0x1  }
0x2ff: {  	s28 =	sadd.s32 $0x1, s28  }
0x300: {  	s0 =	sadd.s32 $0x1, s0;
	s3 =	sadd.s32 $0x80, s3;
	s31 =	sadd.s32 $0x1, s31  }
.Ltmp23:
0x301: {  	(pc) =	sbr.rel .LBB2_34-.Ltmp23, $2  }
0x302: {  	_ =	sdelay $0x2  }
0x303: {  	s28 =	smov.u32 @p0 s28  }
.LBB2_30:
0x304: {  	s0 =	smov.u32 s28  }
0x305: {  	s0 =	smov.u32 @p0 s28  }
0x306: {  	s28 =	smov.u32 @p1 s0  }
.LBB2_34:
0x307: {  	s0 =	sadd.s32 $0xC, s26  }
0x308: {  	p0 =	sge.s32 s0, s23  }
0x309: {  	v3 =	vld @!p0 [tilespmem:s0+$0x500];
	_ =	sdelay $0x4  }
0x30a: {  	(v2sf) =	vpush @!p0 v3, $0x0;
	_ =	sdelay $0xe  }
0x30b: {  	s0 =	spop @!p0 (v2sf)  }
0x30c: {  	s0 =	sshll.u32 @!p0 s0, $0x7  }
0x30d: {  	p1 =	slt.s32 @!p0 s0, $0xF4200  }
0x30e: {  	p1 =	por !p1, p0  }
0x30f: {  	s3 =	simm.s32 @!p0 $0x400;
	s0 =	simm.s32 @p1 $0xF4200  }
0x310: {  	s20 =	simm.s32 @!p0 $0x7A1400;
	s29 =	simm.s32 @!p0 $0xA780;
	s0 =	sadd.s32 @!p0 s1, s0  }
0x311: {  	[tilespmem:s29], [sflag:$0x6] =	stream.strided.gather @!p0 [hbm4b:s0+s3], $0x2000, s20, s3, $0x38;
	[tilespmem:$0x1E780] =	vst v63  }
0x312: {  	s0 =	sadd.s32 $0x6, s26  }
0x313: {  	p0 =	sge.s32 s0, s23  }
0x314: {  	s3 =	simm.s32 @!p0 $0x7  }
0x315: {  	_ =	swait.ge @!p0 [sflag:s3], $0x2000  }
0x316: {  	[sflag:s3] =	ssyncset.done @!p0 $0x0  }
0x317: {  	[sflag:s3] =	ssyncadd.s32 @!p0 $0xFFFFE000  }
0x318: {  	v3 =	vld @!p0 [tilespmem:s0+$0x500];
	_ =	sdelay $0x1  }
0x319: {  	v4 =	vld @!p0 [tilespmem:s28+$0x10];
	_ =	sdelay $0x2  }
0x31a: {  	(v2sf) =	vpush @!p0 v3, $0x0;
	_ =	sdelay $0x1  }
0x31b: {  	(v2sf) =	vpush @!p0 v4, $0x0;
	_ =	sdelay $0xc  }
0x31c: {  	s0 =	spop @!p0 (v2sf)  }
0x31d: {  	p1 =	sgt.s32 @!p0 s28, $0x1FF;
	s29 =	sshll.u32 @!p0 s0, $0x7  }
0x31e: {  	p1 =	por p0, p1;
	s20 =	spop @!p0 (v2sf);
	s30 =	sadd.s32 @!p0 $0x80, s29  }
0x31f: {  	p2 =	sge.s32 @!p1 s20, s30  }
0x320: {  	p2 =	por p1, p2  }
.Ltmp24:
0x321: {  	_ = 	snop;
	(pc) =	sbr.rel @p2 .LBB2_35-.Ltmp24, $1  }
0x322: {  	_ =	sdelay $0x3  }
0x323: {  	p1 =	slt.s32 @!p0 s29, $0xF4200  }
0x324: {  	s0 =	sshll.u32 s28, $0x2;
	s3 =	sshll.u32 s28, $0x9;
	p0 =	por !p1, p0  }
0x325: {  	s0 =	sshra.s32 s0, $0x2;
	s3 =	sshra.s32 s3, $0x2;
	s29 =	simm.s32 @p0 $0xF4200  }
0x326: {  	s31 =	sadd.s32 $0x11, s0;
	s0 =	sadd.s32 $0x280, s0;
	s3 =	sadd.s32 $0xE780, s3  }
.LBB2_37:
0x327: {  	s20 =	ssub.s32 s20, s29  }
0x328: {  	v3 =	vadd.s32 s20, v2;
	_ =	sdelay $0x3  }
0x329: {  	v4 =	vld [tilespmem:s0+$0x0]  }
0x32a: {  	v5 =	vor.u32 $0x800, v2;
	v3 =	vld.idx.msk [tilespmem:v3+s18+$0x0], $0xffff  }
0x32b: {  	v5 =	vadd.s32 s20, v5;
	_ =	sdelay $0x3  }
0x32c: {  	(v2sf) =	vpush v4, $0x0;
	[tilespmem:s3+$0x0] =	vst v3  }
0x32d: {  	v62 =	vor.u32 $0x1000, v2;
	v3 =	vld.idx.msk [tilespmem:v5+s18+$0x0], $0xffff  }
0x32e: {  	v4 =	vadd.s32 s20, v62;
	_ =	sdelay $0x3  }
0x32f: {  	[tilespmem:s3+$0x10] =	vst v3  }
0x330: {  	v63 =	vor.u32 $0x1800, v2;
	v3 =	vld.idx.msk [tilespmem:v4+s18+$0x0], $0xffff  }
0x331: {  	v4 =	vadd.s32 s20, v63;
	_ =	sdelay $0x3  }
0x332: {  	[tilespmem:s3+$0x20] =	vst v3  }
0x333: {  	v3 =	vld.idx.msk [tilespmem:v4+s18+$0x0], $0xffff;
	_ =	sdelay $0x1  }
0x334: {  	s20 =	spop (v2sf)  }
0x335: {  	s20 =	sshll.u32 s20, $0x4  }
0x336: {  	s20 =	sand.u32 $0x1FFFFFF0, s20  }
0x337: {  	s20 =	sadd.s32 s4, s20;
	[tilespmem:s3+$0x30] =	vst v3  }
0x338: {  	[hbm4b:s20+s2] =	stream.linear.scatter [tilespmem:s3], [sflag:$0x8], $0x80, $0x38;
	[tilespmem:$0x1E780] =	vst v63  }
0x339: {  	v3 =	vld [tilespmem:s31+$0x0];
	_ =	sdelay $0x4  }
0x33a: {  	(v2sf) =	vpush v3, $0x0;
	_ =	sdelay $0xe  }
0x33b: {  	p0 =	sgt.s32 s28, $0x1FE;
	s20 =	spop (v2sf)  }
0x33c: {  	p1 =	slt.s32 @!p0 s20, s30  }
0x33d: {  	p1 =	por p0, !p1  }
.Ltmp25:
0x33e: {  	_ = 	snop;
	(pc) =	sbr.rel @!p1 .LBB2_37-.Ltmp25, $3  }
0x33f: {  	_ =	sdelay $0x1  }
0x340: {  	s28 =	sadd.s32 $0x1, s28  }
0x341: {  	s0 =	sadd.s32 $0x1, s0;
	s3 =	sadd.s32 $0x80, s3;
	s31 =	sadd.s32 $0x1, s31  }
.Ltmp26:
0x342: {  	(pc) =	sbr.rel .LBB2_39-.Ltmp26, $2  }
0x343: {  	_ =	sdelay $0x2  }
0x344: {  	s28 =	smov.u32 @p0 s28  }
.LBB2_41:
0x345: {  	_ =	sfence.sel $0x180000  }
0x346: {  	[bflag:$0x0] =	sbarrier.arrive $0xFFFF  }
0x347: {  	_ =	strace $0x90000047  }
0x348: {  	s0 =	stileid.u32;
	[bflag:$0x2] =	sbarrier.arrive $0xFFFF  }
0x349: {  	p0 =	sne.s32 s0, $0x0;
	s0 =	rddreg [dreg:$0x3]  }
0x34a: {  	s0 =	sadd.s32 @!p0 $0x100000, s0  }
0x34b: {  	[sflag:s0] =	ssyncadd.tile.s32 @!p0 $0x1;
	_ =	shalt  }
.Lfunc_end2:
_tile_overlayer_lowered:
.L_overlay_start_2:
0x34c: {  	(tag) =	ssettag $0x2  }
0x34d: {  	s0 =	rddreg [dreg:$0x0];
	s2 =	stileid.u32  }
0x34e: {  	s1 =	rddreg [dreg:$0x1];
	p0 =	sne.s32 s2, $0x0  }
0x34f: {  	s3 =	rddreg [dreg:$0x2];
	[bflag:$0x3] =	sbarrier.arrive $0xFFFF;
	s2 =	simm.s32 @!p0 $0x1C09  }
0x350: {  	[timem:s3], [sflag:s2] =	dma.local @!p0 [hbm:s0], s1  }
0x351: {  	s0 =	simm.s32 @!p0 $0x9  }
0x352: {  	_ =	swait.ge @!p0 [sflag:s0], s1  }
0x353: {  	s1 =	ssub.s32 @!p0 $0x0, s1;
	[sflag:s0] =	ssyncset.done @!p0 $0x0  }
0x354: {  	[sflag:s0] =	ssyncadd.s32 @!p0 s1  }
0x355: {  	[bflag:$0x3] =	sbarrier.arrive $0xFFFF  }
0x356: {  	_ =	shalt  }

</sc_bundles>
